<compile_context>
chip_gen: v7x
topology: tpu7x:2x2x1
jax: 0.10.2.dev20260603
libtpu: 0.0.44.dev20260713+nightly
codegen_flags: <defaults>
</compile_context>

<pallas_src>
import jax
import jax.numpy as jnp
from jax import lax
from jax.experimental import pallas as pl
from jax.experimental.pallas import tpu as pltpu
from jax.experimental.pallas import tpu_sc as plsc

T = 2048
D = 1024
DH = D // 2
E = 64
KTOP = 2
F = 512
FS = 1024
CAP = 256
TK = T * KTOP

NW = 32
CHUNK = TK // NW
TPW = T // NW
BM = 128
BM_LOG = 7
NB = CAP // BM
TBMAX = E + TK // BM
TRASH = TBMAX * BM
NBUF = (TBMAX + 1) * BM
BMS = 512

_HIMASK = -65536


def _pack_halves(a, b):
  lo = pltpu.bitcast(a.astype(jnp.bfloat16).astype(jnp.float32), jnp.int32)
  hi = pltpu.bitcast(b.astype(jnp.bfloat16).astype(jnp.float32), jnp.int32)
  return (hi & _HIMASK) | lax.shift_right_logical(lo, 16)


def _unpack_halves(w):
  lo = pltpu.bitcast(lax.shift_left(w, 16), jnp.float32)
  hi = pltpu.bitcast(w & _HIMASK, jnp.float32)
  return lo.astype(jnp.bfloat16), hi.astype(jnp.bfloat16)


def _router_body(x_ref, gw_ref, w_ref, i_ref, xp_ref):
  x = x_ref[...]
  gw = gw_ref[...]
  xp_ref[...] = _pack_halves(x[:, :DH], x[:, DH:])
  logits = lax.dot_general(x, gw, (((1,), (1,)), ((), ())),
                           preferred_element_type=jnp.float32)
  s = jax.nn.sigmoid(logits)
  col = lax.broadcasted_iota(jnp.int32, s.shape, 1)
  m1 = jnp.max(s, axis=1, keepdims=True)
  i1 = jnp.min(jnp.where(s == m1, col, E), axis=1, keepdims=True)
  s2 = jnp.where(col == i1, -1e30, s)
  m2 = jnp.max(s2, axis=1, keepdims=True)
  i2 = jnp.min(jnp.where(s2 == m2, col, E), axis=1, keepdims=True)
  tot = m1 + m2
  w_ref[...] = jnp.concatenate([m1 / tot, m2 / tot], axis=1)
  i_ref[...] = jnp.concatenate([i1, i2], axis=1)


def _router(x, gate_w):
  nb = 4
  br = T // nb
  return pl.pallas_call(
      _router_body,
      grid=(nb,),
      in_specs=[pl.BlockSpec((br, D), lambda i: (i, 0)),
                pl.BlockSpec((E, D), lambda i: (0, 0))],
      out_specs=[pl.BlockSpec((br, KTOP), lambda i: (i, 0)),
                 pl.BlockSpec((br, KTOP), lambda i: (i, 0)),
                 pl.BlockSpec((br, DH), lambda i: (i, 0))],
      out_shape=[jax.ShapeDtypeStruct((T, KTOP), jnp.float32),
                 jax.ShapeDtypeStruct((T, KTOP), jnp.int32),
                 jax.ShapeDtypeStruct((T, DH), jnp.int32)],
      compiler_params=pltpu.CompilerParams(
          dimension_semantics=("arbitrary",)),
  )(x, gate_w)


def _scan_base():
  c0, _ = plsc.scan_count(jnp.zeros((16,), jnp.int32))
  return jnp.min(c0)


def _rank_body(ids_hbm, rank_hbm, hists_hbm, ids_v, rank_v, counts_v):
  wid = lax.axis_index("s") * 2 + lax.axis_index("c")
  base = wid * CHUNK
  pltpu.sync_copy(ids_hbm.at[pl.ds(base, CHUNK)], ids_v)
  for t in range(E // 16):
    counts_v[pl.ds(t * 16, 16)] = jnp.zeros((16,), jnp.int32)
  cbase = _scan_base()
  for g in range(CHUNK // 16):
    ids = ids_v[pl.ds(g * 16, 16)]
    c, last = plsc.scan_count(ids)
    prior = c - cbase
    cnt = plsc.load_gather(counts_v, [ids])
    rank = cnt + prior
    rank_v[pl.ds(g * 16, 16)] = rank
    plsc.store_scatter(counts_v, [ids], rank + 1, mask=last)
  pltpu.sync_copy(rank_v, rank_hbm.at[pl.ds(base, CHUNK)])
  pltpu.sync_copy(counts_v, hists_hbm.at[wid])


def _rank_kernel(ids_flat):
  mesh = plsc.VectorSubcoreMesh(core_axis_name="c", subcore_axis_name="s")
  return pl.kernel(
      _rank_body,
      out_type=[jax.ShapeDtypeStruct((TK,), jnp.int32),
                jax.ShapeDtypeStruct((NW, E), jnp.int32)],
      mesh=mesh,
      compiler_params=pltpu.CompilerParams(needs_layout_passes=False),
      scratch_types=[pltpu.VMEM((CHUNK,), jnp.int32),
                     pltpu.VMEM((CHUNK,), jnp.int32),
                     pltpu.VMEM((E,), jnp.int32)],
  )(ids_flat)


def _dispatch_body(ids_hbm, w_hbm, rank_hbm, hists_hbm, x_hbm,
                   buf_hbm, d0_hbm, d1_hbm, wf0_hbm, wf1_hbm, counts_hbm,
                   pf_hbm,
                   hists_v, prefix_v, blkb_v, pf_v, ids_v, rank_v, wv_v,
                   dstg_v, dsts_v, d0_v, d1_v, wf0_v, wf1_v,
                   s0_v, s1_v, rows_v, tot_v, sem):
  wid = lax.axis_index("s") * 2 + lax.axis_index("c")
  base = wid * CHUNK
  tbase = wid * TPW
  pltpu.sync_copy(hists_hbm, hists_v)
  pltpu.sync_copy(ids_hbm.at[pl.ds(base, CHUNK)], ids_v)
  pltpu.sync_copy(rank_hbm.at[pl.ds(base, CHUNK)], rank_v)
  pltpu.sync_copy(w_hbm.at[pl.ds(base, CHUNK)], wv_v)

  carry = jnp.int32(0)
  for eg in range(E // 16):
    pre = jnp.zeros((16,), jnp.int32)
    tot = jnp.zeros((16,), jnp.int32)
    for w2 in range(NW):
      row = hists_v[w2, pl.ds(eg * 16, 16)]
      pre = pre + jnp.where(w2 < wid, row, 0)
      tot = tot + row
    prefix_v[pl.ds(eg * 16, 16)] = pre
    tot_v[pl.ds(eg * 16, 16)] = tot
    act = jnp.maximum(
        1, lax.shift_right_logical(jnp.minimum(tot, CAP) + (BM - 1), BM_LOG))
    inc = plsc.cumsum(act)
    excl = inc - act + carry
    blkb_v[pl.ds(eg * 16, 16)] = excl
    carry = carry + jnp.max(inc)
    epos = (lax.iota(jnp.int32, 16) + eg * 16) * NB
    plsc.store_scatter(pf_v, [epos], excl)
    plsc.store_scatter(pf_v, [epos + 1], excl + jnp.minimum(act - 1, 1))

  @pl.when(wid == NW - 1)
  def _():
    pltpu.sync_copy(tot_v, counts_hbm)
    pltpu.sync_copy(pf_v, pf_hbm)

  for g in range(CHUNK // 16):
    ids = ids_v[pl.ds(g * 16, 16)]
    rank = rank_v[pl.ds(g * 16, 16)] + plsc.load_gather(prefix_v, [ids])
    valid = rank < CAP
    rbase = plsc.load_gather(blkb_v, [ids]) * BM
    dstg_v[pl.ds(g * 16, 16)] = rbase + jnp.where(valid, rank, 0)
    dsts_v[pl.ds(g * 16, 16)] = jnp.where(valid, rbase + rank, TRASH)
    wf = jnp.where(valid, wv_v[pl.ds(g * 16, 16)], 0.0)
    wv_v[pl.ds(g * 16, 16)] = wf

  for g in range(TPW // 16):
    pidx = (lax.iota(jnp.int32, 16) + g * 16) * 2
    d0_v[pl.ds(g * 16, 16)] = plsc.load_gather(dstg_v, [pidx])
    d1_v[pl.ds(g * 16, 16)] = plsc.load_gather(dstg_v, [pidx + 1])
    wf0_v[pl.ds(g * 16, 16)] = plsc.load_gather(wv_v, [pidx])
    wf1_v[pl.ds(g * 16, 16)] = plsc.load_gather(wv_v, [pidx + 1])
    s0_v[pl.ds(g * 16, 16)] = plsc.load_gather(dsts_v, [pidx])
    s1_v[pl.ds(g * 16, 16)] = plsc.load_gather(dsts_v, [pidx + 1])
  pltpu.sync_copy(d0_v, d0_hbm.at[pl.ds(tbase, TPW)])
  pltpu.sync_copy(d1_v, d1_hbm.at[pl.ds(tbase, TPW)])
  pltpu.sync_copy(wf0_v, wf0_hbm.at[pl.ds(tbase, TPW)])
  pltpu.sync_copy(wf1_v, wf1_hbm.at[pl.ds(tbase, TPW)])

  pltpu.sync_copy(x_hbm.at[pl.ds(tbase, TPW)], rows_v)
  c0 = pltpu.async_copy(rows_v, buf_hbm.at[s0_v], sem)
  c1 = pltpu.async_copy(rows_v, buf_hbm.at[s1_v], sem)
  c0.wait()
  c1.wait()


def _dispatch(ids_flat, w_flat, local_rank, hists, xpk):
  mesh = plsc.VectorSubcoreMesh(core_axis_name="c", subcore_axis_name="s")
  return pl.kernel(
      _dispatch_body,
      out_type=[jax.ShapeDtypeStruct((NBUF, DH), jnp.int32),
                jax.ShapeDtypeStruct((T,), jnp.int32),
                jax.ShapeDtypeStruct((T,), jnp.int32),
                jax.ShapeDtypeStruct((T,), jnp.float32),
                jax.ShapeDtypeStruct((T,), jnp.float32),
                jax.ShapeDtypeStruct((E,), jnp.int32),
                jax.ShapeDtypeStruct((E * NB,), jnp.int32)],
      mesh=mesh,
      compiler_params=pltpu.CompilerParams(needs_layout_passes=False),
      scratch_types=[pltpu.VMEM((NW, E), jnp.int32),
                     pltpu.VMEM((E,), jnp.int32),
                     pltpu.VMEM((E,), jnp.int32),
                     pltpu.VMEM((E * NB,), jnp.int32),
                     pltpu.VMEM((CHUNK,), jnp.int32),
                     pltpu.VMEM((CHUNK,), jnp.int32),
                     pltpu.VMEM((CHUNK,), jnp.float32),
                     pltpu.VMEM((CHUNK,), jnp.int32),
                     pltpu.VMEM((CHUNK,), jnp.int32),
                     pltpu.VMEM((TPW,), jnp.int32),
                     pltpu.VMEM((TPW,), jnp.int32),
                     pltpu.VMEM((TPW,), jnp.float32),
                     pltpu.VMEM((TPW,), jnp.float32),
                     pltpu.VMEM((TPW,), jnp.int32),
                     pltpu.VMEM((TPW,), jnp.int32),
                     pltpu.VMEM((TPW, DH), jnp.int32),
                     pltpu.VMEM((E,), jnp.int32),
                     pltpu.SemaphoreType.DMA],
  )(ids_flat, w_flat, local_rank, hists, xpk)


def _mlp_body(pf_ref, counts_ref, buf_ref, wgu_ref, wdn_ref, out_ref):
  del pf_ref
  e = pl.program_id(0)
  b = pl.program_id(1)
  cnt = counts_ref[e]

  @pl.when(cnt > b * BM)
  def _():
    xlo, xhi = _unpack_halves(buf_ref[...])
    wgu = wgu_ref[0]
    gu = (jnp.dot(xlo, wgu[:DH].astype(jnp.bfloat16),
                  preferred_element_type=jnp.float32)
          + jnp.dot(xhi, wgu[DH:].astype(jnp.bfloat16),
                    preferred_element_type=jnp.float32))
    g = gu[:, :F]
    u = gu[:, F:]
    h = (g * jax.nn.sigmoid(g) * u).astype(jnp.bfloat16)
    wd = wdn_ref[0].astype(jnp.bfloat16)
    out = jnp.dot(h, wd, preferred_element_type=jnp.float32)
    out_ref[...] = _pack_halves(out[:, :DH], out[:, DH:])


def _expert_mlp(pf, counts, buf, w_gate_up, w_down):
  grid_spec = pltpu.PrefetchScalarGridSpec(
      num_scalar_prefetch=2,
      grid=(E, NB),
      in_specs=[
          pl.BlockSpec((BM, DH), lambda e, b, pf, cnt: (pf[e * NB + b], 0)),
          pl.BlockSpec((1, D, 2 * F), lambda e, b, pf, cnt: (e, 0, 0)),
          pl.BlockSpec((1, F, D), lambda e, b, pf, cnt: (e, 0, 0)),
      ],
      out_specs=pl.BlockSpec((BM, DH),
                             lambda e, b, pf, cnt: (pf[e * NB + b], 0)),
  )
  return pl.pallas_call(
      _mlp_body,
      grid_spec=grid_spec,
      out_shape=jax.ShapeDtypeStruct((TBMAX * BM, DH), jnp.int32),
      compiler_params=pltpu.CompilerParams(
          dimension_semantics=("arbitrary", "arbitrary")),
  )(pf, counts, buf, w_gate_up, w_down)


def _gather_body(oute_hbm, d0_hbm, d1_hbm, g0_hbm, g1_hbm,
                 idx0_v, idx1_v, rows0_v, rows1_v, sem0, sem1):
  wid = lax.axis_index("s") * 2 + lax.axis_index("c")
  tbase = wid * TPW
  pltpu.sync_copy(d0_hbm.at[pl.ds(tbase, TPW)], idx0_v)
  pltpu.sync_copy(d1_hbm.at[pl.ds(tbase, TPW)], idx1_v)
  c0 = pltpu.async_copy(oute_hbm.at[idx0_v], rows0_v, sem0)
  c1 = pltpu.async_copy(oute_hbm.at[idx1_v], rows1_v, sem1)
  c0.wait()
  w0 = pltpu.async_copy(rows0_v, g0_hbm.at[pl.ds(tbase, TPW)], sem0)
  c1.wait()
  w1 = pltpu.async_copy(rows1_v, g1_hbm.at[pl.ds(tbase, TPW)], sem1)
  w0.wait()
  w1.wait()


def _combine_gather(out_e, d0, d1):
  mesh = plsc.VectorSubcoreMesh(core_axis_name="c", subcore_axis_name="s")
  return pl.kernel(
      _gather_body,
      out_type=[jax.ShapeDtypeStruct((T, DH), jnp.int32),
                jax.ShapeDtypeStruct((T, DH), jnp.int32)],
      mesh=mesh,
      compiler_params=pltpu.CompilerParams(needs_layout_passes=False),
      scratch_types=[pltpu.VMEM((TPW,), jnp.int32),
                     pltpu.VMEM((TPW,), jnp.int32),
                     pltpu.VMEM((TPW, DH), jnp.int32),
                     pltpu.VMEM((TPW, DH), jnp.int32),
                     pltpu.SemaphoreType.DMA,
                     pltpu.SemaphoreType.DMA],
  )(out_e, d0, d1)


def _shared_body(x_ref, wsgu_ref, wsdn_ref, g0_ref, g1_ref,
                 wf0_ref, wf1_ref, out_ref):
  xlo, xhi = _unpack_halves(x_ref[...])
  wsgu = wsgu_ref[...]
  gu = (jnp.dot(xlo, wsgu[:DH].astype(jnp.bfloat16),
                preferred_element_type=jnp.float32)
        + jnp.dot(xhi, wsgu[DH:].astype(jnp.bfloat16),
                  preferred_element_type=jnp.float32))
  g = gu[:, :FS]
  u = gu[:, FS:]
  h = (g * jax.nn.sigmoid(g) * u).astype(jnp.bfloat16)
  wsdn = wsdn_ref[...].astype(jnp.bfloat16)
  shared = jnp.dot(h, wsdn, preferred_element_type=jnp.float32)
  g0lo, g0hi = _unpack_halves(g0_ref[...])
  g1lo, g1hi = _unpack_halves(g1_ref[...])
  wf0 = wf0_ref[...]
  wf1 = wf1_ref[...]
  olo = (shared[:, :DH] + wf0 * g0lo.astype(jnp.float32)
         + wf1 * g1lo.astype(jnp.float32))
  ohi = (shared[:, DH:] + wf0 * g0hi.astype(jnp.float32)
         + wf1 * g1hi.astype(jnp.float32))
  out_ref[...] = jnp.concatenate([olo, ohi], axis=1)


def _shared_combine(xpk, ws_gate_up, ws_down, g0, g1, wf0, wf1):
  nb = T // BMS
  return pl.pallas_call(
      _shared_body,
      grid=(nb,),
      in_specs=[
          pl.BlockSpec((BMS, DH), lambda i: (i, 0)),
          pl.BlockSpec((D, 2 * FS), lambda i: (0, 0)),
          pl.BlockSpec((FS, D), lambda i: (0, 0)),
          pl.BlockSpec((BMS, DH), lambda i: (i, 0)),
          pl.BlockSpec((BMS, DH), lambda i: (i, 0)),
          pl.BlockSpec((BMS, 1), lambda i: (i, 0)),
          pl.BlockSpec((BMS, 1), lambda i: (i, 0)),
      ],
      out_specs=pl.BlockSpec((BMS, D), lambda i: (i, 0)),
      out_shape=jax.ShapeDtypeStruct((T, D), jnp.float32),
      compiler_params=pltpu.CompilerParams(
          dimension_semantics=("arbitrary",)),
  )(xpk, ws_gate_up, ws_down, g0, g1, wf0, wf1)


@jax.jit
def kernel(hidden_states, gate_w, w_gate_up, w_down, ws_gate_up, ws_down):
  topk_w, topk_idx, xpk = _router(hidden_states, gate_w)
  ids_flat = topk_idx.reshape(TK)
  w_flat = topk_w.reshape(TK)
  local_rank, hists = _rank_kernel(ids_flat)
  buf, d0, d1, wf0, wf1, counts, pf = _dispatch(
      ids_flat, w_flat, local_rank, hists, xpk)
  out_e = _expert_mlp(pf, counts, buf, w_gate_up, w_down)
  g0, g1 = _combine_gather(out_e, d0, d1)
  return _shared_combine(xpk, ws_gate_up, ws_down, g0, g1,
                         wf0.reshape(T, 1), wf1.reshape(T, 1))

# --- scband reference (transcript-rebuilt; emitter-appended) ---
"""Pipeline reference for scband-wblmo-e-11570641895579 (READ-ONLY COPY).

The authoritative reference and input builder live on the scoring server;
editing this copy changes nothing except your own understanding.
"""

import jax, jax.numpy as jnp
import numpy as np

T = 2048
D = 1024
E = 64
K = 2
F = 512
N_SHARED = 2
FS = F * N_SHARED
CAP = 256
ROUTED_SCALING = 1.0


def setup_inputs(seed: int = 0) -> dict:
    key = jax.random.key(seed)
    ks = jax.random.split(key, 6)
    hidden_states = jax.random.normal(ks[0], (T, D), dtype=jnp.float32)
    gate_w = jax.random.normal(ks[1], (E, D), dtype=jnp.float32) * 0.02
    w_gate_up = jax.random.normal(ks[2], (E, D, 2 * F), dtype=jnp.float32) * 0.02
    w_down = jax.random.normal(ks[3], (E, F, D), dtype=jnp.float32) * 0.02
    ws_gate_up = jax.random.normal(ks[4], (D, 2 * FS), dtype=jnp.float32) * 0.02
    ws_down = jax.random.normal(ks[5], (FS, D), dtype=jnp.float32) * 0.02
    return {"hidden_states": hidden_states, "gate_w": gate_w, "w_gate_up": w_gate_up,
            "w_down": w_down, "ws_gate_up": ws_gate_up, "ws_down": ws_down}


def _moe_forward(x, gate_w, w_gate_up, w_down, ws_gate_up, ws_down):
    # Router (ReplicatedLinear gate) + sigmoid scoring, grouped-topk with 1 group == plain top-k
    router_logits = x @ gate_w.T                      # [T, E]
    scores = jax.nn.sigmoid(router_logits)
    topk_w, topk_idx = jax.lax.top_k(scores, K)       # [T, K]
    # renormalize (norm_topk_prob=True)
    topk_w = topk_w / jnp.sum(topk_w, axis=-1, keepdims=True)
    # Flatten token-expert pairs and compute per-expert slot via stable sort
    flat_e = topk_idx.reshape(-1)                     # [T*K]
    flat_w = topk_w.reshape(-1)                       # [T*K]
    flat_t = jnp.repeat(jnp.arange(T), K)             # [T*K]
    order = jnp.argsort(flat_e)                       # stable
    sorted_e = flat_e[order]
    starts = jnp.searchsorted(sorted_e, jnp.arange(E))
    rank_sorted = jnp.arange(T * K) - starts[sorted_e]
    rank = jnp.zeros(T * K, dtype=jnp.int32).at[order].set(rank_sorted.astype(jnp.int32))
    valid = rank < CAP
    slot = jnp.where(valid, rank, 0)
    # Dispatch: scatter tokens into per-expert buffers [E, CAP, D]
    buf = jnp.zeros((E, CAP, D), x.dtype)
    buf = buf.at[flat_e, slot].add(jnp.where(valid[:, None], x[flat_t], 0.0))
    # Expert MLPs: gate_up -> SiluAndMul -> down
    gu = jnp.einsum('ecd,edf->ecf', buf, w_gate_up)   # [E, CAP, 2F]
    g, u = jnp.split(gu, 2, axis=-1)
    h = jax.nn.silu(g) * u
    out_e = jnp.einsum('ecf,efd->ecd', h, w_down)     # [E, CAP, D]
    # Combine: gather back and weighted scatter-add per token
    gathered = out_e[flat_e, slot]                    # [T*K, D]
    gathered = jnp.where(valid[:, None], gathered, 0.0)
    routed = jnp.zeros((T, D), x.dtype).at[flat_t].add(gathered * flat_w[:, None])
    routed = routed * ROUTED_SCALING
    # Shared experts MLP (WBLMLP, intermediate = moe_intermediate_size * n_shared_experts)
    gu_s = x @ ws_gate_up                             # [T, 2*FS]
    gs, us = jnp.split(gu_s, 2, axis=-1)
    shared = (jax.nn.silu(gs) * us) @ ws_down         # [T, D]
    return routed + shared


def reference(hidden_states, gate_w, w_gate_up, w_down, ws_gate_up, ws_down):
    return _moe_forward(hidden_states, gate_w, w_gate_up, w_down, ws_gate_up, ws_down)

if __name__ == "__main__":
    import jax
    _d = setup_inputs()
    print(jax.jit(kernel)(*tuple(_d.values())))

</pallas_src>

<mosaic_0001>
#map = affine_map<(d0, d1) -> (0)>
#map1 = affine_map<(d0, d1) -> (0, 0)>
module attributes {stable_mosaic.version = 14 : i64} {
  func.func @_dispatch_body(%arg0: i32, %arg1: i32, %arg2: memref<4096xi32, #tpu.memory_space<hbm>>, %arg3: memref<4096xf32, #tpu.memory_space<hbm>>, %arg4: memref<4096xi32, #tpu.memory_space<hbm>>, %arg5: memref<32x64xi32, #tpu.memory_space<hbm>>, %arg6: memref<2048x512xi32, #tpu.memory_space<hbm>>, %arg7: memref<12416x512xi32, #tpu.memory_space<hbm>>, %arg8: memref<2048xi32, #tpu.memory_space<hbm>>, %arg9: memref<2048xi32, #tpu.memory_space<hbm>>, %arg10: memref<2048xf32, #tpu.memory_space<hbm>>, %arg11: memref<2048xf32, #tpu.memory_space<hbm>>, %arg12: memref<64xi32, #tpu.memory_space<hbm>>, %arg13: memref<128xi32, #tpu.memory_space<hbm>>, %arg14: memref<32x64xi32, #tpu.memory_space<vmem>>, %arg15: memref<64xi32, #tpu.memory_space<vmem>>, %arg16: memref<64xi32, #tpu.memory_space<vmem>>, %arg17: memref<128xi32, #tpu.memory_space<vmem>>, %arg18: memref<128xi32, #tpu.memory_space<vmem>>, %arg19: memref<128xi32, #tpu.memory_space<vmem>>, %arg20: memref<128xf32, #tpu.memory_space<vmem>>, %arg21: memref<128xi32, #tpu.memory_space<vmem>>, %arg22: memref<128xi32, #tpu.memory_space<vmem>>, %arg23: memref<64xi32, #tpu.memory_space<vmem>>, %arg24: memref<64xi32, #tpu.memory_space<vmem>>, %arg25: memref<64xf32, #tpu.memory_space<vmem>>, %arg26: memref<64xf32, #tpu.memory_space<vmem>>, %arg27: memref<64xi32, #tpu.memory_space<vmem>>, %arg28: memref<64xi32, #tpu.memory_space<vmem>>, %arg29: memref<64x512xi32, #tpu.memory_space<vmem>>, %arg30: memref<64xi32, #tpu.memory_space<vmem>>, %arg31: memref<!tpu.dma_semaphore, #tpu.memory_space<semaphore_mem>>) attributes {dimension_semantics = [#tpu.dimension_semantics<core_parallel>, #tpu.dimension_semantics<subcore_parallel>], iteration_bounds = array<i64: 2, 16>, scalar_prefetch = 0 : i64, scratch_operands = 18 : i64, tpu.core_type = #tpu.core_type<sc_vector_subcore>, window_params = [{transform_indices = #map}, {transform_indices = #map}, {transform_indices = #map}, {transform_indices = #map1}, {transform_indices = #map1}, {transform_indices = #map1}, {transform_indices = #map}, {transform_indices = #map}, {transform_indices = #map}, {transform_indices = #map}, {transform_indices = #map}, {transform_indices = #map}]} {
    %mul3A = arith.constant 2 : i32
    %mul3A_0 = arith.muli %arg1, %mul3A : i32
    %add3A = arith.addi %mul3A_0, %arg0 : i32
    %mul3A_1 = arith.constant 128 : i32
    %mul3A_2 = arith.muli %add3A, %mul3A_1 : i32
    %mul3A_3 = arith.constant 64 : i32
    %mul3A_4 = arith.muli %add3A, %mul3A_3 : i32
    "tpu.region"() ({
      %run_scoped3A = tpu.sem_alloc : memref<!tpu.dma_semaphore, #tpu.memory_space<semaphore_mem>>
      tpu.enqueue_dma source(%arg5 : memref<32x64xi32, #tpu.memory_space<hbm>>) target(%arg14 : memref<32x64xi32, #tpu.memory_space<vmem>>) target_semaphore(%run_scoped3A : memref<!tpu.dma_semaphore, #tpu.memory_space<semaphore_mem>>)
      tpu.wait_dma2 semaphore(%run_scoped3A : memref<!tpu.dma_semaphore, #tpu.memory_space<semaphore_mem>>) src(%arg5 : memref<32x64xi32, #tpu.memory_space<hbm>>) dst(%arg14 : memref<32x64xi32, #tpu.memory_space<vmem>>)
      tpu.yield
    }) : () -> ()
    "tpu.region"() ({
      %run_scoped3A = tpu.sem_alloc : memref<!tpu.dma_semaphore, #tpu.memory_space<semaphore_mem>>
      %dma_start3A_2020 = tpu.memref_slice %arg2[%mul3A_2] : memref<4096xi32, #tpu.memory_space<hbm>> -> memref<128xi32, #tpu.memory_space<hbm>>
      %dma_start3A_2021 = tpu.memref_slice %arg2[%mul3A_2] : memref<4096xi32, #tpu.memory_space<hbm>> -> memref<128xi32, #tpu.memory_space<hbm>>
      tpu.enqueue_dma source(%dma_start3A_2021 : memref<128xi32, #tpu.memory_space<hbm>>) target(%arg18 : memref<128xi32, #tpu.memory_space<vmem>>) target_semaphore(%run_scoped3A : memref<!tpu.dma_semaphore, #tpu.memory_space<semaphore_mem>>)
      %dma_wait3A_2022 = tpu.memref_slice %arg2[%mul3A_2] : memref<4096xi32, #tpu.memory_space<hbm>> -> memref<128xi32, #tpu.memory_space<hbm>>
      %dma_wait3A_2023 = tpu.memref_slice %arg2[%mul3A_2] : memref<4096xi32, #tpu.memory_space<hbm>> -> memref<128xi32, #tpu.memory_space<hbm>>
      tpu.wait_dma2 semaphore(%run_scoped3A : memref<!tpu.dma_semaphore, #tpu.memory_space<semaphore_mem>>) src(%dma_wait3A_2023 : memref<128xi32, #tpu.memory_space<hbm>>) dst(%arg18 : memref<128xi32, #tpu.memory_space<vmem>>)
      tpu.yield
    }) : () -> ()
    "tpu.region"() ({
      %run_scoped3A = tpu.sem_alloc : memref<!tpu.dma_semaphore, #tpu.memory_space<semaphore_mem>>
      %dma_start3A_2020 = tpu.memref_slice %arg4[%mul3A_2] : memref<4096xi32, #tpu.memory_space<hbm>> -> memref<128xi32, #tpu.memory_space<hbm>>
      %dma_start3A_2021 = tpu.memref_slice %arg4[%mul3A_2] : memref<4096xi32, #tpu.memory_space<hbm>> -> memref<128xi32, #tpu.memory_space<hbm>>
      tpu.enqueue_dma source(%dma_start3A_2021 : memref<128xi32, #tpu.memory_space<hbm>>) target(%arg19 : memref<128xi32, #tpu.memory_space<vmem>>) target_semaphore(%run_scoped3A : memref<!tpu.dma_semaphore, #tpu.memory_space<semaphore_mem>>)
      %dma_wait3A_2022 = tpu.memref_slice %arg4[%mul3A_2] : memref<4096xi32, #tpu.memory_space<hbm>> -> memref<128xi32, #tpu.memory_space<hbm>>
      %dma_wait3A_2023 = tpu.memref_slice %arg4[%mul3A_2] : memref<4096xi32, #tpu.memory_space<hbm>> -> memref<128xi32, #tpu.memory_space<hbm>>
      tpu.wait_dma2 semaphore(%run_scoped3A : memref<!tpu.dma_semaphore, #tpu.memory_space<semaphore_mem>>) src(%dma_wait3A_2023 : memref<128xi32, #tpu.memory_space<hbm>>) dst(%arg19 : memref<128xi32, #tpu.memory_space<vmem>>)
      tpu.yield
    }) : () -> ()
    "tpu.region"() ({
      %run_scoped3A = tpu.sem_alloc : memref<!tpu.dma_semaphore, #tpu.memory_space<semaphore_mem>>
      %dma_start3A_2020 = tpu.memref_slice %arg3[%mul3A_2] : memref<4096xf32, #tpu.memory_space<hbm>> -> memref<128xf32, #tpu.memory_space<hbm>>
      %dma_start3A_2021 = tpu.memref_slice %arg3[%mul3A_2] : memref<4096xf32, #tpu.memory_space<hbm>> -> memref<128xf32, #tpu.memory_space<hbm>>
      tpu.enqueue_dma source(%dma_start3A_2021 : memref<128xf32, #tpu.memory_space<hbm>>) target(%arg20 : memref<128xf32, #tpu.memory_space<vmem>>) target_semaphore(%run_scoped3A : memref<!tpu.dma_semaphore, #tpu.memory_space<semaphore_mem>>)
      %dma_wait3A_2022 = tpu.memref_slice %arg3[%mul3A_2] : memref<4096xf32, #tpu.memory_space<hbm>> -> memref<128xf32, #tpu.memory_space<hbm>>
      %dma_wait3A_2023 = tpu.memref_slice %arg3[%mul3A_2] : memref<4096xf32, #tpu.memory_space<hbm>> -> memref<128xf32, #tpu.memory_space<hbm>>
      tpu.wait_dma2 semaphore(%run_scoped3A : memref<!tpu.dma_semaphore, #tpu.memory_space<semaphore_mem>>) src(%dma_wait3A_2023 : memref<128xf32, #tpu.memory_space<hbm>>) dst(%arg20 : memref<128xf32, #tpu.memory_space<vmem>>)
      tpu.yield
    }) : () -> ()
    %broadcast_in_dim3A = arith.constant 0 : i32
    %broadcast_in_dim3A_5 = vector.broadcast %broadcast_in_dim3A : i32 to vector<16xi32>
    %broadcast_in_dim3A_6 = arith.constant 0 : i32
    %broadcast_in_dim3A_7 = vector.broadcast %broadcast_in_dim3A_6 : i32 to vector<16xi32>
    %get3A = arith.constant 0 : i32
    %get3A_8 = arith.index_cast %get3A : i32 to index
    %get3A_9 = arith.constant 0 : index
    %get3A_10 = tpu.vector_load %arg14[%get3A_8, %get3A_9] {strides = array<i32>} : memref<32x64xi32, #tpu.memory_space<vmem>>, vector<16xi32>,
    %gt3A = arith.constant 0 : i32
    %gt3A_11 = arith.cmpi sgt, %add3A, %gt3A : i32
    %jit3A = arith.constant 0 : i32
    %broadcast_in_dim3A_12 = vector.broadcast %jit3A : i32 to vector<16xi32>
    %select_n3A = arith.select %gt3A_11, %get3A_10, %broadcast_in_dim3A_12 : vector<16xi32>
    %add3A_13 = arith.addi %broadcast_in_dim3A_5, %select_n3A : vector<16xi32>
    %add3A_14 = arith.addi %broadcast_in_dim3A_7, %get3A_10 : vector<16xi32>
    %get3A_15 = arith.constant 1 : i32
    %get3A_16 = arith.index_cast %get3A_15 : i32 to index
    %get3A_17 = arith.constant 0 : index
    %get3A_18 = tpu.vector_load %arg14[%get3A_16, %get3A_17] {strides = array<i32>} : memref<32x64xi32, #tpu.memory_space<vmem>>, vector<16xi32>,
    %gt3A_19 = arith.constant 1 : i32
    %gt3A_20 = arith.cmpi sgt, %add3A, %gt3A_19 : i32
    %jit3A_21 = arith.constant 0 : i32
    %broadcast_in_dim3A_22 = vector.broadcast %jit3A_21 : i32 to vector<16xi32>
    %select_n3A_23 = arith.select %gt3A_20, %get3A_18, %broadcast_in_dim3A_22 : vector<16xi32>
    %add3A_24 = arith.addi %add3A_13, %select_n3A_23 : vector<16xi32>
    %add3A_25 = arith.addi %add3A_14, %get3A_18 : vector<16xi32>
    %get3A_26 = arith.constant 2 : i32
    %get3A_27 = arith.index_cast %get3A_26 : i32 to index
    %get3A_28 = arith.constant 0 : index
    %get3A_29 = tpu.vector_load %arg14[%get3A_27, %get3A_28] {strides = array<i32>} : memref<32x64xi32, #tpu.memory_space<vmem>>, vector<16xi32>,
    %gt3A_30 = arith.constant 2 : i32
    %gt3A_31 = arith.cmpi sgt, %add3A, %gt3A_30 : i32
    %jit3A_32 = arith.constant 0 : i32
    %broadcast_in_dim3A_33 = vector.broadcast %jit3A_32 : i32 to vector<16xi32>
    %select_n3A_34 = arith.select %gt3A_31, %get3A_29, %broadcast_in_dim3A_33 : vector<16xi32>
    %add3A_35 = arith.addi %add3A_24, %select_n3A_34 : vector<16xi32>
    %add3A_36 = arith.addi %add3A_25, %get3A_29 : vector<16xi32>
    %get3A_37 = arith.constant 3 : i32
    %get3A_38 = arith.index_cast %get3A_37 : i32 to index
    %get3A_39 = arith.constant 0 : index
    %get3A_40 = tpu.vector_load %arg14[%get3A_38, %get3A_39] {strides = array<i32>} : memref<32x64xi32, #tpu.memory_space<vmem>>, vector<16xi32>,
    %gt3A_41 = arith.constant 3 : i32
    %gt3A_42 = arith.cmpi sgt, %add3A, %gt3A_41 : i32
    %jit3A_43 = arith.constant 0 : i32
    %broadcast_in_dim3A_44 = vector.broadcast %jit3A_43 : i32 to vector<16xi32>
    %select_n3A_45 = arith.select %gt3A_42, %get3A_40, %broadcast_in_dim3A_44 : vector<16xi32>
    %add3A_46 = arith.addi %add3A_35, %select_n3A_45 : vector<16xi32>
    %add3A_47 = arith.addi %add3A_36, %get3A_40 : vector<16xi32>
    %get3A_48 = arith.constant 4 : i32
    %get3A_49 = arith.index_cast %get3A_48 : i32 to index
    %get3A_50 = arith.constant 0 : index
    %get3A_51 = tpu.vector_load %arg14[%get3A_49, %get3A_50] {strides = array<i32>} : memref<32x64xi32, #tpu.memory_space<vmem>>, vector<16xi32>,
    %gt3A_52 = arith.constant 4 : i32
    %gt3A_53 = arith.cmpi sgt, %add3A, %gt3A_52 : i32
    %jit3A_54 = arith.constant 0 : i32
    %broadcast_in_dim3A_55 = vector.broadcast %jit3A_54 : i32 to vector<16xi32>
    %select_n3A_56 = arith.select %gt3A_53, %get3A_51, %broadcast_in_dim3A_55 : vector<16xi32>
    %add3A_57 = arith.addi %add3A_46, %select_n3A_56 : vector<16xi32>
    %add3A_58 = arith.addi %add3A_47, %get3A_51 : vector<16xi32>
    %get3A_59 = arith.constant 5 : i32
    %get3A_60 = arith.index_cast %get3A_59 : i32 to index
    %get3A_61 = arith.constant 0 : index
    %get3A_62 = tpu.vector_load %arg14[%get3A_60, %get3A_61] {strides = array<i32>} : memref<32x64xi32, #tpu.memory_space<vmem>>, vector<16xi32>,
    %gt3A_63 = arith.constant 5 : i32
    %gt3A_64 = arith.cmpi sgt, %add3A, %gt3A_63 : i32
    %jit3A_65 = arith.constant 0 : i32
    %broadcast_in_dim3A_66 = vector.broadcast %jit3A_65 : i32 to vector<16xi32>
    %select_n3A_67 = arith.select %gt3A_64, %get3A_62, %broadcast_in_dim3A_66 : vector<16xi32>
    %add3A_68 = arith.addi %add3A_57, %select_n3A_67 : vector<16xi32>
    %add3A_69 = arith.addi %add3A_58, %get3A_62 : vector<16xi32>
    %get3A_70 = arith.constant 6 : i32
    %get3A_71 = arith.index_cast %get3A_70 : i32 to index
    %get3A_72 = arith.constant 0 : index
    %get3A_73 = tpu.vector_load %arg14[%get3A_71, %get3A_72] {strides = array<i32>} : memref<32x64xi32, #tpu.memory_space<vmem>>, vector<16xi32>,
    %gt3A_74 = arith.constant 6 : i32
    %gt3A_75 = arith.cmpi sgt, %add3A, %gt3A_74 : i32
    %jit3A_76 = arith.constant 0 : i32
    %broadcast_in_dim3A_77 = vector.broadcast %jit3A_76 : i32 to vector<16xi32>
    %select_n3A_78 = arith.select %gt3A_75, %get3A_73, %broadcast_in_dim3A_77 : vector<16xi32>
    %add3A_79 = arith.addi %add3A_68, %select_n3A_78 : vector<16xi32>
    %add3A_80 = arith.addi %add3A_69, %get3A_73 : vector<16xi32>
    %get3A_81 = arith.constant 7 : i32
    %get3A_82 = arith.index_cast %get3A_81 : i32 to index
    %get3A_83 = arith.constant 0 : index
    %get3A_84 = tpu.vector_load %arg14[%get3A_82, %get3A_83] {strides = array<i32>} : memref<32x64xi32, #tpu.memory_space<vmem>>, vector<16xi32>,
    %gt3A_85 = arith.constant 7 : i32
    %gt3A_86 = arith.cmpi sgt, %add3A, %gt3A_85 : i32
    %jit3A_87 = arith.constant 0 : i32
    %broadcast_in_dim3A_88 = vector.broadcast %jit3A_87 : i32 to vector<16xi32>
    %select_n3A_89 = arith.select %gt3A_86, %get3A_84, %broadcast_in_dim3A_88 : vector<16xi32>
    %add3A_90 = arith.addi %add3A_79, %select_n3A_89 : vector<16xi32>
    %add3A_91 = arith.addi %add3A_80, %get3A_84 : vector<16xi32>
    %get3A_92 = arith.constant 8 : i32
    %get3A_93 = arith.index_cast %get3A_92 : i32 to index
    %get3A_94 = arith.constant 0 : index
    %get3A_95 = tpu.vector_load %arg14[%get3A_93, %get3A_94] {strides = array<i32>} : memref<32x64xi32, #tpu.memory_space<vmem>>, vector<16xi32>,
    %gt3A_96 = arith.constant 8 : i32
    %gt3A_97 = arith.cmpi sgt, %add3A, %gt3A_96 : i32
    %jit3A_98 = arith.constant 0 : i32
    %broadcast_in_dim3A_99 = vector.broadcast %jit3A_98 : i32 to vector<16xi32>
    %select_n3A_100 = arith.select %gt3A_97, %get3A_95, %broadcast_in_dim3A_99 : vector<16xi32>
    %add3A_101 = arith.addi %add3A_90, %select_n3A_100 : vector<16xi32>
    %add3A_102 = arith.addi %add3A_91, %get3A_95 : vector<16xi32>
    %get3A_103 = arith.constant 9 : i32
    %get3A_104 = arith.index_cast %get3A_103 : i32 to index
    %get3A_105 = arith.constant 0 : index
    %get3A_106 = tpu.vector_load %arg14[%get3A_104, %get3A_105] {strides = array<i32>} : memref<32x64xi32, #tpu.memory_space<vmem>>, vector<16xi32>,
    %gt3A_107 = arith.constant 9 : i32
    %gt3A_108 = arith.cmpi sgt, %add3A, %gt3A_107 : i32
    %jit3A_109 = arith.constant 0 : i32
    %broadcast_in_dim3A_110 = vector.broadcast %jit3A_109 : i32 to vector<16xi32>
    %select_n3A_111 = arith.select %gt3A_108, %get3A_106, %broadcast_in_dim3A_110 : vector<16xi32>
    %add3A_112 = arith.addi %add3A_101, %select_n3A_111 : vector<16xi32>
    %add3A_113 = arith.addi %add3A_102, %get3A_106 : vector<16xi32>
    %get3A_114 = arith.constant 10 : i32
    %get3A_115 = arith.index_cast %get3A_114 : i32 to index
    %get3A_116 = arith.constant 0 : index
    %get3A_117 = tpu.vector_load %arg14[%get3A_115, %get3A_116] {strides = array<i32>} : memref<32x64xi32, #tpu.memory_space<vmem>>, vector<16xi32>,
    %gt3A_118 = arith.constant 10 : i32
    %gt3A_119 = arith.cmpi sgt, %add3A, %gt3A_118 : i32
    %jit3A_120 = arith.constant 0 : i32
    %broadcast_in_dim3A_121 = vector.broadcast %jit3A_120 : i32 to vector<16xi32>
    %select_n3A_122 = arith.select %gt3A_119, %get3A_117, %broadcast_in_dim3A_121 : vector<16xi32>
    %add3A_123 = arith.addi %add3A_112, %select_n3A_122 : vector<16xi32>
    %add3A_124 = arith.addi %add3A_113, %get3A_117 : vector<16xi32>
    %get3A_125 = arith.constant 11 : i32
    %get3A_126 = arith.index_cast %get3A_125 : i32 to index
    %get3A_127 = arith.constant 0 : index
    %get3A_128 = tpu.vector_load %arg14[%get3A_126, %get3A_127] {strides = array<i32>} : memref<32x64xi32, #tpu.memory_space<vmem>>, vector<16xi32>,
    %gt3A_129 = arith.constant 11 : i32
    %gt3A_130 = arith.cmpi sgt, %add3A, %gt3A_129 : i32
    %jit3A_131 = arith.constant 0 : i32
    %broadcast_in_dim3A_132 = vector.broadcast %jit3A_131 : i32 to vector<16xi32>
    %select_n3A_133 = arith.select %gt3A_130, %get3A_128, %broadcast_in_dim3A_132 : vector<16xi32>
    %add3A_134 = arith.addi %add3A_123, %select_n3A_133 : vector<16xi32>
    %add3A_135 = arith.addi %add3A_124, %get3A_128 : vector<16xi32>
    %get3A_136 = arith.constant 12 : i32
    %get3A_137 = arith.index_cast %get3A_136 : i32 to index
    %get3A_138 = arith.constant 0 : index
    %get3A_139 = tpu.vector_load %arg14[%get3A_137, %get3A_138] {strides = array<i32>} : memref<32x64xi32, #tpu.memory_space<vmem>>, vector<16xi32>,
    %gt3A_140 = arith.constant 12 : i32
    %gt3A_141 = arith.cmpi sgt, %add3A, %gt3A_140 : i32
    %jit3A_142 = arith.constant 0 : i32
    %broadcast_in_dim3A_143 = vector.broadcast %jit3A_142 : i32 to vector<16xi32>
    %select_n3A_144 = arith.select %gt3A_141, %get3A_139, %broadcast_in_dim3A_143 : vector<16xi32>
    %add3A_145 = arith.addi %add3A_134, %select_n3A_144 : vector<16xi32>
    %add3A_146 = arith.addi %add3A_135, %get3A_139 : vector<16xi32>
    %get3A_147 = arith.constant 13 : i32
    %get3A_148 = arith.index_cast %get3A_147 : i32 to index
    %get3A_149 = arith.constant 0 : index
    %get3A_150 = tpu.vector_load %arg14[%get3A_148, %get3A_149] {strides = array<i32>} : memref<32x64xi32, #tpu.memory_space<vmem>>, vector<16xi32>,
    %gt3A_151 = arith.constant 13 : i32
    %gt3A_152 = arith.cmpi sgt, %add3A, %gt3A_151 : i32
    %jit3A_153 = arith.constant 0 : i32
    %broadcast_in_dim3A_154 = vector.broadcast %jit3A_153 : i32 to vector<16xi32>
    %select_n3A_155 = arith.select %gt3A_152, %get3A_150, %broadcast_in_dim3A_154 : vector<16xi32>
    %add3A_156 = arith.addi %add3A_145, %select_n3A_155 : vector<16xi32>
    %add3A_157 = arith.addi %add3A_146, %get3A_150 : vector<16xi32>
    %get3A_158 = arith.constant 14 : i32
    %get3A_159 = arith.index_cast %get3A_158 : i32 to index
    %get3A_160 = arith.constant 0 : index
    %get3A_161 = tpu.vector_load %arg14[%get3A_159, %get3A_160] {strides = array<i32>} : memref<32x64xi32, #tpu.memory_space<vmem>>, vector<16xi32>,
    %gt3A_162 = arith.constant 14 : i32
    %gt3A_163 = arith.cmpi sgt, %add3A, %gt3A_162 : i32
    %jit3A_164 = arith.constant 0 : i32
    %broadcast_in_dim3A_165 = vector.broadcast %jit3A_164 : i32 to vector<16xi32>
    %select_n3A_166 = arith.select %gt3A_163, %get3A_161, %broadcast_in_dim3A_165 : vector<16xi32>
    %add3A_167 = arith.addi %add3A_156, %select_n3A_166 : vector<16xi32>
    %add3A_168 = arith.addi %add3A_157, %get3A_161 : vector<16xi32>
    %get3A_169 = arith.constant 15 : i32
    %get3A_170 = arith.index_cast %get3A_169 : i32 to index
    %get3A_171 = arith.constant 0 : index
    %get3A_172 = tpu.vector_load %arg14[%get3A_170, %get3A_171] {strides = array<i32>} : memref<32x64xi32, #tpu.memory_space<vmem>>, vector<16xi32>,
    %gt3A_173 = arith.constant 15 : i32
    %gt3A_174 = arith.cmpi sgt, %add3A, %gt3A_173 : i32
    %jit3A_175 = arith.constant 0 : i32
    %broadcast_in_dim3A_176 = vector.broadcast %jit3A_175 : i32 to vector<16xi32>
    %select_n3A_177 = arith.select %gt3A_174, %get3A_172, %broadcast_in_dim3A_176 : vector<16xi32>
    %add3A_178 = arith.addi %add3A_167, %select_n3A_177 : vector<16xi32>
    %add3A_179 = arith.addi %add3A_168, %get3A_172 : vector<16xi32>
    %get3A_180 = arith.constant 16 : i32
    %get3A_181 = arith.index_cast %get3A_180 : i32 to index
    %get3A_182 = arith.constant 0 : index
    %get3A_183 = tpu.vector_load %arg14[%get3A_181, %get3A_182] {strides = array<i32>} : memref<32x64xi32, #tpu.memory_space<vmem>>, vector<16xi32>,
    %gt3A_184 = arith.constant 16 : i32
    %gt3A_185 = arith.cmpi sgt, %add3A, %gt3A_184 : i32
    %jit3A_186 = arith.constant 0 : i32
    %broadcast_in_dim3A_187 = vector.broadcast %jit3A_186 : i32 to vector<16xi32>
    %select_n3A_188 = arith.select %gt3A_185, %get3A_183, %broadcast_in_dim3A_187 : vector<16xi32>
    %add3A_189 = arith.addi %add3A_178, %select_n3A_188 : vector<16xi32>
    %add3A_190 = arith.addi %add3A_179, %get3A_183 : vector<16xi32>
    %get3A_191 = arith.constant 17 : i32
    %get3A_192 = arith.index_cast %get3A_191 : i32 to index
    %get3A_193 = arith.constant 0 : index
    %get3A_194 = tpu.vector_load %arg14[%get3A_192, %get3A_193] {strides = array<i32>} : memref<32x64xi32, #tpu.memory_space<vmem>>, vector<16xi32>,
    %gt3A_195 = arith.constant 17 : i32
    %gt3A_196 = arith.cmpi sgt, %add3A, %gt3A_195 : i32
    %jit3A_197 = arith.constant 0 : i32
    %broadcast_in_dim3A_198 = vector.broadcast %jit3A_197 : i32 to vector<16xi32>
    %select_n3A_199 = arith.select %gt3A_196, %get3A_194, %broadcast_in_dim3A_198 : vector<16xi32>
    %add3A_200 = arith.addi %add3A_189, %select_n3A_199 : vector<16xi32>
    %add3A_201 = arith.addi %add3A_190, %get3A_194 : vector<16xi32>
    %get3A_202 = arith.constant 18 : i32
    %get3A_203 = arith.index_cast %get3A_202 : i32 to index
    %get3A_204 = arith.constant 0 : index
    %get3A_205 = tpu.vector_load %arg14[%get3A_203, %get3A_204] {strides = array<i32>} : memref<32x64xi32, #tpu.memory_space<vmem>>, vector<16xi32>,
    %gt3A_206 = arith.constant 18 : i32
    %gt3A_207 = arith.cmpi sgt, %add3A, %gt3A_206 : i32
    %jit3A_208 = arith.constant 0 : i32
    %broadcast_in_dim3A_209 = vector.broadcast %jit3A_208 : i32 to vector<16xi32>
    %select_n3A_210 = arith.select %gt3A_207, %get3A_205, %broadcast_in_dim3A_209 : vector<16xi32>
    %add3A_211 = arith.addi %add3A_200, %select_n3A_210 : vector<16xi32>
    %add3A_212 = arith.addi %add3A_201, %get3A_205 : vector<16xi32>
    %get3A_213 = arith.constant 19 : i32
    %get3A_214 = arith.index_cast %get3A_213 : i32 to index
    %get3A_215 = arith.constant 0 : index
    %get3A_216 = tpu.vector_load %arg14[%get3A_214, %get3A_215] {strides = array<i32>} : memref<32x64xi32, #tpu.memory_space<vmem>>, vector<16xi32>,
    %gt3A_217 = arith.constant 19 : i32
    %gt3A_218 = arith.cmpi sgt, %add3A, %gt3A_217 : i32
    %jit3A_219 = arith.constant 0 : i32
    %broadcast_in_dim3A_220 = vector.broadcast %jit3A_219 : i32 to vector<16xi32>
    %select_n3A_221 = arith.select %gt3A_218, %get3A_216, %broadcast_in_dim3A_220 : vector<16xi32>
    %add3A_222 = arith.addi %add3A_211, %select_n3A_221 : vector<16xi32>
    %add3A_223 = arith.addi %add3A_212, %get3A_216 : vector<16xi32>
    %get3A_224 = arith.constant 20 : i32
    %get3A_225 = arith.index_cast %get3A_224 : i32 to index
    %get3A_226 = arith.constant 0 : index
    %get3A_227 = tpu.vector_load %arg14[%get3A_225, %get3A_226] {strides = array<i32>} : memref<32x64xi32, #tpu.memory_space<vmem>>, vector<16xi32>,
    %gt3A_228 = arith.constant 20 : i32
    %gt3A_229 = arith.cmpi sgt, %add3A, %gt3A_228 : i32
    %jit3A_230 = arith.constant 0 : i32
    %broadcast_in_dim3A_231 = vector.broadcast %jit3A_230 : i32 to vector<16xi32>
    %select_n3A_232 = arith.select %gt3A_229, %get3A_227, %broadcast_in_dim3A_231 : vector<16xi32>
    %add3A_233 = arith.addi %add3A_222, %select_n3A_232 : vector<16xi32>
    %add3A_234 = arith.addi %add3A_223, %get3A_227 : vector<16xi32>
    %get3A_235 = arith.constant 21 : i32
    %get3A_236 = arith.index_cast %get3A_235 : i32 to index
    %get3A_237 = arith.constant 0 : index
    %get3A_238 = tpu.vector_load %arg14[%get3A_236, %get3A_237] {strides = array<i32>} : memref<32x64xi32, #tpu.memory_space<vmem>>, vector<16xi32>,
    %gt3A_239 = arith.constant 21 : i32
    %gt3A_240 = arith.cmpi sgt, %add3A, %gt3A_239 : i32
    %jit3A_241 = arith.constant 0 : i32
    %broadcast_in_dim3A_242 = vector.broadcast %jit3A_241 : i32 to vector<16xi32>
    %select_n3A_243 = arith.select %gt3A_240, %get3A_238, %broadcast_in_dim3A_242 : vector<16xi32>
    %add3A_244 = arith.addi %add3A_233, %select_n3A_243 : vector<16xi32>
    %add3A_245 = arith.addi %add3A_234, %get3A_238 : vector<16xi32>
    %get3A_246 = arith.constant 22 : i32
    %get3A_247 = arith.index_cast %get3A_246 : i32 to index
    %get3A_248 = arith.constant 0 : index
    %get3A_249 = tpu.vector_load %arg14[%get3A_247, %get3A_248] {strides = array<i32>} : memref<32x64xi32, #tpu.memory_space<vmem>>, vector<16xi32>,
    %gt3A_250 = arith.constant 22 : i32
    %gt3A_251 = arith.cmpi sgt, %add3A, %gt3A_250 : i32
    %jit3A_252 = arith.constant 0 : i32
    %broadcast_in_dim3A_253 = vector.broadcast %jit3A_252 : i32 to vector<16xi32>
    %select_n3A_254 = arith.select %gt3A_251, %get3A_249, %broadcast_in_dim3A_253 : vector<16xi32>
    %add3A_255 = arith.addi %add3A_244, %select_n3A_254 : vector<16xi32>
    %add3A_256 = arith.addi %add3A_245, %get3A_249 : vector<16xi32>
    %get3A_257 = arith.constant 23 : i32
    %get3A_258 = arith.index_cast %get3A_257 : i32 to index
    %get3A_259 = arith.constant 0 : index
    %get3A_260 = tpu.vector_load %arg14[%get3A_258, %get3A_259] {strides = array<i32>} : memref<32x64xi32, #tpu.memory_space<vmem>>, vector<16xi32>,
    %gt3A_261 = arith.constant 23 : i32
    %gt3A_262 = arith.cmpi sgt, %add3A, %gt3A_261 : i32
    %jit3A_263 = arith.constant 0 : i32
    %broadcast_in_dim3A_264 = vector.broadcast %jit3A_263 : i32 to vector<16xi32>
    %select_n3A_265 = arith.select %gt3A_262, %get3A_260, %broadcast_in_dim3A_264 : vector<16xi32>
    %add3A_266 = arith.addi %add3A_255, %select_n3A_265 : vector<16xi32>
    %add3A_267 = arith.addi %add3A_256, %get3A_260 : vector<16xi32>
    %get3A_268 = arith.constant 24 : i32
    %get3A_269 = arith.index_cast %get3A_268 : i32 to index
    %get3A_270 = arith.constant 0 : index
    %get3A_271 = tpu.vector_load %arg14[%get3A_269, %get3A_270] {strides = array<i32>} : memref<32x64xi32, #tpu.memory_space<vmem>>, vector<16xi32>,
    %gt3A_272 = arith.constant 24 : i32
    %gt3A_273 = arith.cmpi sgt, %add3A, %gt3A_272 : i32
    %jit3A_274 = arith.constant 0 : i32
    %broadcast_in_dim3A_275 = vector.broadcast %jit3A_274 : i32 to vector<16xi32>
    %select_n3A_276 = arith.select %gt3A_273, %get3A_271, %broadcast_in_dim3A_275 : vector<16xi32>
    %add3A_277 = arith.addi %add3A_266, %select_n3A_276 : vector<16xi32>
    %add3A_278 = arith.addi %add3A_267, %get3A_271 : vector<16xi32>
    %get3A_279 = arith.constant 25 : i32
    %get3A_280 = arith.index_cast %get3A_279 : i32 to index
    %get3A_281 = arith.constant 0 : index
    %get3A_282 = tpu.vector_load %arg14[%get3A_280, %get3A_281] {strides = array<i32>} : memref<32x64xi32, #tpu.memory_space<vmem>>, vector<16xi32>,
    %gt3A_283 = arith.constant 25 : i32
    %gt3A_284 = arith.cmpi sgt, %add3A, %gt3A_283 : i32
    %jit3A_285 = arith.constant 0 : i32
    %broadcast_in_dim3A_286 = vector.broadcast %jit3A_285 : i32 to vector<16xi32>
    %select_n3A_287 = arith.select %gt3A_284, %get3A_282, %broadcast_in_dim3A_286 : vector<16xi32>
    %add3A_288 = arith.addi %add3A_277, %select_n3A_287 : vector<16xi32>
    %add3A_289 = arith.addi %add3A_278, %get3A_282 : vector<16xi32>
    %get3A_290 = arith.constant 26 : i32
    %get3A_291 = arith.index_cast %get3A_290 : i32 to index
    %get3A_292 = arith.constant 0 : index
    %get3A_293 = tpu.vector_load %arg14[%get3A_291, %get3A_292] {strides = array<i32>} : memref<32x64xi32, #tpu.memory_space<vmem>>, vector<16xi32>,
    %gt3A_294 = arith.constant 26 : i32
    %gt3A_295 = arith.cmpi sgt, %add3A, %gt3A_294 : i32
    %jit3A_296 = arith.constant 0 : i32
    %broadcast_in_dim3A_297 = vector.broadcast %jit3A_296 : i32 to vector<16xi32>
    %select_n3A_298 = arith.select %gt3A_295, %get3A_293, %broadcast_in_dim3A_297 : vector<16xi32>
    %add3A_299 = arith.addi %add3A_288, %select_n3A_298 : vector<16xi32>
    %add3A_300 = arith.addi %add3A_289, %get3A_293 : vector<16xi32>
    %get3A_301 = arith.constant 27 : i32
    %get3A_302 = arith.index_cast %get3A_301 : i32 to index
    %get3A_303 = arith.constant 0 : index
    %get3A_304 = tpu.vector_load %arg14[%get3A_302, %get3A_303] {strides = array<i32>} : memref<32x64xi32, #tpu.memory_space<vmem>>, vector<16xi32>,
    %gt3A_305 = arith.constant 27 : i32
    %gt3A_306 = arith.cmpi sgt, %add3A, %gt3A_305 : i32
    %jit3A_307 = arith.constant 0 : i32
    %broadcast_in_dim3A_308 = vector.broadcast %jit3A_307 : i32 to vector<16xi32>
    %select_n3A_309 = arith.select %gt3A_306, %get3A_304, %broadcast_in_dim3A_308 : vector<16xi32>
    %add3A_310 = arith.addi %add3A_299, %select_n3A_309 : vector<16xi32>
    %add3A_311 = arith.addi %add3A_300, %get3A_304 : vector<16xi32>
    %get3A_312 = arith.constant 28 : i32
    %get3A_313 = arith.index_cast %get3A_312 : i32 to index
    %get3A_314 = arith.constant 0 : index
    %get3A_315 = tpu.vector_load %arg14[%get3A_313, %get3A_314] {strides = array<i32>} : memref<32x64xi32, #tpu.memory_space<vmem>>, vector<16xi32>,
    %gt3A_316 = arith.constant 28 : i32
    %gt3A_317 = arith.cmpi sgt, %add3A, %gt3A_316 : i32
    %jit3A_318 = arith.constant 0 : i32
    %broadcast_in_dim3A_319 = vector.broadcast %jit3A_318 : i32 to vector<16xi32>
    %select_n3A_320 = arith.select %gt3A_317, %get3A_315, %broadcast_in_dim3A_319 : vector<16xi32>
    %add3A_321 = arith.addi %add3A_310, %select_n3A_320 : vector<16xi32>
    %add3A_322 = arith.addi %add3A_311, %get3A_315 : vector<16xi32>
    %get3A_323 = arith.constant 29 : i32
    %get3A_324 = arith.index_cast %get3A_323 : i32 to index
    %get3A_325 = arith.constant 0 : index
    %get3A_326 = tpu.vector_load %arg14[%get3A_324, %get3A_325] {strides = array<i32>} : memref<32x64xi32, #tpu.memory_space<vmem>>, vector<16xi32>,
    %gt3A_327 = arith.constant 29 : i32
    %gt3A_328 = arith.cmpi sgt, %add3A, %gt3A_327 : i32
    %jit3A_329 = arith.constant 0 : i32
    %broadcast_in_dim3A_330 = vector.broadcast %jit3A_329 : i32 to vector<16xi32>
    %select_n3A_331 = arith.select %gt3A_328, %get3A_326, %broadcast_in_dim3A_330 : vector<16xi32>
    %add3A_332 = arith.addi %add3A_321, %select_n3A_331 : vector<16xi32>
    %add3A_333 = arith.addi %add3A_322, %get3A_326 : vector<16xi32>
    %get3A_334 = arith.constant 30 : i32
    %get3A_335 = arith.index_cast %get3A_334 : i32 to index
    %get3A_336 = arith.constant 0 : index
    %get3A_337 = tpu.vector_load %arg14[%get3A_335, %get3A_336] {strides = array<i32>} : memref<32x64xi32, #tpu.memory_space<vmem>>, vector<16xi32>,
    %gt3A_338 = arith.constant 30 : i32
    %gt3A_339 = arith.cmpi sgt, %add3A, %gt3A_338 : i32
    %jit3A_340 = arith.constant 0 : i32
    %broadcast_in_dim3A_341 = vector.broadcast %jit3A_340 : i32 to vector<16xi32>
    %select_n3A_342 = arith.select %gt3A_339, %get3A_337, %broadcast_in_dim3A_341 : vector<16xi32>
    %add3A_343 = arith.addi %add3A_332, %select_n3A_342 : vector<16xi32>
    %add3A_344 = arith.addi %add3A_333, %get3A_337 : vector<16xi32>
    %get3A_345 = arith.constant 31 : i32
    %get3A_346 = arith.index_cast %get3A_345 : i32 to index
    %get3A_347 = arith.constant 0 : index
    %get3A_348 = tpu.vector_load %arg14[%get3A_346, %get3A_347] {strides = array<i32>} : memref<32x64xi32, #tpu.memory_space<vmem>>, vector<16xi32>,
    %gt3A_349 = arith.constant 31 : i32
    %gt3A_350 = arith.cmpi sgt, %add3A, %gt3A_349 : i32
    %jit3A_351 = arith.constant 0 : i32
    %broadcast_in_dim3A_352 = vector.broadcast %jit3A_351 : i32 to vector<16xi32>
    %select_n3A_353 = arith.select %gt3A_350, %get3A_348, %broadcast_in_dim3A_352 : vector<16xi32>
    %add3A_354 = arith.addi %add3A_343, %select_n3A_353 : vector<16xi32>
    %add3A_355 = arith.addi %add3A_344, %get3A_348 : vector<16xi32>
    %swap3A = arith.constant 0 : index
    %swap3A_356 = tpu.vector_load %arg15[%swap3A] {strides = array<i32>} : memref<64xi32, #tpu.memory_space<vmem>>, vector<16xi32>,
    tpu.vector_store %arg15[%swap3A], %add3A_354 {strides = array<i32>} : memref<64xi32, #tpu.memory_space<vmem>>, vector<16xi32>,
    %swap3A_357 = arith.constant 0 : index
    %swap3A_358 = tpu.vector_load %arg30[%swap3A_357] {strides = array<i32>} : memref<64xi32, #tpu.memory_space<vmem>>, vector<16xi32>,
    tpu.vector_store %arg30[%swap3A_357], %add3A_355 {strides = array<i32>} : memref<64xi32, #tpu.memory_space<vmem>>, vector<16xi32>,
    %min3A = arith.constant 256 : i32
    %min3A_359 = vector.broadcast %min3A : i32 to vector<16xi32>
    %min3A_360 = arith.minsi %add3A_355, %min3A_359 : vector<16xi32>
    %add3A_361 = arith.constant 127 : i32
    %add3A_362 = vector.broadcast %add3A_361 : i32 to vector<16xi32>
    %add3A_363 = arith.addi %min3A_360, %add3A_362 : vector<16xi32>
    %shift_right_logical3A = arith.constant 7 : i32
    %shift_right_logical3A_364 = vector.broadcast %shift_right_logical3A : i32 to vector<16xi32>
    %shift_right_logical3A_365 = arith.shrui %add3A_363, %shift_right_logical3A_364 : vector<16xi32>
    %max3A = arith.constant 1 : i32
    %max3A_366 = vector.broadcast %max3A : i32 to vector<16xi32>
    %max3A_367 = arith.maxsi %max3A_366, %shift_right_logical3A_365 : vector<16xi32>
    %broadcast_in_dim3A_368 = arith.constant true
    %broadcast_in_dim3A_369 = vector.broadcast %broadcast_in_dim3A_368 : i1 to vector<16xi1>
    %masked_cumsum3A = tpu.scan <sum>, %max3A_367 masked %broadcast_in_dim3A_369 : vector<16xi32>, vector<16xi1> -> vector<16xi32>
    %sub3A = arith.subi %masked_cumsum3A, %max3A_367 : vector<16xi32>
    %add3A_370 = arith.constant 0 : i32
    %add3A_371 = vector.broadcast %add3A_370 : i32 to vector<16xi32>
    %add3A_372 = arith.addi %sub3A, %add3A_371 : vector<16xi32>
    %swap3A_373 = arith.constant 0 : index
    %swap3A_374 = tpu.vector_load %arg16[%swap3A_373] {strides = array<i32>} : memref<64xi32, #tpu.memory_space<vmem>>, vector<16xi32>,
    tpu.vector_store %arg16[%swap3A_373], %add3A_372 {strides = array<i32>} : memref<64xi32, #tpu.memory_space<vmem>>, vector<16xi32>,
    %reduce_max3A = arith.constant true
    %reduce_max3A_375 = vector.broadcast %reduce_max3A : i1 to vector<16xi1>
    %reduce_max3A_376 = arith.constant -2147483648 : i32
    %reduce_max3A_377 = vector.broadcast %reduce_max3A_376 : i32 to vector<16xi32>
    %reduce_max3A_378 = arith.xori %masked_cumsum3A, %reduce_max3A_377 : vector<16xi32>
    %reduce_max3A_379 = tpu.scan <max>, %reduce_max3A_378 masked %reduce_max3A_375 : vector<16xi32>, vector<16xi1> -> vector<16xi32>
    %reduce_max3A_380 = arith.xori %reduce_max3A_379, %reduce_max3A_377 : vector<16xi32>
    %reduce_max3A_381 = vector.extract %reduce_max3A_380[15] : i32 from vector<16xi32>
    %add3A_382 = arith.constant 0 : i32
    %add3A_383 = arith.addi %add3A_382, %reduce_max3A_381 : i32
    %iota3A = tpu.iota {dimensions = array<i32: 0>} : vector<16xi32>
    %add3A_384 = arith.constant 0 : i32
    %add3A_385 = vector.broadcast %add3A_384 : i32 to vector<16xi32>
    %add3A_386 = arith.addi %iota3A, %add3A_385 : vector<16xi32>
    %mul3A_387 = arith.constant 2 : i32
    %mul3A_388 = vector.broadcast %mul3A_387 : i32 to vector<16xi32>
    %mul3A_389 = arith.muli %add3A_386, %mul3A_388 : vector<16xi32>
    tpu.vector_store_idx %arg17[%mul3A_389], %add3A_372 : memref<128xi32, #tpu.memory_space<vmem>>[vector<16xi32>], vector<16xi32>,
    %add3A_390 = arith.constant 1 : i32
    %add3A_391 = vector.broadcast %add3A_390 : i32 to vector<16xi32>
    %add3A_392 = arith.addi %mul3A_389, %add3A_391 : vector<16xi32>
    %sub3A_393 = arith.constant 1 : i32
    %sub3A_394 = vector.broadcast %sub3A_393 : i32 to vector<16xi32>
    %sub3A_395 = arith.subi %max3A_367, %sub3A_394 : vector<16xi32>
    %min3A_396 = arith.constant 1 : i32
    %min3A_397 = vector.broadcast %min3A_396 : i32 to vector<16xi32>
    %min3A_398 = arith.minsi %sub3A_395, %min3A_397 : vector<16xi32>
    %add3A_399 = arith.addi %add3A_372, %min3A_398 : vector<16xi32>
    tpu.vector_store_idx %arg17[%add3A_392], %add3A_399 : memref<128xi32, #tpu.memory_space<vmem>>[vector<16xi32>], vector<16xi32>,
    %broadcast_in_dim3A_400 = arith.constant 0 : i32
    %broadcast_in_dim3A_401 = vector.broadcast %broadcast_in_dim3A_400 : i32 to vector<16xi32>
    %broadcast_in_dim3A_402 = arith.constant 0 : i32
    %broadcast_in_dim3A_403 = vector.broadcast %broadcast_in_dim3A_402 : i32 to vector<16xi32>
    %get3A_404 = arith.constant 0 : i32
    %get3A_405 = arith.index_cast %get3A_404 : i32 to index
    %get3A_406 = arith.constant 16 : index
    %get3A_407 = tpu.vector_load %arg14[%get3A_405, %get3A_406] {strides = array<i32>} : memref<32x64xi32, #tpu.memory_space<vmem>>, vector<16xi32>,
    %gt3A_408 = arith.constant 0 : i32
    %gt3A_409 = arith.cmpi sgt, %add3A, %gt3A_408 : i32
    %jit3A_410 = arith.constant 0 : i32
    %broadcast_in_dim3A_411 = vector.broadcast %jit3A_410 : i32 to vector<16xi32>
    %select_n3A_412 = arith.select %gt3A_409, %get3A_407, %broadcast_in_dim3A_411 : vector<16xi32>
    %add3A_413 = arith.addi %broadcast_in_dim3A_401, %select_n3A_412 : vector<16xi32>
    %add3A_414 = arith.addi %broadcast_in_dim3A_403, %get3A_407 : vector<16xi32>
    %get3A_415 = arith.constant 1 : i32
    %get3A_416 = arith.index_cast %get3A_415 : i32 to index
    %get3A_417 = arith.constant 16 : index
    %get3A_418 = tpu.vector_load %arg14[%get3A_416, %get3A_417] {strides = array<i32>} : memref<32x64xi32, #tpu.memory_space<vmem>>, vector<16xi32>,
    %gt3A_419 = arith.constant 1 : i32
    %gt3A_420 = arith.cmpi sgt, %add3A, %gt3A_419 : i32
    %jit3A_421 = arith.constant 0 : i32
    %broadcast_in_dim3A_422 = vector.broadcast %jit3A_421 : i32 to vector<16xi32>
    %select_n3A_423 = arith.select %gt3A_420, %get3A_418, %broadcast_in_dim3A_422 : vector<16xi32>
    %add3A_424 = arith.addi %add3A_413, %select_n3A_423 : vector<16xi32>
    %add3A_425 = arith.addi %add3A_414, %get3A_418 : vector<16xi32>
    %get3A_426 = arith.constant 2 : i32
    %get3A_427 = arith.index_cast %get3A_426 : i32 to index
    %get3A_428 = arith.constant 16 : index
    %get3A_429 = tpu.vector_load %arg14[%get3A_427, %get3A_428] {strides = array<i32>} : memref<32x64xi32, #tpu.memory_space<vmem>>, vector<16xi32>,
    %gt3A_430 = arith.constant 2 : i32
    %gt3A_431 = arith.cmpi sgt, %add3A, %gt3A_430 : i32
    %jit3A_432 = arith.constant 0 : i32
    %broadcast_in_dim3A_433 = vector.broadcast %jit3A_432 : i32 to vector<16xi32>
    %select_n3A_434 = arith.select %gt3A_431, %get3A_429, %broadcast_in_dim3A_433 : vector<16xi32>
    %add3A_435 = arith.addi %add3A_424, %select_n3A_434 : vector<16xi32>
    %add3A_436 = arith.addi %add3A_425, %get3A_429 : vector<16xi32>
    %get3A_437 = arith.constant 3 : i32
    %get3A_438 = arith.index_cast %get3A_437 : i32 to index
    %get3A_439 = arith.constant 16 : index
    %get3A_440 = tpu.vector_load %arg14[%get3A_438, %get3A_439] {strides = array<i32>} : memref<32x64xi32, #tpu.memory_space<vmem>>, vector<16xi32>,
    %gt3A_441 = arith.constant 3 : i32
    %gt3A_442 = arith.cmpi sgt, %add3A, %gt3A_441 : i32
    %jit3A_443 = arith.constant 0 : i32
    %broadcast_in_dim3A_444 = vector.broadcast %jit3A_443 : i32 to vector<16xi32>
    %select_n3A_445 = arith.select %gt3A_442, %get3A_440, %broadcast_in_dim3A_444 : vector<16xi32>
    %add3A_446 = arith.addi %add3A_435, %select_n3A_445 : vector<16xi32>
    %add3A_447 = arith.addi %add3A_436, %get3A_440 : vector<16xi32>
    %get3A_448 = arith.constant 4 : i32
    %get3A_449 = arith.index_cast %get3A_448 : i32 to index
    %get3A_450 = arith.constant 16 : index
    %get3A_451 = tpu.vector_load %arg14[%get3A_449, %get3A_450] {strides = array<i32>} : memref<32x64xi32, #tpu.memory_space<vmem>>, vector<16xi32>,
    %gt3A_452 = arith.constant 4 : i32
    %gt3A_453 = arith.cmpi sgt, %add3A, %gt3A_452 : i32
    %jit3A_454 = arith.constant 0 : i32
    %broadcast_in_dim3A_455 = vector.broadcast %jit3A_454 : i32 to vector<16xi32>
    %select_n3A_456 = arith.select %gt3A_453, %get3A_451, %broadcast_in_dim3A_455 : vector<16xi32>
    %add3A_457 = arith.addi %add3A_446, %select_n3A_456 : vector<16xi32>
    %add3A_458 = arith.addi %add3A_447, %get3A_451 : vector<16xi32>
    %get3A_459 = arith.constant 5 : i32
    %get3A_460 = arith.index_cast %get3A_459 : i32 to index
    %get3A_461 = arith.constant 16 : index
    %get3A_462 = tpu.vector_load %arg14[%get3A_460, %get3A_461] {strides = array<i32>} : memref<32x64xi32, #tpu.memory_space<vmem>>, vector<16xi32>,
    %gt3A_463 = arith.constant 5 : i32
    %gt3A_464 = arith.cmpi sgt, %add3A, %gt3A_463 : i32
    %jit3A_465 = arith.constant 0 : i32
    %broadcast_in_dim3A_466 = vector.broadcast %jit3A_465 : i32 to vector<16xi32>
    %select_n3A_467 = arith.select %gt3A_464, %get3A_462, %broadcast_in_dim3A_466 : vector<16xi32>
    %add3A_468 = arith.addi %add3A_457, %select_n3A_467 : vector<16xi32>
    %add3A_469 = arith.addi %add3A_458, %get3A_462 : vector<16xi32>
    %get3A_470 = arith.constant 6 : i32
    %get3A_471 = arith.index_cast %get3A_470 : i32 to index
    %get3A_472 = arith.constant 16 : index
    %get3A_473 = tpu.vector_load %arg14[%get3A_471, %get3A_472] {strides = array<i32>} : memref<32x64xi32, #tpu.memory_space<vmem>>, vector<16xi32>,
    %gt3A_474 = arith.constant 6 : i32
    %gt3A_475 = arith.cmpi sgt, %add3A, %gt3A_474 : i32
    %jit3A_476 = arith.constant 0 : i32
    %broadcast_in_dim3A_477 = vector.broadcast %jit3A_476 : i32 to vector<16xi32>
    %select_n3A_478 = arith.select %gt3A_475, %get3A_473, %broadcast_in_dim3A_477 : vector<16xi32>
    %add3A_479 = arith.addi %add3A_468, %select_n3A_478 : vector<16xi32>
    %add3A_480 = arith.addi %add3A_469, %get3A_473 : vector<16xi32>
    %get3A_481 = arith.constant 7 : i32
    %get3A_482 = arith.index_cast %get3A_481 : i32 to index
    %get3A_483 = arith.constant 16 : index
    %get3A_484 = tpu.vector_load %arg14[%get3A_482, %get3A_483] {strides = array<i32>} : memref<32x64xi32, #tpu.memory_space<vmem>>, vector<16xi32>,
    %gt3A_485 = arith.constant 7 : i32
    %gt3A_486 = arith.cmpi sgt, %add3A, %gt3A_485 : i32
    %jit3A_487 = arith.constant 0 : i32
    %broadcast_in_dim3A_488 = vector.broadcast %jit3A_487 : i32 to vector<16xi32>
    %select_n3A_489 = arith.select %gt3A_486, %get3A_484, %broadcast_in_dim3A_488 : vector<16xi32>
    %add3A_490 = arith.addi %add3A_479, %select_n3A_489 : vector<16xi32>
    %add3A_491 = arith.addi %add3A_480, %get3A_484 : vector<16xi32>
    %get3A_492 = arith.constant 8 : i32
    %get3A_493 = arith.index_cast %get3A_492 : i32 to index
    %get3A_494 = arith.constant 16 : index
    %get3A_495 = tpu.vector_load %arg14[%get3A_493, %get3A_494] {strides = array<i32>} : memref<32x64xi32, #tpu.memory_space<vmem>>, vector<16xi32>,
    %gt3A_496 = arith.constant 8 : i32
    %gt3A_497 = arith.cmpi sgt, %add3A, %gt3A_496 : i32
    %jit3A_498 = arith.constant 0 : i32
    %broadcast_in_dim3A_499 = vector.broadcast %jit3A_498 : i32 to vector<16xi32>
    %select_n3A_500 = arith.select %gt3A_497, %get3A_495, %broadcast_in_dim3A_499 : vector<16xi32>
    %add3A_501 = arith.addi %add3A_490, %select_n3A_500 : vector<16xi32>
    %add3A_502 = arith.addi %add3A_491, %get3A_495 : vector<16xi32>
    %get3A_503 = arith.constant 9 : i32
    %get3A_504 = arith.index_cast %get3A_503 : i32 to index
    %get3A_505 = arith.constant 16 : index
    %get3A_506 = tpu.vector_load %arg14[%get3A_504, %get3A_505] {strides = array<i32>} : memref<32x64xi32, #tpu.memory_space<vmem>>, vector<16xi32>,
    %gt3A_507 = arith.constant 9 : i32
    %gt3A_508 = arith.cmpi sgt, %add3A, %gt3A_507 : i32
    %jit3A_509 = arith.constant 0 : i32
    %broadcast_in_dim3A_510 = vector.broadcast %jit3A_509 : i32 to vector<16xi32>
    %select_n3A_511 = arith.select %gt3A_508, %get3A_506, %broadcast_in_dim3A_510 : vector<16xi32>
    %add3A_512 = arith.addi %add3A_501, %select_n3A_511 : vector<16xi32>
    %add3A_513 = arith.addi %add3A_502, %get3A_506 : vector<16xi32>
    %get3A_514 = arith.constant 10 : i32
    %get3A_515 = arith.index_cast %get3A_514 : i32 to index
    %get3A_516 = arith.constant 16 : index
    %get3A_517 = tpu.vector_load %arg14[%get3A_515, %get3A_516] {strides = array<i32>} : memref<32x64xi32, #tpu.memory_space<vmem>>, vector<16xi32>,
    %gt3A_518 = arith.constant 10 : i32
    %gt3A_519 = arith.cmpi sgt, %add3A, %gt3A_518 : i32
    %jit3A_520 = arith.constant 0 : i32
    %broadcast_in_dim3A_521 = vector.broadcast %jit3A_520 : i32 to vector<16xi32>
    %select_n3A_522 = arith.select %gt3A_519, %get3A_517, %broadcast_in_dim3A_521 : vector<16xi32>
    %add3A_523 = arith.addi %add3A_512, %select_n3A_522 : vector<16xi32>
    %add3A_524 = arith.addi %add3A_513, %get3A_517 : vector<16xi32>
    %get3A_525 = arith.constant 11 : i32
    %get3A_526 = arith.index_cast %get3A_525 : i32 to index
    %get3A_527 = arith.constant 16 : index
    %get3A_528 = tpu.vector_load %arg14[%get3A_526, %get3A_527] {strides = array<i32>} : memref<32x64xi32, #tpu.memory_space<vmem>>, vector<16xi32>,
    %gt3A_529 = arith.constant 11 : i32
    %gt3A_530 = arith.cmpi sgt, %add3A, %gt3A_529 : i32
    %jit3A_531 = arith.constant 0 : i32
    %broadcast_in_dim3A_532 = vector.broadcast %jit3A_531 : i32 to vector<16xi32>
    %select_n3A_533 = arith.select %gt3A_530, %get3A_528, %broadcast_in_dim3A_532 : vector<16xi32>
    %add3A_534 = arith.addi %add3A_523, %select_n3A_533 : vector<16xi32>
    %add3A_535 = arith.addi %add3A_524, %get3A_528 : vector<16xi32>
    %get3A_536 = arith.constant 12 : i32
    %get3A_537 = arith.index_cast %get3A_536 : i32 to index
    %get3A_538 = arith.constant 16 : index
    %get3A_539 = tpu.vector_load %arg14[%get3A_537, %get3A_538] {strides = array<i32>} : memref<32x64xi32, #tpu.memory_space<vmem>>, vector<16xi32>,
    %gt3A_540 = arith.constant 12 : i32
    %gt3A_541 = arith.cmpi sgt, %add3A, %gt3A_540 : i32
    %jit3A_542 = arith.constant 0 : i32
    %broadcast_in_dim3A_543 = vector.broadcast %jit3A_542 : i32 to vector<16xi32>
    %select_n3A_544 = arith.select %gt3A_541, %get3A_539, %broadcast_in_dim3A_543 : vector<16xi32>
    %add3A_545 = arith.addi %add3A_534, %select_n3A_544 : vector<16xi32>
    %add3A_546 = arith.addi %add3A_535, %get3A_539 : vector<16xi32>
    %get3A_547 = arith.constant 13 : i32
    %get3A_548 = arith.index_cast %get3A_547 : i32 to index
    %get3A_549 = arith.constant 16 : index
    %get3A_550 = tpu.vector_load %arg14[%get3A_548, %get3A_549] {strides = array<i32>} : memref<32x64xi32, #tpu.memory_space<vmem>>, vector<16xi32>,
    %gt3A_551 = arith.constant 13 : i32
    %gt3A_552 = arith.cmpi sgt, %add3A, %gt3A_551 : i32
    %jit3A_553 = arith.constant 0 : i32
    %broadcast_in_dim3A_554 = vector.broadcast %jit3A_553 : i32 to vector<16xi32>
    %select_n3A_555 = arith.select %gt3A_552, %get3A_550, %broadcast_in_dim3A_554 : vector<16xi32>
    %add3A_556 = arith.addi %add3A_545, %select_n3A_555 : vector<16xi32>
    %add3A_557 = arith.addi %add3A_546, %get3A_550 : vector<16xi32>
    %get3A_558 = arith.constant 14 : i32
    %get3A_559 = arith.index_cast %get3A_558 : i32 to index
    %get3A_560 = arith.constant 16 : index
    %get3A_561 = tpu.vector_load %arg14[%get3A_559, %get3A_560] {strides = array<i32>} : memref<32x64xi32, #tpu.memory_space<vmem>>, vector<16xi32>,
    %gt3A_562 = arith.constant 14 : i32
    %gt3A_563 = arith.cmpi sgt, %add3A, %gt3A_562 : i32
    %jit3A_564 = arith.constant 0 : i32
    %broadcast_in_dim3A_565 = vector.broadcast %jit3A_564 : i32 to vector<16xi32>
    %select_n3A_566 = arith.select %gt3A_563, %get3A_561, %broadcast_in_dim3A_565 : vector<16xi32>
    %add3A_567 = arith.addi %add3A_556, %select_n3A_566 : vector<16xi32>
    %add3A_568 = arith.addi %add3A_557, %get3A_561 : vector<16xi32>
    %get3A_569 = arith.constant 15 : i32
    %get3A_570 = arith.index_cast %get3A_569 : i32 to index
    %get3A_571 = arith.constant 16 : index
    %get3A_572 = tpu.vector_load %arg14[%get3A_570, %get3A_571] {strides = array<i32>} : memref<32x64xi32, #tpu.memory_space<vmem>>, vector<16xi32>,
    %gt3A_573 = arith.constant 15 : i32
    %gt3A_574 = arith.cmpi sgt, %add3A, %gt3A_573 : i32
    %jit3A_575 = arith.constant 0 : i32
    %broadcast_in_dim3A_576 = vector.broadcast %jit3A_575 : i32 to vector<16xi32>
    %select_n3A_577 = arith.select %gt3A_574, %get3A_572, %broadcast_in_dim3A_576 : vector<16xi32>
    %add3A_578 = arith.addi %add3A_567, %select_n3A_577 : vector<16xi32>
    %add3A_579 = arith.addi %add3A_568, %get3A_572 : vector<16xi32>
    %get3A_580 = arith.constant 16 : i32
    %get3A_581 = arith.index_cast %get3A_580 : i32 to index
    %get3A_582 = arith.constant 16 : index
    %get3A_583 = tpu.vector_load %arg14[%get3A_581, %get3A_582] {strides = array<i32>} : memref<32x64xi32, #tpu.memory_space<vmem>>, vector<16xi32>,
    %gt3A_584 = arith.constant 16 : i32
    %gt3A_585 = arith.cmpi sgt, %add3A, %gt3A_584 : i32
    %jit3A_586 = arith.constant 0 : i32
    %broadcast_in_dim3A_587 = vector.broadcast %jit3A_586 : i32 to vector<16xi32>
    %select_n3A_588 = arith.select %gt3A_585, %get3A_583, %broadcast_in_dim3A_587 : vector<16xi32>
    %add3A_589 = arith.addi %add3A_578, %select_n3A_588 : vector<16xi32>
    %add3A_590 = arith.addi %add3A_579, %get3A_583 : vector<16xi32>
    %get3A_591 = arith.constant 17 : i32
    %get3A_592 = arith.index_cast %get3A_591 : i32 to index
    %get3A_593 = arith.constant 16 : index
    %get3A_594 = tpu.vector_load %arg14[%get3A_592, %get3A_593] {strides = array<i32>} : memref<32x64xi32, #tpu.memory_space<vmem>>, vector<16xi32>,
    %gt3A_595 = arith.constant 17 : i32
    %gt3A_596 = arith.cmpi sgt, %add3A, %gt3A_595 : i32
    %jit3A_597 = arith.constant 0 : i32
    %broadcast_in_dim3A_598 = vector.broadcast %jit3A_597 : i32 to vector<16xi32>
    %select_n3A_599 = arith.select %gt3A_596, %get3A_594, %broadcast_in_dim3A_598 : vector<16xi32>
    %add3A_600 = arith.addi %add3A_589, %select_n3A_599 : vector<16xi32>
    %add3A_601 = arith.addi %add3A_590, %get3A_594 : vector<16xi32>
    %get3A_602 = arith.constant 18 : i32
    %get3A_603 = arith.index_cast %get3A_602 : i32 to index
    %get3A_604 = arith.constant 16 : index
    %get3A_605 = tpu.vector_load %arg14[%get3A_603, %get3A_604] {strides = array<i32>} : memref<32x64xi32, #tpu.memory_space<vmem>>, vector<16xi32>,
    %gt3A_606 = arith.constant 18 : i32
    %gt3A_607 = arith.cmpi sgt, %add3A, %gt3A_606 : i32
    %jit3A_608 = arith.constant 0 : i32
    %broadcast_in_dim3A_609 = vector.broadcast %jit3A_608 : i32 to vector<16xi32>
    %select_n3A_610 = arith.select %gt3A_607, %get3A_605, %broadcast_in_dim3A_609 : vector<16xi32>
    %add3A_611 = arith.addi %add3A_600, %select_n3A_610 : vector<16xi32>
    %add3A_612 = arith.addi %add3A_601, %get3A_605 : vector<16xi32>
    %get3A_613 = arith.constant 19 : i32
    %get3A_614 = arith.index_cast %get3A_613 : i32 to index
    %get3A_615 = arith.constant 16 : index
    %get3A_616 = tpu.vector_load %arg14[%get3A_614, %get3A_615] {strides = array<i32>} : memref<32x64xi32, #tpu.memory_space<vmem>>, vector<16xi32>,
    %gt3A_617 = arith.constant 19 : i32
    %gt3A_618 = arith.cmpi sgt, %add3A, %gt3A_617 : i32
    %jit3A_619 = arith.constant 0 : i32
    %broadcast_in_dim3A_620 = vector.broadcast %jit3A_619 : i32 to vector<16xi32>
    %select_n3A_621 = arith.select %gt3A_618, %get3A_616, %broadcast_in_dim3A_620 : vector<16xi32>
    %add3A_622 = arith.addi %add3A_611, %select_n3A_621 : vector<16xi32>
    %add3A_623 = arith.addi %add3A_612, %get3A_616 : vector<16xi32>
    %get3A_624 = arith.constant 20 : i32
    %get3A_625 = arith.index_cast %get3A_624 : i32 to index
    %get3A_626 = arith.constant 16 : index
    %get3A_627 = tpu.vector_load %arg14[%get3A_625, %get3A_626] {strides = array<i32>} : memref<32x64xi32, #tpu.memory_space<vmem>>, vector<16xi32>,
    %gt3A_628 = arith.constant 20 : i32
    %gt3A_629 = arith.cmpi sgt, %add3A, %gt3A_628 : i32
    %jit3A_630 = arith.constant 0 : i32
    %broadcast_in_dim3A_631 = vector.broadcast %jit3A_630 : i32 to vector<16xi32>
    %select_n3A_632 = arith.select %gt3A_629, %get3A_627, %broadcast_in_dim3A_631 : vector<16xi32>
    %add3A_633 = arith.addi %add3A_622, %select_n3A_632 : vector<16xi32>
    %add3A_634 = arith.addi %add3A_623, %get3A_627 : vector<16xi32>
    %get3A_635 = arith.constant 21 : i32
    %get3A_636 = arith.index_cast %get3A_635 : i32 to index
    %get3A_637 = arith.constant 16 : index
    %get3A_638 = tpu.vector_load %arg14[%get3A_636, %get3A_637] {strides = array<i32>} : memref<32x64xi32, #tpu.memory_space<vmem>>, vector<16xi32>,
    %gt3A_639 = arith.constant 21 : i32
    %gt3A_640 = arith.cmpi sgt, %add3A, %gt3A_639 : i32
    %jit3A_641 = arith.constant 0 : i32
    %broadcast_in_dim3A_642 = vector.broadcast %jit3A_641 : i32 to vector<16xi32>
    %select_n3A_643 = arith.select %gt3A_640, %get3A_638, %broadcast_in_dim3A_642 : vector<16xi32>
    %add3A_644 = arith.addi %add3A_633, %select_n3A_643 : vector<16xi32>
    %add3A_645 = arith.addi %add3A_634, %get3A_638 : vector<16xi32>
    %get3A_646 = arith.constant 22 : i32
    %get3A_647 = arith.index_cast %get3A_646 : i32 to index
    %get3A_648 = arith.constant 16 : index
    %get3A_649 = tpu.vector_load %arg14[%get3A_647, %get3A_648] {strides = array<i32>} : memref<32x64xi32, #tpu.memory_space<vmem>>, vector<16xi32>,
    %gt3A_650 = arith.constant 22 : i32
    %gt3A_651 = arith.cmpi sgt, %add3A, %gt3A_650 : i32
    %jit3A_652 = arith.constant 0 : i32
    %broadcast_in_dim3A_653 = vector.broadcast %jit3A_652 : i32 to vector<16xi32>
    %select_n3A_654 = arith.select %gt3A_651, %get3A_649, %broadcast_in_dim3A_653 : vector<16xi32>
    %add3A_655 = arith.addi %add3A_644, %select_n3A_654 : vector<16xi32>
    %add3A_656 = arith.addi %add3A_645, %get3A_649 : vector<16xi32>
    %get3A_657 = arith.constant 23 : i32
    %get3A_658 = arith.index_cast %get3A_657 : i32 to index
    %get3A_659 = arith.constant 16 : index
    %get3A_660 = tpu.vector_load %arg14[%get3A_658, %get3A_659] {strides = array<i32>} : memref<32x64xi32, #tpu.memory_space<vmem>>, vector<16xi32>,
    %gt3A_661 = arith.constant 23 : i32
    %gt3A_662 = arith.cmpi sgt, %add3A, %gt3A_661 : i32
    %jit3A_663 = arith.constant 0 : i32
    %broadcast_in_dim3A_664 = vector.broadcast %jit3A_663 : i32 to vector<16xi32>
    %select_n3A_665 = arith.select %gt3A_662, %get3A_660, %broadcast_in_dim3A_664 : vector<16xi32>
    %add3A_666 = arith.addi %add3A_655, %select_n3A_665 : vector<16xi32>
    %add3A_667 = arith.addi %add3A_656, %get3A_660 : vector<16xi32>
    %get3A_668 = arith.constant 24 : i32
    %get3A_669 = arith.index_cast %get3A_668 : i32 to index
    %get3A_670 = arith.constant 16 : index
    %get3A_671 = tpu.vector_load %arg14[%get3A_669, %get3A_670] {strides = array<i32>} : memref<32x64xi32, #tpu.memory_space<vmem>>, vector<16xi32>,
    %gt3A_672 = arith.constant 24 : i32
    %gt3A_673 = arith.cmpi sgt, %add3A, %gt3A_672 : i32
    %jit3A_674 = arith.constant 0 : i32
    %broadcast_in_dim3A_675 = vector.broadcast %jit3A_674 : i32 to vector<16xi32>
    %select_n3A_676 = arith.select %gt3A_673, %get3A_671, %broadcast_in_dim3A_675 : vector<16xi32>
    %add3A_677 = arith.addi %add3A_666, %select_n3A_676 : vector<16xi32>
    %add3A_678 = arith.addi %add3A_667, %get3A_671 : vector<16xi32>
    %get3A_679 = arith.constant 25 : i32
    %get3A_680 = arith.index_cast %get3A_679 : i32 to index
    %get3A_681 = arith.constant 16 : index
    %get3A_682 = tpu.vector_load %arg14[%get3A_680, %get3A_681] {strides = array<i32>} : memref<32x64xi32, #tpu.memory_space<vmem>>, vector<16xi32>,
    %gt3A_683 = arith.constant 25 : i32
    %gt3A_684 = arith.cmpi sgt, %add3A, %gt3A_683 : i32
    %jit3A_685 = arith.constant 0 : i32
    %broadcast_in_dim3A_686 = vector.broadcast %jit3A_685 : i32 to vector<16xi32>
    %select_n3A_687 = arith.select %gt3A_684, %get3A_682, %broadcast_in_dim3A_686 : vector<16xi32>
    %add3A_688 = arith.addi %add3A_677, %select_n3A_687 : vector<16xi32>
    %add3A_689 = arith.addi %add3A_678, %get3A_682 : vector<16xi32>
    %get3A_690 = arith.constant 26 : i32
    %get3A_691 = arith.index_cast %get3A_690 : i32 to index
    %get3A_692 = arith.constant 16 : index
    %get3A_693 = tpu.vector_load %arg14[%get3A_691, %get3A_692] {strides = array<i32>} : memref<32x64xi32, #tpu.memory_space<vmem>>, vector<16xi32>,
    %gt3A_694 = arith.constant 26 : i32
    %gt3A_695 = arith.cmpi sgt, %add3A, %gt3A_694 : i32
    %jit3A_696 = arith.constant 0 : i32
    %broadcast_in_dim3A_697 = vector.broadcast %jit3A_696 : i32 to vector<16xi32>
    %select_n3A_698 = arith.select %gt3A_695, %get3A_693, %broadcast_in_dim3A_697 : vector<16xi32>
    %add3A_699 = arith.addi %add3A_688, %select_n3A_698 : vector<16xi32>
    %add3A_700 = arith.addi %add3A_689, %get3A_693 : vector<16xi32>
    %get3A_701 = arith.constant 27 : i32
    %get3A_702 = arith.index_cast %get3A_701 : i32 to index
    %get3A_703 = arith.constant 16 : index
    %get3A_704 = tpu.vector_load %arg14[%get3A_702, %get3A_703] {strides = array<i32>} : memref<32x64xi32, #tpu.memory_space<vmem>>, vector<16xi32>,
    %gt3A_705 = arith.constant 27 : i32
    %gt3A_706 = arith.cmpi sgt, %add3A, %gt3A_705 : i32
    %jit3A_707 = arith.constant 0 : i32
    %broadcast_in_dim3A_708 = vector.broadcast %jit3A_707 : i32 to vector<16xi32>
    %select_n3A_709 = arith.select %gt3A_706, %get3A_704, %broadcast_in_dim3A_708 : vector<16xi32>
    %add3A_710 = arith.addi %add3A_699, %select_n3A_709 : vector<16xi32>
    %add3A_711 = arith.addi %add3A_700, %get3A_704 : vector<16xi32>
    %get3A_712 = arith.constant 28 : i32
    %get3A_713 = arith.index_cast %get3A_712 : i32 to index
    %get3A_714 = arith.constant 16 : index
    %get3A_715 = tpu.vector_load %arg14[%get3A_713, %get3A_714] {strides = array<i32>} : memref<32x64xi32, #tpu.memory_space<vmem>>, vector<16xi32>,
    %gt3A_716 = arith.constant 28 : i32
    %gt3A_717 = arith.cmpi sgt, %add3A, %gt3A_716 : i32
    %jit3A_718 = arith.constant 0 : i32
    %broadcast_in_dim3A_719 = vector.broadcast %jit3A_718 : i32 to vector<16xi32>
    %select_n3A_720 = arith.select %gt3A_717, %get3A_715, %broadcast_in_dim3A_719 : vector<16xi32>
    %add3A_721 = arith.addi %add3A_710, %select_n3A_720 : vector<16xi32>
    %add3A_722 = arith.addi %add3A_711, %get3A_715 : vector<16xi32>
    %get3A_723 = arith.constant 29 : i32
    %get3A_724 = arith.index_cast %get3A_723 : i32 to index
    %get3A_725 = arith.constant 16 : index
    %get3A_726 = tpu.vector_load %arg14[%get3A_724, %get3A_725] {strides = array<i32>} : memref<32x64xi32, #tpu.memory_space<vmem>>, vector<16xi32>,
    %gt3A_727 = arith.constant 29 : i32
    %gt3A_728 = arith.cmpi sgt, %add3A, %gt3A_727 : i32
    %jit3A_729 = arith.constant 0 : i32
    %broadcast_in_dim3A_730 = vector.broadcast %jit3A_729 : i32 to vector<16xi32>
    %select_n3A_731 = arith.select %gt3A_728, %get3A_726, %broadcast_in_dim3A_730 : vector<16xi32>
    %add3A_732 = arith.addi %add3A_721, %select_n3A_731 : vector<16xi32>
    %add3A_733 = arith.addi %add3A_722, %get3A_726 : vector<16xi32>
    %get3A_734 = arith.constant 30 : i32
    %get3A_735 = arith.index_cast %get3A_734 : i32 to index
    %get3A_736 = arith.constant 16 : index
    %get3A_737 = tpu.vector_load %arg14[%get3A_735, %get3A_736] {strides = array<i32>} : memref<32x64xi32, #tpu.memory_space<vmem>>, vector<16xi32>,
    %gt3A_738 = arith.constant 30 : i32
    %gt3A_739 = arith.cmpi sgt, %add3A, %gt3A_738 : i32
    %jit3A_740 = arith.constant 0 : i32
    %broadcast_in_dim3A_741 = vector.broadcast %jit3A_740 : i32 to vector<16xi32>
    %select_n3A_742 = arith.select %gt3A_739, %get3A_737, %broadcast_in_dim3A_741 : vector<16xi32>
    %add3A_743 = arith.addi %add3A_732, %select_n3A_742 : vector<16xi32>
    %add3A_744 = arith.addi %add3A_733, %get3A_737 : vector<16xi32>
    %get3A_745 = arith.constant 31 : i32
    %get3A_746 = arith.index_cast %get3A_745 : i32 to index
    %get3A_747 = arith.constant 16 : index
    %get3A_748 = tpu.vector_load %arg14[%get3A_746, %get3A_747] {strides = array<i32>} : memref<32x64xi32, #tpu.memory_space<vmem>>, vector<16xi32>,
    %gt3A_749 = arith.constant 31 : i32
    %gt3A_750 = arith.cmpi sgt, %add3A, %gt3A_749 : i32
    %jit3A_751 = arith.constant 0 : i32
    %broadcast_in_dim3A_752 = vector.broadcast %jit3A_751 : i32 to vector<16xi32>
    %select_n3A_753 = arith.select %gt3A_750, %get3A_748, %broadcast_in_dim3A_752 : vector<16xi32>
    %add3A_754 = arith.addi %add3A_743, %select_n3A_753 : vector<16xi32>
    %add3A_755 = arith.addi %add3A_744, %get3A_748 : vector<16xi32>
    %swap3A_756 = arith.constant 16 : index
    %swap3A_757 = tpu.vector_load %arg15[%swap3A_756] {strides = array<i32>} : memref<64xi32, #tpu.memory_space<vmem>>, vector<16xi32>,
    tpu.vector_store %arg15[%swap3A_756], %add3A_754 {strides = array<i32>} : memref<64xi32, #tpu.memory_space<vmem>>, vector<16xi32>,
    %swap3A_758 = arith.constant 16 : index
    %swap3A_759 = tpu.vector_load %arg30[%swap3A_758] {strides = array<i32>} : memref<64xi32, #tpu.memory_space<vmem>>, vector<16xi32>,
    tpu.vector_store %arg30[%swap3A_758], %add3A_755 {strides = array<i32>} : memref<64xi32, #tpu.memory_space<vmem>>, vector<16xi32>,
    %min3A_760 = arith.constant 256 : i32
    %min3A_761 = vector.broadcast %min3A_760 : i32 to vector<16xi32>
    %min3A_762 = arith.minsi %add3A_755, %min3A_761 : vector<16xi32>
    %add3A_763 = arith.constant 127 : i32
    %add3A_764 = vector.broadcast %add3A_763 : i32 to vector<16xi32>
    %add3A_765 = arith.addi %min3A_762, %add3A_764 : vector<16xi32>
    %shift_right_logical3A_766 = arith.constant 7 : i32
    %shift_right_logical3A_767 = vector.broadcast %shift_right_logical3A_766 : i32 to vector<16xi32>
    %shift_right_logical3A_768 = arith.shrui %add3A_765, %shift_right_logical3A_767 : vector<16xi32>
    %max3A_769 = arith.constant 1 : i32
    %max3A_770 = vector.broadcast %max3A_769 : i32 to vector<16xi32>
    %max3A_771 = arith.maxsi %max3A_770, %shift_right_logical3A_768 : vector<16xi32>
    %broadcast_in_dim3A_772 = arith.constant true
    %broadcast_in_dim3A_773 = vector.broadcast %broadcast_in_dim3A_772 : i1 to vector<16xi1>
    %masked_cumsum3A_774 = tpu.scan <sum>, %max3A_771 masked %broadcast_in_dim3A_773 : vector<16xi32>, vector<16xi1> -> vector<16xi32>
    %sub3A_775 = arith.subi %masked_cumsum3A_774, %max3A_771 : vector<16xi32>
    %add3A_776 = vector.broadcast %add3A_383 : i32 to vector<16xi32>
    %add3A_777 = arith.addi %sub3A_775, %add3A_776 : vector<16xi32>
    %swap3A_778 = arith.constant 16 : index
    %swap3A_779 = tpu.vector_load %arg16[%swap3A_778] {strides = array<i32>} : memref<64xi32, #tpu.memory_space<vmem>>, vector<16xi32>,
    tpu.vector_store %arg16[%swap3A_778], %add3A_777 {strides = array<i32>} : memref<64xi32, #tpu.memory_space<vmem>>, vector<16xi32>,
    %reduce_max3A_780 = arith.constant true
    %reduce_max3A_781 = vector.broadcast %reduce_max3A_780 : i1 to vector<16xi1>
    %reduce_max3A_782 = arith.constant -2147483648 : i32
    %reduce_max3A_783 = vector.broadcast %reduce_max3A_782 : i32 to vector<16xi32>
    %reduce_max3A_784 = arith.xori %masked_cumsum3A_774, %reduce_max3A_783 : vector<16xi32>
    %reduce_max3A_785 = tpu.scan <max>, %reduce_max3A_784 masked %reduce_max3A_781 : vector<16xi32>, vector<16xi1> -> vector<16xi32>
    %reduce_max3A_786 = arith.xori %reduce_max3A_785, %reduce_max3A_783 : vector<16xi32>
    %reduce_max3A_787 = vector.extract %reduce_max3A_786[15] : i32 from vector<16xi32>
    %add3A_788 = arith.addi %add3A_383, %reduce_max3A_787 : i32
    %iota3A_789 = tpu.iota {dimensions = array<i32: 0>} : vector<16xi32>
    %add3A_790 = arith.constant 16 : i32
    %add3A_791 = vector.broadcast %add3A_790 : i32 to vector<16xi32>
    %add3A_792 = arith.addi %iota3A_789, %add3A_791 : vector<16xi32>
    %mul3A_793 = arith.constant 2 : i32
    %mul3A_794 = vector.broadcast %mul3A_793 : i32 to vector<16xi32>
    %mul3A_795 = arith.muli %add3A_792, %mul3A_794 : vector<16xi32>
    tpu.vector_store_idx %arg17[%mul3A_795], %add3A_777 : memref<128xi32, #tpu.memory_space<vmem>>[vector<16xi32>], vector<16xi32>,
    %add3A_796 = arith.constant 1 : i32
    %add3A_797 = vector.broadcast %add3A_796 : i32 to vector<16xi32>
    %add3A_798 = arith.addi %mul3A_795, %add3A_797 : vector<16xi32>
    %sub3A_799 = arith.constant 1 : i32
    %sub3A_800 = vector.broadcast %sub3A_799 : i32 to vector<16xi32>
    %sub3A_801 = arith.subi %max3A_771, %sub3A_800 : vector<16xi32>
    %min3A_802 = arith.constant 1 : i32
    %min3A_803 = vector.broadcast %min3A_802 : i32 to vector<16xi32>
    %min3A_804 = arith.minsi %sub3A_801, %min3A_803 : vector<16xi32>
    %add3A_805 = arith.addi %add3A_777, %min3A_804 : vector<16xi32>
    tpu.vector_store_idx %arg17[%add3A_798], %add3A_805 : memref<128xi32, #tpu.memory_space<vmem>>[vector<16xi32>], vector<16xi32>,
    %broadcast_in_dim3A_806 = arith.constant 0 : i32
    %broadcast_in_dim3A_807 = vector.broadcast %broadcast_in_dim3A_806 : i32 to vector<16xi32>
    %broadcast_in_dim3A_808 = arith.constant 0 : i32
    %broadcast_in_dim3A_809 = vector.broadcast %broadcast_in_dim3A_808 : i32 to vector<16xi32>
    %get3A_810 = arith.constant 0 : i32
    %get3A_811 = arith.index_cast %get3A_810 : i32 to index
    %get3A_812 = arith.constant 32 : index
    %get3A_813 = tpu.vector_load %arg14[%get3A_811, %get3A_812] {strides = array<i32>} : memref<32x64xi32, #tpu.memory_space<vmem>>, vector<16xi32>,
    %gt3A_814 = arith.constant 0 : i32
    %gt3A_815 = arith.cmpi sgt, %add3A, %gt3A_814 : i32
    %jit3A_816 = arith.constant 0 : i32
    %broadcast_in_dim3A_817 = vector.broadcast %jit3A_816 : i32 to vector<16xi32>
    %select_n3A_818 = arith.select %gt3A_815, %get3A_813, %broadcast_in_dim3A_817 : vector<16xi32>
    %add3A_819 = arith.addi %broadcast_in_dim3A_807, %select_n3A_818 : vector<16xi32>
    %add3A_820 = arith.addi %broadcast_in_dim3A_809, %get3A_813 : vector<16xi32>
    %get3A_821 = arith.constant 1 : i32
    %get3A_822 = arith.index_cast %get3A_821 : i32 to index
    %get3A_823 = arith.constant 32 : index
    %get3A_824 = tpu.vector_load %arg14[%get3A_822, %get3A_823] {strides = array<i32>} : memref<32x64xi32, #tpu.memory_space<vmem>>, vector<16xi32>,
    %gt3A_825 = arith.constant 1 : i32
    %gt3A_826 = arith.cmpi sgt, %add3A, %gt3A_825 : i32
    %jit3A_827 = arith.constant 0 : i32
    %broadcast_in_dim3A_828 = vector.broadcast %jit3A_827 : i32 to vector<16xi32>
    %select_n3A_829 = arith.select %gt3A_826, %get3A_824, %broadcast_in_dim3A_828 : vector<16xi32>
    %add3A_830 = arith.addi %add3A_819, %select_n3A_829 : vector<16xi32>
    %add3A_831 = arith.addi %add3A_820, %get3A_824 : vector<16xi32>
    %get3A_832 = arith.constant 2 : i32
    %get3A_833 = arith.index_cast %get3A_832 : i32 to index
    %get3A_834 = arith.constant 32 : index
    %get3A_835 = tpu.vector_load %arg14[%get3A_833, %get3A_834] {strides = array<i32>} : memref<32x64xi32, #tpu.memory_space<vmem>>, vector<16xi32>,
    %gt3A_836 = arith.constant 2 : i32
    %gt3A_837 = arith.cmpi sgt, %add3A, %gt3A_836 : i32
    %jit3A_838 = arith.constant 0 : i32
    %broadcast_in_dim3A_839 = vector.broadcast %jit3A_838 : i32 to vector<16xi32>
    %select_n3A_840 = arith.select %gt3A_837, %get3A_835, %broadcast_in_dim3A_839 : vector<16xi32>
    %add3A_841 = arith.addi %add3A_830, %select_n3A_840 : vector<16xi32>
    %add3A_842 = arith.addi %add3A_831, %get3A_835 : vector<16xi32>
    %get3A_843 = arith.constant 3 : i32
    %get3A_844 = arith.index_cast %get3A_843 : i32 to index
    %get3A_845 = arith.constant 32 : index
    %get3A_846 = tpu.vector_load %arg14[%get3A_844, %get3A_845] {strides = array<i32>} : memref<32x64xi32, #tpu.memory_space<vmem>>, vector<16xi32>,
    %gt3A_847 = arith.constant 3 : i32
    %gt3A_848 = arith.cmpi sgt, %add3A, %gt3A_847 : i32
    %jit3A_849 = arith.constant 0 : i32
    %broadcast_in_dim3A_850 = vector.broadcast %jit3A_849 : i32 to vector<16xi32>
    %select_n3A_851 = arith.select %gt3A_848, %get3A_846, %broadcast_in_dim3A_850 : vector<16xi32>
    %add3A_852 = arith.addi %add3A_841, %select_n3A_851 : vector<16xi32>
    %add3A_853 = arith.addi %add3A_842, %get3A_846 : vector<16xi32>
    %get3A_854 = arith.constant 4 : i32
    %get3A_855 = arith.index_cast %get3A_854 : i32 to index
    %get3A_856 = arith.constant 32 : index
    %get3A_857 = tpu.vector_load %arg14[%get3A_855, %get3A_856] {strides = array<i32>} : memref<32x64xi32, #tpu.memory_space<vmem>>, vector<16xi32>,
    %gt3A_858 = arith.constant 4 : i32
    %gt3A_859 = arith.cmpi sgt, %add3A, %gt3A_858 : i32
    %jit3A_860 = arith.constant 0 : i32
    %broadcast_in_dim3A_861 = vector.broadcast %jit3A_860 : i32 to vector<16xi32>
    %select_n3A_862 = arith.select %gt3A_859, %get3A_857, %broadcast_in_dim3A_861 : vector<16xi32>
    %add3A_863 = arith.addi %add3A_852, %select_n3A_862 : vector<16xi32>
    %add3A_864 = arith.addi %add3A_853, %get3A_857 : vector<16xi32>
    %get3A_865 = arith.constant 5 : i32
    %get3A_866 = arith.index_cast %get3A_865 : i32 to index
    %get3A_867 = arith.constant 32 : index
    %get3A_868 = tpu.vector_load %arg14[%get3A_866, %get3A_867] {strides = array<i32>} : memref<32x64xi32, #tpu.memory_space<vmem>>, vector<16xi32>,
    %gt3A_869 = arith.constant 5 : i32
    %gt3A_870 = arith.cmpi sgt, %add3A, %gt3A_869 : i32
    %jit3A_871 = arith.constant 0 : i32
    %broadcast_in_dim3A_872 = vector.broadcast %jit3A_871 : i32 to vector<16xi32>
    %select_n3A_873 = arith.select %gt3A_870, %get3A_868, %broadcast_in_dim3A_872 : vector<16xi32>
    %add3A_874 = arith.addi %add3A_863, %select_n3A_873 : vector<16xi32>
    %add3A_875 = arith.addi %add3A_864, %get3A_868 : vector<16xi32>
    %get3A_876 = arith.constant 6 : i32
    %get3A_877 = arith.index_cast %get3A_876 : i32 to index
    %get3A_878 = arith.constant 32 : index
    %get3A_879 = tpu.vector_load %arg14[%get3A_877, %get3A_878] {strides = array<i32>} : memref<32x64xi32, #tpu.memory_space<vmem>>, vector<16xi32>,
    %gt3A_880 = arith.constant 6 : i32
    %gt3A_881 = arith.cmpi sgt, %add3A, %gt3A_880 : i32
    %jit3A_882 = arith.constant 0 : i32
    %broadcast_in_dim3A_883 = vector.broadcast %jit3A_882 : i32 to vector<16xi32>
    %select_n3A_884 = arith.select %gt3A_881, %get3A_879, %broadcast_in_dim3A_883 : vector<16xi32>
    %add3A_885 = arith.addi %add3A_874, %select_n3A_884 : vector<16xi32>
    %add3A_886 = arith.addi %add3A_875, %get3A_879 : vector<16xi32>
    %get3A_887 = arith.constant 7 : i32
    %get3A_888 = arith.index_cast %get3A_887 : i32 to index
    %get3A_889 = arith.constant 32 : index
    %get3A_890 = tpu.vector_load %arg14[%get3A_888, %get3A_889] {strides = array<i32>} : memref<32x64xi32, #tpu.memory_space<vmem>>, vector<16xi32>,
    %gt3A_891 = arith.constant 7 : i32
    %gt3A_892 = arith.cmpi sgt, %add3A, %gt3A_891 : i32
    %jit3A_893 = arith.constant 0 : i32
    %broadcast_in_dim3A_894 = vector.broadcast %jit3A_893 : i32 to vector<16xi32>
    %select_n3A_895 = arith.select %gt3A_892, %get3A_890, %broadcast_in_dim3A_894 : vector<16xi32>
    %add3A_896 = arith.addi %add3A_885, %select_n3A_895 : vector<16xi32>
    %add3A_897 = arith.addi %add3A_886, %get3A_890 : vector<16xi32>
    %get3A_898 = arith.constant 8 : i32
    %get3A_899 = arith.index_cast %get3A_898 : i32 to index
    %get3A_900 = arith.constant 32 : index
    %get3A_901 = tpu.vector_load %arg14[%get3A_899, %get3A_900] {strides = array<i32>} : memref<32x64xi32, #tpu.memory_space<vmem>>, vector<16xi32>,
    %gt3A_902 = arith.constant 8 : i32
    %gt3A_903 = arith.cmpi sgt, %add3A, %gt3A_902 : i32
    %jit3A_904 = arith.constant 0 : i32
    %broadcast_in_dim3A_905 = vector.broadcast %jit3A_904 : i32 to vector<16xi32>
    %select_n3A_906 = arith.select %gt3A_903, %get3A_901, %broadcast_in_dim3A_905 : vector<16xi32>
    %add3A_907 = arith.addi %add3A_896, %select_n3A_906 : vector<16xi32>
    %add3A_908 = arith.addi %add3A_897, %get3A_901 : vector<16xi32>
    %get3A_909 = arith.constant 9 : i32
    %get3A_910 = arith.index_cast %get3A_909 : i32 to index
    %get3A_911 = arith.constant 32 : index
    %get3A_912 = tpu.vector_load %arg14[%get3A_910, %get3A_911] {strides = array<i32>} : memref<32x64xi32, #tpu.memory_space<vmem>>, vector<16xi32>,
    %gt3A_913 = arith.constant 9 : i32
    %gt3A_914 = arith.cmpi sgt, %add3A, %gt3A_913 : i32
    %jit3A_915 = arith.constant 0 : i32
    %broadcast_in_dim3A_916 = vector.broadcast %jit3A_915 : i32 to vector<16xi32>
    %select_n3A_917 = arith.select %gt3A_914, %get3A_912, %broadcast_in_dim3A_916 : vector<16xi32>
    %add3A_918 = arith.addi %add3A_907, %select_n3A_917 : vector<16xi32>
    %add3A_919 = arith.addi %add3A_908, %get3A_912 : vector<16xi32>
    %get3A_920 = arith.constant 10 : i32
    %get3A_921 = arith.index_cast %get3A_920 : i32 to index
    %get3A_922 = arith.constant 32 : index
    %get3A_923 = tpu.vector_load %arg14[%get3A_921, %get3A_922] {strides = array<i32>} : memref<32x64xi32, #tpu.memory_space<vmem>>, vector<16xi32>,
    %gt3A_924 = arith.constant 10 : i32
    %gt3A_925 = arith.cmpi sgt, %add3A, %gt3A_924 : i32
    %jit3A_926 = arith.constant 0 : i32
    %broadcast_in_dim3A_927 = vector.broadcast %jit3A_926 : i32 to vector<16xi32>
    %select_n3A_928 = arith.select %gt3A_925, %get3A_923, %broadcast_in_dim3A_927 : vector<16xi32>
    %add3A_929 = arith.addi %add3A_918, %select_n3A_928 : vector<16xi32>
    %add3A_930 = arith.addi %add3A_919, %get3A_923 : vector<16xi32>
    %get3A_931 = arith.constant 11 : i32
    %get3A_932 = arith.index_cast %get3A_931 : i32 to index
    %get3A_933 = arith.constant 32 : index
    %get3A_934 = tpu.vector_load %arg14[%get3A_932, %get3A_933] {strides = array<i32>} : memref<32x64xi32, #tpu.memory_space<vmem>>, vector<16xi32>,
    %gt3A_935 = arith.constant 11 : i32
    %gt3A_936 = arith.cmpi sgt, %add3A, %gt3A_935 : i32
    %jit3A_937 = arith.constant 0 : i32
    %broadcast_in_dim3A_938 = vector.broadcast %jit3A_937 : i32 to vector<16xi32>
    %select_n3A_939 = arith.select %gt3A_936, %get3A_934, %broadcast_in_dim3A_938 : vector<16xi32>
    %add3A_940 = arith.addi %add3A_929, %select_n3A_939 : vector<16xi32>
    %add3A_941 = arith.addi %add3A_930, %get3A_934 : vector<16xi32>
    %get3A_942 = arith.constant 12 : i32
    %get3A_943 = arith.index_cast %get3A_942 : i32 to index
    %get3A_944 = arith.constant 32 : index
    %get3A_945 = tpu.vector_load %arg14[%get3A_943, %get3A_944] {strides = array<i32>} : memref<32x64xi32, #tpu.memory_space<vmem>>, vector<16xi32>,
    %gt3A_946 = arith.constant 12 : i32
    %gt3A_947 = arith.cmpi sgt, %add3A, %gt3A_946 : i32
    %jit3A_948 = arith.constant 0 : i32
    %broadcast_in_dim3A_949 = vector.broadcast %jit3A_948 : i32 to vector<16xi32>
    %select_n3A_950 = arith.select %gt3A_947, %get3A_945, %broadcast_in_dim3A_949 : vector<16xi32>
    %add3A_951 = arith.addi %add3A_940, %select_n3A_950 : vector<16xi32>
    %add3A_952 = arith.addi %add3A_941, %get3A_945 : vector<16xi32>
    %get3A_953 = arith.constant 13 : i32
    %get3A_954 = arith.index_cast %get3A_953 : i32 to index
    %get3A_955 = arith.constant 32 : index
    %get3A_956 = tpu.vector_load %arg14[%get3A_954, %get3A_955] {strides = array<i32>} : memref<32x64xi32, #tpu.memory_space<vmem>>, vector<16xi32>,
    %gt3A_957 = arith.constant 13 : i32
    %gt3A_958 = arith.cmpi sgt, %add3A, %gt3A_957 : i32
    %jit3A_959 = arith.constant 0 : i32
    %broadcast_in_dim3A_960 = vector.broadcast %jit3A_959 : i32 to vector<16xi32>
    %select_n3A_961 = arith.select %gt3A_958, %get3A_956, %broadcast_in_dim3A_960 : vector<16xi32>
    %add3A_962 = arith.addi %add3A_951, %select_n3A_961 : vector<16xi32>
    %add3A_963 = arith.addi %add3A_952, %get3A_956 : vector<16xi32>
    %get3A_964 = arith.constant 14 : i32
    %get3A_965 = arith.index_cast %get3A_964 : i32 to index
    %get3A_966 = arith.constant 32 : index
    %get3A_967 = tpu.vector_load %arg14[%get3A_965, %get3A_966] {strides = array<i32>} : memref<32x64xi32, #tpu.memory_space<vmem>>, vector<16xi32>,
    %gt3A_968 = arith.constant 14 : i32
    %gt3A_969 = arith.cmpi sgt, %add3A, %gt3A_968 : i32
    %jit3A_970 = arith.constant 0 : i32
    %broadcast_in_dim3A_971 = vector.broadcast %jit3A_970 : i32 to vector<16xi32>
    %select_n3A_972 = arith.select %gt3A_969, %get3A_967, %broadcast_in_dim3A_971 : vector<16xi32>
    %add3A_973 = arith.addi %add3A_962, %select_n3A_972 : vector<16xi32>
    %add3A_974 = arith.addi %add3A_963, %get3A_967 : vector<16xi32>
    %get3A_975 = arith.constant 15 : i32
    %get3A_976 = arith.index_cast %get3A_975 : i32 to index
    %get3A_977 = arith.constant 32 : index
    %get3A_978 = tpu.vector_load %arg14[%get3A_976, %get3A_977] {strides = array<i32>} : memref<32x64xi32, #tpu.memory_space<vmem>>, vector<16xi32>,
    %gt3A_979 = arith.constant 15 : i32
    %gt3A_980 = arith.cmpi sgt, %add3A, %gt3A_979 : i32
    %jit3A_981 = arith.constant 0 : i32
    %broadcast_in_dim3A_982 = vector.broadcast %jit3A_981 : i32 to vector<16xi32>
    %select_n3A_983 = arith.select %gt3A_980, %get3A_978, %broadcast_in_dim3A_982 : vector<16xi32>
    %add3A_984 = arith.addi %add3A_973, %select_n3A_983 : vector<16xi32>
    %add3A_985 = arith.addi %add3A_974, %get3A_978 : vector<16xi32>
    %get3A_986 = arith.constant 16 : i32
    %get3A_987 = arith.index_cast %get3A_986 : i32 to index
    %get3A_988 = arith.constant 32 : index
    %get3A_989 = tpu.vector_load %arg14[%get3A_987, %get3A_988] {strides = array<i32>} : memref<32x64xi32, #tpu.memory_space<vmem>>, vector<16xi32>,
    %gt3A_990 = arith.constant 16 : i32
    %gt3A_991 = arith.cmpi sgt, %add3A, %gt3A_990 : i32
    %jit3A_992 = arith.constant 0 : i32
    %broadcast_in_dim3A_993 = vector.broadcast %jit3A_992 : i32 to vector<16xi32>
    %select_n3A_994 = arith.select %gt3A_991, %get3A_989, %broadcast_in_dim3A_993 : vector<16xi32>
    %add3A_995 = arith.addi %add3A_984, %select_n3A_994 : vector<16xi32>
    %add3A_996 = arith.addi %add3A_985, %get3A_989 : vector<16xi32>
    %get3A_997 = arith.constant 17 : i32
    %get3A_998 = arith.index_cast %get3A_997 : i32 to index
    %get3A_999 = arith.constant 32 : index
    %get3A_1000 = tpu.vector_load %arg14[%get3A_998, %get3A_999] {strides = array<i32>} : memref<32x64xi32, #tpu.memory_space<vmem>>, vector<16xi32>,
    %gt3A_1001 = arith.constant 17 : i32
    %gt3A_1002 = arith.cmpi sgt, %add3A, %gt3A_1001 : i32
    %jit3A_1003 = arith.constant 0 : i32
    %broadcast_in_dim3A_1004 = vector.broadcast %jit3A_1003 : i32 to vector<16xi32>
    %select_n3A_1005 = arith.select %gt3A_1002, %get3A_1000, %broadcast_in_dim3A_1004 : vector<16xi32>
    %add3A_1006 = arith.addi %add3A_995, %select_n3A_1005 : vector<16xi32>
    %add3A_1007 = arith.addi %add3A_996, %get3A_1000 : vector<16xi32>
    %get3A_1008 = arith.constant 18 : i32
    %get3A_1009 = arith.index_cast %get3A_1008 : i32 to index
    %get3A_1010 = arith.constant 32 : index
    %get3A_1011 = tpu.vector_load %arg14[%get3A_1009, %get3A_1010] {strides = array<i32>} : memref<32x64xi32, #tpu.memory_space<vmem>>, vector<16xi32>,
    %gt3A_1012 = arith.constant 18 : i32
    %gt3A_1013 = arith.cmpi sgt, %add3A, %gt3A_1012 : i32
    %jit3A_1014 = arith.constant 0 : i32
    %broadcast_in_dim3A_1015 = vector.broadcast %jit3A_1014 : i32 to vector<16xi32>
    %select_n3A_1016 = arith.select %gt3A_1013, %get3A_1011, %broadcast_in_dim3A_1015 : vector<16xi32>
    %add3A_1017 = arith.addi %add3A_1006, %select_n3A_1016 : vector<16xi32>
    %add3A_1018 = arith.addi %add3A_1007, %get3A_1011 : vector<16xi32>
    %get3A_1019 = arith.constant 19 : i32
    %get3A_1020 = arith.index_cast %get3A_1019 : i32 to index
    %get3A_1021 = arith.constant 32 : index
    %get3A_1022 = tpu.vector_load %arg14[%get3A_1020, %get3A_1021] {strides = array<i32>} : memref<32x64xi32, #tpu.memory_space<vmem>>, vector<16xi32>,
    %gt3A_1023 = arith.constant 19 : i32
    %gt3A_1024 = arith.cmpi sgt, %add3A, %gt3A_1023 : i32
    %jit3A_1025 = arith.constant 0 : i32
    %broadcast_in_dim3A_1026 = vector.broadcast %jit3A_1025 : i32 to vector<16xi32>
    %select_n3A_1027 = arith.select %gt3A_1024, %get3A_1022, %broadcast_in_dim3A_1026 : vector<16xi32>
    %add3A_1028 = arith.addi %add3A_1017, %select_n3A_1027 : vector<16xi32>
    %add3A_1029 = arith.addi %add3A_1018, %get3A_1022 : vector<16xi32>
    %get3A_1030 = arith.constant 20 : i32
    %get3A_1031 = arith.index_cast %get3A_1030 : i32 to index
    %get3A_1032 = arith.constant 32 : index
    %get3A_1033 = tpu.vector_load %arg14[%get3A_1031, %get3A_1032] {strides = array<i32>} : memref<32x64xi32, #tpu.memory_space<vmem>>, vector<16xi32>,
    %gt3A_1034 = arith.constant 20 : i32
    %gt3A_1035 = arith.cmpi sgt, %add3A, %gt3A_1034 : i32
    %jit3A_1036 = arith.constant 0 : i32
    %broadcast_in_dim3A_1037 = vector.broadcast %jit3A_1036 : i32 to vector<16xi32>
    %select_n3A_1038 = arith.select %gt3A_1035, %get3A_1033, %broadcast_in_dim3A_1037 : vector<16xi32>
    %add3A_1039 = arith.addi %add3A_1028, %select_n3A_1038 : vector<16xi32>
    %add3A_1040 = arith.addi %add3A_1029, %get3A_1033 : vector<16xi32>
    %get3A_1041 = arith.constant 21 : i32
    %get3A_1042 = arith.index_cast %get3A_1041 : i32 to index
    %get3A_1043 = arith.constant 32 : index
    %get3A_1044 = tpu.vector_load %arg14[%get3A_1042, %get3A_1043] {strides = array<i32>} : memref<32x64xi32, #tpu.memory_space<vmem>>, vector<16xi32>,
    %gt3A_1045 = arith.constant 21 : i32
    %gt3A_1046 = arith.cmpi sgt, %add3A, %gt3A_1045 : i32
    %jit3A_1047 = arith.constant 0 : i32
    %broadcast_in_dim3A_1048 = vector.broadcast %jit3A_1047 : i32 to vector<16xi32>
    %select_n3A_1049 = arith.select %gt3A_1046, %get3A_1044, %broadcast_in_dim3A_1048 : vector<16xi32>
    %add3A_1050 = arith.addi %add3A_1039, %select_n3A_1049 : vector<16xi32>
    %add3A_1051 = arith.addi %add3A_1040, %get3A_1044 : vector<16xi32>
    %get3A_1052 = arith.constant 22 : i32
    %get3A_1053 = arith.index_cast %get3A_1052 : i32 to index
    %get3A_1054 = arith.constant 32 : index
    %get3A_1055 = tpu.vector_load %arg14[%get3A_1053, %get3A_1054] {strides = array<i32>} : memref<32x64xi32, #tpu.memory_space<vmem>>, vector<16xi32>,
    %gt3A_1056 = arith.constant 22 : i32
    %gt3A_1057 = arith.cmpi sgt, %add3A, %gt3A_1056 : i32
    %jit3A_1058 = arith.constant 0 : i32
    %broadcast_in_dim3A_1059 = vector.broadcast %jit3A_1058 : i32 to vector<16xi32>
    %select_n3A_1060 = arith.select %gt3A_1057, %get3A_1055, %broadcast_in_dim3A_1059 : vector<16xi32>
    %add3A_1061 = arith.addi %add3A_1050, %select_n3A_1060 : vector<16xi32>
    %add3A_1062 = arith.addi %add3A_1051, %get3A_1055 : vector<16xi32>
    %get3A_1063 = arith.constant 23 : i32
    %get3A_1064 = arith.index_cast %get3A_1063 : i32 to index
    %get3A_1065 = arith.constant 32 : index
    %get3A_1066 = tpu.vector_load %arg14[%get3A_1064, %get3A_1065] {strides = array<i32>} : memref<32x64xi32, #tpu.memory_space<vmem>>, vector<16xi32>,
    %gt3A_1067 = arith.constant 23 : i32
    %gt3A_1068 = arith.cmpi sgt, %add3A, %gt3A_1067 : i32
    %jit3A_1069 = arith.constant 0 : i32
    %broadcast_in_dim3A_1070 = vector.broadcast %jit3A_1069 : i32 to vector<16xi32>
    %select_n3A_1071 = arith.select %gt3A_1068, %get3A_1066, %broadcast_in_dim3A_1070 : vector<16xi32>
    %add3A_1072 = arith.addi %add3A_1061, %select_n3A_1071 : vector<16xi32>
    %add3A_1073 = arith.addi %add3A_1062, %get3A_1066 : vector<16xi32>
    %get3A_1074 = arith.constant 24 : i32
    %get3A_1075 = arith.index_cast %get3A_1074 : i32 to index
    %get3A_1076 = arith.constant 32 : index
    %get3A_1077 = tpu.vector_load %arg14[%get3A_1075, %get3A_1076] {strides = array<i32>} : memref<32x64xi32, #tpu.memory_space<vmem>>, vector<16xi32>,
    %gt3A_1078 = arith.constant 24 : i32
    %gt3A_1079 = arith.cmpi sgt, %add3A, %gt3A_1078 : i32
    %jit3A_1080 = arith.constant 0 : i32
    %broadcast_in_dim3A_1081 = vector.broadcast %jit3A_1080 : i32 to vector<16xi32>
    %select_n3A_1082 = arith.select %gt3A_1079, %get3A_1077, %broadcast_in_dim3A_1081 : vector<16xi32>
    %add3A_1083 = arith.addi %add3A_1072, %select_n3A_1082 : vector<16xi32>
    %add3A_1084 = arith.addi %add3A_1073, %get3A_1077 : vector<16xi32>
    %get3A_1085 = arith.constant 25 : i32
    %get3A_1086 = arith.index_cast %get3A_1085 : i32 to index
    %get3A_1087 = arith.constant 32 : index
    %get3A_1088 = tpu.vector_load %arg14[%get3A_1086, %get3A_1087] {strides = array<i32>} : memref<32x64xi32, #tpu.memory_space<vmem>>, vector<16xi32>,
    %gt3A_1089 = arith.constant 25 : i32
    %gt3A_1090 = arith.cmpi sgt, %add3A, %gt3A_1089 : i32
    %jit3A_1091 = arith.constant 0 : i32
    %broadcast_in_dim3A_1092 = vector.broadcast %jit3A_1091 : i32 to vector<16xi32>
    %select_n3A_1093 = arith.select %gt3A_1090, %get3A_1088, %broadcast_in_dim3A_1092 : vector<16xi32>
    %add3A_1094 = arith.addi %add3A_1083, %select_n3A_1093 : vector<16xi32>
    %add3A_1095 = arith.addi %add3A_1084, %get3A_1088 : vector<16xi32>
    %get3A_1096 = arith.constant 26 : i32
    %get3A_1097 = arith.index_cast %get3A_1096 : i32 to index
    %get3A_1098 = arith.constant 32 : index
    %get3A_1099 = tpu.vector_load %arg14[%get3A_1097, %get3A_1098] {strides = array<i32>} : memref<32x64xi32, #tpu.memory_space<vmem>>, vector<16xi32>,
    %gt3A_1100 = arith.constant 26 : i32
    %gt3A_1101 = arith.cmpi sgt, %add3A, %gt3A_1100 : i32
    %jit3A_1102 = arith.constant 0 : i32
    %broadcast_in_dim3A_1103 = vector.broadcast %jit3A_1102 : i32 to vector<16xi32>
    %select_n3A_1104 = arith.select %gt3A_1101, %get3A_1099, %broadcast_in_dim3A_1103 : vector<16xi32>
    %add3A_1105 = arith.addi %add3A_1094, %select_n3A_1104 : vector<16xi32>
    %add3A_1106 = arith.addi %add3A_1095, %get3A_1099 : vector<16xi32>
    %get3A_1107 = arith.constant 27 : i32
    %get3A_1108 = arith.index_cast %get3A_1107 : i32 to index
    %get3A_1109 = arith.constant 32 : index
    %get3A_1110 = tpu.vector_load %arg14[%get3A_1108, %get3A_1109] {strides = array<i32>} : memref<32x64xi32, #tpu.memory_space<vmem>>, vector<16xi32>,
    %gt3A_1111 = arith.constant 27 : i32
    %gt3A_1112 = arith.cmpi sgt, %add3A, %gt3A_1111 : i32
    %jit3A_1113 = arith.constant 0 : i32
    %broadcast_in_dim3A_1114 = vector.broadcast %jit3A_1113 : i32 to vector<16xi32>
    %select_n3A_1115 = arith.select %gt3A_1112, %get3A_1110, %broadcast_in_dim3A_1114 : vector<16xi32>
    %add3A_1116 = arith.addi %add3A_1105, %select_n3A_1115 : vector<16xi32>
    %add3A_1117 = arith.addi %add3A_1106, %get3A_1110 : vector<16xi32>
    %get3A_1118 = arith.constant 28 : i32
    %get3A_1119 = arith.index_cast %get3A_1118 : i32 to index
    %get3A_1120 = arith.constant 32 : index
    %get3A_1121 = tpu.vector_load %arg14[%get3A_1119, %get3A_1120] {strides = array<i32>} : memref<32x64xi32, #tpu.memory_space<vmem>>, vector<16xi32>,
    %gt3A_1122 = arith.constant 28 : i32
    %gt3A_1123 = arith.cmpi sgt, %add3A, %gt3A_1122 : i32
    %jit3A_1124 = arith.constant 0 : i32
    %broadcast_in_dim3A_1125 = vector.broadcast %jit3A_1124 : i32 to vector<16xi32>
    %select_n3A_1126 = arith.select %gt3A_1123, %get3A_1121, %broadcast_in_dim3A_1125 : vector<16xi32>
    %add3A_1127 = arith.addi %add3A_1116, %select_n3A_1126 : vector<16xi32>
    %add3A_1128 = arith.addi %add3A_1117, %get3A_1121 : vector<16xi32>
    %get3A_1129 = arith.constant 29 : i32
    %get3A_1130 = arith.index_cast %get3A_1129 : i32 to index
    %get3A_1131 = arith.constant 32 : index
    %get3A_1132 = tpu.vector_load %arg14[%get3A_1130, %get3A_1131] {strides = array<i32>} : memref<32x64xi32, #tpu.memory_space<vmem>>, vector<16xi32>,
    %gt3A_1133 = arith.constant 29 : i32
    %gt3A_1134 = arith.cmpi sgt, %add3A, %gt3A_1133 : i32
    %jit3A_1135 = arith.constant 0 : i32
    %broadcast_in_dim3A_1136 = vector.broadcast %jit3A_1135 : i32 to vector<16xi32>
    %select_n3A_1137 = arith.select %gt3A_1134, %get3A_1132, %broadcast_in_dim3A_1136 : vector<16xi32>
    %add3A_1138 = arith.addi %add3A_1127, %select_n3A_1137 : vector<16xi32>
    %add3A_1139 = arith.addi %add3A_1128, %get3A_1132 : vector<16xi32>
    %get3A_1140 = arith.constant 30 : i32
    %get3A_1141 = arith.index_cast %get3A_1140 : i32 to index
    %get3A_1142 = arith.constant 32 : index
    %get3A_1143 = tpu.vector_load %arg14[%get3A_1141, %get3A_1142] {strides = array<i32>} : memref<32x64xi32, #tpu.memory_space<vmem>>, vector<16xi32>,
    %gt3A_1144 = arith.constant 30 : i32
    %gt3A_1145 = arith.cmpi sgt, %add3A, %gt3A_1144 : i32
    %jit3A_1146 = arith.constant 0 : i32
    %broadcast_in_dim3A_1147 = vector.broadcast %jit3A_1146 : i32 to vector<16xi32>
    %select_n3A_1148 = arith.select %gt3A_1145, %get3A_1143, %broadcast_in_dim3A_1147 : vector<16xi32>
    %add3A_1149 = arith.addi %add3A_1138, %select_n3A_1148 : vector<16xi32>
    %add3A_1150 = arith.addi %add3A_1139, %get3A_1143 : vector<16xi32>
    %get3A_1151 = arith.constant 31 : i32
    %get3A_1152 = arith.index_cast %get3A_1151 : i32 to index
    %get3A_1153 = arith.constant 32 : index
    %get3A_1154 = tpu.vector_load %arg14[%get3A_1152, %get3A_1153] {strides = array<i32>} : memref<32x64xi32, #tpu.memory_space<vmem>>, vector<16xi32>,
    %gt3A_1155 = arith.constant 31 : i32
    %gt3A_1156 = arith.cmpi sgt, %add3A, %gt3A_1155 : i32
    %jit3A_1157 = arith.constant 0 : i32
    %broadcast_in_dim3A_1158 = vector.broadcast %jit3A_1157 : i32 to vector<16xi32>
    %select_n3A_1159 = arith.select %gt3A_1156, %get3A_1154, %broadcast_in_dim3A_1158 : vector<16xi32>
    %add3A_1160 = arith.addi %add3A_1149, %select_n3A_1159 : vector<16xi32>
    %add3A_1161 = arith.addi %add3A_1150, %get3A_1154 : vector<16xi32>
    %swap3A_1162 = arith.constant 32 : index
    %swap3A_1163 = tpu.vector_load %arg15[%swap3A_1162] {strides = array<i32>} : memref<64xi32, #tpu.memory_space<vmem>>, vector<16xi32>,
    tpu.vector_store %arg15[%swap3A_1162], %add3A_1160 {strides = array<i32>} : memref<64xi32, #tpu.memory_space<vmem>>, vector<16xi32>,
    %swap3A_1164 = arith.constant 32 : index
    %swap3A_1165 = tpu.vector_load %arg30[%swap3A_1164] {strides = array<i32>} : memref<64xi32, #tpu.memory_space<vmem>>, vector<16xi32>,
    tpu.vector_store %arg30[%swap3A_1164], %add3A_1161 {strides = array<i32>} : memref<64xi32, #tpu.memory_space<vmem>>, vector<16xi32>,
    %min3A_1166 = arith.constant 256 : i32
    %min3A_1167 = vector.broadcast %min3A_1166 : i32 to vector<16xi32>
    %min3A_1168 = arith.minsi %add3A_1161, %min3A_1167 : vector<16xi32>
    %add3A_1169 = arith.constant 127 : i32
    %add3A_1170 = vector.broadcast %add3A_1169 : i32 to vector<16xi32>
    %add3A_1171 = arith.addi %min3A_1168, %add3A_1170 : vector<16xi32>
    %shift_right_logical3A_1172 = arith.constant 7 : i32
    %shift_right_logical3A_1173 = vector.broadcast %shift_right_logical3A_1172 : i32 to vector<16xi32>
    %shift_right_logical3A_1174 = arith.shrui %add3A_1171, %shift_right_logical3A_1173 : vector<16xi32>
    %max3A_1175 = arith.constant 1 : i32
    %max3A_1176 = vector.broadcast %max3A_1175 : i32 to vector<16xi32>
    %max3A_1177 = arith.maxsi %max3A_1176, %shift_right_logical3A_1174 : vector<16xi32>
    %broadcast_in_dim3A_1178 = arith.constant true
    %broadcast_in_dim3A_1179 = vector.broadcast %broadcast_in_dim3A_1178 : i1 to vector<16xi1>
    %masked_cumsum3A_1180 = tpu.scan <sum>, %max3A_1177 masked %broadcast_in_dim3A_1179 : vector<16xi32>, vector<16xi1> -> vector<16xi32>
    %sub3A_1181 = arith.subi %masked_cumsum3A_1180, %max3A_1177 : vector<16xi32>
    %add3A_1182 = vector.broadcast %add3A_788 : i32 to vector<16xi32>
    %add3A_1183 = arith.addi %sub3A_1181, %add3A_1182 : vector<16xi32>
    %swap3A_1184 = arith.constant 32 : index
    %swap3A_1185 = tpu.vector_load %arg16[%swap3A_1184] {strides = array<i32>} : memref<64xi32, #tpu.memory_space<vmem>>, vector<16xi32>,
    tpu.vector_store %arg16[%swap3A_1184], %add3A_1183 {strides = array<i32>} : memref<64xi32, #tpu.memory_space<vmem>>, vector<16xi32>,
    %reduce_max3A_1186 = arith.constant true
    %reduce_max3A_1187 = vector.broadcast %reduce_max3A_1186 : i1 to vector<16xi1>
    %reduce_max3A_1188 = arith.constant -2147483648 : i32
    %reduce_max3A_1189 = vector.broadcast %reduce_max3A_1188 : i32 to vector<16xi32>
    %reduce_max3A_1190 = arith.xori %masked_cumsum3A_1180, %reduce_max3A_1189 : vector<16xi32>
    %reduce_max3A_1191 = tpu.scan <max>, %reduce_max3A_1190 masked %reduce_max3A_1187 : vector<16xi32>, vector<16xi1> -> vector<16xi32>
    %reduce_max3A_1192 = arith.xori %reduce_max3A_1191, %reduce_max3A_1189 : vector<16xi32>
    %reduce_max3A_1193 = vector.extract %reduce_max3A_1192[15] : i32 from vector<16xi32>
    %add3A_1194 = arith.addi %add3A_788, %reduce_max3A_1193 : i32
    %iota3A_1195 = tpu.iota {dimensions = array<i32: 0>} : vector<16xi32>
    %add3A_1196 = arith.constant 32 : i32
    %add3A_1197 = vector.broadcast %add3A_1196 : i32 to vector<16xi32>
    %add3A_1198 = arith.addi %iota3A_1195, %add3A_1197 : vector<16xi32>
    %mul3A_1199 = arith.constant 2 : i32
    %mul3A_1200 = vector.broadcast %mul3A_1199 : i32 to vector<16xi32>
    %mul3A_1201 = arith.muli %add3A_1198, %mul3A_1200 : vector<16xi32>
    tpu.vector_store_idx %arg17[%mul3A_1201], %add3A_1183 : memref<128xi32, #tpu.memory_space<vmem>>[vector<16xi32>], vector<16xi32>,
    %add3A_1202 = arith.constant 1 : i32
    %add3A_1203 = vector.broadcast %add3A_1202 : i32 to vector<16xi32>
    %add3A_1204 = arith.addi %mul3A_1201, %add3A_1203 : vector<16xi32>
    %sub3A_1205 = arith.constant 1 : i32
    %sub3A_1206 = vector.broadcast %sub3A_1205 : i32 to vector<16xi32>
    %sub3A_1207 = arith.subi %max3A_1177, %sub3A_1206 : vector<16xi32>
    %min3A_1208 = arith.constant 1 : i32
    %min3A_1209 = vector.broadcast %min3A_1208 : i32 to vector<16xi32>
    %min3A_1210 = arith.minsi %sub3A_1207, %min3A_1209 : vector<16xi32>
    %add3A_1211 = arith.addi %add3A_1183, %min3A_1210 : vector<16xi32>
    tpu.vector_store_idx %arg17[%add3A_1204], %add3A_1211 : memref<128xi32, #tpu.memory_space<vmem>>[vector<16xi32>], vector<16xi32>,
    %broadcast_in_dim3A_1212 = arith.constant 0 : i32
    %broadcast_in_dim3A_1213 = vector.broadcast %broadcast_in_dim3A_1212 : i32 to vector<16xi32>
    %broadcast_in_dim3A_1214 = arith.constant 0 : i32
    %broadcast_in_dim3A_1215 = vector.broadcast %broadcast_in_dim3A_1214 : i32 to vector<16xi32>
    %get3A_1216 = arith.constant 0 : i32
    %get3A_1217 = arith.index_cast %get3A_1216 : i32 to index
    %get3A_1218 = arith.constant 48 : index
    %get3A_1219 = tpu.vector_load %arg14[%get3A_1217, %get3A_1218] {strides = array<i32>} : memref<32x64xi32, #tpu.memory_space<vmem>>, vector<16xi32>,
    %gt3A_1220 = arith.constant 0 : i32
    %gt3A_1221 = arith.cmpi sgt, %add3A, %gt3A_1220 : i32
    %jit3A_1222 = arith.constant 0 : i32
    %broadcast_in_dim3A_1223 = vector.broadcast %jit3A_1222 : i32 to vector<16xi32>
    %select_n3A_1224 = arith.select %gt3A_1221, %get3A_1219, %broadcast_in_dim3A_1223 : vector<16xi32>
    %add3A_1225 = arith.addi %broadcast_in_dim3A_1213, %select_n3A_1224 : vector<16xi32>
    %add3A_1226 = arith.addi %broadcast_in_dim3A_1215, %get3A_1219 : vector<16xi32>
    %get3A_1227 = arith.constant 1 : i32
    %get3A_1228 = arith.index_cast %get3A_1227 : i32 to index
    %get3A_1229 = arith.constant 48 : index
    %get3A_1230 = tpu.vector_load %arg14[%get3A_1228, %get3A_1229] {strides = array<i32>} : memref<32x64xi32, #tpu.memory_space<vmem>>, vector<16xi32>,
    %gt3A_1231 = arith.constant 1 : i32
    %gt3A_1232 = arith.cmpi sgt, %add3A, %gt3A_1231 : i32
    %jit3A_1233 = arith.constant 0 : i32
    %broadcast_in_dim3A_1234 = vector.broadcast %jit3A_1233 : i32 to vector<16xi32>
    %select_n3A_1235 = arith.select %gt3A_1232, %get3A_1230, %broadcast_in_dim3A_1234 : vector<16xi32>
    %add3A_1236 = arith.addi %add3A_1225, %select_n3A_1235 : vector<16xi32>
    %add3A_1237 = arith.addi %add3A_1226, %get3A_1230 : vector<16xi32>
    %get3A_1238 = arith.constant 2 : i32
    %get3A_1239 = arith.index_cast %get3A_1238 : i32 to index
    %get3A_1240 = arith.constant 48 : index
    %get3A_1241 = tpu.vector_load %arg14[%get3A_1239, %get3A_1240] {strides = array<i32>} : memref<32x64xi32, #tpu.memory_space<vmem>>, vector<16xi32>,
    %gt3A_1242 = arith.constant 2 : i32
    %gt3A_1243 = arith.cmpi sgt, %add3A, %gt3A_1242 : i32
    %jit3A_1244 = arith.constant 0 : i32
    %broadcast_in_dim3A_1245 = vector.broadcast %jit3A_1244 : i32 to vector<16xi32>
    %select_n3A_1246 = arith.select %gt3A_1243, %get3A_1241, %broadcast_in_dim3A_1245 : vector<16xi32>
    %add3A_1247 = arith.addi %add3A_1236, %select_n3A_1246 : vector<16xi32>
    %add3A_1248 = arith.addi %add3A_1237, %get3A_1241 : vector<16xi32>
    %get3A_1249 = arith.constant 3 : i32
    %get3A_1250 = arith.index_cast %get3A_1249 : i32 to index
    %get3A_1251 = arith.constant 48 : index
    %get3A_1252 = tpu.vector_load %arg14[%get3A_1250, %get3A_1251] {strides = array<i32>} : memref<32x64xi32, #tpu.memory_space<vmem>>, vector<16xi32>,
    %gt3A_1253 = arith.constant 3 : i32
    %gt3A_1254 = arith.cmpi sgt, %add3A, %gt3A_1253 : i32
    %jit3A_1255 = arith.constant 0 : i32
    %broadcast_in_dim3A_1256 = vector.broadcast %jit3A_1255 : i32 to vector<16xi32>
    %select_n3A_1257 = arith.select %gt3A_1254, %get3A_1252, %broadcast_in_dim3A_1256 : vector<16xi32>
    %add3A_1258 = arith.addi %add3A_1247, %select_n3A_1257 : vector<16xi32>
    %add3A_1259 = arith.addi %add3A_1248, %get3A_1252 : vector<16xi32>
    %get3A_1260 = arith.constant 4 : i32
    %get3A_1261 = arith.index_cast %get3A_1260 : i32 to index
    %get3A_1262 = arith.constant 48 : index
    %get3A_1263 = tpu.vector_load %arg14[%get3A_1261, %get3A_1262] {strides = array<i32>} : memref<32x64xi32, #tpu.memory_space<vmem>>, vector<16xi32>,
    %gt3A_1264 = arith.constant 4 : i32
    %gt3A_1265 = arith.cmpi sgt, %add3A, %gt3A_1264 : i32
    %jit3A_1266 = arith.constant 0 : i32
    %broadcast_in_dim3A_1267 = vector.broadcast %jit3A_1266 : i32 to vector<16xi32>
    %select_n3A_1268 = arith.select %gt3A_1265, %get3A_1263, %broadcast_in_dim3A_1267 : vector<16xi32>
    %add3A_1269 = arith.addi %add3A_1258, %select_n3A_1268 : vector<16xi32>
    %add3A_1270 = arith.addi %add3A_1259, %get3A_1263 : vector<16xi32>
    %get3A_1271 = arith.constant 5 : i32
    %get3A_1272 = arith.index_cast %get3A_1271 : i32 to index
    %get3A_1273 = arith.constant 48 : index
    %get3A_1274 = tpu.vector_load %arg14[%get3A_1272, %get3A_1273] {strides = array<i32>} : memref<32x64xi32, #tpu.memory_space<vmem>>, vector<16xi32>,
    %gt3A_1275 = arith.constant 5 : i32
    %gt3A_1276 = arith.cmpi sgt, %add3A, %gt3A_1275 : i32
    %jit3A_1277 = arith.constant 0 : i32
    %broadcast_in_dim3A_1278 = vector.broadcast %jit3A_1277 : i32 to vector<16xi32>
    %select_n3A_1279 = arith.select %gt3A_1276, %get3A_1274, %broadcast_in_dim3A_1278 : vector<16xi32>
    %add3A_1280 = arith.addi %add3A_1269, %select_n3A_1279 : vector<16xi32>
    %add3A_1281 = arith.addi %add3A_1270, %get3A_1274 : vector<16xi32>
    %get3A_1282 = arith.constant 6 : i32
    %get3A_1283 = arith.index_cast %get3A_1282 : i32 to index
    %get3A_1284 = arith.constant 48 : index
    %get3A_1285 = tpu.vector_load %arg14[%get3A_1283, %get3A_1284] {strides = array<i32>} : memref<32x64xi32, #tpu.memory_space<vmem>>, vector<16xi32>,
    %gt3A_1286 = arith.constant 6 : i32
    %gt3A_1287 = arith.cmpi sgt, %add3A, %gt3A_1286 : i32
    %jit3A_1288 = arith.constant 0 : i32
    %broadcast_in_dim3A_1289 = vector.broadcast %jit3A_1288 : i32 to vector<16xi32>
    %select_n3A_1290 = arith.select %gt3A_1287, %get3A_1285, %broadcast_in_dim3A_1289 : vector<16xi32>
    %add3A_1291 = arith.addi %add3A_1280, %select_n3A_1290 : vector<16xi32>
    %add3A_1292 = arith.addi %add3A_1281, %get3A_1285 : vector<16xi32>
    %get3A_1293 = arith.constant 7 : i32
    %get3A_1294 = arith.index_cast %get3A_1293 : i32 to index
    %get3A_1295 = arith.constant 48 : index
    %get3A_1296 = tpu.vector_load %arg14[%get3A_1294, %get3A_1295] {strides = array<i32>} : memref<32x64xi32, #tpu.memory_space<vmem>>, vector<16xi32>,
    %gt3A_1297 = arith.constant 7 : i32
    %gt3A_1298 = arith.cmpi sgt, %add3A, %gt3A_1297 : i32
    %jit3A_1299 = arith.constant 0 : i32
    %broadcast_in_dim3A_1300 = vector.broadcast %jit3A_1299 : i32 to vector<16xi32>
    %select_n3A_1301 = arith.select %gt3A_1298, %get3A_1296, %broadcast_in_dim3A_1300 : vector<16xi32>
    %add3A_1302 = arith.addi %add3A_1291, %select_n3A_1301 : vector<16xi32>
    %add3A_1303 = arith.addi %add3A_1292, %get3A_1296 : vector<16xi32>
    %get3A_1304 = arith.constant 8 : i32
    %get3A_1305 = arith.index_cast %get3A_1304 : i32 to index
    %get3A_1306 = arith.constant 48 : index
    %get3A_1307 = tpu.vector_load %arg14[%get3A_1305, %get3A_1306] {strides = array<i32>} : memref<32x64xi32, #tpu.memory_space<vmem>>, vector<16xi32>,
    %gt3A_1308 = arith.constant 8 : i32
    %gt3A_1309 = arith.cmpi sgt, %add3A, %gt3A_1308 : i32
    %jit3A_1310 = arith.constant 0 : i32
    %broadcast_in_dim3A_1311 = vector.broadcast %jit3A_1310 : i32 to vector<16xi32>
    %select_n3A_1312 = arith.select %gt3A_1309, %get3A_1307, %broadcast_in_dim3A_1311 : vector<16xi32>
    %add3A_1313 = arith.addi %add3A_1302, %select_n3A_1312 : vector<16xi32>
    %add3A_1314 = arith.addi %add3A_1303, %get3A_1307 : vector<16xi32>
    %get3A_1315 = arith.constant 9 : i32
    %get3A_1316 = arith.index_cast %get3A_1315 : i32 to index
    %get3A_1317 = arith.constant 48 : index
    %get3A_1318 = tpu.vector_load %arg14[%get3A_1316, %get3A_1317] {strides = array<i32>} : memref<32x64xi32, #tpu.memory_space<vmem>>, vector<16xi32>,
    %gt3A_1319 = arith.constant 9 : i32
    %gt3A_1320 = arith.cmpi sgt, %add3A, %gt3A_1319 : i32
    %jit3A_1321 = arith.constant 0 : i32
    %broadcast_in_dim3A_1322 = vector.broadcast %jit3A_1321 : i32 to vector<16xi32>
    %select_n3A_1323 = arith.select %gt3A_1320, %get3A_1318, %broadcast_in_dim3A_1322 : vector<16xi32>
    %add3A_1324 = arith.addi %add3A_1313, %select_n3A_1323 : vector<16xi32>
    %add3A_1325 = arith.addi %add3A_1314, %get3A_1318 : vector<16xi32>
    %get3A_1326 = arith.constant 10 : i32
    %get3A_1327 = arith.index_cast %get3A_1326 : i32 to index
    %get3A_1328 = arith.constant 48 : index
    %get3A_1329 = tpu.vector_load %arg14[%get3A_1327, %get3A_1328] {strides = array<i32>} : memref<32x64xi32, #tpu.memory_space<vmem>>, vector<16xi32>,
    %gt3A_1330 = arith.constant 10 : i32
    %gt3A_1331 = arith.cmpi sgt, %add3A, %gt3A_1330 : i32
    %jit3A_1332 = arith.constant 0 : i32
    %broadcast_in_dim3A_1333 = vector.broadcast %jit3A_1332 : i32 to vector<16xi32>
    %select_n3A_1334 = arith.select %gt3A_1331, %get3A_1329, %broadcast_in_dim3A_1333 : vector<16xi32>
    %add3A_1335 = arith.addi %add3A_1324, %select_n3A_1334 : vector<16xi32>
    %add3A_1336 = arith.addi %add3A_1325, %get3A_1329 : vector<16xi32>
    %get3A_1337 = arith.constant 11 : i32
    %get3A_1338 = arith.index_cast %get3A_1337 : i32 to index
    %get3A_1339 = arith.constant 48 : index
    %get3A_1340 = tpu.vector_load %arg14[%get3A_1338, %get3A_1339] {strides = array<i32>} : memref<32x64xi32, #tpu.memory_space<vmem>>, vector<16xi32>,
    %gt3A_1341 = arith.constant 11 : i32
    %gt3A_1342 = arith.cmpi sgt, %add3A, %gt3A_1341 : i32
    %jit3A_1343 = arith.constant 0 : i32
    %broadcast_in_dim3A_1344 = vector.broadcast %jit3A_1343 : i32 to vector<16xi32>
    %select_n3A_1345 = arith.select %gt3A_1342, %get3A_1340, %broadcast_in_dim3A_1344 : vector<16xi32>
    %add3A_1346 = arith.addi %add3A_1335, %select_n3A_1345 : vector<16xi32>
    %add3A_1347 = arith.addi %add3A_1336, %get3A_1340 : vector<16xi32>
    %get3A_1348 = arith.constant 12 : i32
    %get3A_1349 = arith.index_cast %get3A_1348 : i32 to index
    %get3A_1350 = arith.constant 48 : index
    %get3A_1351 = tpu.vector_load %arg14[%get3A_1349, %get3A_1350] {strides = array<i32>} : memref<32x64xi32, #tpu.memory_space<vmem>>, vector<16xi32>,
    %gt3A_1352 = arith.constant 12 : i32
    %gt3A_1353 = arith.cmpi sgt, %add3A, %gt3A_1352 : i32
    %jit3A_1354 = arith.constant 0 : i32
    %broadcast_in_dim3A_1355 = vector.broadcast %jit3A_1354 : i32 to vector<16xi32>
    %select_n3A_1356 = arith.select %gt3A_1353, %get3A_1351, %broadcast_in_dim3A_1355 : vector<16xi32>
    %add3A_1357 = arith.addi %add3A_1346, %select_n3A_1356 : vector<16xi32>
    %add3A_1358 = arith.addi %add3A_1347, %get3A_1351 : vector<16xi32>
    %get3A_1359 = arith.constant 13 : i32
    %get3A_1360 = arith.index_cast %get3A_1359 : i32 to index
    %get3A_1361 = arith.constant 48 : index
    %get3A_1362 = tpu.vector_load %arg14[%get3A_1360, %get3A_1361] {strides = array<i32>} : memref<32x64xi32, #tpu.memory_space<vmem>>, vector<16xi32>,
    %gt3A_1363 = arith.constant 13 : i32
    %gt3A_1364 = arith.cmpi sgt, %add3A, %gt3A_1363 : i32
    %jit3A_1365 = arith.constant 0 : i32
    %broadcast_in_dim3A_1366 = vector.broadcast %jit3A_1365 : i32 to vector<16xi32>
    %select_n3A_1367 = arith.select %gt3A_1364, %get3A_1362, %broadcast_in_dim3A_1366 : vector<16xi32>
    %add3A_1368 = arith.addi %add3A_1357, %select_n3A_1367 : vector<16xi32>
    %add3A_1369 = arith.addi %add3A_1358, %get3A_1362 : vector<16xi32>
    %get3A_1370 = arith.constant 14 : i32
    %get3A_1371 = arith.index_cast %get3A_1370 : i32 to index
    %get3A_1372 = arith.constant 48 : index
    %get3A_1373 = tpu.vector_load %arg14[%get3A_1371, %get3A_1372] {strides = array<i32>} : memref<32x64xi32, #tpu.memory_space<vmem>>, vector<16xi32>,
    %gt3A_1374 = arith.constant 14 : i32
    %gt3A_1375 = arith.cmpi sgt, %add3A, %gt3A_1374 : i32
    %jit3A_1376 = arith.constant 0 : i32
    %broadcast_in_dim3A_1377 = vector.broadcast %jit3A_1376 : i32 to vector<16xi32>
    %select_n3A_1378 = arith.select %gt3A_1375, %get3A_1373, %broadcast_in_dim3A_1377 : vector<16xi32>
    %add3A_1379 = arith.addi %add3A_1368, %select_n3A_1378 : vector<16xi32>
    %add3A_1380 = arith.addi %add3A_1369, %get3A_1373 : vector<16xi32>
    %get3A_1381 = arith.constant 15 : i32
    %get3A_1382 = arith.index_cast %get3A_1381 : i32 to index
    %get3A_1383 = arith.constant 48 : index
    %get3A_1384 = tpu.vector_load %arg14[%get3A_1382, %get3A_1383] {strides = array<i32>} : memref<32x64xi32, #tpu.memory_space<vmem>>, vector<16xi32>,
    %gt3A_1385 = arith.constant 15 : i32
    %gt3A_1386 = arith.cmpi sgt, %add3A, %gt3A_1385 : i32
    %jit3A_1387 = arith.constant 0 : i32
    %broadcast_in_dim3A_1388 = vector.broadcast %jit3A_1387 : i32 to vector<16xi32>
    %select_n3A_1389 = arith.select %gt3A_1386, %get3A_1384, %broadcast_in_dim3A_1388 : vector<16xi32>
    %add3A_1390 = arith.addi %add3A_1379, %select_n3A_1389 : vector<16xi32>
    %add3A_1391 = arith.addi %add3A_1380, %get3A_1384 : vector<16xi32>
    %get3A_1392 = arith.constant 16 : i32
    %get3A_1393 = arith.index_cast %get3A_1392 : i32 to index
    %get3A_1394 = arith.constant 48 : index
    %get3A_1395 = tpu.vector_load %arg14[%get3A_1393, %get3A_1394] {strides = array<i32>} : memref<32x64xi32, #tpu.memory_space<vmem>>, vector<16xi32>,
    %gt3A_1396 = arith.constant 16 : i32
    %gt3A_1397 = arith.cmpi sgt, %add3A, %gt3A_1396 : i32
    %jit3A_1398 = arith.constant 0 : i32
    %broadcast_in_dim3A_1399 = vector.broadcast %jit3A_1398 : i32 to vector<16xi32>
    %select_n3A_1400 = arith.select %gt3A_1397, %get3A_1395, %broadcast_in_dim3A_1399 : vector<16xi32>
    %add3A_1401 = arith.addi %add3A_1390, %select_n3A_1400 : vector<16xi32>
    %add3A_1402 = arith.addi %add3A_1391, %get3A_1395 : vector<16xi32>
    %get3A_1403 = arith.constant 17 : i32
    %get3A_1404 = arith.index_cast %get3A_1403 : i32 to index
    %get3A_1405 = arith.constant 48 : index
    %get3A_1406 = tpu.vector_load %arg14[%get3A_1404, %get3A_1405] {strides = array<i32>} : memref<32x64xi32, #tpu.memory_space<vmem>>, vector<16xi32>,
    %gt3A_1407 = arith.constant 17 : i32
    %gt3A_1408 = arith.cmpi sgt, %add3A, %gt3A_1407 : i32
    %jit3A_1409 = arith.constant 0 : i32
    %broadcast_in_dim3A_1410 = vector.broadcast %jit3A_1409 : i32 to vector<16xi32>
    %select_n3A_1411 = arith.select %gt3A_1408, %get3A_1406, %broadcast_in_dim3A_1410 : vector<16xi32>
    %add3A_1412 = arith.addi %add3A_1401, %select_n3A_1411 : vector<16xi32>
    %add3A_1413 = arith.addi %add3A_1402, %get3A_1406 : vector<16xi32>
    %get3A_1414 = arith.constant 18 : i32
    %get3A_1415 = arith.index_cast %get3A_1414 : i32 to index
    %get3A_1416 = arith.constant 48 : index
    %get3A_1417 = tpu.vector_load %arg14[%get3A_1415, %get3A_1416] {strides = array<i32>} : memref<32x64xi32, #tpu.memory_space<vmem>>, vector<16xi32>,
    %gt3A_1418 = arith.constant 18 : i32
    %gt3A_1419 = arith.cmpi sgt, %add3A, %gt3A_1418 : i32
    %jit3A_1420 = arith.constant 0 : i32
    %broadcast_in_dim3A_1421 = vector.broadcast %jit3A_1420 : i32 to vector<16xi32>
    %select_n3A_1422 = arith.select %gt3A_1419, %get3A_1417, %broadcast_in_dim3A_1421 : vector<16xi32>
    %add3A_1423 = arith.addi %add3A_1412, %select_n3A_1422 : vector<16xi32>
    %add3A_1424 = arith.addi %add3A_1413, %get3A_1417 : vector<16xi32>
    %get3A_1425 = arith.constant 19 : i32
    %get3A_1426 = arith.index_cast %get3A_1425 : i32 to index
    %get3A_1427 = arith.constant 48 : index
    %get3A_1428 = tpu.vector_load %arg14[%get3A_1426, %get3A_1427] {strides = array<i32>} : memref<32x64xi32, #tpu.memory_space<vmem>>, vector<16xi32>,
    %gt3A_1429 = arith.constant 19 : i32
    %gt3A_1430 = arith.cmpi sgt, %add3A, %gt3A_1429 : i32
    %jit3A_1431 = arith.constant 0 : i32
    %broadcast_in_dim3A_1432 = vector.broadcast %jit3A_1431 : i32 to vector<16xi32>
    %select_n3A_1433 = arith.select %gt3A_1430, %get3A_1428, %broadcast_in_dim3A_1432 : vector<16xi32>
    %add3A_1434 = arith.addi %add3A_1423, %select_n3A_1433 : vector<16xi32>
    %add3A_1435 = arith.addi %add3A_1424, %get3A_1428 : vector<16xi32>
    %get3A_1436 = arith.constant 20 : i32
    %get3A_1437 = arith.index_cast %get3A_1436 : i32 to index
    %get3A_1438 = arith.constant 48 : index
    %get3A_1439 = tpu.vector_load %arg14[%get3A_1437, %get3A_1438] {strides = array<i32>} : memref<32x64xi32, #tpu.memory_space<vmem>>, vector<16xi32>,
    %gt3A_1440 = arith.constant 20 : i32
    %gt3A_1441 = arith.cmpi sgt, %add3A, %gt3A_1440 : i32
    %jit3A_1442 = arith.constant 0 : i32
    %broadcast_in_dim3A_1443 = vector.broadcast %jit3A_1442 : i32 to vector<16xi32>
    %select_n3A_1444 = arith.select %gt3A_1441, %get3A_1439, %broadcast_in_dim3A_1443 : vector<16xi32>
    %add3A_1445 = arith.addi %add3A_1434, %select_n3A_1444 : vector<16xi32>
    %add3A_1446 = arith.addi %add3A_1435, %get3A_1439 : vector<16xi32>
    %get3A_1447 = arith.constant 21 : i32
    %get3A_1448 = arith.index_cast %get3A_1447 : i32 to index
    %get3A_1449 = arith.constant 48 : index
    %get3A_1450 = tpu.vector_load %arg14[%get3A_1448, %get3A_1449] {strides = array<i32>} : memref<32x64xi32, #tpu.memory_space<vmem>>, vector<16xi32>,
    %gt3A_1451 = arith.constant 21 : i32
    %gt3A_1452 = arith.cmpi sgt, %add3A, %gt3A_1451 : i32
    %jit3A_1453 = arith.constant 0 : i32
    %broadcast_in_dim3A_1454 = vector.broadcast %jit3A_1453 : i32 to vector<16xi32>
    %select_n3A_1455 = arith.select %gt3A_1452, %get3A_1450, %broadcast_in_dim3A_1454 : vector<16xi32>
    %add3A_1456 = arith.addi %add3A_1445, %select_n3A_1455 : vector<16xi32>
    %add3A_1457 = arith.addi %add3A_1446, %get3A_1450 : vector<16xi32>
    %get3A_1458 = arith.constant 22 : i32
    %get3A_1459 = arith.index_cast %get3A_1458 : i32 to index
    %get3A_1460 = arith.constant 48 : index
    %get3A_1461 = tpu.vector_load %arg14[%get3A_1459, %get3A_1460] {strides = array<i32>} : memref<32x64xi32, #tpu.memory_space<vmem>>, vector<16xi32>,
    %gt3A_1462 = arith.constant 22 : i32
    %gt3A_1463 = arith.cmpi sgt, %add3A, %gt3A_1462 : i32
    %jit3A_1464 = arith.constant 0 : i32
    %broadcast_in_dim3A_1465 = vector.broadcast %jit3A_1464 : i32 to vector<16xi32>
    %select_n3A_1466 = arith.select %gt3A_1463, %get3A_1461, %broadcast_in_dim3A_1465 : vector<16xi32>
    %add3A_1467 = arith.addi %add3A_1456, %select_n3A_1466 : vector<16xi32>
    %add3A_1468 = arith.addi %add3A_1457, %get3A_1461 : vector<16xi32>
    %get3A_1469 = arith.constant 23 : i32
    %get3A_1470 = arith.index_cast %get3A_1469 : i32 to index
    %get3A_1471 = arith.constant 48 : index
    %get3A_1472 = tpu.vector_load %arg14[%get3A_1470, %get3A_1471] {strides = array<i32>} : memref<32x64xi32, #tpu.memory_space<vmem>>, vector<16xi32>,
    %gt3A_1473 = arith.constant 23 : i32
    %gt3A_1474 = arith.cmpi sgt, %add3A, %gt3A_1473 : i32
    %jit3A_1475 = arith.constant 0 : i32
    %broadcast_in_dim3A_1476 = vector.broadcast %jit3A_1475 : i32 to vector<16xi32>
    %select_n3A_1477 = arith.select %gt3A_1474, %get3A_1472, %broadcast_in_dim3A_1476 : vector<16xi32>
    %add3A_1478 = arith.addi %add3A_1467, %select_n3A_1477 : vector<16xi32>
    %add3A_1479 = arith.addi %add3A_1468, %get3A_1472 : vector<16xi32>
    %get3A_1480 = arith.constant 24 : i32
    %get3A_1481 = arith.index_cast %get3A_1480 : i32 to index
    %get3A_1482 = arith.constant 48 : index
    %get3A_1483 = tpu.vector_load %arg14[%get3A_1481, %get3A_1482] {strides = array<i32>} : memref<32x64xi32, #tpu.memory_space<vmem>>, vector<16xi32>,
    %gt3A_1484 = arith.constant 24 : i32
    %gt3A_1485 = arith.cmpi sgt, %add3A, %gt3A_1484 : i32
    %jit3A_1486 = arith.constant 0 : i32
    %broadcast_in_dim3A_1487 = vector.broadcast %jit3A_1486 : i32 to vector<16xi32>
    %select_n3A_1488 = arith.select %gt3A_1485, %get3A_1483, %broadcast_in_dim3A_1487 : vector<16xi32>
    %add3A_1489 = arith.addi %add3A_1478, %select_n3A_1488 : vector<16xi32>
    %add3A_1490 = arith.addi %add3A_1479, %get3A_1483 : vector<16xi32>
    %get3A_1491 = arith.constant 25 : i32
    %get3A_1492 = arith.index_cast %get3A_1491 : i32 to index
    %get3A_1493 = arith.constant 48 : index
    %get3A_1494 = tpu.vector_load %arg14[%get3A_1492, %get3A_1493] {strides = array<i32>} : memref<32x64xi32, #tpu.memory_space<vmem>>, vector<16xi32>,
    %gt3A_1495 = arith.constant 25 : i32
    %gt3A_1496 = arith.cmpi sgt, %add3A, %gt3A_1495 : i32
    %jit3A_1497 = arith.constant 0 : i32
    %broadcast_in_dim3A_1498 = vector.broadcast %jit3A_1497 : i32 to vector<16xi32>
    %select_n3A_1499 = arith.select %gt3A_1496, %get3A_1494, %broadcast_in_dim3A_1498 : vector<16xi32>
    %add3A_1500 = arith.addi %add3A_1489, %select_n3A_1499 : vector<16xi32>
    %add3A_1501 = arith.addi %add3A_1490, %get3A_1494 : vector<16xi32>
    %get3A_1502 = arith.constant 26 : i32
    %get3A_1503 = arith.index_cast %get3A_1502 : i32 to index
    %get3A_1504 = arith.constant 48 : index
    %get3A_1505 = tpu.vector_load %arg14[%get3A_1503, %get3A_1504] {strides = array<i32>} : memref<32x64xi32, #tpu.memory_space<vmem>>, vector<16xi32>,
    %gt3A_1506 = arith.constant 26 : i32
    %gt3A_1507 = arith.cmpi sgt, %add3A, %gt3A_1506 : i32
    %jit3A_1508 = arith.constant 0 : i32
    %broadcast_in_dim3A_1509 = vector.broadcast %jit3A_1508 : i32 to vector<16xi32>
    %select_n3A_1510 = arith.select %gt3A_1507, %get3A_1505, %broadcast_in_dim3A_1509 : vector<16xi32>
    %add3A_1511 = arith.addi %add3A_1500, %select_n3A_1510 : vector<16xi32>
    %add3A_1512 = arith.addi %add3A_1501, %get3A_1505 : vector<16xi32>
    %get3A_1513 = arith.constant 27 : i32
    %get3A_1514 = arith.index_cast %get3A_1513 : i32 to index
    %get3A_1515 = arith.constant 48 : index
    %get3A_1516 = tpu.vector_load %arg14[%get3A_1514, %get3A_1515] {strides = array<i32>} : memref<32x64xi32, #tpu.memory_space<vmem>>, vector<16xi32>,
    %gt3A_1517 = arith.constant 27 : i32
    %gt3A_1518 = arith.cmpi sgt, %add3A, %gt3A_1517 : i32
    %jit3A_1519 = arith.constant 0 : i32
    %broadcast_in_dim3A_1520 = vector.broadcast %jit3A_1519 : i32 to vector<16xi32>
    %select_n3A_1521 = arith.select %gt3A_1518, %get3A_1516, %broadcast_in_dim3A_1520 : vector<16xi32>
    %add3A_1522 = arith.addi %add3A_1511, %select_n3A_1521 : vector<16xi32>
    %add3A_1523 = arith.addi %add3A_1512, %get3A_1516 : vector<16xi32>
    %get3A_1524 = arith.constant 28 : i32
    %get3A_1525 = arith.index_cast %get3A_1524 : i32 to index
    %get3A_1526 = arith.constant 48 : index
    %get3A_1527 = tpu.vector_load %arg14[%get3A_1525, %get3A_1526] {strides = array<i32>} : memref<32x64xi32, #tpu.memory_space<vmem>>, vector<16xi32>,
    %gt3A_1528 = arith.constant 28 : i32
    %gt3A_1529 = arith.cmpi sgt, %add3A, %gt3A_1528 : i32
    %jit3A_1530 = arith.constant 0 : i32
    %broadcast_in_dim3A_1531 = vector.broadcast %jit3A_1530 : i32 to vector<16xi32>
    %select_n3A_1532 = arith.select %gt3A_1529, %get3A_1527, %broadcast_in_dim3A_1531 : vector<16xi32>
    %add3A_1533 = arith.addi %add3A_1522, %select_n3A_1532 : vector<16xi32>
    %add3A_1534 = arith.addi %add3A_1523, %get3A_1527 : vector<16xi32>
    %get3A_1535 = arith.constant 29 : i32
    %get3A_1536 = arith.index_cast %get3A_1535 : i32 to index
    %get3A_1537 = arith.constant 48 : index
    %get3A_1538 = tpu.vector_load %arg14[%get3A_1536, %get3A_1537] {strides = array<i32>} : memref<32x64xi32, #tpu.memory_space<vmem>>, vector<16xi32>,
    %gt3A_1539 = arith.constant 29 : i32
    %gt3A_1540 = arith.cmpi sgt, %add3A, %gt3A_1539 : i32
    %jit3A_1541 = arith.constant 0 : i32
    %broadcast_in_dim3A_1542 = vector.broadcast %jit3A_1541 : i32 to vector<16xi32>
    %select_n3A_1543 = arith.select %gt3A_1540, %get3A_1538, %broadcast_in_dim3A_1542 : vector<16xi32>
    %add3A_1544 = arith.addi %add3A_1533, %select_n3A_1543 : vector<16xi32>
    %add3A_1545 = arith.addi %add3A_1534, %get3A_1538 : vector<16xi32>
    %get3A_1546 = arith.constant 30 : i32
    %get3A_1547 = arith.index_cast %get3A_1546 : i32 to index
    %get3A_1548 = arith.constant 48 : index
    %get3A_1549 = tpu.vector_load %arg14[%get3A_1547, %get3A_1548] {strides = array<i32>} : memref<32x64xi32, #tpu.memory_space<vmem>>, vector<16xi32>,
    %gt3A_1550 = arith.constant 30 : i32
    %gt3A_1551 = arith.cmpi sgt, %add3A, %gt3A_1550 : i32
    %jit3A_1552 = arith.constant 0 : i32
    %broadcast_in_dim3A_1553 = vector.broadcast %jit3A_1552 : i32 to vector<16xi32>
    %select_n3A_1554 = arith.select %gt3A_1551, %get3A_1549, %broadcast_in_dim3A_1553 : vector<16xi32>
    %add3A_1555 = arith.addi %add3A_1544, %select_n3A_1554 : vector<16xi32>
    %add3A_1556 = arith.addi %add3A_1545, %get3A_1549 : vector<16xi32>
    %get3A_1557 = arith.constant 31 : i32
    %get3A_1558 = arith.index_cast %get3A_1557 : i32 to index
    %get3A_1559 = arith.constant 48 : index
    %get3A_1560 = tpu.vector_load %arg14[%get3A_1558, %get3A_1559] {strides = array<i32>} : memref<32x64xi32, #tpu.memory_space<vmem>>, vector<16xi32>,
    %gt3A_1561 = arith.constant 31 : i32
    %gt3A_1562 = arith.cmpi sgt, %add3A, %gt3A_1561 : i32
    %jit3A_1563 = arith.constant 0 : i32
    %broadcast_in_dim3A_1564 = vector.broadcast %jit3A_1563 : i32 to vector<16xi32>
    %select_n3A_1565 = arith.select %gt3A_1562, %get3A_1560, %broadcast_in_dim3A_1564 : vector<16xi32>
    %add3A_1566 = arith.addi %add3A_1555, %select_n3A_1565 : vector<16xi32>
    %add3A_1567 = arith.addi %add3A_1556, %get3A_1560 : vector<16xi32>
    %swap3A_1568 = arith.constant 48 : index
    %swap3A_1569 = tpu.vector_load %arg15[%swap3A_1568] {strides = array<i32>} : memref<64xi32, #tpu.memory_space<vmem>>, vector<16xi32>,
    tpu.vector_store %arg15[%swap3A_1568], %add3A_1566 {strides = array<i32>} : memref<64xi32, #tpu.memory_space<vmem>>, vector<16xi32>,
    %swap3A_1570 = arith.constant 48 : index
    %swap3A_1571 = tpu.vector_load %arg30[%swap3A_1570] {strides = array<i32>} : memref<64xi32, #tpu.memory_space<vmem>>, vector<16xi32>,
    tpu.vector_store %arg30[%swap3A_1570], %add3A_1567 {strides = array<i32>} : memref<64xi32, #tpu.memory_space<vmem>>, vector<16xi32>,
    %min3A_1572 = arith.constant 256 : i32
    %min3A_1573 = vector.broadcast %min3A_1572 : i32 to vector<16xi32>
    %min3A_1574 = arith.minsi %add3A_1567, %min3A_1573 : vector<16xi32>
    %add3A_1575 = arith.constant 127 : i32
    %add3A_1576 = vector.broadcast %add3A_1575 : i32 to vector<16xi32>
    %add3A_1577 = arith.addi %min3A_1574, %add3A_1576 : vector<16xi32>
    %shift_right_logical3A_1578 = arith.constant 7 : i32
    %shift_right_logical3A_1579 = vector.broadcast %shift_right_logical3A_1578 : i32 to vector<16xi32>
    %shift_right_logical3A_1580 = arith.shrui %add3A_1577, %shift_right_logical3A_1579 : vector<16xi32>
    %max3A_1581 = arith.constant 1 : i32
    %max3A_1582 = vector.broadcast %max3A_1581 : i32 to vector<16xi32>
    %max3A_1583 = arith.maxsi %max3A_1582, %shift_right_logical3A_1580 : vector<16xi32>
    %broadcast_in_dim3A_1584 = arith.constant true
    %broadcast_in_dim3A_1585 = vector.broadcast %broadcast_in_dim3A_1584 : i1 to vector<16xi1>
    %masked_cumsum3A_1586 = tpu.scan <sum>, %max3A_1583 masked %broadcast_in_dim3A_1585 : vector<16xi32>, vector<16xi1> -> vector<16xi32>
    %sub3A_1587 = arith.subi %masked_cumsum3A_1586, %max3A_1583 : vector<16xi32>
    %add3A_1588 = vector.broadcast %add3A_1194 : i32 to vector<16xi32>
    %add3A_1589 = arith.addi %sub3A_1587, %add3A_1588 : vector<16xi32>
    %swap3A_1590 = arith.constant 48 : index
    %swap3A_1591 = tpu.vector_load %arg16[%swap3A_1590] {strides = array<i32>} : memref<64xi32, #tpu.memory_space<vmem>>, vector<16xi32>,
    tpu.vector_store %arg16[%swap3A_1590], %add3A_1589 {strides = array<i32>} : memref<64xi32, #tpu.memory_space<vmem>>, vector<16xi32>,
    %reduce_max3A_1592 = arith.constant true
    %reduce_max3A_1593 = vector.broadcast %reduce_max3A_1592 : i1 to vector<16xi1>
    %reduce_max3A_1594 = arith.constant -2147483648 : i32
    %reduce_max3A_1595 = vector.broadcast %reduce_max3A_1594 : i32 to vector<16xi32>
    %reduce_max3A_1596 = arith.xori %masked_cumsum3A_1586, %reduce_max3A_1595 : vector<16xi32>
    %reduce_max3A_1597 = tpu.scan <max>, %reduce_max3A_1596 masked %reduce_max3A_1593 : vector<16xi32>, vector<16xi1> -> vector<16xi32>
    %reduce_max3A_1598 = arith.xori %reduce_max3A_1597, %reduce_max3A_1595 : vector<16xi32>
    %reduce_max3A_1599 = vector.extract %reduce_max3A_1598[15] : i32 from vector<16xi32>
    %add3A_1600 = arith.addi %add3A_1194, %reduce_max3A_1599 : i32
    %iota3A_1601 = tpu.iota {dimensions = array<i32: 0>} : vector<16xi32>
    %add3A_1602 = arith.constant 48 : i32
    %add3A_1603 = vector.broadcast %add3A_1602 : i32 to vector<16xi32>
    %add3A_1604 = arith.addi %iota3A_1601, %add3A_1603 : vector<16xi32>
    %mul3A_1605 = arith.constant 2 : i32
    %mul3A_1606 = vector.broadcast %mul3A_1605 : i32 to vector<16xi32>
    %mul3A_1607 = arith.muli %add3A_1604, %mul3A_1606 : vector<16xi32>
    tpu.vector_store_idx %arg17[%mul3A_1607], %add3A_1589 : memref<128xi32, #tpu.memory_space<vmem>>[vector<16xi32>], vector<16xi32>,
    %add3A_1608 = arith.constant 1 : i32
    %add3A_1609 = vector.broadcast %add3A_1608 : i32 to vector<16xi32>
    %add3A_1610 = arith.addi %mul3A_1607, %add3A_1609 : vector<16xi32>
    %sub3A_1611 = arith.constant 1 : i32
    %sub3A_1612 = vector.broadcast %sub3A_1611 : i32 to vector<16xi32>
    %sub3A_1613 = arith.subi %max3A_1583, %sub3A_1612 : vector<16xi32>
    %min3A_1614 = arith.constant 1 : i32
    %min3A_1615 = vector.broadcast %min3A_1614 : i32 to vector<16xi32>
    %min3A_1616 = arith.minsi %sub3A_1613, %min3A_1615 : vector<16xi32>
    %add3A_1617 = arith.addi %add3A_1589, %min3A_1616 : vector<16xi32>
    tpu.vector_store_idx %arg17[%add3A_1610], %add3A_1617 : memref<128xi32, #tpu.memory_space<vmem>>[vector<16xi32>], vector<16xi32>,
    %eq3A = arith.constant 31 : i32
    %eq3A_1618 = arith.cmpi eq, %add3A, %eq3A : i32
    %convert_element_type3A = arith.extui %eq3A_1618 : i1 to i32
    %cond3A = arith.constant 0 : i32
    %cond3A_1619 = arith.cmpi ne, %convert_element_type3A, %cond3A : i32
    scf.if %cond3A_1619 {
      "tpu.region"() ({
        %run_scoped3A = tpu.sem_alloc : memref<!tpu.dma_semaphore, #tpu.memory_space<semaphore_mem>>
        tpu.enqueue_dma source(%arg30 : memref<64xi32, #tpu.memory_space<vmem>>) target(%arg12 : memref<64xi32, #tpu.memory_space<hbm>>) target_semaphore(%run_scoped3A : memref<!tpu.dma_semaphore, #tpu.memory_space<semaphore_mem>>)
        tpu.wait_dma2 semaphore(%run_scoped3A : memref<!tpu.dma_semaphore, #tpu.memory_space<semaphore_mem>>) src(%arg30 : memref<64xi32, #tpu.memory_space<vmem>>) dst(%arg12 : memref<64xi32, #tpu.memory_space<hbm>>)
        tpu.yield
      }) : () -> ()
      "tpu.region"() ({
        %run_scoped3A = tpu.sem_alloc : memref<!tpu.dma_semaphore, #tpu.memory_space<semaphore_mem>>
        tpu.enqueue_dma source(%arg17 : memref<128xi32, #tpu.memory_space<vmem>>) target(%arg13 : memref<128xi32, #tpu.memory_space<hbm>>) target_semaphore(%run_scoped3A : memref<!tpu.dma_semaphore, #tpu.memory_space<semaphore_mem>>)
        tpu.wait_dma2 semaphore(%run_scoped3A : memref<!tpu.dma_semaphore, #tpu.memory_space<semaphore_mem>>) src(%arg17 : memref<128xi32, #tpu.memory_space<vmem>>) dst(%arg13 : memref<128xi32, #tpu.memory_space<hbm>>)
        tpu.yield
      }) : () -> ()
    } else {
    }
    %get3A_1620 = arith.constant 0 : index
    %get3A_1621 = tpu.vector_load %arg18[%get3A_1620] {strides = array<i32>} : memref<128xi32, #tpu.memory_space<vmem>>, vector<16xi32>,
    %get3A_1622 = arith.constant 0 : index
    %get3A_1623 = tpu.vector_load %arg19[%get3A_1622] {strides = array<i32>} : memref<128xi32, #tpu.memory_space<vmem>>, vector<16xi32>,
    %gather3A = tpu.vector_load_idx %arg15[%get3A_1621] : memref<64xi32, #tpu.memory_space<vmem>>[vector<16xi32>], vector<16xi32>,
    %add3A_1624 = arith.addi %get3A_1623, %gather3A : vector<16xi32>
    %lt3A = arith.constant 256 : i32
    %lt3A_1625 = vector.broadcast %lt3A : i32 to vector<16xi32>
    %lt3A_1626 = arith.cmpi slt, %add3A_1624, %lt3A_1625 : vector<16xi32>
    %gather3A_1627 = tpu.vector_load_idx %arg16[%get3A_1621] : memref<64xi32, #tpu.memory_space<vmem>>[vector<16xi32>], vector<16xi32>,
    %mul3A_1628 = arith.constant 128 : i32
    %mul3A_1629 = vector.broadcast %mul3A_1628 : i32 to vector<16xi32>
    %mul3A_1630 = arith.muli %gather3A_1627, %mul3A_1629 : vector<16xi32>
    %jit3A_1631 = arith.constant 0 : i32
    %broadcast_in_dim3A_1632 = vector.broadcast %jit3A_1631 : i32 to vector<16xi32>
    %select_n3A_1633 = arith.select %lt3A_1626, %add3A_1624, %broadcast_in_dim3A_1632 : vector<16xi1>, vector<16xi32>
    %add3A_1634 = arith.addi %mul3A_1630, %select_n3A_1633 : vector<16xi32>
    %swap3A_1635 = arith.constant 0 : index
    %swap3A_1636 = tpu.vector_load %arg21[%swap3A_1635] {strides = array<i32>} : memref<128xi32, #tpu.memory_space<vmem>>, vector<16xi32>,
    tpu.vector_store %arg21[%swap3A_1635], %add3A_1634 {strides = array<i32>} : memref<128xi32, #tpu.memory_space<vmem>>, vector<16xi32>,
    %add3A_1637 = arith.addi %mul3A_1630, %add3A_1624 : vector<16xi32>
    %jit3A_1638 = arith.constant 12288 : i32
    %broadcast_in_dim3A_1639 = vector.broadcast %jit3A_1638 : i32 to vector<16xi32>
    %select_n3A_1640 = arith.select %lt3A_1626, %add3A_1637, %broadcast_in_dim3A_1639 : vector<16xi1>, vector<16xi32>
    %swap3A_1641 = arith.constant 0 : index
    %swap3A_1642 = tpu.vector_load %arg22[%swap3A_1641] {strides = array<i32>} : memref<128xi32, #tpu.memory_space<vmem>>, vector<16xi32>,
    tpu.vector_store %arg22[%swap3A_1641], %select_n3A_1640 {strides = array<i32>} : memref<128xi32, #tpu.memory_space<vmem>>, vector<16xi32>,
    %get3A_1643 = arith.constant 0 : index
    %get3A_1644 = tpu.vector_load %arg20[%get3A_1643] {strides = array<i32>} : memref<128xf32, #tpu.memory_space<vmem>>, vector<16xf32>,
    %jit3A_1645 = arith.constant 0.000000e+00 : f32
    %broadcast_in_dim3A_1646 = vector.broadcast %jit3A_1645 : f32 to vector<16xf32>
    %select_n3A_1647 = arith.select %lt3A_1626, %get3A_1644, %broadcast_in_dim3A_1646 : vector<16xi1>, vector<16xf32>
    %swap3A_1648 = arith.constant 0 : index
    %swap3A_1649 = tpu.vector_load %arg20[%swap3A_1648] {strides = array<i32>} : memref<128xf32, #tpu.memory_space<vmem>>, vector<16xf32>,
    tpu.vector_store %arg20[%swap3A_1648], %select_n3A_1647 {strides = array<i32>} : memref<128xf32, #tpu.memory_space<vmem>>, vector<16xf32>,
    %get3A_1650 = arith.constant 16 : index
    %get3A_1651 = tpu.vector_load %arg18[%get3A_1650] {strides = array<i32>} : memref<128xi32, #tpu.memory_space<vmem>>, vector<16xi32>,
    %get3A_1652 = arith.constant 16 : index
    %get3A_1653 = tpu.vector_load %arg19[%get3A_1652] {strides = array<i32>} : memref<128xi32, #tpu.memory_space<vmem>>, vector<16xi32>,
    %gather3A_1654 = tpu.vector_load_idx %arg15[%get3A_1651] : memref<64xi32, #tpu.memory_space<vmem>>[vector<16xi32>], vector<16xi32>,
    %add3A_1655 = arith.addi %get3A_1653, %gather3A_1654 : vector<16xi32>
    %lt3A_1656 = arith.constant 256 : i32
    %lt3A_1657 = vector.broadcast %lt3A_1656 : i32 to vector<16xi32>
    %lt3A_1658 = arith.cmpi slt, %add3A_1655, %lt3A_1657 : vector<16xi32>
    %gather3A_1659 = tpu.vector_load_idx %arg16[%get3A_1651] : memref<64xi32, #tpu.memory_space<vmem>>[vector<16xi32>], vector<16xi32>,
    %mul3A_1660 = arith.constant 128 : i32
    %mul3A_1661 = vector.broadcast %mul3A_1660 : i32 to vector<16xi32>
    %mul3A_1662 = arith.muli %gather3A_1659, %mul3A_1661 : vector<16xi32>
    %jit3A_1663 = arith.constant 0 : i32
    %broadcast_in_dim3A_1664 = vector.broadcast %jit3A_1663 : i32 to vector<16xi32>
    %select_n3A_1665 = arith.select %lt3A_1658, %add3A_1655, %broadcast_in_dim3A_1664 : vector<16xi1>, vector<16xi32>
    %add3A_1666 = arith.addi %mul3A_1662, %select_n3A_1665 : vector<16xi32>
    %swap3A_1667 = arith.constant 16 : index
    %swap3A_1668 = tpu.vector_load %arg21[%swap3A_1667] {strides = array<i32>} : memref<128xi32, #tpu.memory_space<vmem>>, vector<16xi32>,
    tpu.vector_store %arg21[%swap3A_1667], %add3A_1666 {strides = array<i32>} : memref<128xi32, #tpu.memory_space<vmem>>, vector<16xi32>,
    %add3A_1669 = arith.addi %mul3A_1662, %add3A_1655 : vector<16xi32>
    %jit3A_1670 = arith.constant 12288 : i32
    %broadcast_in_dim3A_1671 = vector.broadcast %jit3A_1670 : i32 to vector<16xi32>
    %select_n3A_1672 = arith.select %lt3A_1658, %add3A_1669, %broadcast_in_dim3A_1671 : vector<16xi1>, vector<16xi32>
    %swap3A_1673 = arith.constant 16 : index
    %swap3A_1674 = tpu.vector_load %arg22[%swap3A_1673] {strides = array<i32>} : memref<128xi32, #tpu.memory_space<vmem>>, vector<16xi32>,
    tpu.vector_store %arg22[%swap3A_1673], %select_n3A_1672 {strides = array<i32>} : memref<128xi32, #tpu.memory_space<vmem>>, vector<16xi32>,
    %get3A_1675 = arith.constant 16 : index
    %get3A_1676 = tpu.vector_load %arg20[%get3A_1675] {strides = array<i32>} : memref<128xf32, #tpu.memory_space<vmem>>, vector<16xf32>,
    %jit3A_1677 = arith.constant 0.000000e+00 : f32
    %broadcast_in_dim3A_1678 = vector.broadcast %jit3A_1677 : f32 to vector<16xf32>
    %select_n3A_1679 = arith.select %lt3A_1658, %get3A_1676, %broadcast_in_dim3A_1678 : vector<16xi1>, vector<16xf32>
    %swap3A_1680 = arith.constant 16 : index
    %swap3A_1681 = tpu.vector_load %arg20[%swap3A_1680] {strides = array<i32>} : memref<128xf32, #tpu.memory_space<vmem>>, vector<16xf32>,
    tpu.vector_store %arg20[%swap3A_1680], %select_n3A_1679 {strides = array<i32>} : memref<128xf32, #tpu.memory_space<vmem>>, vector<16xf32>,
    %get3A_1682 = arith.constant 32 : index
    %get3A_1683 = tpu.vector_load %arg18[%get3A_1682] {strides = array<i32>} : memref<128xi32, #tpu.memory_space<vmem>>, vector<16xi32>,
    %get3A_1684 = arith.constant 32 : index
    %get3A_1685 = tpu.vector_load %arg19[%get3A_1684] {strides = array<i32>} : memref<128xi32, #tpu.memory_space<vmem>>, vector<16xi32>,
    %gather3A_1686 = tpu.vector_load_idx %arg15[%get3A_1683] : memref<64xi32, #tpu.memory_space<vmem>>[vector<16xi32>], vector<16xi32>,
    %add3A_1687 = arith.addi %get3A_1685, %gather3A_1686 : vector<16xi32>
    %lt3A_1688 = arith.constant 256 : i32
    %lt3A_1689 = vector.broadcast %lt3A_1688 : i32 to vector<16xi32>
    %lt3A_1690 = arith.cmpi slt, %add3A_1687, %lt3A_1689 : vector<16xi32>
    %gather3A_1691 = tpu.vector_load_idx %arg16[%get3A_1683] : memref<64xi32, #tpu.memory_space<vmem>>[vector<16xi32>], vector<16xi32>,
    %mul3A_1692 = arith.constant 128 : i32
    %mul3A_1693 = vector.broadcast %mul3A_1692 : i32 to vector<16xi32>
    %mul3A_1694 = arith.muli %gather3A_1691, %mul3A_1693 : vector<16xi32>
    %jit3A_1695 = arith.constant 0 : i32
    %broadcast_in_dim3A_1696 = vector.broadcast %jit3A_1695 : i32 to vector<16xi32>
    %select_n3A_1697 = arith.select %lt3A_1690, %add3A_1687, %broadcast_in_dim3A_1696 : vector<16xi1>, vector<16xi32>
    %add3A_1698 = arith.addi %mul3A_1694, %select_n3A_1697 : vector<16xi32>
    %swap3A_1699 = arith.constant 32 : index
    %swap3A_1700 = tpu.vector_load %arg21[%swap3A_1699] {strides = array<i32>} : memref<128xi32, #tpu.memory_space<vmem>>, vector<16xi32>,
    tpu.vector_store %arg21[%swap3A_1699], %add3A_1698 {strides = array<i32>} : memref<128xi32, #tpu.memory_space<vmem>>, vector<16xi32>,
    %add3A_1701 = arith.addi %mul3A_1694, %add3A_1687 : vector<16xi32>
    %jit3A_1702 = arith.constant 12288 : i32
    %broadcast_in_dim3A_1703 = vector.broadcast %jit3A_1702 : i32 to vector<16xi32>
    %select_n3A_1704 = arith.select %lt3A_1690, %add3A_1701, %broadcast_in_dim3A_1703 : vector<16xi1>, vector<16xi32>
    %swap3A_1705 = arith.constant 32 : index
    %swap3A_1706 = tpu.vector_load %arg22[%swap3A_1705] {strides = array<i32>} : memref<128xi32, #tpu.memory_space<vmem>>, vector<16xi32>,
    tpu.vector_store %arg22[%swap3A_1705], %select_n3A_1704 {strides = array<i32>} : memref<128xi32, #tpu.memory_space<vmem>>, vector<16xi32>,
    %get3A_1707 = arith.constant 32 : index
    %get3A_1708 = tpu.vector_load %arg20[%get3A_1707] {strides = array<i32>} : memref<128xf32, #tpu.memory_space<vmem>>, vector<16xf32>,
    %jit3A_1709 = arith.constant 0.000000e+00 : f32
    %broadcast_in_dim3A_1710 = vector.broadcast %jit3A_1709 : f32 to vector<16xf32>
    %select_n3A_1711 = arith.select %lt3A_1690, %get3A_1708, %broadcast_in_dim3A_1710 : vector<16xi1>, vector<16xf32>
    %swap3A_1712 = arith.constant 32 : index
    %swap3A_1713 = tpu.vector_load %arg20[%swap3A_1712] {strides = array<i32>} : memref<128xf32, #tpu.memory_space<vmem>>, vector<16xf32>,
    tpu.vector_store %arg20[%swap3A_1712], %select_n3A_1711 {strides = array<i32>} : memref<128xf32, #tpu.memory_space<vmem>>, vector<16xf32>,
    %get3A_1714 = arith.constant 48 : index
    %get3A_1715 = tpu.vector_load %arg18[%get3A_1714] {strides = array<i32>} : memref<128xi32, #tpu.memory_space<vmem>>, vector<16xi32>,
    %get3A_1716 = arith.constant 48 : index
    %get3A_1717 = tpu.vector_load %arg19[%get3A_1716] {strides = array<i32>} : memref<128xi32, #tpu.memory_space<vmem>>, vector<16xi32>,
    %gather3A_1718 = tpu.vector_load_idx %arg15[%get3A_1715] : memref<64xi32, #tpu.memory_space<vmem>>[vector<16xi32>], vector<16xi32>,
    %add3A_1719 = arith.addi %get3A_1717, %gather3A_1718 : vector<16xi32>
    %lt3A_1720 = arith.constant 256 : i32
    %lt3A_1721 = vector.broadcast %lt3A_1720 : i32 to vector<16xi32>
    %lt3A_1722 = arith.cmpi slt, %add3A_1719, %lt3A_1721 : vector<16xi32>
    %gather3A_1723 = tpu.vector_load_idx %arg16[%get3A_1715] : memref<64xi32, #tpu.memory_space<vmem>>[vector<16xi32>], vector<16xi32>,
    %mul3A_1724 = arith.constant 128 : i32
    %mul3A_1725 = vector.broadcast %mul3A_1724 : i32 to vector<16xi32>
    %mul3A_1726 = arith.muli %gather3A_1723, %mul3A_1725 : vector<16xi32>
    %jit3A_1727 = arith.constant 0 : i32
    %broadcast_in_dim3A_1728 = vector.broadcast %jit3A_1727 : i32 to vector<16xi32>
    %select_n3A_1729 = arith.select %lt3A_1722, %add3A_1719, %broadcast_in_dim3A_1728 : vector<16xi1>, vector<16xi32>
    %add3A_1730 = arith.addi %mul3A_1726, %select_n3A_1729 : vector<16xi32>
    %swap3A_1731 = arith.constant 48 : index
    %swap3A_1732 = tpu.vector_load %arg21[%swap3A_1731] {strides = array<i32>} : memref<128xi32, #tpu.memory_space<vmem>>, vector<16xi32>,
    tpu.vector_store %arg21[%swap3A_1731], %add3A_1730 {strides = array<i32>} : memref<128xi32, #tpu.memory_space<vmem>>, vector<16xi32>,
    %add3A_1733 = arith.addi %mul3A_1726, %add3A_1719 : vector<16xi32>
    %jit3A_1734 = arith.constant 12288 : i32
    %broadcast_in_dim3A_1735 = vector.broadcast %jit3A_1734 : i32 to vector<16xi32>
    %select_n3A_1736 = arith.select %lt3A_1722, %add3A_1733, %broadcast_in_dim3A_1735 : vector<16xi1>, vector<16xi32>
    %swap3A_1737 = arith.constant 48 : index
    %swap3A_1738 = tpu.vector_load %arg22[%swap3A_1737] {strides = array<i32>} : memref<128xi32, #tpu.memory_space<vmem>>, vector<16xi32>,
    tpu.vector_store %arg22[%swap3A_1737], %select_n3A_1736 {strides = array<i32>} : memref<128xi32, #tpu.memory_space<vmem>>, vector<16xi32>,
    %get3A_1739 = arith.constant 48 : index
    %get3A_1740 = tpu.vector_load %arg20[%get3A_1739] {strides = array<i32>} : memref<128xf32, #tpu.memory_space<vmem>>, vector<16xf32>,
    %jit3A_1741 = arith.constant 0.000000e+00 : f32
    %broadcast_in_dim3A_1742 = vector.broadcast %jit3A_1741 : f32 to vector<16xf32>
    %select_n3A_1743 = arith.select %lt3A_1722, %get3A_1740, %broadcast_in_dim3A_1742 : vector<16xi1>, vector<16xf32>
    %swap3A_1744 = arith.constant 48 : index
    %swap3A_1745 = tpu.vector_load %arg20[%swap3A_1744] {strides = array<i32>} : memref<128xf32, #tpu.memory_space<vmem>>, vector<16xf32>,
    tpu.vector_store %arg20[%swap3A_1744], %select_n3A_1743 {strides = array<i32>} : memref<128xf32, #tpu.memory_space<vmem>>, vector<16xf32>,
    %get3A_1746 = arith.constant 64 : index
    %get3A_1747 = tpu.vector_load %arg18[%get3A_1746] {strides = array<i32>} : memref<128xi32, #tpu.memory_space<vmem>>, vector<16xi32>,
    %get3A_1748 = arith.constant 64 : index
    %get3A_1749 = tpu.vector_load %arg19[%get3A_1748] {strides = array<i32>} : memref<128xi32, #tpu.memory_space<vmem>>, vector<16xi32>,
    %gather3A_1750 = tpu.vector_load_idx %arg15[%get3A_1747] : memref<64xi32, #tpu.memory_space<vmem>>[vector<16xi32>], vector<16xi32>,
    %add3A_1751 = arith.addi %get3A_1749, %gather3A_1750 : vector<16xi32>
    %lt3A_1752 = arith.constant 256 : i32
    %lt3A_1753 = vector.broadcast %lt3A_1752 : i32 to vector<16xi32>
    %lt3A_1754 = arith.cmpi slt, %add3A_1751, %lt3A_1753 : vector<16xi32>
    %gather3A_1755 = tpu.vector_load_idx %arg16[%get3A_1747] : memref<64xi32, #tpu.memory_space<vmem>>[vector<16xi32>], vector<16xi32>,
    %mul3A_1756 = arith.constant 128 : i32
    %mul3A_1757 = vector.broadcast %mul3A_1756 : i32 to vector<16xi32>
    %mul3A_1758 = arith.muli %gather3A_1755, %mul3A_1757 : vector<16xi32>
    %jit3A_1759 = arith.constant 0 : i32
    %broadcast_in_dim3A_1760 = vector.broadcast %jit3A_1759 : i32 to vector<16xi32>
    %select_n3A_1761 = arith.select %lt3A_1754, %add3A_1751, %broadcast_in_dim3A_1760 : vector<16xi1>, vector<16xi32>
    %add3A_1762 = arith.addi %mul3A_1758, %select_n3A_1761 : vector<16xi32>
    %swap3A_1763 = arith.constant 64 : index
    %swap3A_1764 = tpu.vector_load %arg21[%swap3A_1763] {strides = array<i32>} : memref<128xi32, #tpu.memory_space<vmem>>, vector<16xi32>,
    tpu.vector_store %arg21[%swap3A_1763], %add3A_1762 {strides = array<i32>} : memref<128xi32, #tpu.memory_space<vmem>>, vector<16xi32>,
    %add3A_1765 = arith.addi %mul3A_1758, %add3A_1751 : vector<16xi32>
    %jit3A_1766 = arith.constant 12288 : i32
    %broadcast_in_dim3A_1767 = vector.broadcast %jit3A_1766 : i32 to vector<16xi32>
    %select_n3A_1768 = arith.select %lt3A_1754, %add3A_1765, %broadcast_in_dim3A_1767 : vector<16xi1>, vector<16xi32>
    %swap3A_1769 = arith.constant 64 : index
    %swap3A_1770 = tpu.vector_load %arg22[%swap3A_1769] {strides = array<i32>} : memref<128xi32, #tpu.memory_space<vmem>>, vector<16xi32>,
    tpu.vector_store %arg22[%swap3A_1769], %select_n3A_1768 {strides = array<i32>} : memref<128xi32, #tpu.memory_space<vmem>>, vector<16xi32>,
    %get3A_1771 = arith.constant 64 : index
    %get3A_1772 = tpu.vector_load %arg20[%get3A_1771] {strides = array<i32>} : memref<128xf32, #tpu.memory_space<vmem>>, vector<16xf32>,
    %jit3A_1773 = arith.constant 0.000000e+00 : f32
    %broadcast_in_dim3A_1774 = vector.broadcast %jit3A_1773 : f32 to vector<16xf32>
    %select_n3A_1775 = arith.select %lt3A_1754, %get3A_1772, %broadcast_in_dim3A_1774 : vector<16xi1>, vector<16xf32>
    %swap3A_1776 = arith.constant 64 : index
    %swap3A_1777 = tpu.vector_load %arg20[%swap3A_1776] {strides = array<i32>} : memref<128xf32, #tpu.memory_space<vmem>>, vector<16xf32>,
    tpu.vector_store %arg20[%swap3A_1776], %select_n3A_1775 {strides = array<i32>} : memref<128xf32, #tpu.memory_space<vmem>>, vector<16xf32>,
    %get3A_1778 = arith.constant 80 : index
    %get3A_1779 = tpu.vector_load %arg18[%get3A_1778] {strides = array<i32>} : memref<128xi32, #tpu.memory_space<vmem>>, vector<16xi32>,
    %get3A_1780 = arith.constant 80 : index
    %get3A_1781 = tpu.vector_load %arg19[%get3A_1780] {strides = array<i32>} : memref<128xi32, #tpu.memory_space<vmem>>, vector<16xi32>,
    %gather3A_1782 = tpu.vector_load_idx %arg15[%get3A_1779] : memref<64xi32, #tpu.memory_space<vmem>>[vector<16xi32>], vector<16xi32>,
    %add3A_1783 = arith.addi %get3A_1781, %gather3A_1782 : vector<16xi32>
    %lt3A_1784 = arith.constant 256 : i32
    %lt3A_1785 = vector.broadcast %lt3A_1784 : i32 to vector<16xi32>
    %lt3A_1786 = arith.cmpi slt, %add3A_1783, %lt3A_1785 : vector<16xi32>
    %gather3A_1787 = tpu.vector_load_idx %arg16[%get3A_1779] : memref<64xi32, #tpu.memory_space<vmem>>[vector<16xi32>], vector<16xi32>,
    %mul3A_1788 = arith.constant 128 : i32
    %mul3A_1789 = vector.broadcast %mul3A_1788 : i32 to vector<16xi32>
    %mul3A_1790 = arith.muli %gather3A_1787, %mul3A_1789 : vector<16xi32>
    %jit3A_1791 = arith.constant 0 : i32
    %broadcast_in_dim3A_1792 = vector.broadcast %jit3A_1791 : i32 to vector<16xi32>
    %select_n3A_1793 = arith.select %lt3A_1786, %add3A_1783, %broadcast_in_dim3A_1792 : vector<16xi1>, vector<16xi32>
    %add3A_1794 = arith.addi %mul3A_1790, %select_n3A_1793 : vector<16xi32>
    %swap3A_1795 = arith.constant 80 : index
    %swap3A_1796 = tpu.vector_load %arg21[%swap3A_1795] {strides = array<i32>} : memref<128xi32, #tpu.memory_space<vmem>>, vector<16xi32>,
    tpu.vector_store %arg21[%swap3A_1795], %add3A_1794 {strides = array<i32>} : memref<128xi32, #tpu.memory_space<vmem>>, vector<16xi32>,
    %add3A_1797 = arith.addi %mul3A_1790, %add3A_1783 : vector<16xi32>
    %jit3A_1798 = arith.constant 12288 : i32
    %broadcast_in_dim3A_1799 = vector.broadcast %jit3A_1798 : i32 to vector<16xi32>
    %select_n3A_1800 = arith.select %lt3A_1786, %add3A_1797, %broadcast_in_dim3A_1799 : vector<16xi1>, vector<16xi32>
    %swap3A_1801 = arith.constant 80 : index
    %swap3A_1802 = tpu.vector_load %arg22[%swap3A_1801] {strides = array<i32>} : memref<128xi32, #tpu.memory_space<vmem>>, vector<16xi32>,
    tpu.vector_store %arg22[%swap3A_1801], %select_n3A_1800 {strides = array<i32>} : memref<128xi32, #tpu.memory_space<vmem>>, vector<16xi32>,
    %get3A_1803 = arith.constant 80 : index
    %get3A_1804 = tpu.vector_load %arg20[%get3A_1803] {strides = array<i32>} : memref<128xf32, #tpu.memory_space<vmem>>, vector<16xf32>,
    %jit3A_1805 = arith.constant 0.000000e+00 : f32
    %broadcast_in_dim3A_1806 = vector.broadcast %jit3A_1805 : f32 to vector<16xf32>
    %select_n3A_1807 = arith.select %lt3A_1786, %get3A_1804, %broadcast_in_dim3A_1806 : vector<16xi1>, vector<16xf32>
    %swap3A_1808 = arith.constant 80 : index
    %swap3A_1809 = tpu.vector_load %arg20[%swap3A_1808] {strides = array<i32>} : memref<128xf32, #tpu.memory_space<vmem>>, vector<16xf32>,
    tpu.vector_store %arg20[%swap3A_1808], %select_n3A_1807 {strides = array<i32>} : memref<128xf32, #tpu.memory_space<vmem>>, vector<16xf32>,
    %get3A_1810 = arith.constant 96 : index
    %get3A_1811 = tpu.vector_load %arg18[%get3A_1810] {strides = array<i32>} : memref<128xi32, #tpu.memory_space<vmem>>, vector<16xi32>,
    %get3A_1812 = arith.constant 96 : index
    %get3A_1813 = tpu.vector_load %arg19[%get3A_1812] {strides = array<i32>} : memref<128xi32, #tpu.memory_space<vmem>>, vector<16xi32>,
    %gather3A_1814 = tpu.vector_load_idx %arg15[%get3A_1811] : memref<64xi32, #tpu.memory_space<vmem>>[vector<16xi32>], vector<16xi32>,
    %add3A_1815 = arith.addi %get3A_1813, %gather3A_1814 : vector<16xi32>
    %lt3A_1816 = arith.constant 256 : i32
    %lt3A_1817 = vector.broadcast %lt3A_1816 : i32 to vector<16xi32>
    %lt3A_1818 = arith.cmpi slt, %add3A_1815, %lt3A_1817 : vector<16xi32>
    %gather3A_1819 = tpu.vector_load_idx %arg16[%get3A_1811] : memref<64xi32, #tpu.memory_space<vmem>>[vector<16xi32>], vector<16xi32>,
    %mul3A_1820 = arith.constant 128 : i32
    %mul3A_1821 = vector.broadcast %mul3A_1820 : i32 to vector<16xi32>
    %mul3A_1822 = arith.muli %gather3A_1819, %mul3A_1821 : vector<16xi32>
    %jit3A_1823 = arith.constant 0 : i32
    %broadcast_in_dim3A_1824 = vector.broadcast %jit3A_1823 : i32 to vector<16xi32>
    %select_n3A_1825 = arith.select %lt3A_1818, %add3A_1815, %broadcast_in_dim3A_1824 : vector<16xi1>, vector<16xi32>
    %add3A_1826 = arith.addi %mul3A_1822, %select_n3A_1825 : vector<16xi32>
    %swap3A_1827 = arith.constant 96 : index
    %swap3A_1828 = tpu.vector_load %arg21[%swap3A_1827] {strides = array<i32>} : memref<128xi32, #tpu.memory_space<vmem>>, vector<16xi32>,
    tpu.vector_store %arg21[%swap3A_1827], %add3A_1826 {strides = array<i32>} : memref<128xi32, #tpu.memory_space<vmem>>, vector<16xi32>,
    %add3A_1829 = arith.addi %mul3A_1822, %add3A_1815 : vector<16xi32>
    %jit3A_1830 = arith.constant 12288 : i32
    %broadcast_in_dim3A_1831 = vector.broadcast %jit3A_1830 : i32 to vector<16xi32>
    %select_n3A_1832 = arith.select %lt3A_1818, %add3A_1829, %broadcast_in_dim3A_1831 : vector<16xi1>, vector<16xi32>
    %swap3A_1833 = arith.constant 96 : index
    %swap3A_1834 = tpu.vector_load %arg22[%swap3A_1833] {strides = array<i32>} : memref<128xi32, #tpu.memory_space<vmem>>, vector<16xi32>,
    tpu.vector_store %arg22[%swap3A_1833], %select_n3A_1832 {strides = array<i32>} : memref<128xi32, #tpu.memory_space<vmem>>, vector<16xi32>,
    %get3A_1835 = arith.constant 96 : index
    %get3A_1836 = tpu.vector_load %arg20[%get3A_1835] {strides = array<i32>} : memref<128xf32, #tpu.memory_space<vmem>>, vector<16xf32>,
    %jit3A_1837 = arith.constant 0.000000e+00 : f32
    %broadcast_in_dim3A_1838 = vector.broadcast %jit3A_1837 : f32 to vector<16xf32>
    %select_n3A_1839 = arith.select %lt3A_1818, %get3A_1836, %broadcast_in_dim3A_1838 : vector<16xi1>, vector<16xf32>
    %swap3A_1840 = arith.constant 96 : index
    %swap3A_1841 = tpu.vector_load %arg20[%swap3A_1840] {strides = array<i32>} : memref<128xf32, #tpu.memory_space<vmem>>, vector<16xf32>,
    tpu.vector_store %arg20[%swap3A_1840], %select_n3A_1839 {strides = array<i32>} : memref<128xf32, #tpu.memory_space<vmem>>, vector<16xf32>,
    %get3A_1842 = arith.constant 112 : index
    %get3A_1843 = tpu.vector_load %arg18[%get3A_1842] {strides = array<i32>} : memref<128xi32, #tpu.memory_space<vmem>>, vector<16xi32>,
    %get3A_1844 = arith.constant 112 : index
    %get3A_1845 = tpu.vector_load %arg19[%get3A_1844] {strides = array<i32>} : memref<128xi32, #tpu.memory_space<vmem>>, vector<16xi32>,
    %gather3A_1846 = tpu.vector_load_idx %arg15[%get3A_1843] : memref<64xi32, #tpu.memory_space<vmem>>[vector<16xi32>], vector<16xi32>,
    %add3A_1847 = arith.addi %get3A_1845, %gather3A_1846 : vector<16xi32>
    %lt3A_1848 = arith.constant 256 : i32
    %lt3A_1849 = vector.broadcast %lt3A_1848 : i32 to vector<16xi32>
    %lt3A_1850 = arith.cmpi slt, %add3A_1847, %lt3A_1849 : vector<16xi32>
    %gather3A_1851 = tpu.vector_load_idx %arg16[%get3A_1843] : memref<64xi32, #tpu.memory_space<vmem>>[vector<16xi32>], vector<16xi32>,
    %mul3A_1852 = arith.constant 128 : i32
    %mul3A_1853 = vector.broadcast %mul3A_1852 : i32 to vector<16xi32>
    %mul3A_1854 = arith.muli %gather3A_1851, %mul3A_1853 : vector<16xi32>
    %jit3A_1855 = arith.constant 0 : i32
    %broadcast_in_dim3A_1856 = vector.broadcast %jit3A_1855 : i32 to vector<16xi32>
    %select_n3A_1857 = arith.select %lt3A_1850, %add3A_1847, %broadcast_in_dim3A_1856 : vector<16xi1>, vector<16xi32>
    %add3A_1858 = arith.addi %mul3A_1854, %select_n3A_1857 : vector<16xi32>
    %swap3A_1859 = arith.constant 112 : index
    %swap3A_1860 = tpu.vector_load %arg21[%swap3A_1859] {strides = array<i32>} : memref<128xi32, #tpu.memory_space<vmem>>, vector<16xi32>,
    tpu.vector_store %arg21[%swap3A_1859], %add3A_1858 {strides = array<i32>} : memref<128xi32, #tpu.memory_space<vmem>>, vector<16xi32>,
    %add3A_1861 = arith.addi %mul3A_1854, %add3A_1847 : vector<16xi32>
    %jit3A_1862 = arith.constant 12288 : i32
    %broadcast_in_dim3A_1863 = vector.broadcast %jit3A_1862 : i32 to vector<16xi32>
    %select_n3A_1864 = arith.select %lt3A_1850, %add3A_1861, %broadcast_in_dim3A_1863 : vector<16xi1>, vector<16xi32>
    %swap3A_1865 = arith.constant 112 : index
    %swap3A_1866 = tpu.vector_load %arg22[%swap3A_1865] {strides = array<i32>} : memref<128xi32, #tpu.memory_space<vmem>>, vector<16xi32>,
    tpu.vector_store %arg22[%swap3A_1865], %select_n3A_1864 {strides = array<i32>} : memref<128xi32, #tpu.memory_space<vmem>>, vector<16xi32>,
    %get3A_1867 = arith.constant 112 : index
    %get3A_1868 = tpu.vector_load %arg20[%get3A_1867] {strides = array<i32>} : memref<128xf32, #tpu.memory_space<vmem>>, vector<16xf32>,
    %jit3A_1869 = arith.constant 0.000000e+00 : f32
    %broadcast_in_dim3A_1870 = vector.broadcast %jit3A_1869 : f32 to vector<16xf32>
    %select_n3A_1871 = arith.select %lt3A_1850, %get3A_1868, %broadcast_in_dim3A_1870 : vector<16xi1>, vector<16xf32>
    %swap3A_1872 = arith.constant 112 : index
    %swap3A_1873 = tpu.vector_load %arg20[%swap3A_1872] {strides = array<i32>} : memref<128xf32, #tpu.memory_space<vmem>>, vector<16xf32>,
    tpu.vector_store %arg20[%swap3A_1872], %select_n3A_1871 {strides = array<i32>} : memref<128xf32, #tpu.memory_space<vmem>>, vector<16xf32>,
    %iota3A_1874 = tpu.iota {dimensions = array<i32: 0>} : vector<16xi32>
    %add3A_1875 = arith.constant 0 : i32
    %add3A_1876 = vector.broadcast %add3A_1875 : i32 to vector<16xi32>
    %add3A_1877 = arith.addi %iota3A_1874, %add3A_1876 : vector<16xi32>
    %mul3A_1878 = arith.constant 2 : i32
    %mul3A_1879 = vector.broadcast %mul3A_1878 : i32 to vector<16xi32>
    %mul3A_1880 = arith.muli %add3A_1877, %mul3A_1879 : vector<16xi32>
    %gather3A_1881 = tpu.vector_load_idx %arg21[%mul3A_1880] : memref<128xi32, #tpu.memory_space<vmem>>[vector<16xi32>], vector<16xi32>,
    %swap3A_1882 = arith.constant 0 : index
    %swap3A_1883 = tpu.vector_load %arg23[%swap3A_1882] {strides = array<i32>} : memref<64xi32, #tpu.memory_space<vmem>>, vector<16xi32>,
    tpu.vector_store %arg23[%swap3A_1882], %gather3A_1881 {strides = array<i32>} : memref<64xi32, #tpu.memory_space<vmem>>, vector<16xi32>,
    %add3A_1884 = arith.constant 1 : i32
    %add3A_1885 = vector.broadcast %add3A_1884 : i32 to vector<16xi32>
    %add3A_1886 = arith.addi %mul3A_1880, %add3A_1885 : vector<16xi32>
    %gather3A_1887 = tpu.vector_load_idx %arg21[%add3A_1886] : memref<128xi32, #tpu.memory_space<vmem>>[vector<16xi32>], vector<16xi32>,
    %swap3A_1888 = arith.constant 0 : index
    %swap3A_1889 = tpu.vector_load %arg24[%swap3A_1888] {strides = array<i32>} : memref<64xi32, #tpu.memory_space<vmem>>, vector<16xi32>,
    tpu.vector_store %arg24[%swap3A_1888], %gather3A_1887 {strides = array<i32>} : memref<64xi32, #tpu.memory_space<vmem>>, vector<16xi32>,
    %gather3A_1890 = tpu.vector_load_idx %arg20[%mul3A_1880] : memref<128xf32, #tpu.memory_space<vmem>>[vector<16xi32>], vector<16xf32>,
    %swap3A_1891 = arith.constant 0 : index
    %swap3A_1892 = tpu.vector_load %arg25[%swap3A_1891] {strides = array<i32>} : memref<64xf32, #tpu.memory_space<vmem>>, vector<16xf32>,
    tpu.vector_store %arg25[%swap3A_1891], %gather3A_1890 {strides = array<i32>} : memref<64xf32, #tpu.memory_space<vmem>>, vector<16xf32>,
    %add3A_1893 = arith.constant 1 : i32
    %add3A_1894 = vector.broadcast %add3A_1893 : i32 to vector<16xi32>
    %add3A_1895 = arith.addi %mul3A_1880, %add3A_1894 : vector<16xi32>
    %gather3A_1896 = tpu.vector_load_idx %arg20[%add3A_1895] : memref<128xf32, #tpu.memory_space<vmem>>[vector<16xi32>], vector<16xf32>,
    %swap3A_1897 = arith.constant 0 : index
    %swap3A_1898 = tpu.vector_load %arg26[%swap3A_1897] {strides = array<i32>} : memref<64xf32, #tpu.memory_space<vmem>>, vector<16xf32>,
    tpu.vector_store %arg26[%swap3A_1897], %gather3A_1896 {strides = array<i32>} : memref<64xf32, #tpu.memory_space<vmem>>, vector<16xf32>,
    %gather3A_1899 = tpu.vector_load_idx %arg22[%mul3A_1880] : memref<128xi32, #tpu.memory_space<vmem>>[vector<16xi32>], vector<16xi32>,
    %swap3A_1900 = arith.constant 0 : index
    %swap3A_1901 = tpu.vector_load %arg27[%swap3A_1900] {strides = array<i32>} : memref<64xi32, #tpu.memory_space<vmem>>, vector<16xi32>,
    tpu.vector_store %arg27[%swap3A_1900], %gather3A_1899 {strides = array<i32>} : memref<64xi32, #tpu.memory_space<vmem>>, vector<16xi32>,
    %add3A_1902 = arith.constant 1 : i32
    %add3A_1903 = vector.broadcast %add3A_1902 : i32 to vector<16xi32>
    %add3A_1904 = arith.addi %mul3A_1880, %add3A_1903 : vector<16xi32>
    %gather3A_1905 = tpu.vector_load_idx %arg22[%add3A_1904] : memref<128xi32, #tpu.memory_space<vmem>>[vector<16xi32>], vector<16xi32>,
    %swap3A_1906 = arith.constant 0 : index
    %swap3A_1907 = tpu.vector_load %arg28[%swap3A_1906] {strides = array<i32>} : memref<64xi32, #tpu.memory_space<vmem>>, vector<16xi32>,
    tpu.vector_store %arg28[%swap3A_1906], %gather3A_1905 {strides = array<i32>} : memref<64xi32, #tpu.memory_space<vmem>>, vector<16xi32>,
    %iota3A_1908 = tpu.iota {dimensions = array<i32: 0>} : vector<16xi32>
    %add3A_1909 = arith.constant 16 : i32
    %add3A_1910 = vector.broadcast %add3A_1909 : i32 to vector<16xi32>
    %add3A_1911 = arith.addi %iota3A_1908, %add3A_1910 : vector<16xi32>
    %mul3A_1912 = arith.constant 2 : i32
    %mul3A_1913 = vector.broadcast %mul3A_1912 : i32 to vector<16xi32>
    %mul3A_1914 = arith.muli %add3A_1911, %mul3A_1913 : vector<16xi32>
    %gather3A_1915 = tpu.vector_load_idx %arg21[%mul3A_1914] : memref<128xi32, #tpu.memory_space<vmem>>[vector<16xi32>], vector<16xi32>,
    %swap3A_1916 = arith.constant 16 : index
    %swap3A_1917 = tpu.vector_load %arg23[%swap3A_1916] {strides = array<i32>} : memref<64xi32, #tpu.memory_space<vmem>>, vector<16xi32>,
    tpu.vector_store %arg23[%swap3A_1916], %gather3A_1915 {strides = array<i32>} : memref<64xi32, #tpu.memory_space<vmem>>, vector<16xi32>,
    %add3A_1918 = arith.constant 1 : i32
    %add3A_1919 = vector.broadcast %add3A_1918 : i32 to vector<16xi32>
    %add3A_1920 = arith.addi %mul3A_1914, %add3A_1919 : vector<16xi32>
    %gather3A_1921 = tpu.vector_load_idx %arg21[%add3A_1920] : memref<128xi32, #tpu.memory_space<vmem>>[vector<16xi32>], vector<16xi32>,
    %swap3A_1922 = arith.constant 16 : index
    %swap3A_1923 = tpu.vector_load %arg24[%swap3A_1922] {strides = array<i32>} : memref<64xi32, #tpu.memory_space<vmem>>, vector<16xi32>,
    tpu.vector_store %arg24[%swap3A_1922], %gather3A_1921 {strides = array<i32>} : memref<64xi32, #tpu.memory_space<vmem>>, vector<16xi32>,
    %gather3A_1924 = tpu.vector_load_idx %arg20[%mul3A_1914] : memref<128xf32, #tpu.memory_space<vmem>>[vector<16xi32>], vector<16xf32>,
    %swap3A_1925 = arith.constant 16 : index
    %swap3A_1926 = tpu.vector_load %arg25[%swap3A_1925] {strides = array<i32>} : memref<64xf32, #tpu.memory_space<vmem>>, vector<16xf32>,
    tpu.vector_store %arg25[%swap3A_1925], %gather3A_1924 {strides = array<i32>} : memref<64xf32, #tpu.memory_space<vmem>>, vector<16xf32>,
    %add3A_1927 = arith.constant 1 : i32
    %add3A_1928 = vector.broadcast %add3A_1927 : i32 to vector<16xi32>
    %add3A_1929 = arith.addi %mul3A_1914, %add3A_1928 : vector<16xi32>
    %gather3A_1930 = tpu.vector_load_idx %arg20[%add3A_1929] : memref<128xf32, #tpu.memory_space<vmem>>[vector<16xi32>], vector<16xf32>,
    %swap3A_1931 = arith.constant 16 : index
    %swap3A_1932 = tpu.vector_load %arg26[%swap3A_1931] {strides = array<i32>} : memref<64xf32, #tpu.memory_space<vmem>>, vector<16xf32>,
    tpu.vector_store %arg26[%swap3A_1931], %gather3A_1930 {strides = array<i32>} : memref<64xf32, #tpu.memory_space<vmem>>, vector<16xf32>,
    %gather3A_1933 = tpu.vector_load_idx %arg22[%mul3A_1914] : memref<128xi32, #tpu.memory_space<vmem>>[vector<16xi32>], vector<16xi32>,
    %swap3A_1934 = arith.constant 16 : index
    %swap3A_1935 = tpu.vector_load %arg27[%swap3A_1934] {strides = array<i32>} : memref<64xi32, #tpu.memory_space<vmem>>, vector<16xi32>,
    tpu.vector_store %arg27[%swap3A_1934], %gather3A_1933 {strides = array<i32>} : memref<64xi32, #tpu.memory_space<vmem>>, vector<16xi32>,
    %add3A_1936 = arith.constant 1 : i32
    %add3A_1937 = vector.broadcast %add3A_1936 : i32 to vector<16xi32>
    %add3A_1938 = arith.addi %mul3A_1914, %add3A_1937 : vector<16xi32>
    %gather3A_1939 = tpu.vector_load_idx %arg22[%add3A_1938] : memref<128xi32, #tpu.memory_space<vmem>>[vector<16xi32>], vector<16xi32>,
    %swap3A_1940 = arith.constant 16 : index
    %swap3A_1941 = tpu.vector_load %arg28[%swap3A_1940] {strides = array<i32>} : memref<64xi32, #tpu.memory_space<vmem>>, vector<16xi32>,
    tpu.vector_store %arg28[%swap3A_1940], %gather3A_1939 {strides = array<i32>} : memref<64xi32, #tpu.memory_space<vmem>>, vector<16xi32>,
    %iota3A_1942 = tpu.iota {dimensions = array<i32: 0>} : vector<16xi32>
    %add3A_1943 = arith.constant 32 : i32
    %add3A_1944 = vector.broadcast %add3A_1943 : i32 to vector<16xi32>
    %add3A_1945 = arith.addi %iota3A_1942, %add3A_1944 : vector<16xi32>
    %mul3A_1946 = arith.constant 2 : i32
    %mul3A_1947 = vector.broadcast %mul3A_1946 : i32 to vector<16xi32>
    %mul3A_1948 = arith.muli %add3A_1945, %mul3A_1947 : vector<16xi32>
    %gather3A_1949 = tpu.vector_load_idx %arg21[%mul3A_1948] : memref<128xi32, #tpu.memory_space<vmem>>[vector<16xi32>], vector<16xi32>,
    %swap3A_1950 = arith.constant 32 : index
    %swap3A_1951 = tpu.vector_load %arg23[%swap3A_1950] {strides = array<i32>} : memref<64xi32, #tpu.memory_space<vmem>>, vector<16xi32>,
    tpu.vector_store %arg23[%swap3A_1950], %gather3A_1949 {strides = array<i32>} : memref<64xi32, #tpu.memory_space<vmem>>, vector<16xi32>,
    %add3A_1952 = arith.constant 1 : i32
    %add3A_1953 = vector.broadcast %add3A_1952 : i32 to vector<16xi32>
    %add3A_1954 = arith.addi %mul3A_1948, %add3A_1953 : vector<16xi32>
    %gather3A_1955 = tpu.vector_load_idx %arg21[%add3A_1954] : memref<128xi32, #tpu.memory_space<vmem>>[vector<16xi32>], vector<16xi32>,
    %swap3A_1956 = arith.constant 32 : index
    %swap3A_1957 = tpu.vector_load %arg24[%swap3A_1956] {strides = array<i32>} : memref<64xi32, #tpu.memory_space<vmem>>, vector<16xi32>,
    tpu.vector_store %arg24[%swap3A_1956], %gather3A_1955 {strides = array<i32>} : memref<64xi32, #tpu.memory_space<vmem>>, vector<16xi32>,
    %gather3A_1958 = tpu.vector_load_idx %arg20[%mul3A_1948] : memref<128xf32, #tpu.memory_space<vmem>>[vector<16xi32>], vector<16xf32>,
    %swap3A_1959 = arith.constant 32 : index
    %swap3A_1960 = tpu.vector_load %arg25[%swap3A_1959] {strides = array<i32>} : memref<64xf32, #tpu.memory_space<vmem>>, vector<16xf32>,
    tpu.vector_store %arg25[%swap3A_1959], %gather3A_1958 {strides = array<i32>} : memref<64xf32, #tpu.memory_space<vmem>>, vector<16xf32>,
    %add3A_1961 = arith.constant 1 : i32
    %add3A_1962 = vector.broadcast %add3A_1961 : i32 to vector<16xi32>
    %add3A_1963 = arith.addi %mul3A_1948, %add3A_1962 : vector<16xi32>
    %gather3A_1964 = tpu.vector_load_idx %arg20[%add3A_1963] : memref<128xf32, #tpu.memory_space<vmem>>[vector<16xi32>], vector<16xf32>,
    %swap3A_1965 = arith.constant 32 : index
    %swap3A_1966 = tpu.vector_load %arg26[%swap3A_1965] {strides = array<i32>} : memref<64xf32, #tpu.memory_space<vmem>>, vector<16xf32>,
    tpu.vector_store %arg26[%swap3A_1965], %gather3A_1964 {strides = array<i32>} : memref<64xf32, #tpu.memory_space<vmem>>, vector<16xf32>,
    %gather3A_1967 = tpu.vector_load_idx %arg22[%mul3A_1948] : memref<128xi32, #tpu.memory_space<vmem>>[vector<16xi32>], vector<16xi32>,
    %swap3A_1968 = arith.constant 32 : index
    %swap3A_1969 = tpu.vector_load %arg27[%swap3A_1968] {strides = array<i32>} : memref<64xi32, #tpu.memory_space<vmem>>, vector<16xi32>,
    tpu.vector_store %arg27[%swap3A_1968], %gather3A_1967 {strides = array<i32>} : memref<64xi32, #tpu.memory_space<vmem>>, vector<16xi32>,
    %add3A_1970 = arith.constant 1 : i32
    %add3A_1971 = vector.broadcast %add3A_1970 : i32 to vector<16xi32>
    %add3A_1972 = arith.addi %mul3A_1948, %add3A_1971 : vector<16xi32>
    %gather3A_1973 = tpu.vector_load_idx %arg22[%add3A_1972] : memref<128xi32, #tpu.memory_space<vmem>>[vector<16xi32>], vector<16xi32>,
    %swap3A_1974 = arith.constant 32 : index
    %swap3A_1975 = tpu.vector_load %arg28[%swap3A_1974] {strides = array<i32>} : memref<64xi32, #tpu.memory_space<vmem>>, vector<16xi32>,
    tpu.vector_store %arg28[%swap3A_1974], %gather3A_1973 {strides = array<i32>} : memref<64xi32, #tpu.memory_space<vmem>>, vector<16xi32>,
    %iota3A_1976 = tpu.iota {dimensions = array<i32: 0>} : vector<16xi32>
    %add3A_1977 = arith.constant 48 : i32
    %add3A_1978 = vector.broadcast %add3A_1977 : i32 to vector<16xi32>
    %add3A_1979 = arith.addi %iota3A_1976, %add3A_1978 : vector<16xi32>
    %mul3A_1980 = arith.constant 2 : i32
    %mul3A_1981 = vector.broadcast %mul3A_1980 : i32 to vector<16xi32>
    %mul3A_1982 = arith.muli %add3A_1979, %mul3A_1981 : vector<16xi32>
    %gather3A_1983 = tpu.vector_load_idx %arg21[%mul3A_1982] : memref<128xi32, #tpu.memory_space<vmem>>[vector<16xi32>], vector<16xi32>,
    %swap3A_1984 = arith.constant 48 : index
    %swap3A_1985 = tpu.vector_load %arg23[%swap3A_1984] {strides = array<i32>} : memref<64xi32, #tpu.memory_space<vmem>>, vector<16xi32>,
    tpu.vector_store %arg23[%swap3A_1984], %gather3A_1983 {strides = array<i32>} : memref<64xi32, #tpu.memory_space<vmem>>, vector<16xi32>,
    %add3A_1986 = arith.constant 1 : i32
    %add3A_1987 = vector.broadcast %add3A_1986 : i32 to vector<16xi32>
    %add3A_1988 = arith.addi %mul3A_1982, %add3A_1987 : vector<16xi32>
    %gather3A_1989 = tpu.vector_load_idx %arg21[%add3A_1988] : memref<128xi32, #tpu.memory_space<vmem>>[vector<16xi32>], vector<16xi32>,
    %swap3A_1990 = arith.constant 48 : index
    %swap3A_1991 = tpu.vector_load %arg24[%swap3A_1990] {strides = array<i32>} : memref<64xi32, #tpu.memory_space<vmem>>, vector<16xi32>,
    tpu.vector_store %arg24[%swap3A_1990], %gather3A_1989 {strides = array<i32>} : memref<64xi32, #tpu.memory_space<vmem>>, vector<16xi32>,
    %gather3A_1992 = tpu.vector_load_idx %arg20[%mul3A_1982] : memref<128xf32, #tpu.memory_space<vmem>>[vector<16xi32>], vector<16xf32>,
    %swap3A_1993 = arith.constant 48 : index
    %swap3A_1994 = tpu.vector_load %arg25[%swap3A_1993] {strides = array<i32>} : memref<64xf32, #tpu.memory_space<vmem>>, vector<16xf32>,
    tpu.vector_store %arg25[%swap3A_1993], %gather3A_1992 {strides = array<i32>} : memref<64xf32, #tpu.memory_space<vmem>>, vector<16xf32>,
    %add3A_1995 = arith.constant 1 : i32
    %add3A_1996 = vector.broadcast %add3A_1995 : i32 to vector<16xi32>
    %add3A_1997 = arith.addi %mul3A_1982, %add3A_1996 : vector<16xi32>
    %gather3A_1998 = tpu.vector_load_idx %arg20[%add3A_1997] : memref<128xf32, #tpu.memory_space<vmem>>[vector<16xi32>], vector<16xf32>,
    %swap3A_1999 = arith.constant 48 : index
    %swap3A_2000 = tpu.vector_load %arg26[%swap3A_1999] {strides = array<i32>} : memref<64xf32, #tpu.memory_space<vmem>>, vector<16xf32>,
    tpu.vector_store %arg26[%swap3A_1999], %gather3A_1998 {strides = array<i32>} : memref<64xf32, #tpu.memory_space<vmem>>, vector<16xf32>,
    %gather3A_2001 = tpu.vector_load_idx %arg22[%mul3A_1982] : memref<128xi32, #tpu.memory_space<vmem>>[vector<16xi32>], vector<16xi32>,
    %swap3A_2002 = arith.constant 48 : index
    %swap3A_2003 = tpu.vector_load %arg27[%swap3A_2002] {strides = array<i32>} : memref<64xi32, #tpu.memory_space<vmem>>, vector<16xi32>,
    tpu.vector_store %arg27[%swap3A_2002], %gather3A_2001 {strides = array<i32>} : memref<64xi32, #tpu.memory_space<vmem>>, vector<16xi32>,
    %add3A_2004 = arith.constant 1 : i32
    %add3A_2005 = vector.broadcast %add3A_2004 : i32 to vector<16xi32>
    %add3A_2006 = arith.addi %mul3A_1982, %add3A_2005 : vector<16xi32>
    %gather3A_2007 = tpu.vector_load_idx %arg22[%add3A_2006] : memref<128xi32, #tpu.memory_space<vmem>>[vector<16xi32>], vector<16xi32>,
    %swap3A_2008 = arith.constant 48 : index
    %swap3A_2009 = tpu.vector_load %arg28[%swap3A_2008] {strides = array<i32>} : memref<64xi32, #tpu.memory_space<vmem>>, vector<16xi32>,
    tpu.vector_store %arg28[%swap3A_2008], %gather3A_2007 {strides = array<i32>} : memref<64xi32, #tpu.memory_space<vmem>>, vector<16xi32>,
    "tpu.region"() ({
      %run_scoped3A = tpu.sem_alloc : memref<!tpu.dma_semaphore, #tpu.memory_space<semaphore_mem>>
      %dma_start3A_2020 = tpu.memref_slice %arg8[%mul3A_4] : memref<2048xi32, #tpu.memory_space<hbm>> -> memref<64xi32, #tpu.memory_space<hbm>>
      %dma_start3A_2021 = tpu.memref_slice %arg8[%mul3A_4] : memref<2048xi32, #tpu.memory_space<hbm>> -> memref<64xi32, #tpu.memory_space<hbm>>
      tpu.enqueue_dma source(%arg23 : memref<64xi32, #tpu.memory_space<vmem>>) target(%dma_start3A_2021 : memref<64xi32, #tpu.memory_space<hbm>>) target_semaphore(%run_scoped3A : memref<!tpu.dma_semaphore, #tpu.memory_space<semaphore_mem>>)
      %dma_wait3A_2022 = tpu.memref_slice %arg8[%mul3A_4] : memref<2048xi32, #tpu.memory_space<hbm>> -> memref<64xi32, #tpu.memory_space<hbm>>
      %dma_wait3A_2023 = tpu.memref_slice %arg8[%mul3A_4] : memref<2048xi32, #tpu.memory_space<hbm>> -> memref<64xi32, #tpu.memory_space<hbm>>
      tpu.wait_dma2 semaphore(%run_scoped3A : memref<!tpu.dma_semaphore, #tpu.memory_space<semaphore_mem>>) src(%arg23 : memref<64xi32, #tpu.memory_space<vmem>>) dst(%dma_wait3A_2023 : memref<64xi32, #tpu.memory_space<hbm>>)
      tpu.yield
    }) : () -> ()
    "tpu.region"() ({
      %run_scoped3A = tpu.sem_alloc : memref<!tpu.dma_semaphore, #tpu.memory_space<semaphore_mem>>
      %dma_start3A_2020 = tpu.memref_slice %arg9[%mul3A_4] : memref<2048xi32, #tpu.memory_space<hbm>> -> memref<64xi32, #tpu.memory_space<hbm>>
      %dma_start3A_2021 = tpu.memref_slice %arg9[%mul3A_4] : memref<2048xi32, #tpu.memory_space<hbm>> -> memref<64xi32, #tpu.memory_space<hbm>>
      tpu.enqueue_dma source(%arg24 : memref<64xi32, #tpu.memory_space<vmem>>) target(%dma_start3A_2021 : memref<64xi32, #tpu.memory_space<hbm>>) target_semaphore(%run_scoped3A : memref<!tpu.dma_semaphore, #tpu.memory_space<semaphore_mem>>)
      %dma_wait3A_2022 = tpu.memref_slice %arg9[%mul3A_4] : memref<2048xi32, #tpu.memory_space<hbm>> -> memref<64xi32, #tpu.memory_space<hbm>>
      %dma_wait3A_2023 = tpu.memref_slice %arg9[%mul3A_4] : memref<2048xi32, #tpu.memory_space<hbm>> -> memref<64xi32, #tpu.memory_space<hbm>>
      tpu.wait_dma2 semaphore(%run_scoped3A : memref<!tpu.dma_semaphore, #tpu.memory_space<semaphore_mem>>) src(%arg24 : memref<64xi32, #tpu.memory_space<vmem>>) dst(%dma_wait3A_2023 : memref<64xi32, #tpu.memory_space<hbm>>)
      tpu.yield
    }) : () -> ()
    "tpu.region"() ({
      %run_scoped3A = tpu.sem_alloc : memref<!tpu.dma_semaphore, #tpu.memory_space<semaphore_mem>>
      %dma_start3A_2020 = tpu.memref_slice %arg10[%mul3A_4] : memref<2048xf32, #tpu.memory_space<hbm>> -> memref<64xf32, #tpu.memory_space<hbm>>
      %dma_start3A_2021 = tpu.memref_slice %arg10[%mul3A_4] : memref<2048xf32, #tpu.memory_space<hbm>> -> memref<64xf32, #tpu.memory_space<hbm>>
      tpu.enqueue_dma source(%arg25 : memref<64xf32, #tpu.memory_space<vmem>>) target(%dma_start3A_2021 : memref<64xf32, #tpu.memory_space<hbm>>) target_semaphore(%run_scoped3A : memref<!tpu.dma_semaphore, #tpu.memory_space<semaphore_mem>>)
      %dma_wait3A_2022 = tpu.memref_slice %arg10[%mul3A_4] : memref<2048xf32, #tpu.memory_space<hbm>> -> memref<64xf32, #tpu.memory_space<hbm>>
      %dma_wait3A_2023 = tpu.memref_slice %arg10[%mul3A_4] : memref<2048xf32, #tpu.memory_space<hbm>> -> memref<64xf32, #tpu.memory_space<hbm>>
      tpu.wait_dma2 semaphore(%run_scoped3A : memref<!tpu.dma_semaphore, #tpu.memory_space<semaphore_mem>>) src(%arg25 : memref<64xf32, #tpu.memory_space<vmem>>) dst(%dma_wait3A_2023 : memref<64xf32, #tpu.memory_space<hbm>>)
      tpu.yield
    }) : () -> ()
    "tpu.region"() ({
      %run_scoped3A = tpu.sem_alloc : memref<!tpu.dma_semaphore, #tpu.memory_space<semaphore_mem>>
      %dma_start3A_2020 = tpu.memref_slice %arg11[%mul3A_4] : memref<2048xf32, #tpu.memory_space<hbm>> -> memref<64xf32, #tpu.memory_space<hbm>>
      %dma_start3A_2021 = tpu.memref_slice %arg11[%mul3A_4] : memref<2048xf32, #tpu.memory_space<hbm>> -> memref<64xf32, #tpu.memory_space<hbm>>
      tpu.enqueue_dma source(%arg26 : memref<64xf32, #tpu.memory_space<vmem>>) target(%dma_start3A_2021 : memref<64xf32, #tpu.memory_space<hbm>>) target_semaphore(%run_scoped3A : memref<!tpu.dma_semaphore, #tpu.memory_space<semaphore_mem>>)
      %dma_wait3A_2022 = tpu.memref_slice %arg11[%mul3A_4] : memref<2048xf32, #tpu.memory_space<hbm>> -> memref<64xf32, #tpu.memory_space<hbm>>
      %dma_wait3A_2023 = tpu.memref_slice %arg11[%mul3A_4] : memref<2048xf32, #tpu.memory_space<hbm>> -> memref<64xf32, #tpu.memory_space<hbm>>
      tpu.wait_dma2 semaphore(%run_scoped3A : memref<!tpu.dma_semaphore, #tpu.memory_space<semaphore_mem>>) src(%arg26 : memref<64xf32, #tpu.memory_space<vmem>>) dst(%dma_wait3A_2023 : memref<64xf32, #tpu.memory_space<hbm>>)
      tpu.yield
    }) : () -> ()
    "tpu.region"() ({
      %run_scoped3A = tpu.sem_alloc : memref<!tpu.dma_semaphore, #tpu.memory_space<semaphore_mem>>
      %dma_start3A_2020 = arith.constant 0 : i32
      %dma_start3A_2021 = tpu.memref_slice %arg6[%mul3A_4, %dma_start3A_2020] : memref<2048x512xi32, #tpu.memory_space<hbm>> -> memref<64x512xi32, #tpu.memory_space<hbm>>
      %dma_start3A_2022 = arith.constant 0 : i32
      %dma_start3A_2023 = tpu.memref_slice %arg6[%mul3A_4, %dma_start3A_2022] : memref<2048x512xi32, #tpu.memory_space<hbm>> -> memref<64x512xi32, #tpu.memory_space<hbm>>
      tpu.enqueue_dma source(%dma_start3A_2023 : memref<64x512xi32, #tpu.memory_space<hbm>>) target(%arg29 : memref<64x512xi32, #tpu.memory_space<vmem>>) target_semaphore(%run_scoped3A : memref<!tpu.dma_semaphore, #tpu.memory_space<semaphore_mem>>)
      %dma_wait3A_2024 = arith.constant 0 : i32
      %dma_wait3A_2025 = tpu.memref_slice %arg6[%mul3A_4, %dma_wait3A_2024] : memref<2048x512xi32, #tpu.memory_space<hbm>> -> memref<64x512xi32, #tpu.memory_space<hbm>>
      %dma_wait3A_2026 = arith.constant 0 : i32
      %dma_wait3A_2027 = tpu.memref_slice %arg6[%mul3A_4, %dma_wait3A_2026] : memref<2048x512xi32, #tpu.memory_space<hbm>> -> memref<64x512xi32, #tpu.memory_space<hbm>>
      tpu.wait_dma2 semaphore(%run_scoped3A : memref<!tpu.dma_semaphore, #tpu.memory_space<semaphore_mem>>) src(%dma_wait3A_2027 : memref<64x512xi32, #tpu.memory_space<hbm>>) dst(%arg29 : memref<64x512xi32, #tpu.memory_space<vmem>>)
      tpu.yield
    }) : () -> ()
    %dma_start3A = arith.constant 0 : i32
    %dma_start3A_2010 = arith.constant 0 : i32
    %dma_start3A_2011 = tpu.memref_slice %arg7[%dma_start3A, %dma_start3A_2010] : memref<12416x512xi32, #tpu.memory_space<hbm>> -> memref<12416x512xi32, #tpu.memory_space<hbm>>
    tpu.enqueue_indirect_dma source(%arg29 : memref<64x512xi32, #tpu.memory_space<vmem>>) target(%dma_start3A_2011 : memref<12416x512xi32, #tpu.memory_space<hbm>>) offsets(%arg27 : memref<64xi32, #tpu.memory_space<vmem>>) semaphore(%arg31 : memref<!tpu.dma_semaphore, #tpu.memory_space<semaphore_mem>>)
    %dma_start3A_2012 = arith.constant 0 : i32
    %dma_start3A_2013 = arith.constant 0 : i32
    %dma_start3A_2014 = tpu.memref_slice %arg7[%dma_start3A_2012, %dma_start3A_2013] : memref<12416x512xi32, #tpu.memory_space<hbm>> -> memref<12416x512xi32, #tpu.memory_space<hbm>>
    tpu.enqueue_indirect_dma source(%arg29 : memref<64x512xi32, #tpu.memory_space<vmem>>) target(%dma_start3A_2014 : memref<12416x512xi32, #tpu.memory_space<hbm>>) offsets(%arg28 : memref<64xi32, #tpu.memory_space<vmem>>) semaphore(%arg31 : memref<!tpu.dma_semaphore, #tpu.memory_space<semaphore_mem>>)
    %dma_wait3A = arith.constant 0 : i32
    %dma_wait3A_2015 = arith.constant 0 : i32
    %dma_wait3A_2016 = tpu.memref_slice %arg7[%dma_wait3A, %dma_wait3A_2015] : memref<12416x512xi32, #tpu.memory_space<hbm>> -> memref<12416x512xi32, #tpu.memory_space<hbm>>
    tpu.wait_indirect_dma semaphore(%arg31 : memref<!tpu.dma_semaphore, #tpu.memory_space<semaphore_mem>>) src(%arg29 : memref<64x512xi32, #tpu.memory_space<vmem>>) dst(%dma_wait3A_2016 : memref<12416x512xi32, #tpu.memory_space<hbm>>)
    %dma_wait3A_2017 = arith.constant 0 : i32
    %dma_wait3A_2018 = arith.constant 0 : i32
    %dma_wait3A_2019 = tpu.memref_slice %arg7[%dma_wait3A_2017, %dma_wait3A_2018] : memref<12416x512xi32, #tpu.memory_space<hbm>> -> memref<12416x512xi32, #tpu.memory_space<hbm>>
    tpu.wait_indirect_dma semaphore(%arg31 : memref<!tpu.dma_semaphore, #tpu.memory_space<semaphore_mem>>) src(%arg29 : memref<64x512xi32, #tpu.memory_space<vmem>>) dst(%dma_wait3A_2019 : memref<12416x512xi32, #tpu.memory_space<hbm>>)
    return
  }
}

#map = affine_map<(d0, d1) -> (0)>
#map1 = affine_map<(d0, d1) -> (0, 0)>
module attributes {stable_mosaic.version = 14 : i64} {
  func.func @_rank_body(%arg0: i32, %arg1: i32, %arg2: memref<4096xi32, #tpu.memory_space<hbm>>, %arg3: memref<4096xi32, #tpu.memory_space<hbm>>, %arg4: memref<32x64xi32, #tpu.memory_space<hbm>>, %arg5: memref<128xi32, #tpu.memory_space<vmem>>, %arg6: memref<128xi32, #tpu.memory_space<vmem>>, %arg7: memref<64xi32, #tpu.memory_space<vmem>>) attributes {dimension_semantics = [#tpu.dimension_semantics<core_parallel>, #tpu.dimension_semantics<subcore_parallel>], iteration_bounds = array<i64: 2, 16>, scalar_prefetch = 0 : i64, scratch_operands = 3 : i64, tpu.core_type = #tpu.core_type<sc_vector_subcore>, window_params = [{transform_indices = #map}, {transform_indices = #map}, {transform_indices = #map1}]} {
    %mul3A = arith.constant 2 : i32
    %mul3A_0 = arith.muli %arg1, %mul3A : i32
    %add3A = arith.addi %mul3A_0, %arg0 : i32
    %mul3A_1 = arith.constant 128 : i32
    %mul3A_2 = arith.muli %add3A, %mul3A_1 : i32
    "tpu.region"() ({
      %run_scoped3A = tpu.sem_alloc : memref<!tpu.dma_semaphore, #tpu.memory_space<semaphore_mem>>
      %dma_start3A = tpu.memref_slice %arg2[%mul3A_2] : memref<4096xi32, #tpu.memory_space<hbm>> -> memref<128xi32, #tpu.memory_space<hbm>>
      %dma_start3A_146 = tpu.memref_slice %arg2[%mul3A_2] : memref<4096xi32, #tpu.memory_space<hbm>> -> memref<128xi32, #tpu.memory_space<hbm>>
      tpu.enqueue_dma source(%dma_start3A_146 : memref<128xi32, #tpu.memory_space<hbm>>) target(%arg5 : memref<128xi32, #tpu.memory_space<vmem>>) target_semaphore(%run_scoped3A : memref<!tpu.dma_semaphore, #tpu.memory_space<semaphore_mem>>)
      %dma_wait3A = tpu.memref_slice %arg2[%mul3A_2] : memref<4096xi32, #tpu.memory_space<hbm>> -> memref<128xi32, #tpu.memory_space<hbm>>
      %dma_wait3A_147 = tpu.memref_slice %arg2[%mul3A_2] : memref<4096xi32, #tpu.memory_space<hbm>> -> memref<128xi32, #tpu.memory_space<hbm>>
      tpu.wait_dma2 semaphore(%run_scoped3A : memref<!tpu.dma_semaphore, #tpu.memory_space<semaphore_mem>>) src(%dma_wait3A_147 : memref<128xi32, #tpu.memory_space<hbm>>) dst(%arg5 : memref<128xi32, #tpu.memory_space<vmem>>)
      tpu.yield
    }) : () -> ()
    %broadcast_in_dim3A = arith.constant 0 : i32
    %broadcast_in_dim3A_3 = vector.broadcast %broadcast_in_dim3A : i32 to vector<16xi32>
    %swap3A = arith.constant 0 : index
    %swap3A_4 = tpu.vector_load %arg7[%swap3A] {strides = array<i32>} : memref<64xi32, #tpu.memory_space<vmem>>, vector<16xi32>,
    tpu.vector_store %arg7[%swap3A], %broadcast_in_dim3A_3 {strides = array<i32>} : memref<64xi32, #tpu.memory_space<vmem>>, vector<16xi32>,
    %broadcast_in_dim3A_5 = arith.constant 0 : i32
    %broadcast_in_dim3A_6 = vector.broadcast %broadcast_in_dim3A_5 : i32 to vector<16xi32>
    %swap3A_7 = arith.constant 16 : index
    %swap3A_8 = tpu.vector_load %arg7[%swap3A_7] {strides = array<i32>} : memref<64xi32, #tpu.memory_space<vmem>>, vector<16xi32>,
    tpu.vector_store %arg7[%swap3A_7], %broadcast_in_dim3A_6 {strides = array<i32>} : memref<64xi32, #tpu.memory_space<vmem>>, vector<16xi32>,
    %broadcast_in_dim3A_9 = arith.constant 0 : i32
    %broadcast_in_dim3A_10 = vector.broadcast %broadcast_in_dim3A_9 : i32 to vector<16xi32>
    %swap3A_11 = arith.constant 32 : index
    %swap3A_12 = tpu.vector_load %arg7[%swap3A_11] {strides = array<i32>} : memref<64xi32, #tpu.memory_space<vmem>>, vector<16xi32>,
    tpu.vector_store %arg7[%swap3A_11], %broadcast_in_dim3A_10 {strides = array<i32>} : memref<64xi32, #tpu.memory_space<vmem>>, vector<16xi32>,
    %broadcast_in_dim3A_13 = arith.constant 0 : i32
    %broadcast_in_dim3A_14 = vector.broadcast %broadcast_in_dim3A_13 : i32 to vector<16xi32>
    %swap3A_15 = arith.constant 48 : index
    %swap3A_16 = tpu.vector_load %arg7[%swap3A_15] {strides = array<i32>} : memref<64xi32, #tpu.memory_space<vmem>>, vector<16xi32>,
    tpu.vector_store %arg7[%swap3A_15], %broadcast_in_dim3A_14 {strides = array<i32>} : memref<64xi32, #tpu.memory_space<vmem>>, vector<16xi32>,
    %broadcast_in_dim3A_17 = arith.constant 0 : i32
    %broadcast_in_dim3A_18 = vector.broadcast %broadcast_in_dim3A_17 : i32 to vector<16xi32>
    %broadcast_in_dim3A_19 = arith.constant true
    %broadcast_in_dim3A_20 = vector.broadcast %broadcast_in_dim3A_19 : i1 to vector<16xi1>
    %unique3A, %unique3A_21 = tpu.scan_count mask(%broadcast_in_dim3A_20 : vector<16xi1>) value(%broadcast_in_dim3A_18 : vector<16xi32>) : vector<16xi1>, vector<16xi32>
    %reduce_min3A = arith.constant true
    %reduce_min3A_22 = vector.broadcast %reduce_min3A : i1 to vector<16xi1>
    %reduce_min3A_23 = arith.constant -2147483648 : i32
    %reduce_min3A_24 = vector.broadcast %reduce_min3A_23 : i32 to vector<16xi32>
    %reduce_min3A_25 = arith.xori %unique3A_21, %reduce_min3A_24 : vector<16xi32>
    %reduce_min3A_26 = tpu.scan <min>, %reduce_min3A_25 masked %reduce_min3A_22 : vector<16xi32>, vector<16xi1> -> vector<16xi32>
    %reduce_min3A_27 = arith.xori %reduce_min3A_26, %reduce_min3A_24 : vector<16xi32>
    %reduce_min3A_28 = vector.extract %reduce_min3A_27[15] : i32 from vector<16xi32>
    %get3A = arith.constant 0 : index
    %get3A_29 = tpu.vector_load %arg5[%get3A] {strides = array<i32>} : memref<128xi32, #tpu.memory_space<vmem>>, vector<16xi32>,
    %broadcast_in_dim3A_30 = arith.constant true
    %broadcast_in_dim3A_31 = vector.broadcast %broadcast_in_dim3A_30 : i1 to vector<16xi1>
    %unique3A_32, %unique3A_33 = tpu.scan_count mask(%broadcast_in_dim3A_31 : vector<16xi1>) value(%get3A_29 : vector<16xi32>) : vector<16xi1>, vector<16xi32>
    %sub3A = vector.broadcast %reduce_min3A_28 : i32 to vector<16xi32>
    %sub3A_34 = arith.subi %unique3A_33, %sub3A : vector<16xi32>
    %gather3A = tpu.vector_load_idx %arg7[%get3A_29] : memref<64xi32, #tpu.memory_space<vmem>>[vector<16xi32>], vector<16xi32>,
    %add3A_35 = arith.addi %gather3A, %sub3A_34 : vector<16xi32>
    %swap3A_36 = arith.constant 0 : index
    %swap3A_37 = tpu.vector_load %arg6[%swap3A_36] {strides = array<i32>} : memref<128xi32, #tpu.memory_space<vmem>>, vector<16xi32>,
    tpu.vector_store %arg6[%swap3A_36], %add3A_35 {strides = array<i32>} : memref<128xi32, #tpu.memory_space<vmem>>, vector<16xi32>,
    %add3A_38 = arith.constant 1 : i32
    %add3A_39 = vector.broadcast %add3A_38 : i32 to vector<16xi32>
    %add3A_40 = arith.addi %add3A_35, %add3A_39 : vector<16xi32>
    tpu.vector_store_idx %arg7[%get3A_29], %add3A_40 masked %unique3A_32 : memref<64xi32, #tpu.memory_space<vmem>>[vector<16xi32>], vector<16xi32>, vector<16xi1>
    %get3A_41 = arith.constant 16 : index
    %get3A_42 = tpu.vector_load %arg5[%get3A_41] {strides = array<i32>} : memref<128xi32, #tpu.memory_space<vmem>>, vector<16xi32>,
    %broadcast_in_dim3A_43 = arith.constant true
    %broadcast_in_dim3A_44 = vector.broadcast %broadcast_in_dim3A_43 : i1 to vector<16xi1>
    %unique3A_45, %unique3A_46 = tpu.scan_count mask(%broadcast_in_dim3A_44 : vector<16xi1>) value(%get3A_42 : vector<16xi32>) : vector<16xi1>, vector<16xi32>
    %sub3A_47 = vector.broadcast %reduce_min3A_28 : i32 to vector<16xi32>
    %sub3A_48 = arith.subi %unique3A_46, %sub3A_47 : vector<16xi32>
    %gather3A_49 = tpu.vector_load_idx %arg7[%get3A_42] : memref<64xi32, #tpu.memory_space<vmem>>[vector<16xi32>], vector<16xi32>,
    %add3A_50 = arith.addi %gather3A_49, %sub3A_48 : vector<16xi32>
    %swap3A_51 = arith.constant 16 : index
    %swap3A_52 = tpu.vector_load %arg6[%swap3A_51] {strides = array<i32>} : memref<128xi32, #tpu.memory_space<vmem>>, vector<16xi32>,
    tpu.vector_store %arg6[%swap3A_51], %add3A_50 {strides = array<i32>} : memref<128xi32, #tpu.memory_space<vmem>>, vector<16xi32>,
    %add3A_53 = arith.constant 1 : i32
    %add3A_54 = vector.broadcast %add3A_53 : i32 to vector<16xi32>
    %add3A_55 = arith.addi %add3A_50, %add3A_54 : vector<16xi32>
    tpu.vector_store_idx %arg7[%get3A_42], %add3A_55 masked %unique3A_45 : memref<64xi32, #tpu.memory_space<vmem>>[vector<16xi32>], vector<16xi32>, vector<16xi1>
    %get3A_56 = arith.constant 32 : index
    %get3A_57 = tpu.vector_load %arg5[%get3A_56] {strides = array<i32>} : memref<128xi32, #tpu.memory_space<vmem>>, vector<16xi32>,
    %broadcast_in_dim3A_58 = arith.constant true
    %broadcast_in_dim3A_59 = vector.broadcast %broadcast_in_dim3A_58 : i1 to vector<16xi1>
    %unique3A_60, %unique3A_61 = tpu.scan_count mask(%broadcast_in_dim3A_59 : vector<16xi1>) value(%get3A_57 : vector<16xi32>) : vector<16xi1>, vector<16xi32>
    %sub3A_62 = vector.broadcast %reduce_min3A_28 : i32 to vector<16xi32>
    %sub3A_63 = arith.subi %unique3A_61, %sub3A_62 : vector<16xi32>
    %gather3A_64 = tpu.vector_load_idx %arg7[%get3A_57] : memref<64xi32, #tpu.memory_space<vmem>>[vector<16xi32>], vector<16xi32>,
    %add3A_65 = arith.addi %gather3A_64, %sub3A_63 : vector<16xi32>
    %swap3A_66 = arith.constant 32 : index
    %swap3A_67 = tpu.vector_load %arg6[%swap3A_66] {strides = array<i32>} : memref<128xi32, #tpu.memory_space<vmem>>, vector<16xi32>,
    tpu.vector_store %arg6[%swap3A_66], %add3A_65 {strides = array<i32>} : memref<128xi32, #tpu.memory_space<vmem>>, vector<16xi32>,
    %add3A_68 = arith.constant 1 : i32
    %add3A_69 = vector.broadcast %add3A_68 : i32 to vector<16xi32>
    %add3A_70 = arith.addi %add3A_65, %add3A_69 : vector<16xi32>
    tpu.vector_store_idx %arg7[%get3A_57], %add3A_70 masked %unique3A_60 : memref<64xi32, #tpu.memory_space<vmem>>[vector<16xi32>], vector<16xi32>, vector<16xi1>
    %get3A_71 = arith.constant 48 : index
    %get3A_72 = tpu.vector_load %arg5[%get3A_71] {strides = array<i32>} : memref<128xi32, #tpu.memory_space<vmem>>, vector<16xi32>,
    %broadcast_in_dim3A_73 = arith.constant true
    %broadcast_in_dim3A_74 = vector.broadcast %broadcast_in_dim3A_73 : i1 to vector<16xi1>
    %unique3A_75, %unique3A_76 = tpu.scan_count mask(%broadcast_in_dim3A_74 : vector<16xi1>) value(%get3A_72 : vector<16xi32>) : vector<16xi1>, vector<16xi32>
    %sub3A_77 = vector.broadcast %reduce_min3A_28 : i32 to vector<16xi32>
    %sub3A_78 = arith.subi %unique3A_76, %sub3A_77 : vector<16xi32>
    %gather3A_79 = tpu.vector_load_idx %arg7[%get3A_72] : memref<64xi32, #tpu.memory_space<vmem>>[vector<16xi32>], vector<16xi32>,
    %add3A_80 = arith.addi %gather3A_79, %sub3A_78 : vector<16xi32>
    %swap3A_81 = arith.constant 48 : index
    %swap3A_82 = tpu.vector_load %arg6[%swap3A_81] {strides = array<i32>} : memref<128xi32, #tpu.memory_space<vmem>>, vector<16xi32>,
    tpu.vector_store %arg6[%swap3A_81], %add3A_80 {strides = array<i32>} : memref<128xi32, #tpu.memory_space<vmem>>, vector<16xi32>,
    %add3A_83 = arith.constant 1 : i32
    %add3A_84 = vector.broadcast %add3A_83 : i32 to vector<16xi32>
    %add3A_85 = arith.addi %add3A_80, %add3A_84 : vector<16xi32>
    tpu.vector_store_idx %arg7[%get3A_72], %add3A_85 masked %unique3A_75 : memref<64xi32, #tpu.memory_space<vmem>>[vector<16xi32>], vector<16xi32>, vector<16xi1>
    %get3A_86 = arith.constant 64 : index
    %get3A_87 = tpu.vector_load %arg5[%get3A_86] {strides = array<i32>} : memref<128xi32, #tpu.memory_space<vmem>>, vector<16xi32>,
    %broadcast_in_dim3A_88 = arith.constant true
    %broadcast_in_dim3A_89 = vector.broadcast %broadcast_in_dim3A_88 : i1 to vector<16xi1>
    %unique3A_90, %unique3A_91 = tpu.scan_count mask(%broadcast_in_dim3A_89 : vector<16xi1>) value(%get3A_87 : vector<16xi32>) : vector<16xi1>, vector<16xi32>
    %sub3A_92 = vector.broadcast %reduce_min3A_28 : i32 to vector<16xi32>
    %sub3A_93 = arith.subi %unique3A_91, %sub3A_92 : vector<16xi32>
    %gather3A_94 = tpu.vector_load_idx %arg7[%get3A_87] : memref<64xi32, #tpu.memory_space<vmem>>[vector<16xi32>], vector<16xi32>,
    %add3A_95 = arith.addi %gather3A_94, %sub3A_93 : vector<16xi32>
    %swap3A_96 = arith.constant 64 : index
    %swap3A_97 = tpu.vector_load %arg6[%swap3A_96] {strides = array<i32>} : memref<128xi32, #tpu.memory_space<vmem>>, vector<16xi32>,
    tpu.vector_store %arg6[%swap3A_96], %add3A_95 {strides = array<i32>} : memref<128xi32, #tpu.memory_space<vmem>>, vector<16xi32>,
    %add3A_98 = arith.constant 1 : i32
    %add3A_99 = vector.broadcast %add3A_98 : i32 to vector<16xi32>
    %add3A_100 = arith.addi %add3A_95, %add3A_99 : vector<16xi32>
    tpu.vector_store_idx %arg7[%get3A_87], %add3A_100 masked %unique3A_90 : memref<64xi32, #tpu.memory_space<vmem>>[vector<16xi32>], vector<16xi32>, vector<16xi1>
    %get3A_101 = arith.constant 80 : index
    %get3A_102 = tpu.vector_load %arg5[%get3A_101] {strides = array<i32>} : memref<128xi32, #tpu.memory_space<vmem>>, vector<16xi32>,
    %broadcast_in_dim3A_103 = arith.constant true
    %broadcast_in_dim3A_104 = vector.broadcast %broadcast_in_dim3A_103 : i1 to vector<16xi1>
    %unique3A_105, %unique3A_106 = tpu.scan_count mask(%broadcast_in_dim3A_104 : vector<16xi1>) value(%get3A_102 : vector<16xi32>) : vector<16xi1>, vector<16xi32>
    %sub3A_107 = vector.broadcast %reduce_min3A_28 : i32 to vector<16xi32>
    %sub3A_108 = arith.subi %unique3A_106, %sub3A_107 : vector<16xi32>
    %gather3A_109 = tpu.vector_load_idx %arg7[%get3A_102] : memref<64xi32, #tpu.memory_space<vmem>>[vector<16xi32>], vector<16xi32>,
    %add3A_110 = arith.addi %gather3A_109, %sub3A_108 : vector<16xi32>
    %swap3A_111 = arith.constant 80 : index
    %swap3A_112 = tpu.vector_load %arg6[%swap3A_111] {strides = array<i32>} : memref<128xi32, #tpu.memory_space<vmem>>, vector<16xi32>,
    tpu.vector_store %arg6[%swap3A_111], %add3A_110 {strides = array<i32>} : memref<128xi32, #tpu.memory_space<vmem>>, vector<16xi32>,
    %add3A_113 = arith.constant 1 : i32
    %add3A_114 = vector.broadcast %add3A_113 : i32 to vector<16xi32>
    %add3A_115 = arith.addi %add3A_110, %add3A_114 : vector<16xi32>
    tpu.vector_store_idx %arg7[%get3A_102], %add3A_115 masked %unique3A_105 : memref<64xi32, #tpu.memory_space<vmem>>[vector<16xi32>], vector<16xi32>, vector<16xi1>
    %get3A_116 = arith.constant 96 : index
    %get3A_117 = tpu.vector_load %arg5[%get3A_116] {strides = array<i32>} : memref<128xi32, #tpu.memory_space<vmem>>, vector<16xi32>,
    %broadcast_in_dim3A_118 = arith.constant true
    %broadcast_in_dim3A_119 = vector.broadcast %broadcast_in_dim3A_118 : i1 to vector<16xi1>
    %unique3A_120, %unique3A_121 = tpu.scan_count mask(%broadcast_in_dim3A_119 : vector<16xi1>) value(%get3A_117 : vector<16xi32>) : vector<16xi1>, vector<16xi32>
    %sub3A_122 = vector.broadcast %reduce_min3A_28 : i32 to vector<16xi32>
    %sub3A_123 = arith.subi %unique3A_121, %sub3A_122 : vector<16xi32>
    %gather3A_124 = tpu.vector_load_idx %arg7[%get3A_117] : memref<64xi32, #tpu.memory_space<vmem>>[vector<16xi32>], vector<16xi32>,
    %add3A_125 = arith.addi %gather3A_124, %sub3A_123 : vector<16xi32>
    %swap3A_126 = arith.constant 96 : index
    %swap3A_127 = tpu.vector_load %arg6[%swap3A_126] {strides = array<i32>} : memref<128xi32, #tpu.memory_space<vmem>>, vector<16xi32>,
    tpu.vector_store %arg6[%swap3A_126], %add3A_125 {strides = array<i32>} : memref<128xi32, #tpu.memory_space<vmem>>, vector<16xi32>,
    %add3A_128 = arith.constant 1 : i32
    %add3A_129 = vector.broadcast %add3A_128 : i32 to vector<16xi32>
    %add3A_130 = arith.addi %add3A_125, %add3A_129 : vector<16xi32>
    tpu.vector_store_idx %arg7[%get3A_117], %add3A_130 masked %unique3A_120 : memref<64xi32, #tpu.memory_space<vmem>>[vector<16xi32>], vector<16xi32>, vector<16xi1>
    %get3A_131 = arith.constant 112 : index
    %get3A_132 = tpu.vector_load %arg5[%get3A_131] {strides = array<i32>} : memref<128xi32, #tpu.memory_space<vmem>>, vector<16xi32>,
    %broadcast_in_dim3A_133 = arith.constant true
    %broadcast_in_dim3A_134 = vector.broadcast %broadcast_in_dim3A_133 : i1 to vector<16xi1>
    %unique3A_135, %unique3A_136 = tpu.scan_count mask(%broadcast_in_dim3A_134 : vector<16xi1>) value(%get3A_132 : vector<16xi32>) : vector<16xi1>, vector<16xi32>
    %sub3A_137 = vector.broadcast %reduce_min3A_28 : i32 to vector<16xi32>
    %sub3A_138 = arith.subi %unique3A_136, %sub3A_137 : vector<16xi32>
    %gather3A_139 = tpu.vector_load_idx %arg7[%get3A_132] : memref<64xi32, #tpu.memory_space<vmem>>[vector<16xi32>], vector<16xi32>,
    %add3A_140 = arith.addi %gather3A_139, %sub3A_138 : vector<16xi32>
    %swap3A_141 = arith.constant 112 : index
    %swap3A_142 = tpu.vector_load %arg6[%swap3A_141] {strides = array<i32>} : memref<128xi32, #tpu.memory_space<vmem>>, vector<16xi32>,
    tpu.vector_store %arg6[%swap3A_141], %add3A_140 {strides = array<i32>} : memref<128xi32, #tpu.memory_space<vmem>>, vector<16xi32>,
    %add3A_143 = arith.constant 1 : i32
    %add3A_144 = vector.broadcast %add3A_143 : i32 to vector<16xi32>
    %add3A_145 = arith.addi %add3A_140, %add3A_144 : vector<16xi32>
    tpu.vector_store_idx %arg7[%get3A_132], %add3A_145 masked %unique3A_135 : memref<64xi32, #tpu.memory_space<vmem>>[vector<16xi32>], vector<16xi32>, vector<16xi1>
    "tpu.region"() ({
      %run_scoped3A = tpu.sem_alloc : memref<!tpu.dma_semaphore, #tpu.memory_space<semaphore_mem>>
      %dma_start3A = tpu.memref_slice %arg3[%mul3A_2] : memref<4096xi32, #tpu.memory_space<hbm>> -> memref<128xi32, #tpu.memory_space<hbm>>
      %dma_start3A_146 = tpu.memref_slice %arg3[%mul3A_2] : memref<4096xi32, #tpu.memory_space<hbm>> -> memref<128xi32, #tpu.memory_space<hbm>>
      tpu.enqueue_dma source(%arg6 : memref<128xi32, #tpu.memory_space<vmem>>) target(%dma_start3A_146 : memref<128xi32, #tpu.memory_space<hbm>>) target_semaphore(%run_scoped3A : memref<!tpu.dma_semaphore, #tpu.memory_space<semaphore_mem>>)
      %dma_wait3A = tpu.memref_slice %arg3[%mul3A_2] : memref<4096xi32, #tpu.memory_space<hbm>> -> memref<128xi32, #tpu.memory_space<hbm>>
      %dma_wait3A_147 = tpu.memref_slice %arg3[%mul3A_2] : memref<4096xi32, #tpu.memory_space<hbm>> -> memref<128xi32, #tpu.memory_space<hbm>>
      tpu.wait_dma2 semaphore(%run_scoped3A : memref<!tpu.dma_semaphore, #tpu.memory_space<semaphore_mem>>) src(%arg6 : memref<128xi32, #tpu.memory_space<vmem>>) dst(%dma_wait3A_147 : memref<128xi32, #tpu.memory_space<hbm>>)
      tpu.yield
    }) : () -> ()
    "tpu.region"() ({
      %run_scoped3A = tpu.sem_alloc : memref<!tpu.dma_semaphore, #tpu.memory_space<semaphore_mem>>
      %dma_start3A = arith.constant 0 : i32
      %dma_start3A_146 = tpu.memref_slice %arg4[%add3A, %dma_start3A] : memref<32x64xi32, #tpu.memory_space<hbm>> -> memref<1x64xi32, #tpu.memory_space<hbm>>
      %dma_start3A_147 = tpu.memref_squeeze %dma_start3A_146 : memref<1x64xi32, #tpu.memory_space<hbm>> -> memref<64xi32, #tpu.memory_space<hbm>>
      %dma_start3A_148 = arith.constant 0 : i32
      %dma_start3A_149 = tpu.memref_slice %arg4[%add3A, %dma_start3A_148] : memref<32x64xi32, #tpu.memory_space<hbm>> -> memref<1x64xi32, #tpu.memory_space<hbm>>
      %dma_start3A_150 = tpu.memref_squeeze %dma_start3A_149 : memref<1x64xi32, #tpu.memory_space<hbm>> -> memref<64xi32, #tpu.memory_space<hbm>>
      tpu.enqueue_dma source(%arg7 : memref<64xi32, #tpu.memory_space<vmem>>) target(%dma_start3A_150 : memref<64xi32, #tpu.memory_space<hbm>>) target_semaphore(%run_scoped3A : memref<!tpu.dma_semaphore, #tpu.memory_space<semaphore_mem>>)
      %dma_wait3A = arith.constant 0 : i32
      %dma_wait3A_151 = tpu.memref_slice %arg4[%add3A, %dma_wait3A] : memref<32x64xi32, #tpu.memory_space<hbm>> -> memref<1x64xi32, #tpu.memory_space<hbm>>
      %dma_wait3A_152 = tpu.memref_squeeze %dma_wait3A_151 : memref<1x64xi32, #tpu.memory_space<hbm>> -> memref<64xi32, #tpu.memory_space<hbm>>
      %dma_wait3A_153 = arith.constant 0 : i32
      %dma_wait3A_154 = tpu.memref_slice %arg4[%add3A, %dma_wait3A_153] : memref<32x64xi32, #tpu.memory_space<hbm>> -> memref<1x64xi32, #tpu.memory_space<hbm>>
      %dma_wait3A_155 = tpu.memref_squeeze %dma_wait3A_154 : memref<1x64xi32, #tpu.memory_space<hbm>> -> memref<64xi32, #tpu.memory_space<hbm>>
      tpu.wait_dma2 semaphore(%run_scoped3A : memref<!tpu.dma_semaphore, #tpu.memory_space<semaphore_mem>>) src(%arg7 : memref<64xi32, #tpu.memory_space<vmem>>) dst(%dma_wait3A_155 : memref<64xi32, #tpu.memory_space<hbm>>)
      tpu.yield
    }) : () -> ()
    return
  }
}

#map = affine_map<(d0, d1) -> (0, 0)>
#map1 = affine_map<(d0, d1) -> (0)>
module attributes {stable_mosaic.version = 14 : i64} {
  func.func @_gather_body(%arg0: i32, %arg1: i32, %arg2: memref<12288x512xi32, #tpu.memory_space<hbm>>, %arg3: memref<2048xi32, #tpu.memory_space<hbm>>, %arg4: memref<2048xi32, #tpu.memory_space<hbm>>, %arg5: memref<2048x512xi32, #tpu.memory_space<hbm>>, %arg6: memref<2048x512xi32, #tpu.memory_space<hbm>>, %arg7: memref<64xi32, #tpu.memory_space<vmem>>, %arg8: memref<64xi32, #tpu.memory_space<vmem>>, %arg9: memref<64x512xi32, #tpu.memory_space<vmem>>, %arg10: memref<64x512xi32, #tpu.memory_space<vmem>>, %arg11: memref<!tpu.dma_semaphore, #tpu.memory_space<semaphore_mem>>, %arg12: memref<!tpu.dma_semaphore, #tpu.memory_space<semaphore_mem>>) attributes {dimension_semantics = [#tpu.dimension_semantics<core_parallel>, #tpu.dimension_semantics<subcore_parallel>], iteration_bounds = array<i64: 2, 16>, scalar_prefetch = 0 : i64, scratch_operands = 6 : i64, tpu.core_type = #tpu.core_type<sc_vector_subcore>, window_params = [{transform_indices = #map}, {transform_indices = #map1}, {transform_indices = #map1}, {transform_indices = #map}, {transform_indices = #map}]} {
    %mul3A = arith.constant 2 : i32
    %mul3A_0 = arith.muli %arg1, %mul3A : i32
    %add3A = arith.addi %mul3A_0, %arg0 : i32
    %mul3A_1 = arith.constant 64 : i32
    %mul3A_2 = arith.muli %add3A, %mul3A_1 : i32
    "tpu.region"() ({
      %run_scoped3A = tpu.sem_alloc : memref<!tpu.dma_semaphore, #tpu.memory_space<semaphore_mem>>
      %dma_start3A_29 = tpu.memref_slice %arg3[%mul3A_2] : memref<2048xi32, #tpu.memory_space<hbm>> -> memref<64xi32, #tpu.memory_space<hbm>>
      %dma_start3A_30 = tpu.memref_slice %arg3[%mul3A_2] : memref<2048xi32, #tpu.memory_space<hbm>> -> memref<64xi32, #tpu.memory_space<hbm>>
      tpu.enqueue_dma source(%dma_start3A_30 : memref<64xi32, #tpu.memory_space<hbm>>) target(%arg7 : memref<64xi32, #tpu.memory_space<vmem>>) target_semaphore(%run_scoped3A : memref<!tpu.dma_semaphore, #tpu.memory_space<semaphore_mem>>)
      %dma_wait3A_31 = tpu.memref_slice %arg3[%mul3A_2] : memref<2048xi32, #tpu.memory_space<hbm>> -> memref<64xi32, #tpu.memory_space<hbm>>
      %dma_wait3A_32 = tpu.memref_slice %arg3[%mul3A_2] : memref<2048xi32, #tpu.memory_space<hbm>> -> memref<64xi32, #tpu.memory_space<hbm>>
      tpu.wait_dma2 semaphore(%run_scoped3A : memref<!tpu.dma_semaphore, #tpu.memory_space<semaphore_mem>>) src(%dma_wait3A_32 : memref<64xi32, #tpu.memory_space<hbm>>) dst(%arg7 : memref<64xi32, #tpu.memory_space<vmem>>)
      tpu.yield
    }) : () -> ()
    "tpu.region"() ({
      %run_scoped3A = tpu.sem_alloc : memref<!tpu.dma_semaphore, #tpu.memory_space<semaphore_mem>>
      %dma_start3A_29 = tpu.memref_slice %arg4[%mul3A_2] : memref<2048xi32, #tpu.memory_space<hbm>> -> memref<64xi32, #tpu.memory_space<hbm>>
      %dma_start3A_30 = tpu.memref_slice %arg4[%mul3A_2] : memref<2048xi32, #tpu.memory_space<hbm>> -> memref<64xi32, #tpu.memory_space<hbm>>
      tpu.enqueue_dma source(%dma_start3A_30 : memref<64xi32, #tpu.memory_space<hbm>>) target(%arg8 : memref<64xi32, #tpu.memory_space<vmem>>) target_semaphore(%run_scoped3A : memref<!tpu.dma_semaphore, #tpu.memory_space<semaphore_mem>>)
      %dma_wait3A_31 = tpu.memref_slice %arg4[%mul3A_2] : memref<2048xi32, #tpu.memory_space<hbm>> -> memref<64xi32, #tpu.memory_space<hbm>>
      %dma_wait3A_32 = tpu.memref_slice %arg4[%mul3A_2] : memref<2048xi32, #tpu.memory_space<hbm>> -> memref<64xi32, #tpu.memory_space<hbm>>
      tpu.wait_dma2 semaphore(%run_scoped3A : memref<!tpu.dma_semaphore, #tpu.memory_space<semaphore_mem>>) src(%dma_wait3A_32 : memref<64xi32, #tpu.memory_space<hbm>>) dst(%arg8 : memref<64xi32, #tpu.memory_space<vmem>>)
      tpu.yield
    }) : () -> ()
    %dma_start3A = arith.constant 0 : i32
    %dma_start3A_3 = arith.constant 0 : i32
    %dma_start3A_4 = tpu.memref_slice %arg2[%dma_start3A, %dma_start3A_3] : memref<12288x512xi32, #tpu.memory_space<hbm>> -> memref<12288x512xi32, #tpu.memory_space<hbm>>
    tpu.enqueue_indirect_dma source(%dma_start3A_4 : memref<12288x512xi32, #tpu.memory_space<hbm>>) target(%arg9 : memref<64x512xi32, #tpu.memory_space<vmem>>) offsets(%arg7 : memref<64xi32, #tpu.memory_space<vmem>>) semaphore(%arg11 : memref<!tpu.dma_semaphore, #tpu.memory_space<semaphore_mem>>)
    %dma_start3A_5 = arith.constant 0 : i32
    %dma_start3A_6 = arith.constant 0 : i32
    %dma_start3A_7 = tpu.memref_slice %arg2[%dma_start3A_5, %dma_start3A_6] : memref<12288x512xi32, #tpu.memory_space<hbm>> -> memref<12288x512xi32, #tpu.memory_space<hbm>>
    tpu.enqueue_indirect_dma source(%dma_start3A_7 : memref<12288x512xi32, #tpu.memory_space<hbm>>) target(%arg10 : memref<64x512xi32, #tpu.memory_space<vmem>>) offsets(%arg8 : memref<64xi32, #tpu.memory_space<vmem>>) semaphore(%arg12 : memref<!tpu.dma_semaphore, #tpu.memory_space<semaphore_mem>>)
    %dma_wait3A = arith.constant 0 : i32
    %dma_wait3A_8 = arith.constant 0 : i32
    %dma_wait3A_9 = tpu.memref_slice %arg2[%dma_wait3A, %dma_wait3A_8] : memref<12288x512xi32, #tpu.memory_space<hbm>> -> memref<12288x512xi32, #tpu.memory_space<hbm>>
    tpu.wait_indirect_dma semaphore(%arg11 : memref<!tpu.dma_semaphore, #tpu.memory_space<semaphore_mem>>) src(%dma_wait3A_9 : memref<12288x512xi32, #tpu.memory_space<hbm>>) dst(%arg9 : memref<64x512xi32, #tpu.memory_space<vmem>>)
    %dma_start3A_10 = arith.constant 0 : i32
    %dma_start3A_11 = tpu.memref_slice %arg5[%mul3A_2, %dma_start3A_10] : memref<2048x512xi32, #tpu.memory_space<hbm>> -> memref<64x512xi32, #tpu.memory_space<hbm>>
    %dma_start3A_12 = arith.constant 0 : i32
    %dma_start3A_13 = tpu.memref_slice %arg5[%mul3A_2, %dma_start3A_12] : memref<2048x512xi32, #tpu.memory_space<hbm>> -> memref<64x512xi32, #tpu.memory_space<hbm>>
    tpu.enqueue_dma source(%arg9 : memref<64x512xi32, #tpu.memory_space<vmem>>) target(%dma_start3A_13 : memref<64x512xi32, #tpu.memory_space<hbm>>) target_semaphore(%arg11 : memref<!tpu.dma_semaphore, #tpu.memory_space<semaphore_mem>>)
    %dma_wait3A_14 = arith.constant 0 : i32
    %dma_wait3A_15 = arith.constant 0 : i32
    %dma_wait3A_16 = tpu.memref_slice %arg2[%dma_wait3A_14, %dma_wait3A_15] : memref<12288x512xi32, #tpu.memory_space<hbm>> -> memref<12288x512xi32, #tpu.memory_space<hbm>>
    tpu.wait_indirect_dma semaphore(%arg12 : memref<!tpu.dma_semaphore, #tpu.memory_space<semaphore_mem>>) src(%dma_wait3A_16 : memref<12288x512xi32, #tpu.memory_space<hbm>>) dst(%arg10 : memref<64x512xi32, #tpu.memory_space<vmem>>)
    %dma_start3A_17 = arith.constant 0 : i32
    %dma_start3A_18 = tpu.memref_slice %arg6[%mul3A_2, %dma_start3A_17] : memref<2048x512xi32, #tpu.memory_space<hbm>> -> memref<64x512xi32, #tpu.memory_space<hbm>>
    %dma_start3A_19 = arith.constant 0 : i32
    %dma_start3A_20 = tpu.memref_slice %arg6[%mul3A_2, %dma_start3A_19] : memref<2048x512xi32, #tpu.memory_space<hbm>> -> memref<64x512xi32, #tpu.memory_space<hbm>>
    tpu.enqueue_dma source(%arg10 : memref<64x512xi32, #tpu.memory_space<vmem>>) target(%dma_start3A_20 : memref<64x512xi32, #tpu.memory_space<hbm>>) target_semaphore(%arg12 : memref<!tpu.dma_semaphore, #tpu.memory_space<semaphore_mem>>)
    %dma_wait3A_21 = arith.constant 0 : i32
    %dma_wait3A_22 = tpu.memref_slice %arg5[%mul3A_2, %dma_wait3A_21] : memref<2048x512xi32, #tpu.memory_space<hbm>> -> memref<64x512xi32, #tpu.memory_space<hbm>>
    %dma_wait3A_23 = arith.constant 0 : i32
    %dma_wait3A_24 = tpu.memref_slice %arg5[%mul3A_2, %dma_wait3A_23] : memref<2048x512xi32, #tpu.memory_space<hbm>> -> memref<64x512xi32, #tpu.memory_space<hbm>>
    tpu.wait_dma2 semaphore(%arg11 : memref<!tpu.dma_semaphore, #tpu.memory_space<semaphore_mem>>) src(%arg9 : memref<64x512xi32, #tpu.memory_space<vmem>>) dst(%dma_wait3A_24 : memref<64x512xi32, #tpu.memory_space<hbm>>)
    %dma_wait3A_25 = arith.constant 0 : i32
    %dma_wait3A_26 = tpu.memref_slice %arg6[%mul3A_2, %dma_wait3A_25] : memref<2048x512xi32, #tpu.memory_space<hbm>> -> memref<64x512xi32, #tpu.memory_space<hbm>>
    %dma_wait3A_27 = arith.constant 0 : i32
    %dma_wait3A_28 = tpu.memref_slice %arg6[%mul3A_2, %dma_wait3A_27] : memref<2048x512xi32, #tpu.memory_space<hbm>> -> memref<64x512xi32, #tpu.memory_space<hbm>>
    tpu.wait_dma2 semaphore(%arg12 : memref<!tpu.dma_semaphore, #tpu.memory_space<semaphore_mem>>) src(%arg10 : memref<64x512xi32, #tpu.memory_space<vmem>>) dst(%dma_wait3A_28 : memref<64x512xi32, #tpu.memory_space<hbm>>)
    return
  }
}

module attributes {stable_mosaic.version = 14 : i64} {
  func.func @_mlp_body(%arg0: i32, %arg1: i32, %arg2: memref<128xi32, #tpu.memory_space<smem>>, %arg3: memref<64xi32, #tpu.memory_space<smem>>, %arg4: memref<128x512xi32, #tpu.memory_space<vmem>>, %arg5: memref<1x1024x1024xf32, #tpu.memory_space<vmem>>, %arg6: memref<1x512x1024xf32, #tpu.memory_space<vmem>>, %arg7: memref<128x512xi32, #tpu.memory_space<vmem>>) attributes {dimension_semantics = [#tpu.dimension_semantics<arbitrary>, #tpu.dimension_semantics<arbitrary>], iteration_bounds = array<i64: 64, 2>, scalar_prefetch = 2 : i64, scratch_operands = 0 : i64, tpu.core_type = #tpu.core_type<tc>, window_params = [{transform_indices = @transform_0, window_bounds = array<i64: 128, 512>}, {transform_indices = @transform_1, window_bounds = array<i64: 1, 1024, 1024>}, {transform_indices = @transform_2, window_bounds = array<i64: 1, 512, 1024>}, {transform_indices = @transform_3, window_bounds = array<i64: 128, 512>}]} {
    %get3A = arith.index_cast %arg0 : i32 to index
    %get3A_0 = memref.load %arg3[%get3A] : memref<64xi32, #tpu.memory_space<smem>>
    %mul3A = arith.constant 128 : i32
    %mul3A_1 = arith.muli %arg1, %mul3A : i32
    %gt3A = arith.cmpi sgt, %get3A_0, %mul3A_1 : i32
    %convert_element_type3A = arith.extui %gt3A : i1 to i32
    %cond3A = arith.constant 0 : i32
    %cond3A_2 = arith.cmpi ne, %convert_element_type3A, %cond3A : i32
    scf.if %cond3A_2 {
      %get3A_3 = arith.constant 0 : index
      %get3A_4 = arith.constant 0 : index
      %get3A_5 = vector.load %arg4[%get3A_3, %get3A_4] : memref<128x512xi32, #tpu.memory_space<vmem>>, vector<128x512xi32>
      %shift_left3A = arith.constant 16 : i32
      %shift_left3A_6 = vector.broadcast %shift_left3A : i32 to vector<128x512xi32>
      %shift_left3A_7 = arith.shli %get3A_5, %shift_left3A_6 : vector<128x512xi32>
      %bitcast3A = tpu.bitcast %shift_left3A_7 : vector<128x512xi32> -> vector<128x512xf32>
      %and3A = arith.constant -65536 : i32
      %and3A_8 = vector.broadcast %and3A : i32 to vector<128x512xi32>
      %and3A_9 = arith.andi %get3A_5, %and3A_8 : vector<128x512xi32>
      %bitcast3A_10 = tpu.bitcast %and3A_9 : vector<128x512xi32> -> vector<128x512xf32>
      %convert_element_type3A_11 = arith.truncf %bitcast3A : vector<128x512xf32> to vector<128x512xbf16>
      %convert_element_type3A_12 = arith.truncf %bitcast3A_10 : vector<128x512xf32> to vector<128x512xbf16>
      %get3A_13 = arith.constant 0 : index
      %get3A_14 = arith.constant 0 : index
      %get3A_15 = arith.constant 0 : index
      %get3A_16 = vector.load %arg5[%get3A_13, %get3A_14, %get3A_15] : memref<1x1024x1024xf32, #tpu.memory_space<vmem>>, vector<1x1024x1024xf32>
      %get3A_17 = vector.shape_cast %get3A_16 : vector<1x1024x1024xf32> to vector<1024x1024xf32>
      %slice3A = vector.extract_strided_slice %get3A_17 {offsets = [0, 0], sizes = [512, 1024], strides = [1, 1]} : vector<1024x1024xf32> to vector<512x1024xf32>
      %convert_element_type3A_18 = arith.truncf %slice3A : vector<512x1024xf32> to vector<512x1024xbf16>
      %dot_general3A = arith.constant dense<0.000000e+00> : vector<128x1024xf32>
      %dot_general3A_19 = tpu.matmul %convert_element_type3A_11, %convert_element_type3A_18, %dot_general3A {dimension_numbers = #tpu.dot_dimension_numbers<[1], [0], [0], [1], [0, 0, 1, 1], [], []>, transpose_lhs_hint = false} : vector<128x512xbf16>, vector<512x1024xbf16>, vector<128x1024xf32> -> vector<128x1024xf32>
      %slice3A_20 = vector.extract_strided_slice %get3A_17 {offsets = [512, 0], sizes = [512, 1024], strides = [1, 1]} : vector<1024x1024xf32> to vector<512x1024xf32>
      %convert_element_type3A_21 = arith.truncf %slice3A_20 : vector<512x1024xf32> to vector<512x1024xbf16>
      %dot_general3A_22 = arith.constant dense<0.000000e+00> : vector<128x1024xf32>
      %dot_general3A_23 = tpu.matmul %convert_element_type3A_12, %convert_element_type3A_21, %dot_general3A_22 {dimension_numbers = #tpu.dot_dimension_numbers<[1], [0], [0], [1], [0, 0, 1, 1], [], []>, transpose_lhs_hint = false} : vector<128x512xbf16>, vector<512x1024xbf16>, vector<128x1024xf32> -> vector<128x1024xf32>
      %add3A = arith.addf %dot_general3A_19, %dot_general3A_23 : vector<128x1024xf32>
      %slice3A_24 = vector.extract_strided_slice %add3A {offsets = [0, 0], sizes = [128, 512], strides = [1, 1]} : vector<128x1024xf32> to vector<128x512xf32>
      %slice3A_25 = vector.extract_strided_slice %add3A {offsets = [0, 512], sizes = [128, 512], strides = [1, 1]} : vector<128x1024xf32> to vector<128x512xf32>
      %logistic3A = arith.negf %slice3A_24 : vector<128x512xf32>
      %logistic3A_26 = math.exp %logistic3A : vector<128x512xf32>
      %logistic3A_27 = arith.constant 1.000000e+00 : f32
      %logistic3A_28 = vector.broadcast %logistic3A_27 : f32 to vector<128x512xf32>
      %logistic3A_29 = arith.addf %logistic3A_28, %logistic3A_26 : vector<128x512xf32>
      %logistic3A_30 = arith.divf %logistic3A_28, %logistic3A_29 : vector<128x512xf32>
      %mul3A_31 = arith.mulf %slice3A_24, %logistic3A_30 : vector<128x512xf32>
      %mul3A_32 = arith.mulf %mul3A_31, %slice3A_25 : vector<128x512xf32>
      %convert_element_type3A_33 = arith.truncf %mul3A_32 : vector<128x512xf32> to vector<128x512xbf16>
      %get3A_34 = arith.constant 0 : index
      %get3A_35 = arith.constant 0 : index
      %get3A_36 = arith.constant 0 : index
      %get3A_37 = vector.load %arg6[%get3A_34, %get3A_35, %get3A_36] : memref<1x512x1024xf32, #tpu.memory_space<vmem>>, vector<1x512x1024xf32>
      %get3A_38 = vector.shape_cast %get3A_37 : vector<1x512x1024xf32> to vector<512x1024xf32>
      %convert_element_type3A_39 = arith.truncf %get3A_38 : vector<512x1024xf32> to vector<512x1024xbf16>
      %dot_general3A_40 = arith.constant dense<0.000000e+00> : vector<128x1024xf32>
      %dot_general3A_41 = tpu.matmul %convert_element_type3A_33, %convert_element_type3A_39, %dot_general3A_40 {dimension_numbers = #tpu.dot_dimension_numbers<[1], [0], [0], [1], [0, 0, 1, 1], [], []>, transpose_lhs_hint = false} : vector<128x512xbf16>, vector<512x1024xbf16>, vector<128x1024xf32> -> vector<128x1024xf32>
      %slice3A_42 = vector.extract_strided_slice %dot_general3A_41 {offsets = [0, 0], sizes = [128, 512], strides = [1, 1]} : vector<128x1024xf32> to vector<128x512xf32>
      %slice3A_43 = vector.extract_strided_slice %dot_general3A_41 {offsets = [0, 512], sizes = [128, 512], strides = [1, 1]} : vector<128x1024xf32> to vector<128x512xf32>
      %convert_element_type3A_44 = arith.truncf %slice3A_42 : vector<128x512xf32> to vector<128x512xbf16>
      %convert_element_type3A_45 = arith.extf %convert_element_type3A_44 : vector<128x512xbf16> to vector<128x512xf32>
      %bitcast3A_46 = tpu.bitcast %convert_element_type3A_45 : vector<128x512xf32> -> vector<128x512xi32>
      %convert_element_type3A_47 = arith.truncf %slice3A_43 : vector<128x512xf32> to vector<128x512xbf16>
      %convert_element_type3A_48 = arith.extf %convert_element_type3A_47 : vector<128x512xbf16> to vector<128x512xf32>
      %bitcast3A_49 = tpu.bitcast %convert_element_type3A_48 : vector<128x512xf32> -> vector<128x512xi32>
      %and3A_50 = arith.constant -65536 : i32
      %and3A_51 = vector.broadcast %and3A_50 : i32 to vector<128x512xi32>
      %and3A_52 = arith.andi %bitcast3A_49, %and3A_51 : vector<128x512xi32>
      %shift_right_logical3A = arith.constant 16 : i32
      %shift_right_logical3A_53 = vector.broadcast %shift_right_logical3A : i32 to vector<128x512xi32>
      %shift_right_logical3A_54 = arith.shrui %bitcast3A_46, %shift_right_logical3A_53 : vector<128x512xi32>
      %or3A = arith.ori %and3A_52, %shift_right_logical3A_54 : vector<128x512xi32>
      %swap3A = arith.constant 0 : index
      %swap3A_55 = arith.constant 0 : index
      %swap3A_56 = vector.load %arg7[%swap3A, %swap3A_55] : memref<128x512xi32, #tpu.memory_space<vmem>>, vector<128x512xi32>
      tpu.vector_store %arg7[%swap3A, %swap3A_55], %or3A {strides = array<i32>} : memref<128x512xi32, #tpu.memory_space<vmem>>, vector<128x512xi32>,
    } else {
    }
    return
  }
  func.func @transform_0(%arg0: i32, %arg1: i32, %arg2: memref<128xi32, #tpu.memory_space<smem>>, %arg3: memref<64xi32, #tpu.memory_space<smem>>) -> (i32, i32) {
    %mul3A = arith.constant 2 : i32
    %mul3A_0 = arith.muli %arg0, %mul3A : i32
    %add3A = arith.addi %mul3A_0, %arg1 : i32
    %get3A = arith.index_cast %add3A : i32 to index
    %get3A_1 = memref.load %arg2[%get3A] : memref<128xi32, #tpu.memory_space<smem>>
    %c0_i32 = arith.constant 0 : i32
    %c0_i32_2 = arith.constant 0 : i32
    return %get3A_1, %c0_i32 : i32, i32
  }
  func.func @transform_1(%arg0: i32, %arg1: i32, %arg2: memref<128xi32, #tpu.memory_space<smem>>, %arg3: memref<64xi32, #tpu.memory_space<smem>>) -> (i32, i32, i32) {
    %c0_i32 = arith.constant 0 : i32
    %c0_i32_0 = arith.constant 0 : i32
    %c0_i32_1 = arith.constant 0 : i32
    return %arg0, %c0_i32, %c0_i32_0 : i32, i32, i32
  }
  func.func @transform_2(%arg0: i32, %arg1: i32, %arg2: memref<128xi32, #tpu.memory_space<smem>>, %arg3: memref<64xi32, #tpu.memory_space<smem>>) -> (i32, i32, i32) {
    %c0_i32 = arith.constant 0 : i32
    %c0_i32_0 = arith.constant 0 : i32
    %c0_i32_1 = arith.constant 0 : i32
    return %arg0, %c0_i32, %c0_i32_0 : i32, i32, i32
  }
  func.func @transform_3(%arg0: i32, %arg1: i32, %arg2: memref<128xi32, #tpu.memory_space<smem>>, %arg3: memref<64xi32, #tpu.memory_space<smem>>) -> (i32, i32) {
    %mul3A = arith.constant 2 : i32
    %mul3A_0 = arith.muli %arg0, %mul3A : i32
    %add3A = arith.addi %mul3A_0, %arg1 : i32
    %get3A = arith.index_cast %add3A : i32 to index
    %get3A_1 = memref.load %arg2[%get3A] : memref<128xi32, #tpu.memory_space<smem>>
    %c0_i32 = arith.constant 0 : i32
    %c0_i32_2 = arith.constant 0 : i32
    return %get3A_1, %c0_i32 : i32, i32
  }
}

module attributes {stable_mosaic.version = 14 : i64} {
  func.func @_router_body(%arg0: i32, %arg1: memref<512x1024xf32, #tpu.memory_space<vmem>>, %arg2: memref<64x1024xf32, #tpu.memory_space<vmem>>, %arg3: memref<512x2xf32, #tpu.memory_space<vmem>>, %arg4: memref<512x2xi32, #tpu.memory_space<vmem>>, %arg5: memref<512x512xi32, #tpu.memory_space<vmem>>) attributes {dimension_semantics = [#tpu.dimension_semantics<arbitrary>], iteration_bounds = array<i64: 4>, scalar_prefetch = 0 : i64, scratch_operands = 0 : i64, tpu.core_type = #tpu.core_type<tc>, window_params = [{transform_indices = @transform_0, window_bounds = array<i64: 512, 1024>}, {pipeline_mode = #tpu.pipeline_mode<synchronous>, transform_indices = @transform_1, window_bounds = array<i64: 64, 1024>}, {transform_indices = @transform_2, window_bounds = array<i64: 512, 2>}, {transform_indices = @transform_3, window_bounds = array<i64: 512, 2>}, {transform_indices = @transform_4, window_bounds = array<i64: 512, 512>}]} {
    %get3A = arith.constant 0 : index
    %get3A_0 = arith.constant 0 : index
    %get3A_1 = vector.load %arg1[%get3A, %get3A_0] : memref<512x1024xf32, #tpu.memory_space<vmem>>, vector<512x1024xf32>
    %get3A_2 = arith.constant 0 : index
    %get3A_3 = arith.constant 0 : index
    %get3A_4 = vector.load %arg2[%get3A_2, %get3A_3] : memref<64x1024xf32, #tpu.memory_space<vmem>>, vector<64x1024xf32>
    %slice3A = vector.extract_strided_slice %get3A_1 {offsets = [0, 0], sizes = [512, 512], strides = [1, 1]} : vector<512x1024xf32> to vector<512x512xf32>
    %slice3A_5 = vector.extract_strided_slice %get3A_1 {offsets = [0, 512], sizes = [512, 512], strides = [1, 1]} : vector<512x1024xf32> to vector<512x512xf32>
    %convert_element_type3A = arith.truncf %slice3A : vector<512x512xf32> to vector<512x512xbf16>
    %convert_element_type3A_6 = arith.extf %convert_element_type3A : vector<512x512xbf16> to vector<512x512xf32>
    %bitcast3A = tpu.bitcast %convert_element_type3A_6 : vector<512x512xf32> -> vector<512x512xi32>
    %convert_element_type3A_7 = arith.truncf %slice3A_5 : vector<512x512xf32> to vector<512x512xbf16>
    %convert_element_type3A_8 = arith.extf %convert_element_type3A_7 : vector<512x512xbf16> to vector<512x512xf32>
    %bitcast3A_9 = tpu.bitcast %convert_element_type3A_8 : vector<512x512xf32> -> vector<512x512xi32>
    %and3A = arith.constant -65536 : i32
    %and3A_10 = vector.broadcast %and3A : i32 to vector<512x512xi32>
    %and3A_11 = arith.andi %bitcast3A_9, %and3A_10 : vector<512x512xi32>
    %shift_right_logical3A = arith.constant 16 : i32
    %shift_right_logical3A_12 = vector.broadcast %shift_right_logical3A : i32 to vector<512x512xi32>
    %shift_right_logical3A_13 = arith.shrui %bitcast3A, %shift_right_logical3A_12 : vector<512x512xi32>
    %or3A = arith.ori %and3A_11, %shift_right_logical3A_13 : vector<512x512xi32>
    %swap3A = arith.constant 0 : index
    %swap3A_14 = arith.constant 0 : index
    %swap3A_15 = vector.load %arg5[%swap3A, %swap3A_14] : memref<512x512xi32, #tpu.memory_space<vmem>>, vector<512x512xi32>
    tpu.vector_store %arg5[%swap3A, %swap3A_14], %or3A {strides = array<i32>} : memref<512x512xi32, #tpu.memory_space<vmem>>, vector<512x512xi32>,
    %dot_general3A = arith.constant dense<0.000000e+00> : vector<512x64xf32>
    %dot_general3A_16 = tpu.matmul %get3A_1, %get3A_4, %dot_general3A {dimension_numbers = #tpu.dot_dimension_numbers<[1], [1], [0], [0], [0, 0, 1, 0], [], []>, transpose_lhs_hint = false} : vector<512x1024xf32>, vector<64x1024xf32>, vector<512x64xf32> -> vector<512x64xf32>
    %logistic3A = arith.negf %dot_general3A_16 : vector<512x64xf32>
    %logistic3A_17 = math.exp %logistic3A : vector<512x64xf32>
    %logistic3A_18 = arith.constant 1.000000e+00 : f32
    %logistic3A_19 = vector.broadcast %logistic3A_18 : f32 to vector<512x64xf32>
    %logistic3A_20 = arith.addf %logistic3A_19, %logistic3A_17 : vector<512x64xf32>
    %logistic3A_21 = arith.divf %logistic3A_19, %logistic3A_20 : vector<512x64xf32>
    %iota3A = tpu.iota {dimensions = array<i32: 1>} : vector<512x64xi32>
    %reduce_max3A = arith.constant dense<0xFF800000> : vector<512xf32>
    %reduce_max3A_22 = vector.multi_reduction <maximumf>, %logistic3A_21, %reduce_max3A [1] : vector<512x64xf32> to vector<512xf32>
    %broadcast_in_dim3A = vector.shape_cast %reduce_max3A_22 : vector<512xf32> to vector<512x1xf32>
    %eq3A = vector.broadcast %broadcast_in_dim3A : vector<512x1xf32> to vector<512x64xf32>
    %eq3A_23 = arith.cmpf oeq, %logistic3A_21, %eq3A : vector<512x64xf32>
    %jit3A = arith.constant 64 : i32
    %broadcast_in_dim3A_24 = vector.broadcast %jit3A : i32 to vector<512x64xi32>
    %select_n3A = arith.select %eq3A_23, %iota3A, %broadcast_in_dim3A_24 : vector<512x64xi1>, vector<512x64xi32>
    %reduce_min3A = arith.constant dense<2147483647> : vector<512xi32>
    %reduce_min3A_25 = vector.multi_reduction <minsi>, %select_n3A, %reduce_min3A [1] : vector<512x64xi32> to vector<512xi32>
    %broadcast_in_dim3A_26 = vector.shape_cast %reduce_min3A_25 : vector<512xi32> to vector<512x1xi32>
    %eq3A_27 = vector.broadcast %broadcast_in_dim3A_26 : vector<512x1xi32> to vector<512x64xi32>
    %eq3A_28 = arith.cmpi eq, %iota3A, %eq3A_27 : vector<512x64xi32>
    %jit3A_29 = arith.constant -1.000000e+30 : f32
    %broadcast_in_dim3A_30 = vector.broadcast %jit3A_29 : f32 to vector<512x64xf32>
    %select_n3A_31 = arith.select %eq3A_28, %broadcast_in_dim3A_30, %logistic3A_21 : vector<512x64xi1>, vector<512x64xf32>
    %reduce_max3A_32 = arith.constant dense<0xFF800000> : vector<512xf32>
    %reduce_max3A_33 = vector.multi_reduction <maximumf>, %select_n3A_31, %reduce_max3A_32 [1] : vector<512x64xf32> to vector<512xf32>
    %broadcast_in_dim3A_34 = vector.shape_cast %reduce_max3A_33 : vector<512xf32> to vector<512x1xf32>
    %eq3A_35 = vector.broadcast %broadcast_in_dim3A_34 : vector<512x1xf32> to vector<512x64xf32>
    %eq3A_36 = arith.cmpf oeq, %select_n3A_31, %eq3A_35 : vector<512x64xf32>
    %jit3A_37 = arith.constant 64 : i32
    %broadcast_in_dim3A_38 = vector.broadcast %jit3A_37 : i32 to vector<512x64xi32>
    %select_n3A_39 = arith.select %eq3A_36, %iota3A, %broadcast_in_dim3A_38 : vector<512x64xi1>, vector<512x64xi32>
    %reduce_min3A_40 = arith.constant dense<2147483647> : vector<512xi32>
    %reduce_min3A_41 = vector.multi_reduction <minsi>, %select_n3A_39, %reduce_min3A_40 [1] : vector<512x64xi32> to vector<512xi32>
    %broadcast_in_dim3A_42 = vector.shape_cast %reduce_min3A_41 : vector<512xi32> to vector<512x1xi32>
    %add3A = arith.addf %broadcast_in_dim3A, %broadcast_in_dim3A_34 : vector<512x1xf32>
    %div3A = arith.divf %broadcast_in_dim3A, %add3A : vector<512x1xf32>
    %div3A_43 = arith.divf %broadcast_in_dim3A_34, %add3A : vector<512x1xf32>
    %concatenate3A = tpu.concatenate %div3A, %div3A_43 in 1 : vector<512x1xf32>, vector<512x1xf32> -> vector<512x2xf32>
    %swap3A_44 = arith.constant 0 : index
    %swap3A_45 = arith.constant 0 : index
    %swap3A_46 = vector.load %arg3[%swap3A_44, %swap3A_45] : memref<512x2xf32, #tpu.memory_space<vmem>>, vector<512x2xf32>
    tpu.vector_store %arg3[%swap3A_44, %swap3A_45], %concatenate3A {strides = array<i32>} : memref<512x2xf32, #tpu.memory_space<vmem>>, vector<512x2xf32>,
    %concatenate3A_47 = tpu.concatenate %broadcast_in_dim3A_26, %broadcast_in_dim3A_42 in 1 : vector<512x1xi32>, vector<512x1xi32> -> vector<512x2xi32>
    %swap3A_48 = arith.constant 0 : index
    %swap3A_49 = arith.constant 0 : index
    %swap3A_50 = vector.load %arg4[%swap3A_48, %swap3A_49] : memref<512x2xi32, #tpu.memory_space<vmem>>, vector<512x2xi32>
    tpu.vector_store %arg4[%swap3A_48, %swap3A_49], %concatenate3A_47 {strides = array<i32>} : memref<512x2xi32, #tpu.memory_space<vmem>>, vector<512x2xi32>,
    return
  }
  func.func @transform_0(%arg0: i32) -> (i32, i32) {
    %c0_i32 = arith.constant 0 : i32
    %c0_i32_0 = arith.constant 0 : i32
    return %arg0, %c0_i32 : i32, i32
  }
  func.func @transform_1(%arg0: i32) -> (i32, i32) {
    %c0_i32 = arith.constant 0 : i32
    %c0_i32_0 = arith.constant 0 : i32
    %c0_i32_1 = arith.constant 0 : i32
    return %c0_i32, %c0_i32_0 : i32, i32
  }
  func.func @transform_2(%arg0: i32) -> (i32, i32) {
    %c0_i32 = arith.constant 0 : i32
    %c0_i32_0 = arith.constant 0 : i32
    return %arg0, %c0_i32 : i32, i32
  }
  func.func @transform_3(%arg0: i32) -> (i32, i32) {
    %c0_i32 = arith.constant 0 : i32
    %c0_i32_0 = arith.constant 0 : i32
    return %arg0, %c0_i32 : i32, i32
  }
  func.func @transform_4(%arg0: i32) -> (i32, i32) {
    %c0_i32 = arith.constant 0 : i32
    %c0_i32_0 = arith.constant 0 : i32
    return %arg0, %c0_i32 : i32, i32
  }
}

module attributes {stable_mosaic.version = 14 : i64} {
  func.func @_shared_body(%arg0: i32, %arg1: memref<512x512xi32, #tpu.memory_space<vmem>>, %arg2: memref<1024x2048xf32, #tpu.memory_space<vmem>>, %arg3: memref<1024x1024xf32, #tpu.memory_space<vmem>>, %arg4: memref<512x512xi32, #tpu.memory_space<vmem>>, %arg5: memref<512x512xi32, #tpu.memory_space<vmem>>, %arg6: memref<512x1xf32, #tpu.memory_space<vmem>>, %arg7: memref<512x1xf32, #tpu.memory_space<vmem>>, %arg8: memref<512x1024xf32, #tpu.memory_space<vmem>>) attributes {dimension_semantics = [#tpu.dimension_semantics<arbitrary>], iteration_bounds = array<i64: 4>, scalar_prefetch = 0 : i64, scratch_operands = 0 : i64, tpu.core_type = #tpu.core_type<tc>, window_params = [{transform_indices = @transform_0, window_bounds = array<i64: 512, 512>}, {pipeline_mode = #tpu.pipeline_mode<synchronous>, transform_indices = @transform_1, window_bounds = array<i64: 1024, 2048>}, {pipeline_mode = #tpu.pipeline_mode<synchronous>, transform_indices = @transform_2, window_bounds = array<i64: 1024, 1024>}, {transform_indices = @transform_3, window_bounds = array<i64: 512, 512>}, {transform_indices = @transform_4, window_bounds = array<i64: 512, 512>}, {transform_indices = @transform_5, window_bounds = array<i64: 512, 1>}, {transform_indices = @transform_6, window_bounds = array<i64: 512, 1>}, {transform_indices = @transform_7, window_bounds = array<i64: 512, 1024>}]} {
    %get3A = arith.constant 0 : index
    %get3A_0 = arith.constant 0 : index
    %get3A_1 = vector.load %arg1[%get3A, %get3A_0] : memref<512x512xi32, #tpu.memory_space<vmem>>, vector<512x512xi32>
    %shift_left3A = arith.constant 16 : i32
    %shift_left3A_2 = vector.broadcast %shift_left3A : i32 to vector<512x512xi32>
    %shift_left3A_3 = arith.shli %get3A_1, %shift_left3A_2 : vector<512x512xi32>
    %bitcast3A = tpu.bitcast %shift_left3A_3 : vector<512x512xi32> -> vector<512x512xf32>
    %and3A = arith.constant -65536 : i32
    %and3A_4 = vector.broadcast %and3A : i32 to vector<512x512xi32>
    %and3A_5 = arith.andi %get3A_1, %and3A_4 : vector<512x512xi32>
    %bitcast3A_6 = tpu.bitcast %and3A_5 : vector<512x512xi32> -> vector<512x512xf32>
    %convert_element_type3A = arith.truncf %bitcast3A : vector<512x512xf32> to vector<512x512xbf16>
    %convert_element_type3A_7 = arith.truncf %bitcast3A_6 : vector<512x512xf32> to vector<512x512xbf16>
    %get3A_8 = arith.constant 0 : index
    %get3A_9 = arith.constant 0 : index
    %get3A_10 = vector.load %arg2[%get3A_8, %get3A_9] : memref<1024x2048xf32, #tpu.memory_space<vmem>>, vector<1024x2048xf32>
    %slice3A = vector.extract_strided_slice %get3A_10 {offsets = [0, 0], sizes = [512, 2048], strides = [1, 1]} : vector<1024x2048xf32> to vector<512x2048xf32>
    %convert_element_type3A_11 = arith.truncf %slice3A : vector<512x2048xf32> to vector<512x2048xbf16>
    %dot_general3A = arith.constant dense<0.000000e+00> : vector<512x2048xf32>
    %dot_general3A_12 = tpu.matmul %convert_element_type3A, %convert_element_type3A_11, %dot_general3A {dimension_numbers = #tpu.dot_dimension_numbers<[1], [0], [0], [1], [0, 0, 1, 1], [], []>, transpose_lhs_hint = false} : vector<512x512xbf16>, vector<512x2048xbf16>, vector<512x2048xf32> -> vector<512x2048xf32>
    %slice3A_13 = vector.extract_strided_slice %get3A_10 {offsets = [512, 0], sizes = [512, 2048], strides = [1, 1]} : vector<1024x2048xf32> to vector<512x2048xf32>
    %convert_element_type3A_14 = arith.truncf %slice3A_13 : vector<512x2048xf32> to vector<512x2048xbf16>
    %dot_general3A_15 = arith.constant dense<0.000000e+00> : vector<512x2048xf32>
    %dot_general3A_16 = tpu.matmul %convert_element_type3A_7, %convert_element_type3A_14, %dot_general3A_15 {dimension_numbers = #tpu.dot_dimension_numbers<[1], [0], [0], [1], [0, 0, 1, 1], [], []>, transpose_lhs_hint = false} : vector<512x512xbf16>, vector<512x2048xbf16>, vector<512x2048xf32> -> vector<512x2048xf32>
    %add3A = arith.addf %dot_general3A_12, %dot_general3A_16 : vector<512x2048xf32>
    %slice3A_17 = vector.extract_strided_slice %add3A {offsets = [0, 0], sizes = [512, 1024], strides = [1, 1]} : vector<512x2048xf32> to vector<512x1024xf32>
    %slice3A_18 = vector.extract_strided_slice %add3A {offsets = [0, 1024], sizes = [512, 1024], strides = [1, 1]} : vector<512x2048xf32> to vector<512x1024xf32>
    %logistic3A = arith.negf %slice3A_17 : vector<512x1024xf32>
    %logistic3A_19 = math.exp %logistic3A : vector<512x1024xf32>
    %logistic3A_20 = arith.constant 1.000000e+00 : f32
    %logistic3A_21 = vector.broadcast %logistic3A_20 : f32 to vector<512x1024xf32>
    %logistic3A_22 = arith.addf %logistic3A_21, %logistic3A_19 : vector<512x1024xf32>
    %logistic3A_23 = arith.divf %logistic3A_21, %logistic3A_22 : vector<512x1024xf32>
    %mul3A = arith.mulf %slice3A_17, %logistic3A_23 : vector<512x1024xf32>
    %mul3A_24 = arith.mulf %mul3A, %slice3A_18 : vector<512x1024xf32>
    %convert_element_type3A_25 = arith.truncf %mul3A_24 : vector<512x1024xf32> to vector<512x1024xbf16>
    %get3A_26 = arith.constant 0 : index
    %get3A_27 = arith.constant 0 : index
    %get3A_28 = vector.load %arg3[%get3A_26, %get3A_27] : memref<1024x1024xf32, #tpu.memory_space<vmem>>, vector<1024x1024xf32>
    %convert_element_type3A_29 = arith.truncf %get3A_28 : vector<1024x1024xf32> to vector<1024x1024xbf16>
    %dot_general3A_30 = arith.constant dense<0.000000e+00> : vector<512x1024xf32>
    %dot_general3A_31 = tpu.matmul %convert_element_type3A_25, %convert_element_type3A_29, %dot_general3A_30 {dimension_numbers = #tpu.dot_dimension_numbers<[1], [0], [0], [1], [0, 0, 1, 1], [], []>, transpose_lhs_hint = false} : vector<512x1024xbf16>, vector<1024x1024xbf16>, vector<512x1024xf32> -> vector<512x1024xf32>
    %get3A_32 = arith.constant 0 : index
    %get3A_33 = arith.constant 0 : index
    %get3A_34 = vector.load %arg4[%get3A_32, %get3A_33] : memref<512x512xi32, #tpu.memory_space<vmem>>, vector<512x512xi32>
    %shift_left3A_35 = arith.constant 16 : i32
    %shift_left3A_36 = vector.broadcast %shift_left3A_35 : i32 to vector<512x512xi32>
    %shift_left3A_37 = arith.shli %get3A_34, %shift_left3A_36 : vector<512x512xi32>
    %bitcast3A_38 = tpu.bitcast %shift_left3A_37 : vector<512x512xi32> -> vector<512x512xf32>
    %and3A_39 = arith.constant -65536 : i32
    %and3A_40 = vector.broadcast %and3A_39 : i32 to vector<512x512xi32>
    %and3A_41 = arith.andi %get3A_34, %and3A_40 : vector<512x512xi32>
    %bitcast3A_42 = tpu.bitcast %and3A_41 : vector<512x512xi32> -> vector<512x512xf32>
    %convert_element_type3A_43 = arith.truncf %bitcast3A_38 : vector<512x512xf32> to vector<512x512xbf16>
    %convert_element_type3A_44 = arith.truncf %bitcast3A_42 : vector<512x512xf32> to vector<512x512xbf16>
    %get3A_45 = arith.constant 0 : index
    %get3A_46 = arith.constant 0 : index
    %get3A_47 = vector.load %arg5[%get3A_45, %get3A_46] : memref<512x512xi32, #tpu.memory_space<vmem>>, vector<512x512xi32>
    %shift_left3A_48 = arith.constant 16 : i32
    %shift_left3A_49 = vector.broadcast %shift_left3A_48 : i32 to vector<512x512xi32>
    %shift_left3A_50 = arith.shli %get3A_47, %shift_left3A_49 : vector<512x512xi32>
    %bitcast3A_51 = tpu.bitcast %shift_left3A_50 : vector<512x512xi32> -> vector<512x512xf32>
    %and3A_52 = arith.constant -65536 : i32
    %and3A_53 = vector.broadcast %and3A_52 : i32 to vector<512x512xi32>
    %and3A_54 = arith.andi %get3A_47, %and3A_53 : vector<512x512xi32>
    %bitcast3A_55 = tpu.bitcast %and3A_54 : vector<512x512xi32> -> vector<512x512xf32>
    %convert_element_type3A_56 = arith.truncf %bitcast3A_51 : vector<512x512xf32> to vector<512x512xbf16>
    %convert_element_type3A_57 = arith.truncf %bitcast3A_55 : vector<512x512xf32> to vector<512x512xbf16>
    %get3A_58 = arith.constant 0 : index
    %get3A_59 = arith.constant 0 : index
    %get3A_60 = vector.load %arg6[%get3A_58, %get3A_59] : memref<512x1xf32, #tpu.memory_space<vmem>>, vector<512x1xf32>
    %get3A_61 = arith.constant 0 : index
    %get3A_62 = arith.constant 0 : index
    %get3A_63 = vector.load %arg7[%get3A_61, %get3A_62] : memref<512x1xf32, #tpu.memory_space<vmem>>, vector<512x1xf32>
    %slice3A_64 = vector.extract_strided_slice %dot_general3A_31 {offsets = [0, 0], sizes = [512, 512], strides = [1, 1]} : vector<512x1024xf32> to vector<512x512xf32>
    %convert_element_type3A_65 = arith.extf %convert_element_type3A_43 : vector<512x512xbf16> to vector<512x512xf32>
    %mul3A_66 = vector.broadcast %get3A_60 : vector<512x1xf32> to vector<512x512xf32>
    %mul3A_67 = arith.mulf %mul3A_66, %convert_element_type3A_65 : vector<512x512xf32>
    %add3A_68 = arith.addf %slice3A_64, %mul3A_67 : vector<512x512xf32>
    %convert_element_type3A_69 = arith.extf %convert_element_type3A_56 : vector<512x512xbf16> to vector<512x512xf32>
    %mul3A_70 = vector.broadcast %get3A_63 : vector<512x1xf32> to vector<512x512xf32>
    %mul3A_71 = arith.mulf %mul3A_70, %convert_element_type3A_69 : vector<512x512xf32>
    %add3A_72 = arith.addf %add3A_68, %mul3A_71 : vector<512x512xf32>
    %slice3A_73 = vector.extract_strided_slice %dot_general3A_31 {offsets = [0, 512], sizes = [512, 512], strides = [1, 1]} : vector<512x1024xf32> to vector<512x512xf32>
    %convert_element_type3A_74 = arith.extf %convert_element_type3A_44 : vector<512x512xbf16> to vector<512x512xf32>
    %mul3A_75 = vector.broadcast %get3A_60 : vector<512x1xf32> to vector<512x512xf32>
    %mul3A_76 = arith.mulf %mul3A_75, %convert_element_type3A_74 : vector<512x512xf32>
    %add3A_77 = arith.addf %slice3A_73, %mul3A_76 : vector<512x512xf32>
    %convert_element_type3A_78 = arith.extf %convert_element_type3A_57 : vector<512x512xbf16> to vector<512x512xf32>
    %mul3A_79 = vector.broadcast %get3A_63 : vector<512x1xf32> to vector<512x512xf32>
    %mul3A_80 = arith.mulf %mul3A_79, %convert_element_type3A_78 : vector<512x512xf32>
    %add3A_81 = arith.addf %add3A_77, %mul3A_80 : vector<512x512xf32>
    %concatenate3A = tpu.concatenate %add3A_72, %add3A_81 in 1 : vector<512x512xf32>, vector<512x512xf32> -> vector<512x1024xf32>
    %swap3A = arith.constant 0 : index
    %swap3A_82 = arith.constant 0 : index
    %swap3A_83 = vector.load %arg8[%swap3A, %swap3A_82] : memref<512x1024xf32, #tpu.memory_space<vmem>>, vector<512x1024xf32>
    tpu.vector_store %arg8[%swap3A, %swap3A_82], %concatenate3A {strides = array<i32>} : memref<512x1024xf32, #tpu.memory_space<vmem>>, vector<512x1024xf32>,
    return
  }
  func.func @transform_0(%arg0: i32) -> (i32, i32) {
    %c0_i32 = arith.constant 0 : i32
    %c0_i32_0 = arith.constant 0 : i32
    return %arg0, %c0_i32 : i32, i32
  }
  func.func @transform_1(%arg0: i32) -> (i32, i32) {
    %c0_i32 = arith.constant 0 : i32
    %c0_i32_0 = arith.constant 0 : i32
    %c0_i32_1 = arith.constant 0 : i32
    return %c0_i32, %c0_i32_0 : i32, i32
  }
  func.func @transform_2(%arg0: i32) -> (i32, i32) {
    %c0_i32 = arith.constant 0 : i32
    %c0_i32_0 = arith.constant 0 : i32
    %c0_i32_1 = arith.constant 0 : i32
    return %c0_i32, %c0_i32_0 : i32, i32
  }
  func.func @transform_3(%arg0: i32) -> (i32, i32) {
    %c0_i32 = arith.constant 0 : i32
    %c0_i32_0 = arith.constant 0 : i32
    return %arg0, %c0_i32 : i32, i32
  }
  func.func @transform_4(%arg0: i32) -> (i32, i32) {
    %c0_i32 = arith.constant 0 : i32
    %c0_i32_0 = arith.constant 0 : i32
    return %arg0, %c0_i32 : i32, i32
  }
  func.func @transform_5(%arg0: i32) -> (i32, i32) {
    %c0_i32 = arith.constant 0 : i32
    %c0_i32_0 = arith.constant 0 : i32
    return %arg0, %c0_i32 : i32, i32
  }
  func.func @transform_6(%arg0: i32) -> (i32, i32) {
    %c0_i32 = arith.constant 0 : i32
    %c0_i32_0 = arith.constant 0 : i32
    return %arg0, %c0_i32 : i32, i32
  }
  func.func @transform_7(%arg0: i32) -> (i32, i32) {
    %c0_i32 = arith.constant 0 : i32
    %c0_i32_0 = arith.constant 0 : i32
    return %arg0, %c0_i32 : i32, i32
  }
}

</mosaic_0001>

<sc_bundles>
// kernel: kernel.11.cloned.1.call-start
scs
__scs_entry_jumppad:
0x0: {  	(pc) =	sbr.rel $0x88, $3  }
0x1: {  	(tag) =	ssettag $0x0;
	lr =	simm.s32 $0x1  }
0x2: {  	[smem:$0x3F9B] =	sst lr;
	_ =	strace $0xD0000000  }
0x3: {  	_ = 	snop  }
0x4: {  	_ = 	snop  }
0x5: {  	_ = 	snop  }
0x6: {  	_ = 	snop  }
0x7: {  	_ = 	snop  }
__scs_overlays_trampoline_lowered:
0x8: {  	[smem:$0x3FAA] =	sst s0  }
0x9: {  	[smem:$0x3FAB] =	sst s1  }
0xa: {  	[smem:$0x3FAC] =	sst s2  }
0xb: {  	[smem:$0x3FAD] =	sst s3  }
0xc: {  	[smem:$0x3FAE] =	sst s4  }
0xd: {  	[smem:$0x3FAF] =	sst s5  }
0xe: {  	[smem:$0x3FB0] =	sst s6  }
0xf: {  	[smem:$0x3FB1] =	sst s7  }
0x10: {  	[smem:$0x3FB2] =	sst s8  }
0x11: {  	[smem:$0x3FB3] =	sst s9;
	s0 =	simm.s32 @!p0 $0x0  }
0x12: {  	s1 =	sld [smem:$0x3F99];
	s0 =	simm.s32 @p0 $0x1  }
0x13: {  	[smem:$0x3FB4] =	sst s0;
	s0 =	simm.s32 @!p1 $0x0  }
0x14: {  	s2 =	sld [smem:$0x3F98];
	s0 =	simm.s32 @p1 $0x1  }
0x15: {  	[smem:$0x3FB5] =	sst s0;
	s0 =	simm.s32 @!p2 $0x0  }
0x16: {  	s3 =	sld [smem:$0x3FDB];
	s0 =	simm.s32 @p2 $0x1  }
0x17: {  	s4 =	simm.s32 $0x1BF5;
	[smem:$0x3FB7] =	sst s0  }
0x18: {  	s0 =	sld [smem:$0x3F9A];
	_ =	swait.ge [sflag:s4], $0x0  }
0x19: {  	s7 =	sld [smem:$0x3F9B]  }
0x1a: {  	s8 =	sadd.s32 $0xFFFFE003, lr  }
0x1b: {  	s9 =	sadd.s32 $0xFFFFFEF7, lr;
	s5 =	simm.s32 $0xFFFFFFFF;
	p2 =	slt.u32 s8, $0xFFFFF086  }
0x1c: {  	p1 =	slt.u32 s9, $0xF7A;
	s5 =	simm.s32 @!p2 $0x0  }
0x1d: {  	s5 =	simm.s32 @p1 $0x1;
	p0 =	seq.s32 s7, s2  }
0x1e: {  	s7 =	smul.u32 @!p0 $0xF7A, s2;
	p2 =	seq.s32 @!p0 s5, $0x0  }
0x1f: {  	s9 =	smul.u32 $0xF7A, s1;
	s8 =	simm.s32 @!p0 $0x1BF5;
	p2 =	por !p2, p0  }
0x20: {  	[sflag:s8] =	ssyncset.s32 @!p0 $0xFFFFF086;
	s6 =	sadd.s32 @!p0 s3, s7;
	s7 =	simm.s32 @!p0 $0x108  }
0x21: {  	s3 =	sadd.s32 s3, s9;
	s6 =	sadd.s32 @!p0 $0x88, s6;
	s7 =	simm.s32 @p2 $0x1082  }
0x22: {  	[simem:s7], [sflag:s8] =	dma.local @!p0 [hbm:s6], $0xF7A  }
0x23: {  	s9 =	sor.u32 $0xD0000000, s2;
	s6 =	simm.s32 $0x108;
	_ =	swait.ge @!p0 [sflag:s8], $0x0  }
0x24: {  	s3 =	sadd.s32 $0x88, s3;
	s6 =	simm.s32 @!p1 $0x1082;
	[sflag:s4] =	ssyncset.s32 $0xFFFFF086  }
0x25: {  	[simem:s6], [sflag:s4] =	dma.local [hbm:s3], $0xF7A  }
0x26: {  	[smem:$0x3F9B] =	sst s1;
	(tag) =	ssettag s2;
	_ =	strace s9  }
0x27: {  	s1 =	sld [smem:$0x3FAB]  }
0x28: {  	s2 =	sld [smem:$0x3FAC]  }
0x29: {  	s4 =	sld [smem:$0x3FAE]  }
0x2a: {  	p0 =	seq.s32 s5, $0x0;
	s5 =	sld [smem:$0x3FAF]  }
0x2b: {  	s6 =	sld [smem:$0x3FB0]  }
0x2c: {  	s7 =	sld [smem:$0x3FB1]  }
0x2d: {  	s3 =	simm.s32 $0x108;
	s8 =	sld [smem:$0x3FB2]  }
0x2e: {  	s3 =	simm.s32 @!p0 $0x1082;
	s9 =	sld [smem:$0x3FB3]  }
0x2f: {  	lr =	sadd.s32 s0, s3;
	s0 =	sld [smem:$0x3FAA]  }
0x30: {  	s3 =	sld [smem:$0x3FAD]  }
0x31: {  	[smem:$0x3FB6] =	sst s10  }
0x32: {  	s10 =	sld [smem:$0x3FB4];
	_ =	sdelay $0x3  }
0x33: {  	p0 =	seq.s32 s10, $0x1;
	s10 =	sld [smem:$0x3FB6];
	_ =	sdelay $0x3  }
0x34: {  	[smem:$0x3FB6] =	sst s10  }
0x35: {  	s10 =	sld [smem:$0x3FB5];
	_ =	sdelay $0x3  }
0x36: {  	p1 =	seq.s32 s10, $0x1;
	s10 =	sld [smem:$0x3FB6];
	_ =	sdelay $0x3  }
0x37: {  	[smem:$0x3FB6] =	sst s10  }
0x38: {  	s10 =	sld [smem:$0x3FB7]  }
0x39: {  	_ = 	snop;
	(pc) =	sbr.ind lr, $3  }
0x3a: {  	_ = 	snop  }
0x3b: {  	_ = 	snop  }
0x3c: {  	p2 =	seq.s32 s10, $0x1;
	s10 =	sld [smem:$0x3FB6]  }
0x3d: {  	_ =	shalt  }
0x3e: {  	_ =	shalt  }
0x3f: {  	_ =	shalt  }
0x40: {  	_ =	shalt  }
0x41: {  	_ =	shalt  }
0x42: {  	_ =	shalt  }
0x43: {  	_ =	shalt  }
0x44: {  	_ =	shalt  }
0x45: {  	_ =	shalt  }
0x46: {  	_ =	shalt  }
0x47: {  	_ =	shalt  }
0x48: {  	_ =	shalt  }
0x49: {  	_ =	shalt  }
0x4a: {  	_ =	shalt  }
0x4b: {  	_ =	shalt  }
0x4c: {  	_ =	shalt  }
0x4d: {  	_ =	shalt  }
0x4e: {  	_ =	shalt  }
0x4f: {  	_ =	shalt  }
0x50: {  	_ =	shalt  }
0x51: {  	_ =	shalt  }
0x52: {  	_ =	shalt  }
0x53: {  	_ =	shalt  }
0x54: {  	_ =	shalt  }
0x55: {  	_ =	shalt  }
0x56: {  	_ =	shalt  }
0x57: {  	_ =	shalt  }
0x58: {  	_ =	shalt  }
0x59: {  	_ =	shalt  }
0x5a: {  	_ =	shalt  }
0x5b: {  	_ =	shalt  }
0x5c: {  	_ =	shalt  }
0x5d: {  	_ =	shalt  }
0x5e: {  	_ =	shalt  }
0x5f: {  	_ =	shalt  }
0x60: {  	_ =	shalt  }
0x61: {  	_ =	shalt  }
0x62: {  	_ =	shalt  }
0x63: {  	_ =	shalt  }
0x64: {  	_ =	shalt  }
0x65: {  	_ =	shalt  }
0x66: {  	_ =	shalt  }
0x67: {  	_ =	shalt  }
0x68: {  	_ =	shalt  }
0x69: {  	_ =	shalt  }
0x6a: {  	_ =	shalt  }
0x6b: {  	_ =	shalt  }
0x6c: {  	_ =	shalt  }
0x6d: {  	_ =	shalt  }
0x6e: {  	_ =	shalt  }
0x6f: {  	_ =	shalt  }
0x70: {  	_ =	shalt  }
0x71: {  	_ =	shalt  }
0x72: {  	_ =	shalt  }
0x73: {  	_ =	shalt  }
0x74: {  	_ =	shalt  }
0x75: {  	_ =	shalt  }
0x76: {  	_ =	shalt  }
0x77: {  	_ =	shalt  }
0x78: {  	_ =	shalt  }
0x79: {  	_ =	shalt  }
0x7a: {  	_ =	shalt  }
0x7b: {  	_ =	shalt  }
0x7c: {  	_ =	shalt  }
0x7d: {  	_ =	shalt  }
0x7e: {  	_ =	shalt  }
0x7f: {  	_ =	shalt  }
0x80: {  	_ =	shalt  }
0x81: {  	_ =	shalt  }
0x82: {  	_ =	shalt  }
0x83: {  	_ =	shalt  }
0x84: {  	_ =	shalt  }
0x85: {  	_ =	shalt  }
0x86: {  	_ =	shalt  }
0x87: {  	_ =	shalt  }
.Lfunc_end0:
.L_simem_size_0:
called_computation.1_lowered:
.L_overlay_start_0:
0x88: {  	s2 =	sld [smem:$0x3FD9]  }
0x89: {  	s3 =	sld [smem:$0x3FFE];
	_ =	sdelay $0x1  }
0x8a: {  	s1 =	srdreg.scid  }
0x8b: {  	s0 =	sand.u32 $0x1, s1  }
0x8c: {  	s17 =	sshll.u32 s0, $0xA;
	s2 =	sadd.s32 s3, s2  }
0x8d: {  	s2 =	sadd.s32 s2, s17  }
0x8e: {  	[smem:$0x3FC2] =	sst s2  }
0x8f: {  	_ = 	snop  }
0x90: {  	s2 =	sld [smem:$0x3FD0];
	(tm) =	ssettm $0x1  }
0x91: {  	s18 =	sld [smem:$0x3FFB];
	_ =	sdelay $0x3  }
0x92: {  	_ =	strace s18  }
0x93: {  	s3 =	sld [smem:$0x3FFC];
	_ =	sdelay $0x3  }
0x94: {  	_ =	strace s3  }
0x95: {  	s3 =	sld [smem:$0x3FFD];
	_ =	sdelay $0x3  }
0x96: {  	_ =	strace s3  }
0x97: {  	_ =	strace $0x8FFFFFFF  }
0x98: {  	s19 =	sld [smem:$0x3FDB];
	_ =	sdelay $0x1  }
0x99: {  	s4 =	simm.s32 $_scs_section_size  }
0x9a: {  	s5 =	simm.s32 $_size__tile_overlayer_lowered;
	s6 =	simm.s32 $_tile_overlayer_lowered  }
0x9b: {  	s22 =	simm.s32 $0x1BFF;
	s21 =	sshll.u32 s6, $0x1;
	s3 =	sadd.s32 s4, s19  }
0x9c: {  	s7 =	simm.s32 $0x0;
	s20 =	sshll.u32 s5, $0x1;
	s5 =	sadd.s32 s21, s3  }
0x9d: {  	[timem:s7], [sflag:s22] =	dma.local [hbm:s5], s20  }
0x9e: {  	_ =	swait.ge [sflag:s22], s20  }
0x9f: {  	s4 =	ssub.s32 $0x0, s20;
	[sflag:s22] =	ssyncset.done $0x0  }
0xa0: {  	[sflag:s22] =	ssyncadd.s32 s4;
	_ =	sdelay $0x1  }
0xa1: {  	s23 =	simm.s32 $0x1B8B  }
0xa2: {  	_ =	swait.ge [sflag:s23], $0x1  }
0xa3: {  	[sflag:s23] =	ssyncset.done $0x0  }
0xa4: {  	s25 =	simm.s32 $0x1B8E;
	s24 =	sld [smem:$0x3FFE];
	[sflag:s23] =	ssyncadd.s32 $0xFFFFFFFF  }
0xa5: {  	s26 =	simm.s32 $execute0_lowered;
	[smem:$0x3FD2] =	sst s25  }
0xa6: {  	s5 =	sshll.u32 s26, $0x1;
	_ =	strace $0x80000049;
	[dreg:$0x1] =	wrdreg $0xFFFFFFFF  }
0xa7: {  	s28 =	simm.s32 $_size_execute0_lowered;
	s3 =	sadd.s32 s3, s5;
	[dreg:$0x0] =	wrdreg $0x0  }
0xa8: {  	s5 =	sshll.u32 s28, $0x1;
	[dreg:$0x2] =	wrdreg s3  }
0xa9: {  	[dreg:$0x3] =	wrdreg s5  }
0xaa: {  	[dreg:$0x4] =	wrdreg $0xC0  }
0xab: {  	_ =	task [dreg:s7], $0x5FFFF  }
0xac: {  	[dreg:$0x1] =	wrdreg $0xFFFFFFFF  }
0xad: {  	[dreg:$0x0] =	wrdreg $0x60  }
0xae: {  	[dreg:$0x2] =	wrdreg s24  }
0xaf: {  	[dreg:$0x3] =	wrdreg s2  }
0xb0: {  	[dreg:$0x4] =	wrdreg $0x9  }
0xb1: {  	_ =	task.clear_ibuf [dreg:s7], $0x5FFFF;
	_ =	strace $0x90000049  }
0xb2: {  	s29 =	simm.s32 $0x9;
	_ =	strace $0x8000004B  }
0xb3: {  	_ =	swait.ge [sflag:s29], $0x1  }
0xb4: {  	[sflag:s29] =	ssyncadd.s32 $0xFFFFFFFF  }
0xb5: {  	_ =	strace $0x9000004B  }
0xb6: {  	_ =	sfence  }
0xb7: {  	s30 =	sld [smem:$0x0];
	_ =	sdelay $0x2  }
0xb8: {  	s31 =	sshll.u32 s1, $0xD;
	s1 =	sshrl.u32 s1, $0x2  }
0xb9: {  	s3 =	sand.u32 $0x4000, s31;
	s1 =	sadd.s32 s1, s30  }
0xba: {  	s0 =	sor.u32 s3, s0;
	s1 =	sshll.u32 s1, $0x11  }
0xbb: {  	s0 =	sor.u32 s1, s0  }
0xbc: {  	s0 =	sadd.s32 $0x8F2B, s0  }
0xbd: {  	[sflag:s0] =	ssyncadd.remote.s32 $0x1  }
0xbe: {  	_ =	sfence.sel $0xFFFF  }
0xbf: {  	[dreg:$0x0] =	wrdreg $0xFFFFFFFF;
	(pc) =	sbr.abs _section_cstart, $3  }
0xc0: {  	[dreg:$0x1] =	wrdreg $0xFFFFFFFF  }
0xc1: {  	_ =	task.clear_ibuf [dreg:s7], $0x2FFFF;
	_ =	strace $0x9FFFFFFF  }
0xc2: {  	(tm) =	ssettm $0x7FFFFFFF  }
0xc3: {  	_ =	shalt  }
tec
execute0_lowered:
.L_overlay_start_1:
0x0: {  	(tag) =	ssettag $0x1  }
0x1: {  	s3 =	srdreg.scid;
	s0 =	stileid.u32  }
0x2: {  	s4 =	rddreg [dreg:$0x0];
	s6 =	sand.u32 $0x1, s3;
	s12 =	sshll.u32 s0, $0x1  }
0x3: {  	s5 =	rddreg [dreg:$0x1];
	s2 =	simm.s32 $0x0;
	s25 =	sor.u32 s6, s12  }
0x4: {  	s24 =	simm.s32 $0x1180;
	s26 =	simm.s32 $0x1200;
	p0 =	sne.s32 s25, $0x1F  }
0x5: {  	s31 =	simm.s32 $0x1400;
	s10 =	simm.s32 $0x1480;
	s1 =	simm.s32 @!p0 $0x0  }
0x6: {  	[smem:$0x7FF] =	sst s2;
	p1 =	seq.s32 s25, $0x1F;
	s1 =	simm.s32 @p0 $0x1  }
0x7: {  	_ =	strace $0x8000004A;
	[smem:$0x7DE] =	sst s1;
	s1 =	simm.s32 @!p1 $0x0  }
0x8: {  	s11 =	simm.s32 $0x1500;
	s1 =	simm.s32 @p1 $0x1;
	p1 =	sgt.u32 s25, $0x1C  }
0x9: {  	s13 =	sadd.s32 $0x3400, s4;
	[smem:$0x7DF] =	sst s1;
	s1 =	simm.s32 @!p1 $0x0  }
0xa: {  	[dreg:$0x3] =	wrdreg s13;
	s1 =	simm.s32 @p1 $0x1;
	p1 =	sgt.u32 s25, $0x1A  }
0xb: {  	s14 =	sadd.s32 $0x3800, s4;
	[smem:$0x7E0] =	sst s1;
	s1 =	simm.s32 @!p1 $0x0  }
0xc: {  	[dreg:$0x4] =	wrdreg s14;
	s1 =	simm.s32 @p1 $0x1;
	p1 =	sgt.u32 s25, $0x18  }
0xd: {  	s15 =	sadd.s32 $0x3A00, s4;
	[smem:$0x7E1] =	sst s1;
	s1 =	simm.s32 @!p1 $0x0  }
0xe: {  	[dreg:$0x5] =	wrdreg s15;
	s1 =	simm.s32 @p1 $0x1;
	p1 =	sgt.u32 s25, $0x16  }
0xf: {  	s28 =	simm.s32 $0x8700;
	[smem:$0x7E2] =	sst s1;
	s1 =	simm.s32 @!p1 $0x0  }
0x10: {  	[dreg:$0xe] =	wrdreg s24;
	s1 =	simm.s32 @p1 $0x1;
	p1 =	sgt.u32 s25, $0x14  }
0x11: {  	s29 =	simm.s32 $0x8F00;
	[smem:$0x7E3] =	sst s1;
	s1 =	simm.s32 @!p1 $0x0  }
0x12: {  	[dreg:$0xf] =	wrdreg s26;
	s1 =	simm.s32 @p1 $0x1;
	p1 =	sgt.u32 s25, $0x12  }
0x13: {  	s30 =	simm.s32 $0x1;
	[smem:$0x7E4] =	sst s1;
	s1 =	simm.s32 @!p1 $0x0  }
0x14: {  	[dreg:$0x10] =	wrdreg s31;
	s1 =	simm.s32 @p1 $0x1;
	p1 =	sgt.u32 s25, $0x10  }
0x15: {  	s3 =	sadd.s32 $0x3C00, s4;
	[smem:$0x7E5] =	sst s1;
	s1 =	simm.s32 @!p1 $0x0  }
0x16: {  	[dreg:$0x11] =	wrdreg s10;
	s1 =	simm.s32 @p1 $0x1;
	p1 =	sgt.u32 s25, $0xE  }
0x17: {  	s6 =	ssub.s32 $0x2, s6;
	[smem:$0x7E6] =	sst s1;
	s1 =	simm.s32 @!p1 $0x0  }
0x18: {  	[dreg:$0x12] =	wrdreg s11;
	s1 =	simm.s32 @p1 $0x1;
	p1 =	sgt.u32 s25, $0xC  }
0x19: {  	s10 =	simm.s32 $0x1080;
	[smem:$0x7E7] =	sst s1;
	s1 =	simm.s32 @!p1 $0x0  }
0x1a: {  	s13 =	simm.s32 $0x1580;
	s1 =	simm.s32 @p1 $0x1;
	p1 =	sgt.u32 s25, $0xA  }
0x1b: {  	s11 =	simm.s32 $0x1300;
	[smem:$0x7E8] =	sst s1;
	s1 =	simm.s32 @!p1 $0x0  }
0x1c: {  	s12 =	simm.s32 $0x1380;
	s1 =	simm.s32 @p1 $0x1;
	p1 =	sgt.u32 s25, $0x8  }
0x1d: {  	s15 =	simm.s32 $0x2700;
	[smem:$0x7E9] =	sst s1;
	s1 =	simm.s32 @!p1 $0x0  }
0x1e: {  	s24 =	simm.s32 $0x6F00;
	s1 =	simm.s32 @p1 $0x1;
	p1 =	sgt.u32 s25, $0x6  }
0x1f: {  	s26 =	simm.s32 $0x7F00;
	[smem:$0x7EA] =	sst s1;
	s1 =	simm.s32 @!p1 $0x0  }
0x20: {  	s7 =	sshll.u32 s25, $0x4;
	s1 =	simm.s32 @p1 $0x1;
	p1 =	sgt.u32 s25, $0x4  }
0x21: {  	s8 =	sshll.u32 s25, $0x3;
	[smem:$0x7EB] =	sst s1;
	s1 =	simm.s32 @!p1 $0x0  }
0x22: {  	s23 =	sshll.u32 s25, $0xC;
	s1 =	simm.s32 @p1 $0x1;
	p1 =	sgt.u32 s25, $0x2  }
0x23: {  	s9 =	sshrl.u32 s6, $0x1;
	[smem:$0x7EC] =	sst s1;
	s1 =	simm.s32 @!p1 $0x0  }
0x24: {  	[dreg:$0x13] =	wrdreg s13;
	s1 =	simm.s32 @p1 $0x1;
	p1 =	seq.s32 s25, $0x0  }
0x25: {  	s13 =	simm.s32 $0x1700;
	[smem:$0x7ED] =	sst s1;
	s1 =	simm.s32 @!p1 $0x0  }
0x26: {  	s7 =	sadd.s32 s7, s4;
	s1 =	simm.s32 @p1 $0x1;
	p1 =	seq.s32 s0, $0xF  }
0x27: {  	s8 =	sadd.s32 s8, s4;
	[smem:$0x7EE] =	sst s1;
	s1 =	simm.s32 @!p1 $0x0  }
0x28: {  	s5 =	sadd.s32 s5, s23;
	s1 =	simm.s32 @p1 $0x1;
	p1 =	sgt.u32 s0, $0xD  }
0x29: {  	s6 =	ssub.s32 s6, s9;
	[smem:$0x7EF] =	sst s1;
	s1 =	simm.s32 @!p1 $0x0  }
0x2a: {  	s4 =	sadd.s32 $0x3D00, s4;
	s1 =	simm.s32 @p1 $0x1;
	p1 =	sgt.u32 s0, $0xC  }
0x2b: {  	s9 =	simm.s32 $0x1000;
	[smem:$0x7F0] =	sst s1;
	s1 =	simm.s32 @!p1 $0x0  }
0x2c: {  	s23 =	simm.s32 $0x6700;
	s1 =	simm.s32 @p1 $0x1;
	p1 =	sgt.u32 s0, $0xB  }
0x2d: {  	s16 =	sadd.s32 $0x3000, s7;
	[smem:$0x7F1] =	sst s1;
	s1 =	simm.s32 @!p1 $0x0  }
0x2e: {  	s17 =	sadd.s32 $0x3200, s7;
	s1 =	simm.s32 @p1 $0x1;
	p1 =	sgt.u32 s0, $0xA  }
0x2f: {  	s18 =	sadd.s32 $0x3600, s7;
	[smem:$0x7F2] =	sst s1;
	s1 =	simm.s32 @!p1 $0x0  }
0x30: {  	[dreg:$0xd] =	wrdreg s5;
	s1 =	simm.s32 @p1 $0x1;
	p1 =	sgt.u32 s0, $0x9  }
0x31: {  	s19 =	sadd.s32 $0xC6000, s8;
	[smem:$0x7F3] =	sst s1;
	s1 =	simm.s32 @!p1 $0x0  }
0x32: {  	[dreg:$0x6] =	wrdreg s16;
	s1 =	simm.s32 @p1 $0x1;
	p1 =	sgt.u32 s0, $0x8  }
0x33: {  	s20 =	sadd.s32 $0xC6200, s8;
	[smem:$0x7F4] =	sst s1;
	s1 =	simm.s32 @!p1 $0x0  }
0x34: {  	[dreg:$0x7] =	wrdreg s17;
	s1 =	simm.s32 @p1 $0x1;
	p1 =	sgt.u32 s0, $0x7  }
0x35: {  	s21 =	sadd.s32 $0xC5C00, s8;
	[smem:$0x7F5] =	sst s1;
	s1 =	simm.s32 @!p1 $0x0  }
0x36: {  	[dreg:$0x8] =	wrdreg s18;
	s1 =	simm.s32 @p1 $0x1;
	p1 =	sgt.u32 s0, $0x6  }
0x37: {  	s22 =	sadd.s32 $0xC5E00, s8;
	[smem:$0x7F6] =	sst s1;
	s1 =	simm.s32 @!p1 $0x0  }
0x38: {  	[dreg:$0x9] =	wrdreg s19;
	s1 =	simm.s32 @p1 $0x1;
	p1 =	sgt.u32 s0, $0x5  }
0x39: {  	s5 =	smax.u32 s6, $0x1;
	[smem:$0x7F7] =	sst s1;
	s1 =	simm.s32 @!p1 $0x0  }
0x3a: {  	[dreg:$0xa] =	wrdreg s20;
	s1 =	simm.s32 @p1 $0x1;
	p1 =	sgt.u32 s0, $0x4  }
0x3b: {  	s6 =	simm.s32 $0x2;
	[smem:$0x7F8] =	sst s1;
	s1 =	simm.s32 @!p1 $0x0  }
0x3c: {  	[dreg:$0xb] =	wrdreg s21;
	s1 =	simm.s32 @p1 $0x1;
	p1 =	sgt.u32 s0, $0x3  }
0x3d: {  	s7 =	simm.s32 $0x1280;
	[smem:$0x7F9] =	sst s1;
	s1 =	simm.s32 @!p1 $0x0  }
0x3e: {  	[dreg:$0xc] =	wrdreg s22;
	s1 =	simm.s32 @p1 $0x1;
	p1 =	sgt.u32 s0, $0x2  }
0x3f: {  	s8 =	simm.s32 $0x1100;
	[smem:$0x7FA] =	sst s1;
	s1 =	simm.s32 @!p1 $0x0  }
0x40: {  	v10 =	vlaneseq.u32;
	s16 =	simm.s32 $0x2F00;
	s1 =	simm.s32 @p1 $0x1;
	p1 =	sgt.u32 s0, $0x1  }
0x41: {  	v0 =	vmul.u32 $0x2, v10;
	s17 =	simm.s32 $0x3700;
	[smem:$0x7FB] =	sst s1;
	s1 =	simm.s32 @!p1 $0x0  }
0x42: {  	vm0 =	vmmov $0xffff;
	v9 =	vshrl.u32 v10, $0x3;
	v8 =	vand.u32 $0x7, v10;
	s18 =	simm.s32 $0x3F00;
	s1 =	simm.s32 @p1 $0x1;
	p1 =	seq.s32 s0, $0x0  }
0x43: {  	v10 =	vor.u32 $0x8, v10;
	v9 =	vmul.u32 $0x8, v9;
	v1 =	vor.u32 $0x1, v0;
	s19 =	simm.s32 $0x4700;
	s20 =	simm.s32 $0x4F00;
	s0 =	simm.s32 @!p1 $0x0  }
0x44: {  	v2 =	vor.u32 $0x20, v0;
	v3 =	vor.u32 $0x21, v0;
	v4 =	vor.u32 $0x40, v0;
	s21 =	simm.s32 $0x5700;
	[smem:$0x7FC] =	sst s1;
	s0 =	simm.s32 @p1 $0x1  }
0x45: {  	v5 =	vor.u32 $0x41, v0;
	v6 =	vor.u32 $0x60, v0;
	v7 =	vor.u32 $0x61, v0;
	s22 =	simm.s32 $0x5F00;
	s25 =	simm.s32 $0x7700;
	[smem:$0x7FD] =	sst s0  }
.LBB2_1:
0x46: {  	s31 =	rddreg [dreg:$0x3]  }
0x47: {  	[tilespmem:s2], [sflag:$0x2] =	stream.linear.gather [hbm4b:s31+s2], $0x1000, $0x38;
	[tilespmem:$0x9780] =	vst v63  }
0x48: {  	_ =	swait.ge [sflag:s6], $0x1000  }
0x49: {  	s14 =	rddreg [dreg:$0x6];
	[sflag:s6] =	ssyncset.done $0x0  }
0x4a: {  	s0 =	rddreg [dreg:$0xe];
	[sflag:s6] =	ssyncadd.s32 $0xFFFFF000  }
0x4b: {  	[tilespmem:s0], [sflag:$0x2] =	stream.linear.gather [hbm4b:s14+s2], $0x80, $0x38;
	[tilespmem:$0x9780] =	vst v63  }
0x4c: {  	_ =	swait.ge [sflag:s6], $0x80  }
0x4d: {  	s1 =	rddreg [dreg:$0x7];
	[sflag:s6] =	ssyncset.done $0x0  }
0x4e: {  	s14 =	rddreg [dreg:$0xf];
	[sflag:s6] =	ssyncadd.s32 $0xFFFFFF80  }
0x4f: {  	[tilespmem:s14], [sflag:$0x2] =	stream.linear.gather [hbm4b:s1+s2], $0x80, $0x38;
	[tilespmem:$0x9780] =	vst v63  }
0x50: {  	_ =	swait.ge [sflag:s6], $0x80  }
0x51: {  	[sflag:s6] =	ssyncset.done $0x0  }
0x52: {  	s1 =	rddreg [dreg:$0x8];
	[sflag:s6] =	ssyncadd.s32 $0xFFFFFF80  }
0x53: {  	[tilespmem:s7], [sflag:$0x2] =	stream.linear.gather [hbm4b:s1+s2], $0x80, $0x38;
	[tilespmem:$0x9780] =	vst v63  }
0x54: {  	_ =	swait.ge [sflag:s6], $0x80  }
0x55: {  	[sflag:s6] =	ssyncset.done $0x0  }
0x56: {  	[sflag:s6] =	ssyncadd.s32 $0xFFFFFF80  }
0x57: {  	v11 =	vld [tilespmem:$0x0]  }
0x58: {  	v12 =	vld [tilespmem:$0x80]  }
0x59: {  	v13 =	vld [tilespmem:$0x100]  }
0x5a: {  	v14 =	vld [tilespmem:$0x180]  }
0x5b: {  	v15 =	vld [tilespmem:$0x200]  }
0x5c: {  	v16 =	vld [tilespmem:$0x280]  }
0x5d: {  	v18 =	vld [tilespmem:$0x300];
	v17 =	vadd.s32 v11, v12  }
0x5e: {  	v19 =	vld [tilespmem:$0x380];
	v17 =	vadd.s32 v13, v17  }
0x5f: {  	v20 =	vld [tilespmem:$0x400];
	v17 =	vadd.s32 v14, v17  }
0x60: {  	v21 =	vld [tilespmem:$0x480];
	v17 =	vadd.s32 v15, v17  }
0x61: {  	s14 =	sld [smem:$0x7EE];
	v22 =	vld [tilespmem:$0x500];
	v17 =	vadd.s32 v16, v17  }
0x62: {  	s31 =	sld [smem:$0x7FD];
	v23 =	vld [tilespmem:$0x580];
	v17 =	vadd.s32 v18, v17  }
0x63: {  	s1 =	sld [smem:$0x7ED];
	v24 =	vld [tilespmem:$0x600];
	v17 =	vadd.s32 v19, v17  }
0x64: {  	v25 =	vld [tilespmem:$0x680];
	p0 =	seq.s32 s14, $0x1;
	s14 =	sld [smem:$0x7FC];
	v17 =	vadd.s32 v20, v17  }
0x65: {  	v26 =	vld [tilespmem:$0x700];
	p1 =	seq.s32 s31, $0x1;
	s31 =	sld [smem:$0x7EC];
	v17 =	vadd.s32 v21, v17  }
0x66: {  	v27 =	vld [tilespmem:$0x780];
	p2 =	seq.s32 s1, $0x1;
	s1 =	sld [smem:$0x7FB];
	v11 =	vpsel p0, $0x0, v11;
	v12 =	vpsel p1, $0x0, v12;
	v17 =	vadd.s32 v22, v17  }
0x67: {  	v28 =	vld [tilespmem:$0x800];
	p6 =	seq.s32 s14, $0x1;
	s14 =	sld [smem:$0x7EB];
	v34 =	vpsel !p2, $0x0, v13;
	v11 =	vadd.s32 v11, v12;
	v17 =	vadd.s32 v23, v17  }
0x68: {  	v29 =	vld [tilespmem:$0x880];
	p5 =	seq.s32 s31, $0x1;
	s31 =	sld [smem:$0x7FA];
	v37 =	vpsel !p6, $0x0, v14;
	v11 =	vadd.s32 v34, v11;
	v17 =	vadd.s32 v24, v17  }
0x69: {  	v36 =	vld [tilespmem:$0x900];
	v39 =	vpsel !p5, $0x0, v15;
	p5 =	seq.s32 s1, $0x1;
	s1 =	sld [smem:$0x7EA];
	v11 =	vadd.s32 v37, v11;
	v35 =	vadd.s32 v25, v17  }
0x6a: {  	v38 =	vld [tilespmem:$0x980];
	v41 =	vpsel !p5, $0x0, v16;
	p4 =	seq.s32 s14, $0x1;
	s14 =	sld [smem:$0x7F9];
	v11 =	vadd.s32 v39, v11;
	v13 =	vadd.s32 v26, v35  }
0x6b: {  	v40 =	vld [tilespmem:$0xA00];
	p3 =	seq.s32 s31, $0x1;
	s31 =	sld [smem:$0x7E9];
	v43 =	vpsel !p4, $0x0, v18;
	v11 =	vadd.s32 v41, v11;
	v13 =	vadd.s32 v27, v13  }
0x6c: {  	v42 =	vld [tilespmem:$0xA80];
	v45 =	vpsel !p3, $0x0, v19;
	p1 =	seq.s32 s1, $0x1;
	s1 =	sld [smem:$0x7F8];
	v11 =	vadd.s32 v43, v11;
	v13 =	vadd.s32 v28, v13  }
0x6d: {  	v44 =	vld [tilespmem:$0xB00];
	v47 =	vpsel !p1, $0x0, v20;
	p1 =	seq.s32 s14, $0x1;
	s14 =	sld [smem:$0x7E8];
	v11 =	vadd.s32 v45, v11;
	v13 =	vadd.s32 v29, v13  }
0x6e: {  	v46 =	vld [tilespmem:$0xB80];
	v49 =	vpsel !p1, $0x0, v21;
	p1 =	seq.s32 s31, $0x1;
	s31 =	sld [smem:$0x7F7];
	v11 =	vadd.s32 v47, v11;
	v13 =	vadd.s32 v36, v13  }
0x6f: {  	v48 =	vld [tilespmem:$0xC00];
	v51 =	vpsel !p1, $0x0, v22;
	p1 =	seq.s32 s1, $0x1;
	s1 =	sld [smem:$0x7E7];
	v11 =	vadd.s32 v49, v11;
	v13 =	vadd.s32 v38, v13  }
0x70: {  	v50 =	vld [tilespmem:$0xC80];
	v53 =	vpsel !p1, $0x0, v23;
	p1 =	seq.s32 s14, $0x1;
	s14 =	sld [smem:$0x7F6];
	v11 =	vadd.s32 v51, v11;
	v13 =	vadd.s32 v40, v13  }
0x71: {  	v52 =	vld [tilespmem:$0xD00];
	v55 =	vpsel !p1, $0x0, v24;
	p1 =	seq.s32 s31, $0x1;
	s31 =	sld [smem:$0x7E6];
	v11 =	vadd.s32 v53, v11;
	v13 =	vadd.s32 v42, v13  }
0x72: {  	v54 =	vld [tilespmem:$0xD80];
	v57 =	vpsel !p1, $0x0, v25;
	p1 =	seq.s32 s1, $0x1;
	s1 =	sld [smem:$0x7F5];
	v11 =	vadd.s32 v55, v11;
	v13 =	vadd.s32 v44, v13  }
0x73: {  	v56 =	vld [tilespmem:$0xE00];
	v59 =	vpsel !p1, $0x0, v26;
	p1 =	seq.s32 s14, $0x1;
	s14 =	sld [smem:$0x7E5];
	v11 =	vadd.s32 v57, v11;
	v13 =	vadd.s32 v46, v13  }
0x74: {  	v58 =	vld [tilespmem:$0xE80];
	v61 =	vpsel !p1, $0x0, v27;
	p1 =	seq.s32 s31, $0x1;
	s31 =	sld [smem:$0x7F4];
	v11 =	vadd.s32 v59, v11;
	v13 =	vadd.s32 v48, v13  }
0x75: {  	v60 =	vld [tilespmem:$0xF00];
	v63 =	vpsel !p1, $0x0, v28;
	p1 =	seq.s32 s1, $0x1;
	s1 =	sld [smem:$0x7E4];
	v11 =	vadd.s32 v61, v11;
	v13 =	vadd.s32 v50, v13  }
0x76: {  	v62 =	vld [tilespmem:$0xF80];
	v28 =	vpsel !p1, $0x0, v29;
	p1 =	seq.s32 s14, $0x1;
	s14 =	sld [smem:$0x7F3];
	v11 =	vadd.s32 v63, v11;
	v13 =	vadd.s32 v52, v13  }
0x77: {  	v29 =	vpsel !p1, $0x0, v36;
	p1 =	seq.s32 s31, $0x1;
	s31 =	sld [smem:$0x7E3];
	v11 =	vadd.s32 v28, v11;
	v13 =	vadd.s32 v54, v13  }
0x78: {  	v30 =	vpsel !p1, $0x0, v38;
	p1 =	seq.s32 s1, $0x1;
	s1 =	sld [smem:$0x7F2];
	v11 =	vadd.s32 v29, v11;
	v13 =	vadd.s32 v56, v13  }
0x79: {  	v31 =	vpsel !p1, $0x0, v40;
	p1 =	seq.s32 s14, $0x1;
	s14 =	sld [smem:$0x7E2];
	v11 =	vadd.s32 v30, v11;
	v13 =	vadd.s32 v58, v13  }
0x7a: {  	v32 =	vpsel !p1, $0x0, v42;
	p1 =	seq.s32 s31, $0x1;
	s31 =	sld [smem:$0x7F1];
	v11 =	vadd.s32 v31, v11;
	v13 =	vadd.s32 v60, v13  }
0x7b: {  	v33 =	vpsel !p1, $0x0, v44;
	p1 =	seq.s32 s1, $0x1;
	s1 =	sld [smem:$0x7E1];
	v11 =	vadd.s32 v32, v11;
	v13 =	vadd.s32 v62, v13  }
0x7c: {  	v35 =	vpsel !p1, $0x0, v46;
	p1 =	seq.s32 s14, $0x1;
	s14 =	sld [smem:$0x7F0];
	v11 =	vadd.s32 v33, v11;
	vm1 =	vlt.s32 v13, $0x100  }
0x7d: {  	v36 =	vpsel !p1, $0x0, v48;
	p1 =	seq.s32 s31, $0x1;
	s31 =	sld [smem:$0x7E0];
	v11 =	vadd.s32 v35, v11;
	v34 =	vnsel vm1, $0x100, v13  }
0x7e: {  	v37 =	vpsel !p1, $0x0, v50;
	p1 =	seq.s32 s1, $0x1;
	s1 =	sld [smem:$0x7EF];
	v11 =	vadd.s32 v36, v11;
	v14 =	vadd.s32 $0x7F, v34  }
0x7f: {  	v38 =	vpsel !p1, $0x0, v52;
	p1 =	seq.s32 s14, $0x1;
	s14 =	sld [smem:$0x7DF];
	v11 =	vadd.s32 v37, v11;
	v14 =	vshrl.u32 v14, $0x7  }
0x80: {  	v39 =	vpsel !p1, $0x0, v54;
	p1 =	seq.s32 s31, $0x1;
	v11 =	vadd.s32 v38, v11;
	v14 =	vmax.u32 v14, $0x1  }
0x81: {  	v40 =	vpsel !p1, $0x0, v56;
	p1 =	seq.s32 s1, $0x1;
	v11 =	vadd.s32 v39, v11;
	(xrf0) =	vadd.scan.msk.s32 $0xffff, v14  }
0x82: {  	v41 =	vpsel !p1, $0x0, v58;
	p1 =	seq.s32 s14, $0x1;
	v11 =	vadd.s32 v40, v11  }
0x83: {  	v42 =	vpsel !p1, $0x0, v60;
	v11 =	vadd.s32 v41, v11  }
0x84: {  	v11 =	vadd.s32 v42, v11;
	_ =	sdelay $0x2  }
0x85: {  	[tilespmem:$0x1000] =	vst v11;
	v11, _, _ =	vpop (xrf0)  }
0x86: {  	[tilespmem:$0x9700] =	vst v13;
	v44 =	vmin.u32 v14, $0x2;
	v43 =	vsub.s32 v11, v14  }
0x87: {  	[tilespmem:$0x1080] =	vst v43;
	v13 =	vadd.s32 v43, v44  }
0x88: {  	[tilespmem:v0+s8+$0x0] =	vst.idx.msk $0xffff, v43;
	v45 =	vadd.s32 $0xFFFFFFFF, v13  }
0x89: {  	[tilespmem:v1+s8+$0x0] =	vst.idx.msk $0xffff, v45  }
0x8a: {  	v12 =	vld [tilespmem:$0x10]  }
0x8b: {  	v46 =	vld [tilespmem:$0x90]  }
0x8c: {  	v47 =	vld [tilespmem:$0x110]  }
0x8d: {  	v48 =	vld [tilespmem:$0x190]  }
0x8e: {  	v49 =	vld [tilespmem:$0x210]  }
0x8f: {  	v50 =	vld [tilespmem:$0x290]  }
0x90: {  	v52 =	vld [tilespmem:$0x310];
	v51 =	vadd.s32 v12, v46  }
0x91: {  	v53 =	vld [tilespmem:$0x390];
	v18 =	vadd.s32 v47, v51  }
0x92: {  	v54 =	vld [tilespmem:$0x410];
	v18 =	vadd.s32 v48, v18  }
0x93: {  	v11 =	vxor.u32 $0x80000000, v11;
	v55 =	vld [tilespmem:$0x490];
	v18 =	vadd.s32 v49, v18  }
0x94: {  	(xrf0) =	vmax.scan.msk.u32 $0xffff, v11;
	v56 =	vld [tilespmem:$0x510];
	v11 =	vadd.s32 v50, v18  }
0x95: {  	v57 =	vld [tilespmem:$0x590];
	v11 =	vadd.s32 v52, v11  }
0x96: {  	v58 =	vld [tilespmem:$0x610];
	v11 =	vadd.s32 v53, v11  }
0x97: {  	v59 =	vld [tilespmem:$0x690];
	v11 =	vadd.s32 v54, v11  }
0x98: {  	s31 =	sld [smem:$0x7FD];
	v60 =	vld [tilespmem:$0x710];
	v11 =	vadd.s32 v55, v11  }
0x99: {  	v61 =	vld [tilespmem:$0x790];
	v11 =	vadd.s32 v56, v11  }
0x9a: {  	v63 =	vld [tilespmem:$0x810];
	v62, _, _ =	vpop (xrf0);
	v11 =	vadd.s32 v57, v11  }
0x9b: {  	s1 =	sld [smem:$0x7EC];
	p1 =	seq.s32 s31, $0x1;
	v33 =	vld [tilespmem:$0x890];
	(v2sf) =	vpush v62, $0xF;
	v11 =	vadd.s32 v58, v11  }
0x9c: {  	v30 =	vld [tilespmem:$0x910];
	v12 =	vpsel p0, $0x0, v12;
	v13 =	vpsel p1, $0x0, v46;
	v11 =	vadd.s32 v59, v11  }
0x9d: {  	v35 =	vld [tilespmem:$0x990];
	v34 =	vpsel !p2, $0x0, v47;
	v12 =	vadd.s32 v12, v13;
	v11 =	vadd.s32 v60, v11  }
0x9e: {  	v37 =	vld [tilespmem:$0xA10];
	v36 =	vpsel !p6, $0x0, v48;
	p6 =	seq.s32 s1, $0x1;
	v12 =	vadd.s32 v34, v12;
	v11 =	vadd.s32 v61, v11  }
0x9f: {  	s14 =	sld [smem:$0x7EA];
	v39 =	vld [tilespmem:$0xA90];
	v38 =	vpsel !p6, $0x0, v49;
	v12 =	vadd.s32 v36, v12;
	v11 =	vadd.s32 v63, v11  }
0xa0: {  	s31 =	sld [smem:$0x7F9];
	v41 =	vld [tilespmem:$0xB10];
	v40 =	vpsel !p5, $0x0, v50;
	v12 =	vadd.s32 v38, v12;
	v11 =	vadd.s32 v33, v11  }
0xa1: {  	v43 =	vld [tilespmem:$0xB90];
	v42 =	vpsel !p4, $0x0, v52;
	s1 =	sld [smem:$0x7E9];
	v12 =	vadd.s32 v40, v12;
	v11 =	vadd.s32 v30, v11  }
0xa2: {  	v45 =	vld [tilespmem:$0xC10];
	v44 =	vpsel !p3, $0x0, v53;
	p6 =	seq.s32 s14, $0x1;
	s14 =	sld [smem:$0x7F8];
	v12 =	vadd.s32 v42, v12;
	v11 =	vadd.s32 v35, v11  }
0xa3: {  	p2 =	seq.s32 s31, $0x1;
	s31 =	sld [smem:$0x7E8];
	v47 =	vld [tilespmem:$0xC90];
	v46 =	vpsel !p6, $0x0, v54;
	v12 =	vadd.s32 v44, v12;
	v11 =	vadd.s32 v37, v11  }
0xa4: {  	v48 =	vpsel !p2, $0x0, v55;
	v49 =	vld [tilespmem:$0xD10];
	p5 =	seq.s32 s1, $0x1;
	s1 =	sld [smem:$0x7F7];
	v12 =	vadd.s32 v46, v12;
	v11 =	vadd.s32 v39, v11  }
0xa5: {  	v51 =	vld [tilespmem:$0xD90];
	v50 =	vpsel !p5, $0x0, v56;
	p3 =	seq.s32 s14, $0x1;
	s14 =	sld [smem:$0x7E7];
	v12 =	vadd.s32 v48, v12;
	v11 =	vadd.s32 v41, v11  }
0xa6: {  	v52 =	vpsel !p3, $0x0, v57;
	p3 =	seq.s32 s31, $0x1;
	s31 =	sld [smem:$0x7F6];
	v53 =	vld [tilespmem:$0xE10];
	v12 =	vadd.s32 v50, v12;
	v11 =	vadd.s32 v43, v11  }
0xa7: {  	p2 =	seq.s32 s1, $0x1;
	s1 =	sld [smem:$0x7E6];
	v54 =	vpsel !p3, $0x0, v58;
	v55 =	vld [tilespmem:$0xE90];
	v12 =	vadd.s32 v52, v12;
	v11 =	vadd.s32 v45, v11  }
0xa8: {  	v56 =	vpsel !p2, $0x0, v59;
	p2 =	seq.s32 s14, $0x1;
	s14 =	sld [smem:$0x7F5];
	v57 =	vld [tilespmem:$0xF10];
	v12 =	vadd.s32 v54, v12;
	v11 =	vadd.s32 v47, v11  }
0xa9: {  	p1 =	seq.s32 s31, $0x1;
	s31 =	sld [smem:$0x7E5];
	v58 =	vpsel !p2, $0x0, v60;
	v59 =	vld [tilespmem:$0xF90];
	v12 =	vadd.s32 v56, v12;
	v11 =	vadd.s32 v49, v11  }
0xaa: {  	v60 =	vpsel !p1, $0x0, v61;
	p1 =	seq.s32 s1, $0x1;
	s1 =	sld [smem:$0x7F4];
	v12 =	vadd.s32 v58, v12;
	v11 =	vadd.s32 v51, v11  }
0xab: {  	v61 =	vpsel !p1, $0x0, v63;
	p1 =	seq.s32 s14, $0x1;
	s14 =	sld [smem:$0x7E4];
	v12 =	vadd.s32 v60, v12;
	v11 =	vadd.s32 v53, v11  }
0xac: {  	v62 =	vpsel !p1, $0x0, v33;
	p1 =	seq.s32 s31, $0x1;
	s31 =	sld [smem:$0x7F3];
	v12 =	vadd.s32 v61, v12;
	v11 =	vadd.s32 v55, v11  }
0xad: {  	v63 =	vpsel !p1, $0x0, v30;
	p1 =	seq.s32 s1, $0x1;
	s1 =	sld [smem:$0x7E3];
	v12 =	vadd.s32 v62, v12;
	v11 =	vadd.s32 v57, v11  }
0xae: {  	v27 =	vpsel !p1, $0x0, v35;
	p1 =	seq.s32 s14, $0x1;
	s14 =	sld [smem:$0x7F2];
	v12 =	vadd.s32 v63, v12;
	v11 =	vadd.s32 v59, v11  }
0xaf: {  	v28 =	vpsel !p1, $0x0, v37;
	p1 =	seq.s32 s31, $0x1;
	s31 =	sld [smem:$0x7E2];
	v12 =	vadd.s32 v27, v12;
	vm1 =	vlt.s32 v11, $0x100  }
0xb0: {  	v29 =	vpsel !p1, $0x0, v39;
	p1 =	seq.s32 s1, $0x1;
	s1 =	sld [smem:$0x7F1];
	v12 =	vadd.s32 v28, v12;
	v30 =	vnsel vm1, $0x100, v11  }
0xb1: {  	v31 =	vpsel !p1, $0x0, v41;
	p1 =	seq.s32 s14, $0x1;
	s14 =	sld [smem:$0x7E1];
	v12 =	vadd.s32 v29, v12;
	v14 =	vadd.s32 $0x7F, v30  }
0xb2: {  	v32 =	vpsel !p1, $0x0, v43;
	p1 =	seq.s32 s31, $0x1;
	s31 =	sld [smem:$0x7F0];
	v12 =	vadd.s32 v31, v12;
	v14 =	vshrl.u32 v14, $0x7  }
0xb3: {  	v33 =	vpsel !p1, $0x0, v45;
	p1 =	seq.s32 s1, $0x1;
	s1 =	sld [smem:$0x7E0];
	v12 =	vadd.s32 v32, v12;
	v14 =	vmax.u32 v14, $0x1  }
0xb4: {  	v34 =	vpsel !p1, $0x0, v47;
	p1 =	seq.s32 s14, $0x1;
	s14 =	sld [smem:$0x7EF];
	v12 =	vadd.s32 v33, v12;
	(xrf0) =	vadd.scan.msk.s32 $0xffff, v14  }
0xb5: {  	v35 =	vpsel !p1, $0x0, v49;
	p1 =	seq.s32 s31, $0x1;
	s31 =	sld [smem:$0x7DF];
	v12 =	vadd.s32 v34, v12  }
0xb6: {  	v36 =	vpsel !p1, $0x0, v51;
	p1 =	seq.s32 s1, $0x1;
	v12 =	vadd.s32 v35, v12  }
0xb7: {  	v37 =	vpsel !p1, $0x0, v53;
	p1 =	seq.s32 s14, $0x1;
	v12 =	vadd.s32 v36, v12  }
0xb8: {  	v38 =	vpsel !p1, $0x0, v55;
	p1 =	seq.s32 s31, $0x1;
	v12 =	vadd.s32 v37, v12  }
0xb9: {  	v39 =	vpsel !p1, $0x0, v57;
	v12 =	vadd.s32 v38, v12  }
0xba: {  	s1 =	spop (v2sf);
	v12 =	vadd.s32 v39, v12;
	v40, _, _ =	vpop (xrf0)  }
0xbb: {  	s31 =	sxor.u32 $0x80000000, s1;
	[tilespmem:$0x1010] =	vst v12;
	v41 =	vsub.s32 v40, v14  }
0xbc: {  	[tilespmem:$0x9710] =	vst v11;
	v42 =	vmin.u32 v14, $0x2;
	v11 =	vadd.s32 s31, v41  }
0xbd: {  	[tilespmem:$0x1090] =	vst v11;
	v12 =	vadd.s32 v11, v42  }
0xbe: {  	[tilespmem:v2+s8+$0x0] =	vst.idx.msk $0xffff, v11;
	v11 =	vadd.s32 $0xFFFFFFFF, v12  }
0xbf: {  	[tilespmem:v3+s8+$0x0] =	vst.idx.msk $0xffff, v11  }
0xc0: {  	v11 =	vld [tilespmem:$0x20]  }
0xc1: {  	v43 =	vld [tilespmem:$0xA0]  }
0xc2: {  	v44 =	vld [tilespmem:$0x120]  }
0xc3: {  	v45 =	vld [tilespmem:$0x1A0]  }
0xc4: {  	v46 =	vld [tilespmem:$0x220]  }
0xc5: {  	v47 =	vld [tilespmem:$0x2A0]  }
0xc6: {  	s14 =	sld [smem:$0x7FD];
	v49 =	vld [tilespmem:$0x320];
	v48 =	vadd.s32 v11, v43  }
0xc7: {  	s1 =	sld [smem:$0x7ED];
	v50 =	vld [tilespmem:$0x3A0];
	v18 =	vadd.s32 v44, v48  }
0xc8: {  	v51 =	vld [tilespmem:$0x420];
	v18 =	vadd.s32 v45, v18  }
0xc9: {  	p1 =	seq.s32 s14, $0x1;
	s14 =	sld [smem:$0x7FC];
	v52 =	vld [tilespmem:$0x4A0];
	v18 =	vadd.s32 v46, v18  }
0xca: {  	v13 =	vxor.u32 $0x80000000, v40;
	v54 =	vld [tilespmem:$0x520];
	v12 =	vpsel p1, $0x0, v43;
	p1 =	seq.s32 s1, $0x1;
	s1 =	sld [smem:$0x7EC];
	v53 =	vadd.s32 v47, v18  }
0xcb: {  	(xrf0) =	vmax.scan.msk.u32 $0xffff, v13;
	v55 =	vld [tilespmem:$0x5A0];
	v13 =	vadd.s32 v49, v53  }
0xcc: {  	v56 =	vld [tilespmem:$0x620];
	v31 =	vpsel !p1, $0x0, v44;
	p1 =	seq.s32 s14, $0x1;
	v13 =	vadd.s32 v50, v13  }
0xcd: {  	v57 =	vld [tilespmem:$0x6A0];
	v33 =	vpsel !p1, $0x0, v45;
	p1 =	seq.s32 s1, $0x1;
	s1 =	sld [smem:$0x7FA];
	v13 =	vadd.s32 v51, v13  }
0xce: {  	v58 =	vld [tilespmem:$0x720];
	s14 =	sld [smem:$0x7FB];
	v13 =	vadd.s32 v52, v13  }
0xcf: {  	v59 =	vld [tilespmem:$0x7A0];
	v13 =	vadd.s32 v54, v13  }
0xd0: {  	v61 =	vld [tilespmem:$0x820];
	v39 =	vpsel !p4, $0x0, v49;
	p4 =	seq.s32 s1, $0x1;
	s1 =	sld [smem:$0x7F8];
	v13 =	vadd.s32 v55, v13  }
0xd1: {  	v62 =	vld [tilespmem:$0x8A0];
	v11 =	vpsel p0, $0x0, v11;
	v35 =	vpsel !p1, $0x0, v46;
	p1 =	seq.s32 s14, $0x1;
	s14 =	sld [smem:$0x7F9];
	v13 =	vadd.s32 v56, v13  }
0xd2: {  	v63 =	vld [tilespmem:$0x920];
	v11 =	vadd.s32 v11, v12;
	v13 =	vadd.s32 v57, v13  }
0xd3: {  	v32 =	vld [tilespmem:$0x9A0];
	v11 =	vadd.s32 v31, v11;
	v41 =	vpsel !p4, $0x0, v50;
	p4 =	seq.s32 s1, $0x1;
	s1 =	sld [smem:$0x7F6];
	v13 =	vadd.s32 v58, v13  }
0xd4: {  	v34 =	vld [tilespmem:$0xA20];
	v43 =	vpsel !p6, $0x0, v51;
	v11 =	vadd.s32 v33, v11;
	p6 =	seq.s32 s14, $0x1;
	s14 =	sld [smem:$0x7F7];
	v13 =	vadd.s32 v59, v13  }
0xd5: {  	v36 =	vld [tilespmem:$0xAA0];
	v11 =	vadd.s32 v35, v11;
	v37 =	vpsel !p1, $0x0, v47;
	v13 =	vadd.s32 v61, v13  }
0xd6: {  	v38 =	vld [tilespmem:$0xB20];
	v11 =	vadd.s32 v37, v11;
	p0 =	seq.s32 s1, $0x1;
	s1 =	sld [smem:$0x7F5];
	v13 =	vadd.s32 v62, v13  }
0xd7: {  	v40 =	vld [tilespmem:$0xBA0];
	v47 =	vpsel !p5, $0x0, v54;
	v11 =	vadd.s32 v39, v11;
	p5 =	seq.s32 s14, $0x1;
	s14 =	sld [smem:$0x7E6];
	v13 =	vadd.s32 v63, v13  }
0xd8: {  	v42 =	vld [tilespmem:$0xC20];
	v51 =	vpsel !p3, $0x0, v56;
	v11 =	vadd.s32 v41, v11;
	v13 =	vadd.s32 v32, v13  }
0xd9: {  	v60, _, _ =	vpop (xrf0);
	v44 =	vld [tilespmem:$0xCA0];
	v45 =	vpsel !p6, $0x0, v52;
	v11 =	vadd.s32 v43, v11;
	p3 =	seq.s32 s1, $0x1;
	s1 =	sld [smem:$0x7F4];
	v13 =	vadd.s32 v34, v13  }
0xda: {  	(v2sf) =	vpush v60, $0xF;
	v46 =	vld [tilespmem:$0xD20];
	v11 =	vadd.s32 v45, v11;
	p1 =	seq.s32 s14, $0x1;
	s14 =	sld [smem:$0x7E5];
	v13 =	vadd.s32 v36, v13  }
0xdb: {  	v48 =	vld [tilespmem:$0xDA0];
	v49 =	vpsel !p4, $0x0, v55;
	v55 =	vpsel !p2, $0x0, v58;
	v13 =	vadd.s32 v38, v13  }
0xdc: {  	v50 =	vld [tilespmem:$0xE20];
	v11 =	vadd.s32 v47, v11;
	v53 =	vpsel !p5, $0x0, v57;
	p2 =	seq.s32 s1, $0x1;
	s1 =	sld [smem:$0x7F3];
	v13 =	vadd.s32 v40, v13  }
0xdd: {  	v52 =	vld [tilespmem:$0xEA0];
	v11 =	vadd.s32 v49, v11;
	v58 =	vpsel !p1, $0x0, v61;
	p1 =	seq.s32 s14, $0x1;
	s14 =	sld [smem:$0x7E4];
	v13 =	vadd.s32 v42, v13  }
0xde: {  	v54 =	vld [tilespmem:$0xF20];
	v11 =	vadd.s32 v51, v11;
	v57 =	vpsel !p0, $0x0, v59;
	v13 =	vadd.s32 v44, v13  }
0xdf: {  	v56 =	vld [tilespmem:$0xFA0];
	v11 =	vadd.s32 v53, v11;
	v60 =	vpsel !p1, $0x0, v63;
	p1 =	seq.s32 s1, $0x1;
	s1 =	sld [smem:$0x7F2];
	v13 =	vadd.s32 v46, v13  }
0xe0: {  	v11 =	vadd.s32 v55, v11;
	v59 =	vpsel !p3, $0x0, v62;
	p3 =	seq.s32 s14, $0x1;
	s14 =	sld [smem:$0x7E3];
	v13 =	vadd.s32 v48, v13  }
0xe1: {  	v11 =	vadd.s32 v57, v11;
	v13 =	vadd.s32 v50, v13  }
0xe2: {  	v11 =	vadd.s32 v58, v11;
	v63 =	vpsel !p1, $0x0, v36;
	p1 =	seq.s32 s1, $0x1;
	s1 =	sld [smem:$0x7F1];
	v13 =	vadd.s32 v52, v13  }
0xe3: {  	v11 =	vadd.s32 v59, v11;
	v62 =	vpsel !p3, $0x0, v34;
	p3 =	seq.s32 s14, $0x1;
	s14 =	sld [smem:$0x7E2];
	v13 =	vadd.s32 v54, v13  }
0xe4: {  	v11 =	vadd.s32 v60, v11;
	v61 =	vpsel !p2, $0x0, v32;
	v13 =	vadd.s32 v56, v13  }
0xe5: {  	v11 =	vadd.s32 v61, v11;
	v19 =	vpsel !p1, $0x0, v40;
	p1 =	seq.s32 s1, $0x1;
	s1 =	sld [smem:$0x7F0];
	vm1 =	vlt.s32 v13, $0x100  }
0xe6: {  	v11 =	vadd.s32 v62, v11;
	v17 =	vpsel !p3, $0x0, v38;
	p3 =	seq.s32 s14, $0x1;
	s14 =	sld [smem:$0x7E1];
	v16 =	vnsel vm1, $0x100, v13  }
0xe7: {  	v11 =	vadd.s32 v63, v11;
	v14 =	vadd.s32 $0x7F, v16  }
0xe8: {  	v11 =	vadd.s32 v17, v11;
	v21 =	vpsel !p1, $0x0, v44;
	p1 =	seq.s32 s1, $0x1;
	s1 =	sld [smem:$0x7EF];
	v14 =	vshrl.u32 v14, $0x7  }
0xe9: {  	v11 =	vadd.s32 v19, v11;
	v20 =	vpsel !p3, $0x0, v42;
	p3 =	seq.s32 s14, $0x1;
	s14 =	sld [smem:$0x7E0];
	v14 =	vmax.u32 v14, $0x1  }
0xea: {  	v11 =	vadd.s32 v20, v11;
	(xrf0) =	vadd.scan.msk.s32 $0xffff, v14  }
0xeb: {  	v11 =	vadd.s32 v21, v11;
	v22 =	vpsel !p3, $0x0, v46;
	v26 =	vpsel !p1, $0x0, v48;
	p1 =	seq.s32 s1, $0x1;
	s1 =	sld [smem:$0x7DF]  }
0xec: {  	v11 =	vadd.s32 v22, v11;
	p3 =	seq.s32 s14, $0x1  }
0xed: {  	v11 =	vadd.s32 v26, v11;
	v27 =	vpsel !p3, $0x0, v50  }
0xee: {  	v11 =	vadd.s32 v27, v11;
	v28 =	vpsel !p1, $0x0, v52;
	p3 =	seq.s32 s1, $0x1  }
0xef: {  	s14 =	spop (v2sf);
	v11 =	vadd.s32 v28, v11;
	v29 =	vpsel !p3, $0x0, v54  }
0xf0: {  	s0 =	sadd.s32 s14, s31;
	v11 =	vadd.s32 v29, v11;
	v30, _, _ =	vpop (xrf0)  }
0xf1: {  	s31 =	sadd.s32 $0x80000000, s0;
	[tilespmem:$0x1020] =	vst v11;
	v11 =	vsub.s32 v30, v14  }
0xf2: {  	[tilespmem:$0x9720] =	vst v13;
	v31 =	vmin.u32 v14, $0x2;
	v11 =	vadd.s32 s31, v11  }
0xf3: {  	[tilespmem:$0x10A0] =	vst v11;
	v13 =	vadd.s32 v11, v31  }
0xf4: {  	[tilespmem:v4+s8+$0x0] =	vst.idx.msk $0xffff, v11;
	v11 =	vadd.s32 $0xFFFFFFFF, v13  }
0xf5: {  	[tilespmem:v5+s8+$0x0] =	vst.idx.msk $0xffff, v11  }
0xf6: {  	v11 =	vld [tilespmem:$0x30]  }
0xf7: {  	v32 =	vld [tilespmem:$0xB0]  }
0xf8: {  	v33 =	vld [tilespmem:$0x130]  }
0xf9: {  	v34 =	vld [tilespmem:$0x1B0]  }
0xfa: {  	v35 =	vld [tilespmem:$0x230]  }
0xfb: {  	s1 =	sld [smem:$0x7EE];
	v36 =	vld [tilespmem:$0x2B0]  }
0xfc: {  	v38 =	vld [tilespmem:$0x330];
	v37 =	vadd.s32 v11, v32  }
0xfd: {  	s14 =	sld [smem:$0x7FD];
	v39 =	vld [tilespmem:$0x3B0];
	v18 =	vadd.s32 v33, v37  }
0xfe: {  	p2 =	seq.s32 s1, $0x1;
	s1 =	sld [smem:$0x7ED];
	v40 =	vld [tilespmem:$0x430];
	v18 =	vadd.s32 v34, v18  }
0xff: {  	v41 =	vld [tilespmem:$0x4B0];
	v18 =	vadd.s32 v35, v18  }
0x100: {  	v12 =	vxor.u32 $0x80000000, v30;
	v43 =	vld [tilespmem:$0x530];
	v11 =	vpsel p2, $0x0, v11;
	p2 =	seq.s32 s14, $0x1;
	s14 =	sld [smem:$0x7FC];
	v42 =	vadd.s32 v36, v18  }
0x101: {  	(xrf0) =	vmax.scan.msk.u32 $0xffff, v12;
	v44 =	vld [tilespmem:$0x5B0];
	v13 =	vpsel p2, $0x0, v32;
	p2 =	seq.s32 s1, $0x1;
	s1 =	sld [smem:$0x7EC];
	v12 =	vadd.s32 v38, v42  }
0x102: {  	v45 =	vld [tilespmem:$0x630];
	v12 =	vadd.s32 v39, v12  }
0x103: {  	v46 =	vld [tilespmem:$0x6B0];
	v53 =	vpsel !p2, $0x0, v33;
	p2 =	seq.s32 s14, $0x1;
	s14 =	sld [smem:$0x7FB];
	v12 =	vadd.s32 v40, v12  }
0x104: {  	v47 =	vld [tilespmem:$0x730];
	v55 =	vpsel !p2, $0x0, v34;
	p2 =	seq.s32 s1, $0x1;
	s1 =	sld [smem:$0x7EB];
	v12 =	vadd.s32 v41, v12  }
0x105: {  	v48 =	vld [tilespmem:$0x7B0];
	v12 =	vadd.s32 v43, v12  }
0x106: {  	v50 =	vld [tilespmem:$0x830];
	v57 =	vpsel !p2, $0x0, v35;
	p2 =	seq.s32 s14, $0x1;
	s14 =	sld [smem:$0x7FA];
	v12 =	vadd.s32 v44, v12  }
0x107: {  	v51 =	vld [tilespmem:$0x8B0];
	v59 =	vpsel !p2, $0x0, v36;
	p2 =	seq.s32 s1, $0x1;
	s1 =	sld [smem:$0x7EA];
	v12 =	vadd.s32 v45, v12  }
0x108: {  	v52 =	vld [tilespmem:$0x930];
	v12 =	vadd.s32 v46, v12  }
0x109: {  	v54 =	vld [tilespmem:$0x9B0];
	v11 =	vadd.s32 v11, v13;
	v61 =	vpsel !p2, $0x0, v38;
	p2 =	seq.s32 s14, $0x1;
	s14 =	sld [smem:$0x7E9];
	v12 =	vadd.s32 v47, v12  }
0x10a: {  	v56 =	vld [tilespmem:$0xA30];
	v11 =	vadd.s32 v53, v11;
	v63 =	vpsel !p2, $0x0, v39;
	p2 =	seq.s32 s1, $0x1;
	s1 =	sld [smem:$0x7E8];
	v12 =	vadd.s32 v48, v12  }
0x10b: {  	v58 =	vld [tilespmem:$0xAB0];
	v11 =	vadd.s32 v55, v11;
	v12 =	vadd.s32 v50, v12  }
0x10c: {  	v60 =	vld [tilespmem:$0xB30];
	v34 =	vpsel !p6, $0x0, v41;
	v11 =	vadd.s32 v57, v11;
	p6 =	seq.s32 s14, $0x1;
	s14 =	sld [smem:$0x7E7];
	v12 =	vadd.s32 v51, v12  }
0x10d: {  	v62 =	vld [tilespmem:$0xBB0];
	v11 =	vadd.s32 v59, v11;
	v38 =	vpsel !p4, $0x0, v44;
	p4 =	seq.s32 s1, $0x1;
	s1 =	sld [smem:$0x7E6];
	v12 =	vadd.s32 v52, v12  }
0x10e: {  	v31 =	vld [tilespmem:$0xC30];
	v42 =	vpsel !p5, $0x0, v46;
	v11 =	vadd.s32 v61, v11;
	v12 =	vadd.s32 v54, v12  }
0x10f: {  	v33 =	vld [tilespmem:$0xCB0];
	v11 =	vadd.s32 v63, v11;
	v32 =	vpsel !p2, $0x0, v40;
	p5 =	seq.s32 s14, $0x1;
	s14 =	sld [smem:$0x7F5];
	v12 =	vadd.s32 v56, v12  }
0x110: {  	v35 =	vld [tilespmem:$0xD30];
	v11 =	vadd.s32 v32, v11;
	v36 =	vpsel !p6, $0x0, v43;
	p6 =	seq.s32 s1, $0x1;
	s1 =	sld [smem:$0x7E5];
	v12 =	vadd.s32 v58, v12  }
0x111: {  	v49, _, _ =	vpop (xrf0);
	v37 =	vld [tilespmem:$0xDB0];
	v11 =	vadd.s32 v34, v11;
	v12 =	vadd.s32 v60, v12  }
0x112: {  	(v2sf) =	vpush v49, $0xF;
	v39 =	vld [tilespmem:$0xE30];
	v11 =	vadd.s32 v36, v11;
	p2 =	seq.s32 s14, $0x1;
	s14 =	sld [smem:$0x7F4];
	v12 =	vadd.s32 v62, v12  }
0x113: {  	v41 =	vld [tilespmem:$0xEB0];
	v40 =	vpsel !p4, $0x0, v45;
	v11 =	vadd.s32 v38, v11;
	p4 =	seq.s32 s1, $0x1;
	s1 =	sld [smem:$0x7E4];
	v12 =	vadd.s32 v31, v12  }
0x114: {  	v46 =	vpsel !p0, $0x0, v48;
	v43 =	vld [tilespmem:$0xF30];
	v11 =	vadd.s32 v40, v11;
	v12 =	vadd.s32 v33, v12  }
0x115: {  	v45 =	vld [tilespmem:$0xFB0];
	v44 =	vpsel !p5, $0x0, v47;
	v11 =	vadd.s32 v42, v11;
	p5 =	seq.s32 s14, $0x1;
	s14 =	sld [smem:$0x7F3];
	v12 =	vadd.s32 v35, v12  }
0x116: {  	v47 =	vpsel !p6, $0x0, v50;
	v11 =	vadd.s32 v44, v11;
	p6 =	seq.s32 s1, $0x1;
	s1 =	sld [smem:$0x7E3];
	v12 =	vadd.s32 v37, v12  }
0x117: {  	v11 =	vadd.s32 v46, v11;
	v12 =	vadd.s32 v39, v12  }
0x118: {  	v48 =	vpsel !p2, $0x0, v51;
	v11 =	vadd.s32 v47, v11;
	p2 =	seq.s32 s14, $0x1;
	s14 =	sld [smem:$0x7F2];
	v12 =	vadd.s32 v41, v12  }
0x119: {  	v49 =	vpsel !p4, $0x0, v52;
	v11 =	vadd.s32 v48, v11;
	p4 =	seq.s32 s1, $0x1;
	s1 =	sld [smem:$0x7E2];
	v12 =	vadd.s32 v43, v12  }
0x11a: {  	v11 =	vadd.s32 v49, v11;
	v50 =	vpsel !p5, $0x0, v54;
	v12 =	vadd.s32 v45, v12  }
0x11b: {  	v11 =	vadd.s32 v50, v11;
	v51 =	vpsel !p6, $0x0, v56;
	p5 =	seq.s32 s14, $0x1;
	s14 =	sld [smem:$0x7F1];
	vm1 =	vlt.s32 v12, $0x100  }
0x11c: {  	v11 =	vadd.s32 v51, v11;
	v52 =	vpsel !p2, $0x0, v58;
	p6 =	seq.s32 s1, $0x1;
	s1 =	sld [smem:$0x7E1];
	v53 =	vnsel vm1, $0x100, v12  }
0x11d: {  	v11 =	vadd.s32 v52, v11;
	v54 =	vpsel !p4, $0x0, v60;
	v14 =	vadd.s32 $0x7F, v53  }
0x11e: {  	v11 =	vadd.s32 v54, v11;
	v55 =	vpsel !p5, $0x0, v62;
	p2 =	seq.s32 s14, $0x1;
	s14 =	sld [smem:$0x7F0];
	v14 =	vshrl.u32 v14, $0x7  }
0x11f: {  	v11 =	vadd.s32 v55, v11;
	v56 =	vpsel !p6, $0x0, v31;
	p4 =	seq.s32 s1, $0x1;
	s1 =	sld [smem:$0x7E0];
	v14 =	vmax.u32 v14, $0x1  }
0x120: {  	v11 =	vadd.s32 v56, v11;
	v57 =	vpsel !p2, $0x0, v33;
	(xrf0) =	vadd.scan.msk.s32 $0xffff, v14  }
0x121: {  	v11 =	vadd.s32 v57, v11;
	v58 =	vpsel !p4, $0x0, v35;
	p5 =	seq.s32 s14, $0x1  }
0x122: {  	v11 =	vadd.s32 v58, v11;
	v59 =	vpsel !p5, $0x0, v37;
	p6 =	seq.s32 s1, $0x1  }
0x123: {  	v11 =	vadd.s32 v59, v11;
	v60 =	vpsel !p6, $0x0, v39  }
0x124: {  	v61 =	vpsel !p1, $0x0, v41;
	v11 =	vadd.s32 v60, v11  }
0x125: {  	v62 =	vpsel !p3, $0x0, v43;
	s14 =	spop (v2sf);
	v11 =	vadd.s32 v61, v11  }
0x126: {  	s0 =	sadd.s32 s14, s31;
	v11 =	vadd.s32 v62, v11;
	v63, _, _ =	vpop (xrf0)  }
0x127: {  	s31 =	sld [smem:$0x7DE];
	s0 =	sadd.s32 $0x80000000, s0;
	[tilespmem:$0x1030] =	vst v11;
	v11 =	vsub.s32 v63, v14  }
0x128: {  	[tilespmem:$0x9730] =	vst v12;
	v16 =	vmin.u32 v14, $0x2;
	v11 =	vadd.s32 s0, v11  }
0x129: {  	[tilespmem:$0x10B0] =	vst v11;
	v12 =	vadd.s32 v11, v16  }
0x12a: {  	p0 =	seq.s32 s31, $0x1;
	[tilespmem:v6+s8+$0x0] =	vst.idx.msk $0xffff, v11;
	v11 =	vadd.s32 $0xFFFFFFFF, v12  }
0x12b: {  	s31 =	simm.s32 @!p0 $0x0;
	s1 =	simm.s32 @!p0 $0x9700;
	s0 =	rddreg [dreg:$0x4];
	[tilespmem:v7+s8+$0x0] =	vst.idx.msk $0xffff, v11  }
0x12c: {  	[hbm4b:s0+s31] =	stream.linear.scatter @!p0 [tilespmem:s1], [sflag:$0x2], $0x80, $0x38;
	[tilespmem:$0x9780] =	vst v63  }
0x12d: {  	s0 =	simm.s32 @!p0 $0x2  }
0x12e: {  	_ =	swait.ge @!p0 [sflag:s0], $0x80  }
0x12f: {  	[sflag:s0] =	ssyncset.done @!p0 $0x0  }
0x130: {  	s14 =	simm.s32 @!p0 $0x1100;
	s1 =	rddreg [dreg:$0x5];
	[sflag:s0] =	ssyncadd.s32 @!p0 $0xFFFFFF80  }
0x131: {  	[hbm4b:s1+s31] =	stream.linear.scatter @!p0 [tilespmem:s14], [sflag:$0x2], $0x80, $0x38;
	[tilespmem:$0x9780] =	vst v63  }
0x132: {  	_ =	swait.ge @!p0 [sflag:s0], $0x80  }
0x133: {  	[sflag:s0] =	ssyncset.done @!p0 $0x0  }
0x134: {  	[sflag:s0] =	ssyncadd.s32 @!p0 $0xFFFFFF80  }
0x135: {  	v11 =	vld [tilespmem:$0x1180];
	_ =	sdelay $0x6  }
0x136: {  	v17 =	vld [tilespmem:$0x1200]  }
0x137: {  	v18 =	vld.idx.msk [tilespmem:v11+s9+$0x0], $0xffff;
	_ =	sdelay $0x1  }
0x138: {  	v11 =	vld.idx.msk [tilespmem:v11+s10+$0x0], $0xffff;
	_ =	sdelay $0x1  }
0x139: {  	v19 =	vld [tilespmem:$0x1190]  }
0x13a: {  	v20 =	vld [tilespmem:$0x1280];
	v12 =	vadd.s32 v17, v18  }
0x13b: {  	vm1 =	vlt.s32 v12, $0x100  }
0x13c: {  	v11 =	vshll.u32 v11, $0x7;
	v21 =	vnsel vm1, $0x0, v12  }
0x13d: {  	v15 =	vadd.s32 v11, v21;
	v11 =	vadd.s32 v12, v11  }
0x13e: {  	[tilespmem:$0x1300] =	vst v15;
	v11 =	vnsel vm1, $0x3000, v11  }
0x13f: {  	[tilespmem:$0x1380] =	vst v11;
	v11 =	vnsel vm1, $0x0, v20  }
0x140: {  	[tilespmem:$0x1280] =	vst v11;
	v11 =	vld [tilespmem:$0x1210]  }
0x141: {  	v22 =	vld.idx.msk [tilespmem:v19+s9+$0x0], $0xffff;
	_ =	sdelay $0x1  }
0x142: {  	v23 =	vld.idx.msk [tilespmem:v19+s10+$0x0], $0xffff;
	_ =	sdelay $0x1  }
0x143: {  	v24 =	vld [tilespmem:$0x11A0]  }
0x144: {  	v25 =	vld [tilespmem:$0x1290];
	v11 =	vadd.s32 v11, v22  }
0x145: {  	vm1 =	vlt.s32 v11, $0x100  }
0x146: {  	v13 =	vshll.u32 v23, $0x7;
	v26 =	vnsel vm1, $0x0, v11  }
0x147: {  	v11 =	vadd.s32 v11, v13;
	v15 =	vadd.s32 v13, v26  }
0x148: {  	v11 =	vnsel vm1, $0x3000, v11;
	[tilespmem:$0x1310] =	vst v15  }
0x149: {  	[tilespmem:$0x1390] =	vst v11;
	v11 =	vnsel vm1, $0x0, v25  }
0x14a: {  	[tilespmem:$0x1290] =	vst v11;
	v11 =	vld [tilespmem:$0x1220]  }
0x14b: {  	v27 =	vld.idx.msk [tilespmem:v24+s9+$0x0], $0xffff;
	_ =	sdelay $0x1  }
0x14c: {  	v28 =	vld.idx.msk [tilespmem:v24+s10+$0x0], $0xffff;
	_ =	sdelay $0x1  }
0x14d: {  	v29 =	vld [tilespmem:$0x11B0]  }
0x14e: {  	v30 =	vld [tilespmem:$0x12A0];
	v11 =	vadd.s32 v11, v27  }
0x14f: {  	vm1 =	vlt.s32 v11, $0x100  }
0x150: {  	v13 =	vshll.u32 v28, $0x7;
	v31 =	vnsel vm1, $0x0, v11  }
0x151: {  	v11 =	vadd.s32 v11, v13;
	v15 =	vadd.s32 v13, v31  }
0x152: {  	v11 =	vnsel vm1, $0x3000, v11;
	[tilespmem:$0x1320] =	vst v15  }
0x153: {  	[tilespmem:$0x13A0] =	vst v11;
	v11 =	vnsel vm1, $0x0, v30  }
0x154: {  	[tilespmem:$0x12A0] =	vst v11;
	v11 =	vld [tilespmem:$0x1230]  }
0x155: {  	v32 =	vld.idx.msk [tilespmem:v29+s9+$0x0], $0xffff;
	_ =	sdelay $0x1  }
0x156: {  	v33 =	vld.idx.msk [tilespmem:v29+s10+$0x0], $0xffff;
	_ =	sdelay $0x1  }
0x157: {  	v34 =	vld [tilespmem:$0x11C0]  }
0x158: {  	v35 =	vld [tilespmem:$0x12B0];
	v11 =	vadd.s32 v11, v32  }
0x159: {  	vm1 =	vlt.s32 v11, $0x100  }
0x15a: {  	v13 =	vshll.u32 v33, $0x7;
	v36 =	vnsel vm1, $0x0, v11  }
0x15b: {  	v11 =	vadd.s32 v11, v13;
	v15 =	vadd.s32 v13, v36  }
0x15c: {  	v11 =	vnsel vm1, $0x3000, v11;
	[tilespmem:$0x1330] =	vst v15  }
0x15d: {  	[tilespmem:$0x13B0] =	vst v11;
	v11 =	vnsel vm1, $0x0, v35  }
0x15e: {  	[tilespmem:$0x12B0] =	vst v11;
	v11 =	vld [tilespmem:$0x1240]  }
0x15f: {  	v37 =	vld.idx.msk [tilespmem:v34+s9+$0x0], $0xffff;
	_ =	sdelay $0x1  }
0x160: {  	v38 =	vld.idx.msk [tilespmem:v34+s10+$0x0], $0xffff;
	_ =	sdelay $0x1  }
0x161: {  	v39 =	vld [tilespmem:$0x11D0]  }
0x162: {  	v40 =	vld [tilespmem:$0x12C0];
	v11 =	vadd.s32 v11, v37  }
0x163: {  	vm1 =	vlt.s32 v11, $0x100  }
0x164: {  	v13 =	vshll.u32 v38, $0x7;
	v41 =	vnsel vm1, $0x0, v11  }
0x165: {  	v11 =	vadd.s32 v11, v13;
	v15 =	vadd.s32 v13, v41  }
0x166: {  	v11 =	vnsel vm1, $0x3000, v11;
	[tilespmem:$0x1340] =	vst v15  }
0x167: {  	[tilespmem:$0x13C0] =	vst v11;
	v11 =	vnsel vm1, $0x0, v40  }
0x168: {  	[tilespmem:$0x12C0] =	vst v11;
	v11 =	vld [tilespmem:$0x1250]  }
0x169: {  	v42 =	vld.idx.msk [tilespmem:v39+s9+$0x0], $0xffff;
	_ =	sdelay $0x1  }
0x16a: {  	v43 =	vld.idx.msk [tilespmem:v39+s10+$0x0], $0xffff;
	_ =	sdelay $0x1  }
0x16b: {  	v44 =	vld [tilespmem:$0x11E0]  }
0x16c: {  	v45 =	vld [tilespmem:$0x12D0];
	v11 =	vadd.s32 v11, v42  }
0x16d: {  	vm1 =	vlt.s32 v11, $0x100  }
0x16e: {  	v13 =	vshll.u32 v43, $0x7;
	v46 =	vnsel vm1, $0x0, v11  }
0x16f: {  	v11 =	vadd.s32 v11, v13;
	v15 =	vadd.s32 v13, v46  }
0x170: {  	v11 =	vnsel vm1, $0x3000, v11;
	[tilespmem:$0x1350] =	vst v15  }
0x171: {  	[tilespmem:$0x13D0] =	vst v11;
	v11 =	vnsel vm1, $0x0, v45  }
0x172: {  	[tilespmem:$0x12D0] =	vst v11;
	v11 =	vld [tilespmem:$0x1260]  }
0x173: {  	v47 =	vld.idx.msk [tilespmem:v44+s9+$0x0], $0xffff;
	_ =	sdelay $0x1  }
0x174: {  	v48 =	vld.idx.msk [tilespmem:v44+s10+$0x0], $0xffff;
	_ =	sdelay $0x1  }
0x175: {  	v49 =	vld [tilespmem:$0x11F0]  }
0x176: {  	v50 =	vld [tilespmem:$0x12E0];
	v11 =	vadd.s32 v11, v47  }
0x177: {  	vm1 =	vlt.s32 v11, $0x100  }
0x178: {  	v13 =	vshll.u32 v48, $0x7;
	v51 =	vnsel vm1, $0x0, v11  }
0x179: {  	v11 =	vadd.s32 v11, v13;
	v15 =	vadd.s32 v13, v51  }
0x17a: {  	v11 =	vnsel vm1, $0x3000, v11;
	[tilespmem:$0x1360] =	vst v15  }
0x17b: {  	[tilespmem:$0x13E0] =	vst v11;
	v11 =	vnsel vm1, $0x0, v50  }
0x17c: {  	[tilespmem:$0x12E0] =	vst v11;
	v11 =	vld [tilespmem:$0x1270]  }
0x17d: {  	v52 =	vld.idx.msk [tilespmem:v49+s9+$0x0], $0xffff;
	_ =	sdelay $0x1  }
0x17e: {  	v53 =	vld.idx.msk [tilespmem:v49+s10+$0x0], $0xffff;
	_ =	sdelay $0x2  }
0x17f: {  	v54 =	vld [tilespmem:$0x12F0];
	v11 =	vadd.s32 v11, v52  }
0x180: {  	vm1 =	vlt.s32 v11, $0x100  }
0x181: {  	v13 =	vshll.u32 v53, $0x7;
	v55 =	vnsel vm1, $0x0, v11  }
0x182: {  	v11 =	vadd.s32 v11, v13;
	v14 =	vadd.s32 v13, v55  }
0x183: {  	v11 =	vnsel vm1, $0x3000, v11;
	[tilespmem:$0x1370] =	vst v14  }
0x184: {  	[tilespmem:$0x13F0] =	vst v11;
	v11 =	vnsel vm1, $0x0, v54  }
0x185: {  	[tilespmem:$0x12F0] =	vst v11  }
0x186: {  	v11 =	vld.idx.msk [tilespmem:v0+s11+$0x0], $0xffff;
	_ =	sdelay $0x4  }
0x187: {  	[tilespmem:$0x1400] =	vst v11  }
0x188: {  	v11 =	vld.idx.msk [tilespmem:v1+s11+$0x0], $0xffff;
	_ =	sdelay $0x4  }
0x189: {  	[tilespmem:$0x1480] =	vst v11  }
0x18a: {  	v11 =	vld.idx.msk [tilespmem:v0+s7+$0x0], $0xffff;
	_ =	sdelay $0x4  }
0x18b: {  	[tilespmem:$0x1500] =	vst v11  }
0x18c: {  	v11 =	vld.idx.msk [tilespmem:v1+s7+$0x0], $0xffff;
	_ =	sdelay $0x4  }
0x18d: {  	[tilespmem:$0x1580] =	vst v11  }
0x18e: {  	v11 =	vld.idx.msk [tilespmem:v0+s12+$0x0], $0xffff;
	_ =	sdelay $0x4  }
0x18f: {  	[tilespmem:$0x1600] =	vst v11  }
0x190: {  	v11 =	vld.idx.msk [tilespmem:v1+s12+$0x0], $0xffff;
	_ =	sdelay $0x4  }
0x191: {  	[tilespmem:$0x1680] =	vst v11  }
0x192: {  	v11 =	vld.idx.msk [tilespmem:v2+s11+$0x0], $0xffff;
	_ =	sdelay $0x4  }
0x193: {  	[tilespmem:$0x1410] =	vst v11  }
0x194: {  	v11 =	vld.idx.msk [tilespmem:v3+s11+$0x0], $0xffff;
	_ =	sdelay $0x4  }
0x195: {  	[tilespmem:$0x1490] =	vst v11  }
0x196: {  	v11 =	vld.idx.msk [tilespmem:v2+s7+$0x0], $0xffff;
	_ =	sdelay $0x4  }
0x197: {  	[tilespmem:$0x1510] =	vst v11  }
0x198: {  	v11 =	vld.idx.msk [tilespmem:v3+s7+$0x0], $0xffff;
	_ =	sdelay $0x4  }
0x199: {  	[tilespmem:$0x1590] =	vst v11  }
0x19a: {  	v11 =	vld.idx.msk [tilespmem:v2+s12+$0x0], $0xffff;
	_ =	sdelay $0x4  }
0x19b: {  	[tilespmem:$0x1610] =	vst v11  }
0x19c: {  	v11 =	vld.idx.msk [tilespmem:v3+s12+$0x0], $0xffff;
	_ =	sdelay $0x4  }
0x19d: {  	[tilespmem:$0x1690] =	vst v11  }
0x19e: {  	v11 =	vld.idx.msk [tilespmem:v4+s11+$0x0], $0xffff;
	_ =	sdelay $0x4  }
0x19f: {  	[tilespmem:$0x1420] =	vst v11  }
0x1a0: {  	v11 =	vld.idx.msk [tilespmem:v5+s11+$0x0], $0xffff;
	_ =	sdelay $0x4  }
0x1a1: {  	[tilespmem:$0x14A0] =	vst v11  }
0x1a2: {  	v11 =	vld.idx.msk [tilespmem:v4+s7+$0x0], $0xffff;
	_ =	sdelay $0x4  }
0x1a3: {  	[tilespmem:$0x1520] =	vst v11  }
0x1a4: {  	v11 =	vld.idx.msk [tilespmem:v5+s7+$0x0], $0xffff;
	_ =	sdelay $0x4  }
0x1a5: {  	[tilespmem:$0x15A0] =	vst v11  }
0x1a6: {  	v11 =	vld.idx.msk [tilespmem:v4+s12+$0x0], $0xffff;
	_ =	sdelay $0x4  }
0x1a7: {  	[tilespmem:$0x1620] =	vst v11  }
0x1a8: {  	v11 =	vld.idx.msk [tilespmem:v5+s12+$0x0], $0xffff;
	_ =	sdelay $0x4  }
0x1a9: {  	[tilespmem:$0x16A0] =	vst v11  }
0x1aa: {  	v11 =	vld.idx.msk [tilespmem:v6+s11+$0x0], $0xffff;
	_ =	sdelay $0x4  }
0x1ab: {  	[tilespmem:$0x1430] =	vst v11  }
0x1ac: {  	v11 =	vld.idx.msk [tilespmem:v7+s11+$0x0], $0xffff;
	_ =	sdelay $0x4  }
0x1ad: {  	[tilespmem:$0x14B0] =	vst v11  }
0x1ae: {  	v11 =	vld.idx.msk [tilespmem:v6+s7+$0x0], $0xffff;
	_ =	sdelay $0x4  }
0x1af: {  	[tilespmem:$0x1530] =	vst v11  }
0x1b0: {  	v11 =	vld.idx.msk [tilespmem:v7+s7+$0x0], $0xffff;
	_ =	sdelay $0x4  }
0x1b1: {  	[tilespmem:$0x15B0] =	vst v11  }
0x1b2: {  	v11 =	vld.idx.msk [tilespmem:v6+s12+$0x0], $0xffff;
	_ =	sdelay $0x4  }
0x1b3: {  	[tilespmem:$0x1630] =	vst v11  }
0x1b4: {  	v11 =	vld.idx.msk [tilespmem:v7+s12+$0x0], $0xffff;
	_ =	sdelay $0x3  }
0x1b5: {  	s14 =	rddreg [dreg:$0x9]  }
0x1b6: {  	s31 =	rddreg [dreg:$0x10];
	[tilespmem:$0x16B0] =	vst v11  }
0x1b7: {  	[hbm4b:s14+s2] =	stream.linear.scatter [tilespmem:s31], [sflag:$0x2], $0x40, $0x38;
	[tilespmem:$0x9780] =	vst v63  }
0x1b8: {  	_ =	swait.ge [sflag:s6], $0x40  }
0x1b9: {  	s14 =	rddreg [dreg:$0xa];
	[sflag:s6] =	ssyncset.done $0x0  }
0x1ba: {  	s31 =	rddreg [dreg:$0x11];
	[sflag:s6] =	ssyncadd.s32 $0xFFFFFFC0  }
0x1bb: {  	[hbm4b:s14+s2] =	stream.linear.scatter [tilespmem:s31], [sflag:$0x2], $0x40, $0x38;
	[tilespmem:$0x9780] =	vst v63  }
0x1bc: {  	_ =	swait.ge [sflag:s6], $0x40  }
0x1bd: {  	s14 =	rddreg [dreg:$0xb];
	[sflag:s6] =	ssyncset.done $0x0  }
0x1be: {  	s31 =	rddreg [dreg:$0x12];
	[sflag:s6] =	ssyncadd.s32 $0xFFFFFFC0  }
0x1bf: {  	[hbm4b:s14+s2] =	stream.linear.scatter [tilespmem:s31], [sflag:$0x2], $0x40, $0x38;
	[tilespmem:$0x9780] =	vst v63  }
0x1c0: {  	_ =	swait.ge [sflag:s6], $0x40  }
0x1c1: {  	s14 =	rddreg [dreg:$0xc];
	[sflag:s6] =	ssyncset.done $0x0  }
0x1c2: {  	s31 =	rddreg [dreg:$0x13];
	[sflag:s6] =	ssyncadd.s32 $0xFFFFFFC0  }
0x1c3: {  	[hbm4b:s14+s2] =	stream.linear.scatter [tilespmem:s31], [sflag:$0x2], $0x40, $0x38;
	[tilespmem:$0x9780] =	vst v63  }
0x1c4: {  	_ =	swait.ge [sflag:s6], $0x40  }
0x1c5: {  	[sflag:s6] =	ssyncset.done $0x0  }
0x1c6: {  	s14 =	rddreg [dreg:$0xd];
	[sflag:s6] =	ssyncadd.s32 $0xFFFFFFC0  }
0x1c7: {  	[tilespmem:s13], [sflag:$0x2] =	stream.linear.gather [hbm4b:s14+s2], $0x8000, $0x38;
	[tilespmem:$0x9780] =	vst v63  }
0x1c8: {  	_ =	swait.ge [sflag:s6], $0x8000  }
0x1c9: {  	[sflag:s6] =	ssyncset.done $0x0  }
0x1ca: {  	[sflag:s6] =	ssyncadd.s32 $0xFFFF8000  }
0x1cb: {  	v11 =	vld [tilespmem:$0x1600];
	_ =	sdelay $0x4  }
0x1cc: {  	v56 =	vshll.u32 v11, $0x2  }
0x1cd: {  	v11 =	vand.u32 $0x7, v11;
	v12 =	vand.u32 $0xFFFFFFE0, v56  }
0x1ce: {  	v11 =	vor.u32 v11, v12  }
0x1cf: {  	v12 =	vperm.xlane v11, v8;
	_ =	sdelay $0x1  }
0x1d0: {  	v12 =	vadd.s32 v9, v12;
	_ =	sdelay $0x1  }
0x1d1: {  	v11 =	vperm.xlane v11, v10;
	_ =	sdelay $0x1  }
0x1d2: {  	v11 =	vadd.s32 v9, v11  }
0x1d3: {  	[hbm4b:s3+s2] =	stream.indirect_vreg.scatter [tilespmem:s13], [sflag:$0x1], $0x80, v12, vm0, $0xb8;
	[tilespmem:$0x9780] =	vst v63  }
0x1d4: {  	s31 =	simm.s32 $0x1F00  }
0x1d5: {  	[hbm4b:s4+s2] =	stream.indirect_vreg.scatter [tilespmem:s31], [sflag:$0x1], $0x80, v12, vm0, $0xb8;
	[tilespmem:$0x9780] =	vst v63  }
0x1d6: {  	_ = 	snop  }
0x1d7: {  	[hbm4b:s3+s2] =	stream.indirect_vreg.scatter [tilespmem:s15], [sflag:$0x1], $0x80, v11, vm0, $0xb8;
	[tilespmem:$0x9780] =	vst v63  }
0x1d8: {  	_ = 	snop  }
0x1d9: {  	[hbm4b:s4+s2] =	stream.indirect_vreg.scatter [tilespmem:s16], [sflag:$0x1], $0x80, v11, vm0, $0xb8;
	[tilespmem:$0x9780] =	vst v63  }
0x1da: {  	v11 =	vld [tilespmem:$0x1610];
	_ =	sdelay $0x4  }
0x1db: {  	v57 =	vshll.u32 v11, $0x2  }
0x1dc: {  	v11 =	vand.u32 $0x7, v11;
	v12 =	vand.u32 $0xFFFFFFE0, v57  }
0x1dd: {  	v11 =	vor.u32 v11, v12  }
0x1de: {  	v12 =	vperm.xlane v11, v8;
	_ =	sdelay $0x1  }
0x1df: {  	v12 =	vadd.s32 v9, v12;
	_ =	sdelay $0x1  }
0x1e0: {  	v11 =	vperm.xlane v11, v10;
	_ =	sdelay $0x1  }
0x1e1: {  	v11 =	vadd.s32 v9, v11  }
0x1e2: {  	[hbm4b:s3+s2] =	stream.indirect_vreg.scatter [tilespmem:s17], [sflag:$0x1], $0x80, v12, vm0, $0xb8;
	[tilespmem:$0x9780] =	vst v63  }
0x1e3: {  	_ = 	snop  }
0x1e4: {  	[hbm4b:s4+s2] =	stream.indirect_vreg.scatter [tilespmem:s18], [sflag:$0x1], $0x80, v12, vm0, $0xb8;
	[tilespmem:$0x9780] =	vst v63  }
0x1e5: {  	_ = 	snop  }
0x1e6: {  	[hbm4b:s3+s2] =	stream.indirect_vreg.scatter [tilespmem:s19], [sflag:$0x1], $0x80, v11, vm0, $0xb8;
	[tilespmem:$0x9780] =	vst v63  }
0x1e7: {  	_ = 	snop  }
0x1e8: {  	[hbm4b:s4+s2] =	stream.indirect_vreg.scatter [tilespmem:s20], [sflag:$0x1], $0x80, v11, vm0, $0xb8;
	[tilespmem:$0x9780] =	vst v63  }
0x1e9: {  	v11 =	vld [tilespmem:$0x1620];
	_ =	sdelay $0x4  }
0x1ea: {  	v58 =	vshll.u32 v11, $0x2  }
0x1eb: {  	v11 =	vand.u32 $0x7, v11;
	v12 =	vand.u32 $0xFFFFFFE0, v58  }
0x1ec: {  	v11 =	vor.u32 v11, v12  }
0x1ed: {  	v12 =	vperm.xlane v11, v8;
	_ =	sdelay $0x1  }
0x1ee: {  	v12 =	vadd.s32 v9, v12;
	_ =	sdelay $0x1  }
0x1ef: {  	v11 =	vperm.xlane v11, v10;
	_ =	sdelay $0x1  }
0x1f0: {  	v11 =	vadd.s32 v9, v11  }
0x1f1: {  	[hbm4b:s3+s2] =	stream.indirect_vreg.scatter [tilespmem:s21], [sflag:$0x1], $0x80, v12, vm0, $0xb8;
	[tilespmem:$0x9780] =	vst v63  }
0x1f2: {  	_ = 	snop  }
0x1f3: {  	[hbm4b:s4+s2] =	stream.indirect_vreg.scatter [tilespmem:s22], [sflag:$0x1], $0x80, v12, vm0, $0xb8;
	[tilespmem:$0x9780] =	vst v63  }
0x1f4: {  	_ = 	snop  }
0x1f5: {  	[hbm4b:s3+s2] =	stream.indirect_vreg.scatter [tilespmem:s23], [sflag:$0x1], $0x80, v11, vm0, $0xb8;
	[tilespmem:$0x9780] =	vst v63  }
0x1f6: {  	_ = 	snop  }
0x1f7: {  	[hbm4b:s4+s2] =	stream.indirect_vreg.scatter [tilespmem:s24], [sflag:$0x1], $0x80, v11, vm0, $0xb8;
	[tilespmem:$0x9780] =	vst v63  }
0x1f8: {  	v11 =	vld [tilespmem:$0x1630];
	_ =	sdelay $0x4  }
0x1f9: {  	v59 =	vshll.u32 v11, $0x2  }
0x1fa: {  	v11 =	vand.u32 $0x7, v11;
	v12 =	vand.u32 $0xFFFFFFE0, v59  }
0x1fb: {  	v11 =	vor.u32 v11, v12  }
0x1fc: {  	v12 =	vperm.xlane v11, v8;
	_ =	sdelay $0x1  }
0x1fd: {  	v12 =	vadd.s32 v9, v12;
	_ =	sdelay $0x1  }
0x1fe: {  	v11 =	vperm.xlane v11, v10;
	_ =	sdelay $0x1  }
0x1ff: {  	v11 =	vadd.s32 v9, v11  }
0x200: {  	[hbm4b:s3+s2] =	stream.indirect_vreg.scatter [tilespmem:s25], [sflag:$0x1], $0x80, v12, vm0, $0xb8;
	[tilespmem:$0x9780] =	vst v63  }
0x201: {  	_ = 	snop  }
0x202: {  	[hbm4b:s4+s2] =	stream.indirect_vreg.scatter [tilespmem:s26], [sflag:$0x1], $0x80, v12, vm0, $0xb8;
	[tilespmem:$0x9780] =	vst v63  }
0x203: {  	_ = 	snop  }
0x204: {  	[hbm4b:s3+s2] =	stream.indirect_vreg.scatter [tilespmem:s28], [sflag:$0x1], $0x80, v11, vm0, $0xb8;
	[tilespmem:$0x9780] =	vst v63  }
0x205: {  	_ = 	snop  }
0x206: {  	[hbm4b:s4+s2] =	stream.indirect_vreg.scatter [tilespmem:s29], [sflag:$0x1], $0x80, v11, vm0, $0xb8;
	[tilespmem:$0x9780] =	vst v63  }
0x207: {  	v11 =	vld [tilespmem:$0x1680];
	_ =	sdelay $0x4  }
0x208: {  	v60 =	vshll.u32 v11, $0x2  }
0x209: {  	v11 =	vand.u32 $0x7, v11;
	v12 =	vand.u32 $0xFFFFFFE0, v60  }
0x20a: {  	v11 =	vor.u32 v11, v12  }
0x20b: {  	v12 =	vperm.xlane v11, v8;
	_ =	sdelay $0x1  }
0x20c: {  	v12 =	vadd.s32 v9, v12;
	_ =	sdelay $0x1  }
0x20d: {  	v11 =	vperm.xlane v11, v10;
	_ =	sdelay $0x1  }
0x20e: {  	v11 =	vadd.s32 v9, v11  }
0x20f: {  	[hbm4b:s3+s2] =	stream.indirect_vreg.scatter [tilespmem:s13], [sflag:$0x1], $0x80, v12, vm0, $0xb8;
	[tilespmem:$0x9780] =	vst v63  }
0x210: {  	_ = 	snop  }
0x211: {  	[hbm4b:s4+s2] =	stream.indirect_vreg.scatter [tilespmem:s31], [sflag:$0x1], $0x80, v12, vm0, $0xb8;
	[tilespmem:$0x9780] =	vst v63  }
0x212: {  	_ = 	snop  }
0x213: {  	[hbm4b:s3+s2] =	stream.indirect_vreg.scatter [tilespmem:s15], [sflag:$0x1], $0x80, v11, vm0, $0xb8;
	[tilespmem:$0x9780] =	vst v63  }
0x214: {  	_ = 	snop  }
0x215: {  	[hbm4b:s4+s2] =	stream.indirect_vreg.scatter [tilespmem:s16], [sflag:$0x1], $0x80, v11, vm0, $0xb8;
	[tilespmem:$0x9780] =	vst v63  }
0x216: {  	v11 =	vld [tilespmem:$0x1690];
	_ =	sdelay $0x4  }
0x217: {  	v61 =	vshll.u32 v11, $0x2  }
0x218: {  	v11 =	vand.u32 $0x7, v11;
	v12 =	vand.u32 $0xFFFFFFE0, v61  }
0x219: {  	v11 =	vor.u32 v11, v12  }
0x21a: {  	v12 =	vperm.xlane v11, v8;
	_ =	sdelay $0x1  }
0x21b: {  	v12 =	vadd.s32 v9, v12;
	_ =	sdelay $0x1  }
0x21c: {  	v11 =	vperm.xlane v11, v10;
	_ =	sdelay $0x1  }
0x21d: {  	v11 =	vadd.s32 v9, v11  }
0x21e: {  	[hbm4b:s3+s2] =	stream.indirect_vreg.scatter [tilespmem:s17], [sflag:$0x1], $0x80, v12, vm0, $0xb8;
	[tilespmem:$0x9780] =	vst v63  }
0x21f: {  	_ = 	snop  }
0x220: {  	[hbm4b:s4+s2] =	stream.indirect_vreg.scatter [tilespmem:s18], [sflag:$0x1], $0x80, v12, vm0, $0xb8;
	[tilespmem:$0x9780] =	vst v63  }
0x221: {  	_ = 	snop  }
0x222: {  	[hbm4b:s3+s2] =	stream.indirect_vreg.scatter [tilespmem:s19], [sflag:$0x1], $0x80, v11, vm0, $0xb8;
	[tilespmem:$0x9780] =	vst v63  }
0x223: {  	_ = 	snop  }
0x224: {  	[hbm4b:s4+s2] =	stream.indirect_vreg.scatter [tilespmem:s20], [sflag:$0x1], $0x80, v11, vm0, $0xb8;
	[tilespmem:$0x9780] =	vst v63  }
0x225: {  	v11 =	vld [tilespmem:$0x16A0];
	_ =	sdelay $0x4  }
0x226: {  	v62 =	vshll.u32 v11, $0x2  }
0x227: {  	v11 =	vand.u32 $0x7, v11;
	v12 =	vand.u32 $0xFFFFFFE0, v62  }
0x228: {  	v11 =	vor.u32 v11, v12  }
0x229: {  	v12 =	vperm.xlane v11, v8;
	_ =	sdelay $0x1  }
0x22a: {  	v12 =	vadd.s32 v9, v12;
	_ =	sdelay $0x1  }
0x22b: {  	v11 =	vperm.xlane v11, v10;
	_ =	sdelay $0x1  }
0x22c: {  	v11 =	vadd.s32 v9, v11  }
0x22d: {  	[hbm4b:s3+s2] =	stream.indirect_vreg.scatter [tilespmem:s21], [sflag:$0x1], $0x80, v12, vm0, $0xb8;
	[tilespmem:$0x9780] =	vst v63  }
0x22e: {  	_ = 	snop  }
0x22f: {  	[hbm4b:s4+s2] =	stream.indirect_vreg.scatter [tilespmem:s22], [sflag:$0x1], $0x80, v12, vm0, $0xb8;
	[tilespmem:$0x9780] =	vst v63  }
0x230: {  	_ = 	snop  }
0x231: {  	[hbm4b:s3+s2] =	stream.indirect_vreg.scatter [tilespmem:s23], [sflag:$0x1], $0x80, v11, vm0, $0xb8;
	[tilespmem:$0x9780] =	vst v63  }
0x232: {  	_ = 	snop  }
0x233: {  	[hbm4b:s4+s2] =	stream.indirect_vreg.scatter [tilespmem:s24], [sflag:$0x1], $0x80, v11, vm0, $0xb8;
	[tilespmem:$0x9780] =	vst v63  }
0x234: {  	v11 =	vld [tilespmem:$0x16B0];
	_ =	sdelay $0x4  }
0x235: {  	v63 =	vshll.u32 v11, $0x2  }
0x236: {  	v11 =	vand.u32 $0x7, v11;
	v12 =	vand.u32 $0xFFFFFFE0, v63  }
0x237: {  	v11 =	vor.u32 v11, v12  }
0x238: {  	v12 =	vperm.xlane v11, v8;
	_ =	sdelay $0x1  }
0x239: {  	v12 =	vadd.s32 v9, v12;
	_ =	sdelay $0x1  }
0x23a: {  	v11 =	vperm.xlane v11, v10;
	_ =	sdelay $0x1  }
0x23b: {  	v11 =	vadd.s32 v9, v11  }
0x23c: {  	[hbm4b:s3+s2] =	stream.indirect_vreg.scatter [tilespmem:s25], [sflag:$0x1], $0x80, v12, vm0, $0xb8;
	[tilespmem:$0x9780] =	vst v63  }
0x23d: {  	_ = 	snop  }
0x23e: {  	[hbm4b:s4+s2] =	stream.indirect_vreg.scatter [tilespmem:s26], [sflag:$0x1], $0x80, v12, vm0, $0xb8;
	[tilespmem:$0x9780] =	vst v63  }
0x23f: {  	_ = 	snop  }
0x240: {  	[hbm4b:s3+s2] =	stream.indirect_vreg.scatter [tilespmem:s28], [sflag:$0x1], $0x80, v11, vm0, $0xb8;
	[tilespmem:$0x9780] =	vst v63  }
0x241: {  	s5 =	sadd.s32 $0xFFFFFFFF, s5  }
0x242: {  	[hbm4b:s4+s2] =	stream.indirect_vreg.scatter [tilespmem:s29], [sflag:$0x1], $0x80, v11, vm0, $0xb8;
	[tilespmem:$0x9780] =	vst v63  }
0x243: {  	p2 =	sne.s32 s5, $0x0;
	_ =	swait.ge [sflag:s30], $0x8000  }
.Ltmp0:
0x244: {  	[sflag:s30] =	ssyncset.done $0x0;
	(pc) =	sbr.rel @p2 .LBB2_1-.Ltmp0, $4  }
0x245: {  	[sflag:s30] =	ssyncadd.s32 $0xFFFF8000  }
0x246: {  	_ =	swait.ge [sflag:s30], $0x8000  }
0x247: {  	[sflag:s30] =	ssyncset.done $0x0  }
0x248: {  	[sflag:s30] =	ssyncadd.s32 $0xFFFF8000  }
0x249: {  	_ =	sfence.sel $0x180000  }
0x24a: {  	[bflag:$0x0] =	sbarrier.arrive $0xFFFF  }
0x24b: {  	_ =	strace $0x9000004A  }
0x24c: {  	s0 =	stileid.u32;
	[bflag:$0x2] =	sbarrier.arrive $0xFFFF  }
0x24d: {  	p0 =	sne.s32 s0, $0x0;
	s0 =	rddreg [dreg:$0x2]  }
0x24e: {  	s0 =	sadd.s32 @!p0 $0x100000, s0  }
0x24f: {  	[sflag:s0] =	ssyncadd.tile.s32 @!p0 $0x1;
	_ =	shalt  }
.Lfunc_end2:
_tile_overlayer_lowered:
.L_overlay_start_2:
0x250: {  	(tag) =	ssettag $0x2  }
0x251: {  	s0 =	rddreg [dreg:$0x0];
	s2 =	stileid.u32  }
0x252: {  	s1 =	rddreg [dreg:$0x1];
	p0 =	sne.s32 s2, $0x0  }
0x253: {  	s3 =	rddreg [dreg:$0x2];
	[bflag:$0x3] =	sbarrier.arrive $0xFFFF;
	s2 =	simm.s32 @!p0 $0x1C02  }
0x254: {  	[timem:s3], [sflag:s2] =	dma.local @!p0 [hbm:s0], s1  }
0x255: {  	s0 =	simm.s32 @!p0 $0x2  }
0x256: {  	_ =	swait.ge @!p0 [sflag:s0], s1  }
0x257: {  	s1 =	ssub.s32 @!p0 $0x0, s1;
	[sflag:s0] =	ssyncset.done @!p0 $0x0  }
0x258: {  	[sflag:s0] =	ssyncadd.s32 @!p0 s1  }
0x259: {  	[bflag:$0x3] =	sbarrier.arrive $0xFFFF  }
0x25a: {  	_ =	shalt  }

// kernel: kernel.14.cloned.1.call-start
scs
__scs_entry_jumppad:
0x0: {  	(pc) =	sbr.rel $0x88, $3  }
0x1: {  	(tag) =	ssettag $0x0;
	lr =	simm.s32 $0x1  }
0x2: {  	[smem:$0x3F9B] =	sst lr;
	_ =	strace $0xD0000000  }
0x3: {  	_ = 	snop  }
0x4: {  	_ = 	snop  }
0x5: {  	_ = 	snop  }
0x6: {  	_ = 	snop  }
0x7: {  	_ = 	snop  }
__scs_overlays_trampoline_lowered:
0x8: {  	[smem:$0x3FAA] =	sst s0  }
0x9: {  	[smem:$0x3FAB] =	sst s1  }
0xa: {  	[smem:$0x3FAC] =	sst s2  }
0xb: {  	[smem:$0x3FAD] =	sst s3  }
0xc: {  	[smem:$0x3FAE] =	sst s4  }
0xd: {  	[smem:$0x3FAF] =	sst s5  }
0xe: {  	[smem:$0x3FB0] =	sst s6  }
0xf: {  	[smem:$0x3FB1] =	sst s7  }
0x10: {  	[smem:$0x3FB2] =	sst s8  }
0x11: {  	[smem:$0x3FB3] =	sst s9;
	s0 =	simm.s32 @!p0 $0x0  }
0x12: {  	s1 =	sld [smem:$0x3F99];
	s0 =	simm.s32 @p0 $0x1  }
0x13: {  	[smem:$0x3FB4] =	sst s0;
	s0 =	simm.s32 @!p1 $0x0  }
0x14: {  	s2 =	sld [smem:$0x3F98];
	s0 =	simm.s32 @p1 $0x1  }
0x15: {  	[smem:$0x3FB5] =	sst s0;
	s0 =	simm.s32 @!p2 $0x0  }
0x16: {  	s3 =	sld [smem:$0x3FDB];
	s0 =	simm.s32 @p2 $0x1  }
0x17: {  	s4 =	simm.s32 $0x1BF5;
	[smem:$0x3FB7] =	sst s0  }
0x18: {  	s0 =	sld [smem:$0x3F9A];
	_ =	swait.ge [sflag:s4], $0x0  }
0x19: {  	s7 =	sld [smem:$0x3F9B]  }
0x1a: {  	s8 =	sadd.s32 $0xFFFFE003, lr  }
0x1b: {  	s9 =	sadd.s32 $0xFFFFFEF7, lr;
	s5 =	simm.s32 $0xFFFFFFFF;
	p2 =	slt.u32 s8, $0xFFFFF086  }
0x1c: {  	p1 =	slt.u32 s9, $0xF7A;
	s5 =	simm.s32 @!p2 $0x0  }
0x1d: {  	s5 =	simm.s32 @p1 $0x1;
	p0 =	seq.s32 s7, s2  }
0x1e: {  	s7 =	smul.u32 @!p0 $0xF7A, s2;
	p2 =	seq.s32 @!p0 s5, $0x0  }
0x1f: {  	s9 =	smul.u32 $0xF7A, s1;
	s8 =	simm.s32 @!p0 $0x1BF5;
	p2 =	por !p2, p0  }
0x20: {  	[sflag:s8] =	ssyncset.s32 @!p0 $0xFFFFF086;
	s6 =	sadd.s32 @!p0 s3, s7;
	s7 =	simm.s32 @!p0 $0x108  }
0x21: {  	s3 =	sadd.s32 s3, s9;
	s6 =	sadd.s32 @!p0 $0x88, s6;
	s7 =	simm.s32 @p2 $0x1082  }
0x22: {  	[simem:s7], [sflag:s8] =	dma.local @!p0 [hbm:s6], $0xF7A  }
0x23: {  	s9 =	sor.u32 $0xD0000000, s2;
	s6 =	simm.s32 $0x108;
	_ =	swait.ge @!p0 [sflag:s8], $0x0  }
0x24: {  	s3 =	sadd.s32 $0x88, s3;
	s6 =	simm.s32 @!p1 $0x1082;
	[sflag:s4] =	ssyncset.s32 $0xFFFFF086  }
0x25: {  	[simem:s6], [sflag:s4] =	dma.local [hbm:s3], $0xF7A  }
0x26: {  	[smem:$0x3F9B] =	sst s1;
	(tag) =	ssettag s2;
	_ =	strace s9  }
0x27: {  	s1 =	sld [smem:$0x3FAB]  }
0x28: {  	s2 =	sld [smem:$0x3FAC]  }
0x29: {  	s4 =	sld [smem:$0x3FAE]  }
0x2a: {  	p0 =	seq.s32 s5, $0x0;
	s5 =	sld [smem:$0x3FAF]  }
0x2b: {  	s6 =	sld [smem:$0x3FB0]  }
0x2c: {  	s7 =	sld [smem:$0x3FB1]  }
0x2d: {  	s3 =	simm.s32 $0x108;
	s8 =	sld [smem:$0x3FB2]  }
0x2e: {  	s3 =	simm.s32 @!p0 $0x1082;
	s9 =	sld [smem:$0x3FB3]  }
0x2f: {  	lr =	sadd.s32 s0, s3;
	s0 =	sld [smem:$0x3FAA]  }
0x30: {  	s3 =	sld [smem:$0x3FAD]  }
0x31: {  	[smem:$0x3FB6] =	sst s10  }
0x32: {  	s10 =	sld [smem:$0x3FB4];
	_ =	sdelay $0x3  }
0x33: {  	p0 =	seq.s32 s10, $0x1;
	s10 =	sld [smem:$0x3FB6];
	_ =	sdelay $0x3  }
0x34: {  	[smem:$0x3FB6] =	sst s10  }
0x35: {  	s10 =	sld [smem:$0x3FB5];
	_ =	sdelay $0x3  }
0x36: {  	p1 =	seq.s32 s10, $0x1;
	s10 =	sld [smem:$0x3FB6];
	_ =	sdelay $0x3  }
0x37: {  	[smem:$0x3FB6] =	sst s10  }
0x38: {  	s10 =	sld [smem:$0x3FB7]  }
0x39: {  	_ = 	snop;
	(pc) =	sbr.ind lr, $3  }
0x3a: {  	_ = 	snop  }
0x3b: {  	_ = 	snop  }
0x3c: {  	p2 =	seq.s32 s10, $0x1;
	s10 =	sld [smem:$0x3FB6]  }
0x3d: {  	_ =	shalt  }
0x3e: {  	_ =	shalt  }
0x3f: {  	_ =	shalt  }
0x40: {  	_ =	shalt  }
0x41: {  	_ =	shalt  }
0x42: {  	_ =	shalt  }
0x43: {  	_ =	shalt  }
0x44: {  	_ =	shalt  }
0x45: {  	_ =	shalt  }
0x46: {  	_ =	shalt  }
0x47: {  	_ =	shalt  }
0x48: {  	_ =	shalt  }
0x49: {  	_ =	shalt  }
0x4a: {  	_ =	shalt  }
0x4b: {  	_ =	shalt  }
0x4c: {  	_ =	shalt  }
0x4d: {  	_ =	shalt  }
0x4e: {  	_ =	shalt  }
0x4f: {  	_ =	shalt  }
0x50: {  	_ =	shalt  }
0x51: {  	_ =	shalt  }
0x52: {  	_ =	shalt  }
0x53: {  	_ =	shalt  }
0x54: {  	_ =	shalt  }
0x55: {  	_ =	shalt  }
0x56: {  	_ =	shalt  }
0x57: {  	_ =	shalt  }
0x58: {  	_ =	shalt  }
0x59: {  	_ =	shalt  }
0x5a: {  	_ =	shalt  }
0x5b: {  	_ =	shalt  }
0x5c: {  	_ =	shalt  }
0x5d: {  	_ =	shalt  }
0x5e: {  	_ =	shalt  }
0x5f: {  	_ =	shalt  }
0x60: {  	_ =	shalt  }
0x61: {  	_ =	shalt  }
0x62: {  	_ =	shalt  }
0x63: {  	_ =	shalt  }
0x64: {  	_ =	shalt  }
0x65: {  	_ =	shalt  }
0x66: {  	_ =	shalt  }
0x67: {  	_ =	shalt  }
0x68: {  	_ =	shalt  }
0x69: {  	_ =	shalt  }
0x6a: {  	_ =	shalt  }
0x6b: {  	_ =	shalt  }
0x6c: {  	_ =	shalt  }
0x6d: {  	_ =	shalt  }
0x6e: {  	_ =	shalt  }
0x6f: {  	_ =	shalt  }
0x70: {  	_ =	shalt  }
0x71: {  	_ =	shalt  }
0x72: {  	_ =	shalt  }
0x73: {  	_ =	shalt  }
0x74: {  	_ =	shalt  }
0x75: {  	_ =	shalt  }
0x76: {  	_ =	shalt  }
0x77: {  	_ =	shalt  }
0x78: {  	_ =	shalt  }
0x79: {  	_ =	shalt  }
0x7a: {  	_ =	shalt  }
0x7b: {  	_ =	shalt  }
0x7c: {  	_ =	shalt  }
0x7d: {  	_ =	shalt  }
0x7e: {  	_ =	shalt  }
0x7f: {  	_ =	shalt  }
0x80: {  	_ =	shalt  }
0x81: {  	_ =	shalt  }
0x82: {  	_ =	shalt  }
0x83: {  	_ =	shalt  }
0x84: {  	_ =	shalt  }
0x85: {  	_ =	shalt  }
0x86: {  	_ =	shalt  }
0x87: {  	_ =	shalt  }
.Lfunc_end0:
.L_simem_size_0:
called_computation.2_lowered:
.L_overlay_start_0:
0x88: {  	s2 =	sld [smem:$0x3FD9]  }
0x89: {  	s3 =	sld [smem:$0x3FFE];
	_ =	sdelay $0x1  }
0x8a: {  	s1 =	srdreg.scid  }
0x8b: {  	s0 =	sand.u32 $0x1, s1  }
0x8c: {  	s16 =	sshll.u32 s0, $0xA;
	s2 =	sadd.s32 s3, s2  }
0x8d: {  	s2 =	sadd.s32 s2, s16  }
0x8e: {  	[smem:$0x3FC2] =	sst s2  }
0x8f: {  	_ = 	snop  }
0x90: {  	(tm) =	ssettm $0x1  }
0x91: {  	s17 =	sld [smem:$0x3FFB];
	_ =	sdelay $0x3  }
0x92: {  	_ =	strace s17  }
0x93: {  	s2 =	sld [smem:$0x3FFC];
	_ =	sdelay $0x3  }
0x94: {  	_ =	strace s2  }
0x95: {  	s2 =	sld [smem:$0x3FFD];
	_ =	sdelay $0x3  }
0x96: {  	_ =	strace s2  }
0x97: {  	_ =	strace $0x8FFFFFFF  }
0x98: {  	s18 =	sld [smem:$0x3FDB];
	_ =	sdelay $0x1  }
0x99: {  	s19 =	simm.s32 $_scs_section_size  }
0x9a: {  	s4 =	simm.s32 $_size__tile_overlayer_lowered;
	s5 =	simm.s32 $_tile_overlayer_lowered  }
0x9b: {  	s22 =	simm.s32 $0x1BFF;
	s21 =	sshll.u32 s5, $0x1;
	s2 =	sadd.s32 s19, s18  }
0x9c: {  	s6 =	simm.s32 $0x0;
	s20 =	sshll.u32 s4, $0x1;
	s4 =	sadd.s32 s21, s2  }
0x9d: {  	[timem:s6], [sflag:s22] =	dma.local [hbm:s4], s20  }
0x9e: {  	_ =	swait.ge [sflag:s22], s20  }
0x9f: {  	s3 =	ssub.s32 $0x0, s20;
	[sflag:s22] =	ssyncset.done $0x0  }
0xa0: {  	[sflag:s22] =	ssyncadd.s32 s3;
	_ =	sdelay $0x1  }
0xa1: {  	s23 =	simm.s32 $0x1B8B  }
0xa2: {  	_ =	swait.ge [sflag:s23], $0x1  }
0xa3: {  	[sflag:s23] =	ssyncset.done $0x0  }
0xa4: {  	s25 =	simm.s32 $0x1B8E;
	s24 =	sld [smem:$0x3FFE];
	[sflag:s23] =	ssyncadd.s32 $0xFFFFFFFF  }
0xa5: {  	s26 =	simm.s32 $execute0_lowered;
	[smem:$0x3FD2] =	sst s25  }
0xa6: {  	s4 =	sshll.u32 s26, $0x1;
	_ =	strace $0x8000004C;
	[dreg:$0x1] =	wrdreg $0xFFFFFFFF  }
0xa7: {  	s28 =	simm.s32 $_size_execute0_lowered;
	s2 =	sadd.s32 s2, s4;
	[dreg:$0x0] =	wrdreg $0x0  }
0xa8: {  	s4 =	sshll.u32 s28, $0x1;
	[dreg:$0x2] =	wrdreg s2  }
0xa9: {  	[dreg:$0x3] =	wrdreg s4  }
0xaa: {  	[dreg:$0x4] =	wrdreg $0xC0  }
0xab: {  	_ =	task [dreg:s6], $0x5FFFF  }
0xac: {  	[dreg:$0x1] =	wrdreg $0xFFFFFFFF  }
0xad: {  	[dreg:$0x0] =	wrdreg $0x60  }
0xae: {  	[dreg:$0x2] =	wrdreg s24  }
0xaf: {  	[dreg:$0x3] =	wrdreg $0x9  }
0xb0: {  	_ =	task.clear_ibuf [dreg:s6], $0x4FFFF;
	_ =	strace $0x9000004C  }
0xb1: {  	s29 =	simm.s32 $0x9;
	_ =	strace $0x8000004E  }
0xb2: {  	_ =	swait.ge [sflag:s29], $0x1  }
0xb3: {  	[sflag:s29] =	ssyncadd.s32 $0xFFFFFFFF  }
0xb4: {  	_ =	strace $0x9000004E  }
0xb5: {  	_ =	sfence  }
0xb6: {  	s30 =	sld [smem:$0x0];
	_ =	sdelay $0x2  }
0xb7: {  	s31 =	sshll.u32 s1, $0xD;
	s1 =	sshrl.u32 s1, $0x2  }
0xb8: {  	s3 =	sand.u32 $0x4000, s31;
	s1 =	sadd.s32 s1, s30  }
0xb9: {  	s0 =	sor.u32 s3, s0;
	s1 =	sshll.u32 s1, $0x11  }
0xba: {  	s0 =	sor.u32 s1, s0  }
0xbb: {  	s0 =	sadd.s32 $0x8F2B, s0  }
0xbc: {  	[sflag:s0] =	ssyncadd.remote.s32 $0x1  }
0xbd: {  	_ =	sfence.sel $0xFFFF  }
0xbe: {  	[dreg:$0x0] =	wrdreg $0xFFFFFFFF;
	(pc) =	sbr.abs _section_cstart, $3  }
0xbf: {  	[dreg:$0x1] =	wrdreg $0xFFFFFFFF  }
0xc0: {  	_ =	task.clear_ibuf [dreg:s6], $0x2FFFF;
	_ =	strace $0x9FFFFFFF  }
0xc1: {  	(tm) =	ssettm $0x7FFFFFFF  }
tec
execute0_lowered:
.L_overlay_start_1:
0x0: {  	(tag) =	ssettag $0x1  }
0x1: {  	s1 =	srdreg.scid  }
0x2: {  	s0 =	stileid.u32;
	s4 =	rddreg [dreg:$0x0];
	s16 =	simm.s32 $0x80  }
0x3: {  	s17 =	simm.s32 $0x900;
	s18 =	simm.s32 $0x1100;
	s19 =	simm.s32 $0x1900  }
0x4: {  	s20 =	simm.s32 $0x2100;
	s21 =	simm.s32 $0x2900;
	s1 =	sand.u32 $0x1, s1  }
0x5: {  	s23 =	simm.s32 $0x3100;
	s2 =	sshll.u32 s0, $0x7;
	s3 =	sshll.u32 s1, $0x6  }
0x6: {  	s24 =	simm.s32 $0x3900;
	s3 =	sor.u32 s3, s2;
	s2 =	simm.s32 $0x0  }
0x7: {  	s25 =	simm.s32 $0x4100;
	s26 =	simm.s32 $0x4900;
	[smem:$0x7FF] =	sst s2  }
0x8: {  	s7 =	simm.s32 $0x100;
	_ =	strace $0x8000004D;
	[dreg:$0x6] =	wrdreg s16  }
0x9: {  	s9 =	simm.s32 $0x5900;
	s10 =	simm.s32 $0x6100;
	[dreg:$0x7] =	wrdreg s17  }
0xa: {  	s11 =	simm.s32 $0x6900;
	s12 =	simm.s32 $0x7100;
	[dreg:$0x8] =	wrdreg s18  }
0xb: {  	s13 =	simm.s32 $0x7900;
	s14 =	simm.s32 $0x8100;
	[dreg:$0x9] =	wrdreg s19  }
0xc: {  	s28 =	simm.s32 $0xE900;
	s29 =	simm.s32 $0xF100;
	[dreg:$0xa] =	wrdreg s20  }
0xd: {  	s30 =	simm.s32 $0xF900;
	s1 =	ssub.s32 $0x2, s1;
	[dreg:$0xb] =	wrdreg s21  }
0xe: {  	s31 =	simm.s32 $0x1;
	s22 =	sshrl.u32 s1, $0x1;
	[dreg:$0xc] =	wrdreg s23  }
0xf: {  	s5 =	sshrl.u32 s3, $0x3;
	s3 =	sshll.u32 s3, $0x6;
	[dreg:$0xd] =	wrdreg s24  }
0x10: {  	s1 =	ssub.s32 s1, s22;
	s22 =	simm.s32 $0xC100;
	[dreg:$0xe] =	wrdreg s25  }
0x11: {  	s5 =	sadd.s32 s5, s4;
	s3 =	sadd.s32 s3, s4;
	[dreg:$0xf] =	wrdreg s26  }
0x12: {  	s16 =	simm.s32 $0x9100;
	s17 =	simm.s32 $0x9900;
	s18 =	simm.s32 $0xA100  }
0x13: {  	s19 =	simm.s32 $0xA900;
	s20 =	simm.s32 $0xB100;
	s6 =	sadd.s32 $0xC6000, s5  }
0x14: {  	s21 =	simm.s32 $0xB900;
	s5 =	sadd.s32 $0xC6200, s5;
	[dreg:$0x2] =	wrdreg s6  }
0x15: {  	s23 =	simm.s32 $0xC900;
	s15 =	sadd.s32 $0x3000, s3;
	[dreg:$0x3] =	wrdreg s5  }
0x16: {  	s24 =	simm.s32 $0xD100;
	s3 =	sadd.s32 $0x23000, s3;
	[dreg:$0x4] =	wrdreg s15  }
0x17: {  	v2 =	vlaneseq.u32;
	s25 =	simm.s32 $0xD900;
	s26 =	simm.s32 $0xE100;
	[dreg:$0x5] =	wrdreg s3  }
0x18: {  	vm0 =	vmmov $0xffff;
	v1 =	vshrl.u32 v2, $0x3;
	s3 =	sadd.s32 $0xC6400, s4;
	s4 =	sadd.s32 $0xC6500, s4;
	s5 =	smax.u32 s1, $0x1  }
0x19: {  	v0 =	vand.u32 $0x7, v2;
	v2 =	vor.u32 $0x8, v2;
	v1 =	vmul.u32 $0x8, v1;
	s6 =	simm.s32 $0x3;
	s15 =	simm.s32 $0x8900;
	s1 =	simm.s32 $0x2  }
.LBB2_1:
0x1a: {  	s0 =	rddreg [dreg:$0x2]  }
0x1b: {  	[tilespmem:s2], [sflag:$0x3] =	stream.linear.gather [hbm4b:s0+s2], $0x40, $0x38;
	[tilespmem:$0x10100] =	vst v63  }
0x1c: {  	_ =	swait.ge [sflag:s6], $0x40  }
0x1d: {  	s0 =	rddreg [dreg:$0x3];
	[sflag:s6] =	ssyncset.done $0x0  }
0x1e: {  	s8 =	rddreg [dreg:$0x6];
	[sflag:s6] =	ssyncadd.s32 $0xFFFFFFC0  }
0x1f: {  	[tilespmem:s8], [sflag:$0x3] =	stream.linear.gather [hbm4b:s0+s2], $0x40, $0x38;
	[tilespmem:$0x10100] =	vst v63  }
0x20: {  	_ =	swait.ge [sflag:s6], $0x40  }
0x21: {  	[sflag:s6] =	ssyncset.done $0x0  }
0x22: {  	[sflag:s6] =	ssyncadd.s32 $0xFFFFFFC0  }
0x23: {  	v3 =	vld [tilespmem:$0x0];
	_ =	sdelay $0x4  }
0x24: {  	v4 =	vshll.u32 v3, $0x2  }
0x25: {  	v3 =	vand.u32 $0x7, v3;
	v4 =	vand.u32 $0xFFFFFFE0, v4  }
0x26: {  	v3 =	vor.u32 v3, v4  }
0x27: {  	v4 =	vperm.xlane v3, v0;
	_ =	sdelay $0x1  }
0x28: {  	v4 =	vadd.s32 v1, v4;
	_ =	sdelay $0x1  }
0x29: {  	v3 =	vperm.xlane v3, v2;
	_ =	sdelay $0x1  }
0x2a: {  	v3 =	vadd.s32 v1, v3  }
0x2b: {  	[tilespmem:s7], [sflag:$0x1] =	stream.indirect_vreg.gather [hbm4b:s3+s2], $0x80, v4, vm0, $0xb8;
	[tilespmem:$0x10100] =	vst v63  }
0x2c: {  	s0 =	rddreg [dreg:$0x7]  }
0x2d: {  	[tilespmem:s0], [sflag:$0x1] =	stream.indirect_vreg.gather [hbm4b:s4+s2], $0x80, v4, vm0, $0xb8;
	[tilespmem:$0x10100] =	vst v63  }
0x2e: {  	s8 =	rddreg [dreg:$0x8]  }
0x2f: {  	[tilespmem:s8], [sflag:$0x1] =	stream.indirect_vreg.gather [hbm4b:s3+s2], $0x80, v3, vm0, $0xb8;
	[tilespmem:$0x10100] =	vst v63  }
0x30: {  	s0 =	rddreg [dreg:$0x9]  }
0x31: {  	[tilespmem:s0], [sflag:$0x1] =	stream.indirect_vreg.gather [hbm4b:s4+s2], $0x80, v3, vm0, $0xb8;
	[tilespmem:$0x10100] =	vst v63  }
0x32: {  	v3 =	vld [tilespmem:$0x10];
	_ =	sdelay $0x4  }
0x33: {  	v57 =	vshll.u32 v3, $0x2  }
0x34: {  	v3 =	vand.u32 $0x7, v3;
	v4 =	vand.u32 $0xFFFFFFE0, v57  }
0x35: {  	v3 =	vor.u32 v3, v4  }
0x36: {  	v4 =	vperm.xlane v3, v0;
	_ =	sdelay $0x1  }
0x37: {  	v4 =	vadd.s32 v1, v4;
	_ =	sdelay $0x1  }
0x38: {  	v3 =	vperm.xlane v3, v2;
	_ =	sdelay $0x1  }
0x39: {  	s0 =	rddreg [dreg:$0xa];
	v3 =	vadd.s32 v1, v3  }
0x3a: {  	[tilespmem:s0], [sflag:$0x1] =	stream.indirect_vreg.gather [hbm4b:s3+s2], $0x80, v4, vm0, $0xb8;
	[tilespmem:$0x10100] =	vst v63  }
0x3b: {  	s8 =	rddreg [dreg:$0xb]  }
0x3c: {  	[tilespmem:s8], [sflag:$0x1] =	stream.indirect_vreg.gather [hbm4b:s4+s2], $0x80, v4, vm0, $0xb8;
	[tilespmem:$0x10100] =	vst v63  }
0x3d: {  	s0 =	rddreg [dreg:$0xc]  }
0x3e: {  	[tilespmem:s0], [sflag:$0x1] =	stream.indirect_vreg.gather [hbm4b:s3+s2], $0x80, v3, vm0, $0xb8;
	[tilespmem:$0x10100] =	vst v63  }
0x3f: {  	s8 =	rddreg [dreg:$0xd]  }
0x40: {  	[tilespmem:s8], [sflag:$0x1] =	stream.indirect_vreg.gather [hbm4b:s4+s2], $0x80, v3, vm0, $0xb8;
	[tilespmem:$0x10100] =	vst v63  }
0x41: {  	v3 =	vld [tilespmem:$0x20];
	_ =	sdelay $0x4  }
0x42: {  	v58 =	vshll.u32 v3, $0x2  }
0x43: {  	v3 =	vand.u32 $0x7, v3;
	v4 =	vand.u32 $0xFFFFFFE0, v58  }
0x44: {  	v3 =	vor.u32 v3, v4  }
0x45: {  	v4 =	vperm.xlane v3, v0;
	_ =	sdelay $0x1  }
0x46: {  	v4 =	vadd.s32 v1, v4;
	_ =	sdelay $0x1  }
0x47: {  	v3 =	vperm.xlane v3, v2;
	_ =	sdelay $0x1  }
0x48: {  	s0 =	rddreg [dreg:$0xe];
	v3 =	vadd.s32 v1, v3  }
0x49: {  	[tilespmem:s0], [sflag:$0x1] =	stream.indirect_vreg.gather [hbm4b:s3+s2], $0x80, v4, vm0, $0xb8;
	[tilespmem:$0x10100] =	vst v63  }
0x4a: {  	s8 =	rddreg [dreg:$0xf]  }
0x4b: {  	[tilespmem:s8], [sflag:$0x1] =	stream.indirect_vreg.gather [hbm4b:s4+s2], $0x80, v4, vm0, $0xb8;
	[tilespmem:$0x10100] =	vst v63  }
0x4c: {  	s8 =	simm.s32 $0x5100  }
0x4d: {  	[tilespmem:s8], [sflag:$0x1] =	stream.indirect_vreg.gather [hbm4b:s3+s2], $0x80, v3, vm0, $0xb8;
	[tilespmem:$0x10100] =	vst v63  }
0x4e: {  	_ = 	snop  }
0x4f: {  	[tilespmem:s9], [sflag:$0x1] =	stream.indirect_vreg.gather [hbm4b:s4+s2], $0x80, v3, vm0, $0xb8;
	[tilespmem:$0x10100] =	vst v63  }
0x50: {  	v3 =	vld [tilespmem:$0x30];
	_ =	sdelay $0x4  }
0x51: {  	v59 =	vshll.u32 v3, $0x2  }
0x52: {  	v3 =	vand.u32 $0x7, v3;
	v4 =	vand.u32 $0xFFFFFFE0, v59  }
0x53: {  	v3 =	vor.u32 v3, v4  }
0x54: {  	v4 =	vperm.xlane v3, v0;
	_ =	sdelay $0x1  }
0x55: {  	v4 =	vadd.s32 v1, v4;
	_ =	sdelay $0x1  }
0x56: {  	v3 =	vperm.xlane v3, v2;
	_ =	sdelay $0x1  }
0x57: {  	v3 =	vadd.s32 v1, v3  }
0x58: {  	[tilespmem:s10], [sflag:$0x1] =	stream.indirect_vreg.gather [hbm4b:s3+s2], $0x80, v4, vm0, $0xb8;
	[tilespmem:$0x10100] =	vst v63  }
0x59: {  	_ = 	snop  }
0x5a: {  	[tilespmem:s11], [sflag:$0x1] =	stream.indirect_vreg.gather [hbm4b:s4+s2], $0x80, v4, vm0, $0xb8;
	[tilespmem:$0x10100] =	vst v63  }
0x5b: {  	_ = 	snop  }
0x5c: {  	[tilespmem:s12], [sflag:$0x1] =	stream.indirect_vreg.gather [hbm4b:s3+s2], $0x80, v3, vm0, $0xb8;
	[tilespmem:$0x10100] =	vst v63  }
0x5d: {  	_ = 	snop  }
0x5e: {  	[tilespmem:s13], [sflag:$0x1] =	stream.indirect_vreg.gather [hbm4b:s4+s2], $0x80, v3, vm0, $0xb8;
	[tilespmem:$0x10100] =	vst v63  }
0x5f: {  	v3 =	vld [tilespmem:$0x80];
	_ =	sdelay $0x4  }
0x60: {  	v60 =	vshll.u32 v3, $0x2  }
0x61: {  	v3 =	vand.u32 $0x7, v3;
	v4 =	vand.u32 $0xFFFFFFE0, v60  }
0x62: {  	v3 =	vor.u32 v3, v4  }
0x63: {  	v4 =	vperm.xlane v3, v0;
	_ =	sdelay $0x1  }
0x64: {  	v4 =	vadd.s32 v1, v4;
	_ =	sdelay $0x1  }
0x65: {  	v3 =	vperm.xlane v3, v2;
	_ =	sdelay $0x1  }
0x66: {  	v3 =	vadd.s32 v1, v3  }
0x67: {  	[tilespmem:s14], [sflag:$0x2] =	stream.indirect_vreg.gather [hbm4b:s3+s2], $0x80, v4, vm0, $0xb8;
	[tilespmem:$0x10100] =	vst v63  }
0x68: {  	_ = 	snop  }
0x69: {  	[tilespmem:s15], [sflag:$0x2] =	stream.indirect_vreg.gather [hbm4b:s4+s2], $0x80, v4, vm0, $0xb8;
	[tilespmem:$0x10100] =	vst v63  }
0x6a: {  	_ = 	snop  }
0x6b: {  	[tilespmem:s16], [sflag:$0x2] =	stream.indirect_vreg.gather [hbm4b:s3+s2], $0x80, v3, vm0, $0xb8;
	[tilespmem:$0x10100] =	vst v63  }
0x6c: {  	_ = 	snop  }
0x6d: {  	[tilespmem:s17], [sflag:$0x2] =	stream.indirect_vreg.gather [hbm4b:s4+s2], $0x80, v3, vm0, $0xb8;
	[tilespmem:$0x10100] =	vst v63  }
0x6e: {  	v3 =	vld [tilespmem:$0x90];
	_ =	sdelay $0x4  }
0x6f: {  	v61 =	vshll.u32 v3, $0x2  }
0x70: {  	v3 =	vand.u32 $0x7, v3;
	v4 =	vand.u32 $0xFFFFFFE0, v61  }
0x71: {  	v3 =	vor.u32 v3, v4  }
0x72: {  	v4 =	vperm.xlane v3, v0;
	_ =	sdelay $0x1  }
0x73: {  	v4 =	vadd.s32 v1, v4;
	_ =	sdelay $0x1  }
0x74: {  	v3 =	vperm.xlane v3, v2;
	_ =	sdelay $0x1  }
0x75: {  	v3 =	vadd.s32 v1, v3  }
0x76: {  	[tilespmem:s18], [sflag:$0x2] =	stream.indirect_vreg.gather [hbm4b:s3+s2], $0x80, v4, vm0, $0xb8;
	[tilespmem:$0x10100] =	vst v63  }
0x77: {  	_ = 	snop  }
0x78: {  	[tilespmem:s19], [sflag:$0x2] =	stream.indirect_vreg.gather [hbm4b:s4+s2], $0x80, v4, vm0, $0xb8;
	[tilespmem:$0x10100] =	vst v63  }
0x79: {  	_ = 	snop  }
0x7a: {  	[tilespmem:s20], [sflag:$0x2] =	stream.indirect_vreg.gather [hbm4b:s3+s2], $0x80, v3, vm0, $0xb8;
	[tilespmem:$0x10100] =	vst v63  }
0x7b: {  	_ = 	snop  }
0x7c: {  	[tilespmem:s21], [sflag:$0x2] =	stream.indirect_vreg.gather [hbm4b:s4+s2], $0x80, v3, vm0, $0xb8;
	[tilespmem:$0x10100] =	vst v63  }
0x7d: {  	v3 =	vld [tilespmem:$0xA0];
	_ =	sdelay $0x4  }
0x7e: {  	v62 =	vshll.u32 v3, $0x2  }
0x7f: {  	v3 =	vand.u32 $0x7, v3;
	v4 =	vand.u32 $0xFFFFFFE0, v62  }
0x80: {  	v3 =	vor.u32 v3, v4  }
0x81: {  	v4 =	vperm.xlane v3, v0;
	_ =	sdelay $0x1  }
0x82: {  	v4 =	vadd.s32 v1, v4;
	_ =	sdelay $0x1  }
0x83: {  	v3 =	vperm.xlane v3, v2;
	_ =	sdelay $0x1  }
0x84: {  	v3 =	vadd.s32 v1, v3  }
0x85: {  	[tilespmem:s22], [sflag:$0x2] =	stream.indirect_vreg.gather [hbm4b:s3+s2], $0x80, v4, vm0, $0xb8;
	[tilespmem:$0x10100] =	vst v63  }
0x86: {  	_ = 	snop  }
0x87: {  	[tilespmem:s23], [sflag:$0x2] =	stream.indirect_vreg.gather [hbm4b:s4+s2], $0x80, v4, vm0, $0xb8;
	[tilespmem:$0x10100] =	vst v63  }
0x88: {  	_ = 	snop  }
0x89: {  	[tilespmem:s24], [sflag:$0x2] =	stream.indirect_vreg.gather [hbm4b:s3+s2], $0x80, v3, vm0, $0xb8;
	[tilespmem:$0x10100] =	vst v63  }
0x8a: {  	_ = 	snop  }
0x8b: {  	[tilespmem:s25], [sflag:$0x2] =	stream.indirect_vreg.gather [hbm4b:s4+s2], $0x80, v3, vm0, $0xb8;
	[tilespmem:$0x10100] =	vst v63  }
0x8c: {  	v3 =	vld [tilespmem:$0xB0];
	_ =	sdelay $0x4  }
0x8d: {  	v63 =	vshll.u32 v3, $0x2  }
0x8e: {  	v3 =	vand.u32 $0x7, v3;
	v4 =	vand.u32 $0xFFFFFFE0, v63  }
0x8f: {  	v3 =	vor.u32 v3, v4  }
0x90: {  	v4 =	vperm.xlane v3, v0;
	_ =	sdelay $0x1  }
0x91: {  	v4 =	vadd.s32 v1, v4;
	_ =	sdelay $0x1  }
0x92: {  	v3 =	vperm.xlane v3, v2;
	_ =	sdelay $0x1  }
0x93: {  	v3 =	vadd.s32 v1, v3  }
0x94: {  	[tilespmem:s26], [sflag:$0x2] =	stream.indirect_vreg.gather [hbm4b:s3+s2], $0x80, v4, vm0, $0xb8;
	[tilespmem:$0x10100] =	vst v63  }
0x95: {  	_ = 	snop  }
0x96: {  	[tilespmem:s28], [sflag:$0x2] =	stream.indirect_vreg.gather [hbm4b:s4+s2], $0x80, v4, vm0, $0xb8;
	[tilespmem:$0x10100] =	vst v63  }
0x97: {  	_ = 	snop  }
0x98: {  	[tilespmem:s29], [sflag:$0x2] =	stream.indirect_vreg.gather [hbm4b:s3+s2], $0x80, v3, vm0, $0xb8;
	[tilespmem:$0x10100] =	vst v63  }
0x99: {  	_ = 	snop  }
0x9a: {  	[tilespmem:s30], [sflag:$0x2] =	stream.indirect_vreg.gather [hbm4b:s4+s2], $0x80, v3, vm0, $0xb8;
	[tilespmem:$0x10100] =	vst v63  }
0x9b: {  	_ =	swait.ge [sflag:s31], $0x8000  }
0x9c: {  	[sflag:s31] =	ssyncset.done $0x0  }
0x9d: {  	s8 =	rddreg [dreg:$0x4];
	[sflag:s31] =	ssyncadd.s32 $0xFFFF8000  }
0x9e: {  	[hbm4b:s8+s2] =	stream.linear.scatter [tilespmem:s7], [sflag:$0x1], $0x8000, $0x38;
	[tilespmem:$0x10100] =	vst v63  }
0x9f: {  	_ =	swait.ge [sflag:s1], $0x8000  }
0xa0: {  	[sflag:s1] =	ssyncset.done $0x0  }
0xa1: {  	s8 =	rddreg [dreg:$0x5];
	[sflag:s1] =	ssyncadd.s32 $0xFFFF8000  }
0xa2: {  	[hbm4b:s8+s2] =	stream.linear.scatter [tilespmem:s14], [sflag:$0x2], $0x8000, $0x38;
	[tilespmem:$0x10100] =	vst v63  }
0xa3: {  	p0 =	sne.s32 s5, $0x1;
	_ =	swait.ge [sflag:s31], $0x8000  }
.Ltmp0:
0xa4: {  	[sflag:s31] =	ssyncset.done $0x0;
	(pc) =	sbr.rel @p0 .LBB2_1-.Ltmp0, $4  }
0xa5: {  	[sflag:s31] =	ssyncadd.s32 $0xFFFF8000  }
0xa6: {  	_ =	swait.ge [sflag:s1], $0x8000  }
0xa7: {  	[sflag:s1] =	ssyncset.done $0x0  }
0xa8: {  	s5 =	sadd.s32 $0xFFFFFFFF, s5;
	[sflag:s1] =	ssyncadd.s32 $0xFFFF8000  }
0xa9: {  	_ =	sfence.sel $0x180000  }
0xaa: {  	[bflag:$0x0] =	sbarrier.arrive $0xFFFF  }
0xab: {  	_ =	strace $0x9000004D  }
0xac: {  	s0 =	stileid.u32;
	[bflag:$0x2] =	sbarrier.arrive $0xFFFF  }
0xad: {  	p0 =	sne.s32 s0, $0x0;
	s0 =	rddreg [dreg:$0x1]  }
0xae: {  	s0 =	sadd.s32 @!p0 $0x100000, s0  }
0xaf: {  	[sflag:s0] =	ssyncadd.tile.s32 @!p0 $0x1;
	_ =	shalt  }
.Lfunc_end2:
_tile_overlayer_lowered:
.L_overlay_start_2:
0xb0: {  	(tag) =	ssettag $0x2  }
0xb1: {  	s0 =	rddreg [dreg:$0x0];
	s2 =	stileid.u32  }
0xb2: {  	s1 =	rddreg [dreg:$0x1];
	p0 =	sne.s32 s2, $0x0  }
0xb3: {  	s3 =	rddreg [dreg:$0x2];
	[bflag:$0x3] =	sbarrier.arrive $0xFFFF;
	s2 =	simm.s32 @!p0 $0x1C03  }
0xb4: {  	[timem:s3], [sflag:s2] =	dma.local @!p0 [hbm:s0], s1  }
0xb5: {  	s0 =	simm.s32 @!p0 $0x3  }
0xb6: {  	_ =	swait.ge @!p0 [sflag:s0], s1  }
0xb7: {  	s1 =	ssub.s32 @!p0 $0x0, s1;
	[sflag:s0] =	ssyncset.done @!p0 $0x0  }
0xb8: {  	[sflag:s0] =	ssyncadd.s32 @!p0 s1  }
0xb9: {  	[bflag:$0x3] =	sbarrier.arrive $0xFFFF  }
0xba: {  	_ =	shalt  }

// kernel: kernel.8.cloned.1.call-start
scs
__scs_entry_jumppad:
0x0: {  	(pc) =	sbr.rel $0x88, $3  }
0x1: {  	(tag) =	ssettag $0x0;
	lr =	simm.s32 $0x1  }
0x2: {  	[smem:$0x3F9B] =	sst lr;
	_ =	strace $0xD0000000  }
0x3: {  	_ = 	snop  }
0x4: {  	_ = 	snop  }
0x5: {  	_ = 	snop  }
0x6: {  	_ = 	snop  }
0x7: {  	_ = 	snop  }
__scs_overlays_trampoline_lowered:
0x8: {  	[smem:$0x3FAA] =	sst s0  }
0x9: {  	[smem:$0x3FAB] =	sst s1  }
0xa: {  	[smem:$0x3FAC] =	sst s2  }
0xb: {  	[smem:$0x3FAD] =	sst s3  }
0xc: {  	[smem:$0x3FAE] =	sst s4  }
0xd: {  	[smem:$0x3FAF] =	sst s5  }
0xe: {  	[smem:$0x3FB0] =	sst s6  }
0xf: {  	[smem:$0x3FB1] =	sst s7  }
0x10: {  	[smem:$0x3FB2] =	sst s8  }
0x11: {  	[smem:$0x3FB3] =	sst s9;
	s0 =	simm.s32 @!p0 $0x0  }
0x12: {  	s1 =	sld [smem:$0x3F99];
	s0 =	simm.s32 @p0 $0x1  }
0x13: {  	[smem:$0x3FB4] =	sst s0;
	s0 =	simm.s32 @!p1 $0x0  }
0x14: {  	s2 =	sld [smem:$0x3F98];
	s0 =	simm.s32 @p1 $0x1  }
0x15: {  	[smem:$0x3FB5] =	sst s0;
	s0 =	simm.s32 @!p2 $0x0  }
0x16: {  	s3 =	sld [smem:$0x3FDB];
	s0 =	simm.s32 @p2 $0x1  }
0x17: {  	s4 =	simm.s32 $0x1BF5;
	[smem:$0x3FB7] =	sst s0  }
0x18: {  	s0 =	sld [smem:$0x3F9A];
	_ =	swait.ge [sflag:s4], $0x0  }
0x19: {  	s7 =	sld [smem:$0x3F9B]  }
0x1a: {  	s8 =	sadd.s32 $0xFFFFE003, lr  }
0x1b: {  	s9 =	sadd.s32 $0xFFFFFEF7, lr;
	s5 =	simm.s32 $0xFFFFFFFF;
	p2 =	slt.u32 s8, $0xFFFFF086  }
0x1c: {  	p1 =	slt.u32 s9, $0xF7A;
	s5 =	simm.s32 @!p2 $0x0  }
0x1d: {  	s5 =	simm.s32 @p1 $0x1;
	p0 =	seq.s32 s7, s2  }
0x1e: {  	s7 =	smul.u32 @!p0 $0xF7A, s2;
	p2 =	seq.s32 @!p0 s5, $0x0  }
0x1f: {  	s9 =	smul.u32 $0xF7A, s1;
	s8 =	simm.s32 @!p0 $0x1BF5;
	p2 =	por !p2, p0  }
0x20: {  	[sflag:s8] =	ssyncset.s32 @!p0 $0xFFFFF086;
	s6 =	sadd.s32 @!p0 s3, s7;
	s7 =	simm.s32 @!p0 $0x108  }
0x21: {  	s3 =	sadd.s32 s3, s9;
	s6 =	sadd.s32 @!p0 $0x88, s6;
	s7 =	simm.s32 @p2 $0x1082  }
0x22: {  	[simem:s7], [sflag:s8] =	dma.local @!p0 [hbm:s6], $0xF7A  }
0x23: {  	s9 =	sor.u32 $0xD0000000, s2;
	s6 =	simm.s32 $0x108;
	_ =	swait.ge @!p0 [sflag:s8], $0x0  }
0x24: {  	s3 =	sadd.s32 $0x88, s3;
	s6 =	simm.s32 @!p1 $0x1082;
	[sflag:s4] =	ssyncset.s32 $0xFFFFF086  }
0x25: {  	[simem:s6], [sflag:s4] =	dma.local [hbm:s3], $0xF7A  }
0x26: {  	[smem:$0x3F9B] =	sst s1;
	(tag) =	ssettag s2;
	_ =	strace s9  }
0x27: {  	s1 =	sld [smem:$0x3FAB]  }
0x28: {  	s2 =	sld [smem:$0x3FAC]  }
0x29: {  	s4 =	sld [smem:$0x3FAE]  }
0x2a: {  	p0 =	seq.s32 s5, $0x0;
	s5 =	sld [smem:$0x3FAF]  }
0x2b: {  	s6 =	sld [smem:$0x3FB0]  }
0x2c: {  	s7 =	sld [smem:$0x3FB1]  }
0x2d: {  	s3 =	simm.s32 $0x108;
	s8 =	sld [smem:$0x3FB2]  }
0x2e: {  	s3 =	simm.s32 @!p0 $0x1082;
	s9 =	sld [smem:$0x3FB3]  }
0x2f: {  	lr =	sadd.s32 s0, s3;
	s0 =	sld [smem:$0x3FAA]  }
0x30: {  	s3 =	sld [smem:$0x3FAD]  }
0x31: {  	[smem:$0x3FB6] =	sst s10  }
0x32: {  	s10 =	sld [smem:$0x3FB4];
	_ =	sdelay $0x3  }
0x33: {  	p0 =	seq.s32 s10, $0x1;
	s10 =	sld [smem:$0x3FB6];
	_ =	sdelay $0x3  }
0x34: {  	[smem:$0x3FB6] =	sst s10  }
0x35: {  	s10 =	sld [smem:$0x3FB5];
	_ =	sdelay $0x3  }
0x36: {  	p1 =	seq.s32 s10, $0x1;
	s10 =	sld [smem:$0x3FB6];
	_ =	sdelay $0x3  }
0x37: {  	[smem:$0x3FB6] =	sst s10  }
0x38: {  	s10 =	sld [smem:$0x3FB7]  }
0x39: {  	_ = 	snop;
	(pc) =	sbr.ind lr, $3  }
0x3a: {  	_ = 	snop  }
0x3b: {  	_ = 	snop  }
0x3c: {  	p2 =	seq.s32 s10, $0x1;
	s10 =	sld [smem:$0x3FB6]  }
0x3d: {  	_ =	shalt  }
0x3e: {  	_ =	shalt  }
0x3f: {  	_ =	shalt  }
0x40: {  	_ =	shalt  }
0x41: {  	_ =	shalt  }
0x42: {  	_ =	shalt  }
0x43: {  	_ =	shalt  }
0x44: {  	_ =	shalt  }
0x45: {  	_ =	shalt  }
0x46: {  	_ =	shalt  }
0x47: {  	_ =	shalt  }
0x48: {  	_ =	shalt  }
0x49: {  	_ =	shalt  }
0x4a: {  	_ =	shalt  }
0x4b: {  	_ =	shalt  }
0x4c: {  	_ =	shalt  }
0x4d: {  	_ =	shalt  }
0x4e: {  	_ =	shalt  }
0x4f: {  	_ =	shalt  }
0x50: {  	_ =	shalt  }
0x51: {  	_ =	shalt  }
0x52: {  	_ =	shalt  }
0x53: {  	_ =	shalt  }
0x54: {  	_ =	shalt  }
0x55: {  	_ =	shalt  }
0x56: {  	_ =	shalt  }
0x57: {  	_ =	shalt  }
0x58: {  	_ =	shalt  }
0x59: {  	_ =	shalt  }
0x5a: {  	_ =	shalt  }
0x5b: {  	_ =	shalt  }
0x5c: {  	_ =	shalt  }
0x5d: {  	_ =	shalt  }
0x5e: {  	_ =	shalt  }
0x5f: {  	_ =	shalt  }
0x60: {  	_ =	shalt  }
0x61: {  	_ =	shalt  }
0x62: {  	_ =	shalt  }
0x63: {  	_ =	shalt  }
0x64: {  	_ =	shalt  }
0x65: {  	_ =	shalt  }
0x66: {  	_ =	shalt  }
0x67: {  	_ =	shalt  }
0x68: {  	_ =	shalt  }
0x69: {  	_ =	shalt  }
0x6a: {  	_ =	shalt  }
0x6b: {  	_ =	shalt  }
0x6c: {  	_ =	shalt  }
0x6d: {  	_ =	shalt  }
0x6e: {  	_ =	shalt  }
0x6f: {  	_ =	shalt  }
0x70: {  	_ =	shalt  }
0x71: {  	_ =	shalt  }
0x72: {  	_ =	shalt  }
0x73: {  	_ =	shalt  }
0x74: {  	_ =	shalt  }
0x75: {  	_ =	shalt  }
0x76: {  	_ =	shalt  }
0x77: {  	_ =	shalt  }
0x78: {  	_ =	shalt  }
0x79: {  	_ =	shalt  }
0x7a: {  	_ =	shalt  }
0x7b: {  	_ =	shalt  }
0x7c: {  	_ =	shalt  }
0x7d: {  	_ =	shalt  }
0x7e: {  	_ =	shalt  }
0x7f: {  	_ =	shalt  }
0x80: {  	_ =	shalt  }
0x81: {  	_ =	shalt  }
0x82: {  	_ =	shalt  }
0x83: {  	_ =	shalt  }
0x84: {  	_ =	shalt  }
0x85: {  	_ =	shalt  }
0x86: {  	_ =	shalt  }
0x87: {  	_ =	shalt  }
.Lfunc_end0:
.L_simem_size_0:
called_computation_lowered:
.L_overlay_start_0:
0x88: {  	s2 =	sld [smem:$0x3FD9]  }
0x89: {  	s3 =	sld [smem:$0x3FFE];
	_ =	sdelay $0x1  }
0x8a: {  	s1 =	srdreg.scid  }
0x8b: {  	s0 =	sand.u32 $0x1, s1  }
0x8c: {  	s16 =	sshll.u32 s0, $0xA;
	s2 =	sadd.s32 s3, s2  }
0x8d: {  	s2 =	sadd.s32 s2, s16  }
0x8e: {  	[smem:$0x3FC2] =	sst s2  }
0x8f: {  	_ = 	snop  }
0x90: {  	(tm) =	ssettm $0x1  }
0x91: {  	s17 =	sld [smem:$0x3FFB];
	_ =	sdelay $0x3  }
0x92: {  	_ =	strace s17  }
0x93: {  	s2 =	sld [smem:$0x3FFC];
	_ =	sdelay $0x3  }
0x94: {  	_ =	strace s2  }
0x95: {  	s2 =	sld [smem:$0x3FFD];
	_ =	sdelay $0x3  }
0x96: {  	_ =	strace s2  }
0x97: {  	_ =	strace $0x8FFFFFFF  }
0x98: {  	s18 =	sld [smem:$0x3FDB];
	_ =	sdelay $0x1  }
0x99: {  	s19 =	simm.s32 $_scs_section_size  }
0x9a: {  	s4 =	simm.s32 $_size__tile_overlayer_lowered;
	s5 =	simm.s32 $_tile_overlayer_lowered  }
0x9b: {  	s22 =	simm.s32 $0x1BFF;
	s21 =	sshll.u32 s5, $0x1;
	s2 =	sadd.s32 s19, s18  }
0x9c: {  	s6 =	simm.s32 $0x0;
	s20 =	sshll.u32 s4, $0x1;
	s4 =	sadd.s32 s21, s2  }
0x9d: {  	[timem:s6], [sflag:s22] =	dma.local [hbm:s4], s20  }
0x9e: {  	_ =	swait.ge [sflag:s22], s20  }
0x9f: {  	s3 =	ssub.s32 $0x0, s20;
	[sflag:s22] =	ssyncset.done $0x0  }
0xa0: {  	[sflag:s22] =	ssyncadd.s32 s3;
	_ =	sdelay $0x1  }
0xa1: {  	s23 =	simm.s32 $0x1B8B  }
0xa2: {  	_ =	swait.ge [sflag:s23], $0x1  }
0xa3: {  	[sflag:s23] =	ssyncset.done $0x0  }
0xa4: {  	s25 =	simm.s32 $0x1B8E;
	s24 =	sld [smem:$0x3FFE];
	[sflag:s23] =	ssyncadd.s32 $0xFFFFFFFF  }
0xa5: {  	s26 =	simm.s32 $execute0_lowered;
	[smem:$0x3FD2] =	sst s25  }
0xa6: {  	s4 =	sshll.u32 s26, $0x1;
	_ =	strace $0x80000046;
	[dreg:$0x1] =	wrdreg $0xFFFFFFFF  }
0xa7: {  	s28 =	simm.s32 $_size_execute0_lowered;
	s2 =	sadd.s32 s2, s4;
	[dreg:$0x0] =	wrdreg $0x0  }
0xa8: {  	s4 =	sshll.u32 s28, $0x1;
	[dreg:$0x2] =	wrdreg s2  }
0xa9: {  	[dreg:$0x3] =	wrdreg s4  }
0xaa: {  	[dreg:$0x4] =	wrdreg $0xC0  }
0xab: {  	_ =	task [dreg:s6], $0x5FFFF  }
0xac: {  	[dreg:$0x1] =	wrdreg $0xFFFFFFFF  }
0xad: {  	[dreg:$0x0] =	wrdreg $0x60  }
0xae: {  	[dreg:$0x2] =	wrdreg s24  }
0xaf: {  	[dreg:$0x3] =	wrdreg $0x9  }
0xb0: {  	_ =	task.clear_ibuf [dreg:s6], $0x4FFFF;
	_ =	strace $0x90000046  }
0xb1: {  	s29 =	simm.s32 $0x9;
	_ =	strace $0x80000048  }
0xb2: {  	_ =	swait.ge [sflag:s29], $0x1  }
0xb3: {  	[sflag:s29] =	ssyncadd.s32 $0xFFFFFFFF  }
0xb4: {  	_ =	strace $0x90000048  }
0xb5: {  	_ =	sfence  }
0xb6: {  	s30 =	sld [smem:$0x0];
	_ =	sdelay $0x2  }
0xb7: {  	s31 =	sshll.u32 s1, $0xD;
	s1 =	sshrl.u32 s1, $0x2  }
0xb8: {  	s3 =	sand.u32 $0x4000, s31;
	s1 =	sadd.s32 s1, s30  }
0xb9: {  	s0 =	sor.u32 s3, s0;
	s1 =	sshll.u32 s1, $0x11  }
0xba: {  	s0 =	sor.u32 s1, s0  }
0xbb: {  	s0 =	sadd.s32 $0x8F2B, s0  }
0xbc: {  	[sflag:s0] =	ssyncadd.remote.s32 $0x1  }
0xbd: {  	_ =	sfence.sel $0xFFFF  }
0xbe: {  	[dreg:$0x0] =	wrdreg $0xFFFFFFFF;
	(pc) =	sbr.abs _section_cstart, $3  }
0xbf: {  	[dreg:$0x1] =	wrdreg $0xFFFFFFFF  }
0xc0: {  	_ =	task.clear_ibuf [dreg:s6], $0x2FFFF;
	_ =	strace $0x9FFFFFFF  }
0xc1: {  	(tm) =	ssettm $0x7FFFFFFF  }
tec
execute0_lowered:
.L_overlay_start_1:
0x0: {  	(tag) =	ssettag $0x1  }
0x1: {  	s3 =	rddreg [dreg:$0x0];
	s1 =	simm.s32 $0x0  }
0x2: {  	[smem:$0x7FF] =	sst s1  }
0x3: {  	s0 =	rddreg [dreg:$0x1];
	v0 =	vimm.s32 $0x0;
	_ =	strace $0x80000047  }
0x4: {  	(xrf1) =	vunique.msk.u32 $0xffff, v0;
	_ =	sdelay $0xd  }
0x5: {  	_, v1, _ =	vpop (xrf1)  }
0x6: {  	v1 =	vxor.u32 $0x80000000, v1  }
0x7: {  	(xrf0) =	vmin.scan.msk.u32 $0xffff, v1;
	_ =	sdelay $0x5  }
0x8: {  	v1, _, _ =	vpop (xrf0)  }
0x9: {  	(v2sf) =	vpush v1, $0xF;
	_ =	sdelay $0x9  }
0xa: {  	s4 =	srdreg.scid  }
0xb: {  	s2 =	stileid.u32;
	s4 =	sand.u32 $0x1, s4  }
0xc: {  	s5 =	sshll.u32 s2, $0x5;
	s6 =	sshll.u32 s4, $0x4  }
0xd: {  	s4 =	ssub.s32 $0x2, s4;
	s5 =	sor.u32 s6, s5  }
0xe: {  	s9 =	simm.s32 $0x80;
	s30 =	sshrl.u32 s4, $0x1;
	s5 =	sadd.s32 s5, s3  }
0xf: {  	s7 =	ssub.s32 s4, s30;
	s3 =	sadd.s32 $0x3000, s5;
	s31 =	spop (v2sf)  }
0x10: {  	s4 =	sadd.s32 $0x3200, s5;
	s5 =	sadd.s32 $0x3400, s5;
	s8 =	sxor.u32 $0x80000000, s31  }
0x11: {  	s6 =	smax.u32 s7, $0x1;
	s7 =	simm.s32 $0x1;
	v1 =	vmov s8;
	s8 =	simm.s32 $0x100  }
.LBB2_1:
0x12: {  	[tilespmem:s1], [sflag:$0x1] =	stream.linear.gather [hbm4b:s3+s1], $0x80, $0x38;
	[tilespmem:$0x180] =	vst v63  }
0x13: {  	_ =	swait.ge [sflag:s7], $0x80  }
0x14: {  	[sflag:s7] =	ssyncset.done $0x0  }
0x15: {  	[sflag:s7] =	ssyncadd.s32 $0xFFFFFF80  }
0x16: {  	v2 =	vld [tilespmem:$0x0];
	_ =	sdelay $0x4  }
0x17: {  	(xrf1) =	vunique.msk.u32 $0xffff, v2;
	_ =	sdelay $0x8  }
0x18: {  	[tilespmem:$0x100] =	vst v0  }
0x19: {  	[tilespmem:$0x110] =	vst v0  }
0x1a: {  	[tilespmem:$0x120] =	vst v0  }
0x1b: {  	[tilespmem:$0x130] =	vst v0  }
0x1c: {  	v3 =	vld.idx.msk [tilespmem:v2+s8+$0x0], $0xffff  }
0x1d: {  	_, v4, vm0 =	vpop (xrf1);
	_ =	sdelay $0x2  }
0x1e: {  	v4 =	vsub.s32 v4, v1  }
0x1f: {  	v3 =	vadd.s32 v3, v4  }
0x20: {  	[tilespmem:$0x80] =	vst v3;
	v3 =	vadd.s32 $0x1, v3  }
0x21: {  	[tilespmem:v2+s8+$0x0] =	vst.idx.msk vm0, v3  }
0x22: {  	v2 =	vld [tilespmem:$0x10];
	_ =	sdelay $0x4  }
0x23: {  	(xrf1) =	vunique.msk.u32 $0xffff, v2;
	_ =	sdelay $0xc  }
0x24: {  	v3 =	vld.idx.msk [tilespmem:v2+s8+$0x0], $0xffff  }
0x25: {  	_, v57, vm9 =	vpop (xrf1);
	_ =	sdelay $0x2  }
0x26: {  	v4 =	vsub.s32 v57, v1  }
0x27: {  	v3 =	vadd.s32 v3, v4  }
0x28: {  	[tilespmem:$0x90] =	vst v3;
	v3 =	vadd.s32 $0x1, v3  }
0x29: {  	[tilespmem:v2+s8+$0x0] =	vst.idx.msk vm9, v3  }
0x2a: {  	v2 =	vld [tilespmem:$0x20];
	_ =	sdelay $0x4  }
0x2b: {  	(xrf1) =	vunique.msk.u32 $0xffff, v2;
	_ =	sdelay $0xc  }
0x2c: {  	v3 =	vld.idx.msk [tilespmem:v2+s8+$0x0], $0xffff  }
0x2d: {  	_, v58, vm10 =	vpop (xrf1);
	_ =	sdelay $0x2  }
0x2e: {  	v4 =	vsub.s32 v58, v1  }
0x2f: {  	v3 =	vadd.s32 v3, v4  }
0x30: {  	[tilespmem:$0xA0] =	vst v3;
	v3 =	vadd.s32 $0x1, v3  }
0x31: {  	[tilespmem:v2+s8+$0x0] =	vst.idx.msk vm10, v3  }
0x32: {  	v2 =	vld [tilespmem:$0x30];
	_ =	sdelay $0x4  }
0x33: {  	(xrf1) =	vunique.msk.u32 $0xffff, v2;
	_ =	sdelay $0xc  }
0x34: {  	v3 =	vld.idx.msk [tilespmem:v2+s8+$0x0], $0xffff  }
0x35: {  	_, v59, vm11 =	vpop (xrf1);
	_ =	sdelay $0x2  }
0x36: {  	v4 =	vsub.s32 v59, v1  }
0x37: {  	v3 =	vadd.s32 v3, v4  }
0x38: {  	[tilespmem:$0xB0] =	vst v3;
	v3 =	vadd.s32 $0x1, v3  }
0x39: {  	[tilespmem:v2+s8+$0x0] =	vst.idx.msk vm11, v3  }
0x3a: {  	v2 =	vld [tilespmem:$0x40];
	_ =	sdelay $0x4  }
0x3b: {  	(xrf1) =	vunique.msk.u32 $0xffff, v2;
	_ =	sdelay $0xc  }
0x3c: {  	v3 =	vld.idx.msk [tilespmem:v2+s8+$0x0], $0xffff  }
0x3d: {  	_, v60, vm12 =	vpop (xrf1);
	_ =	sdelay $0x2  }
0x3e: {  	v4 =	vsub.s32 v60, v1  }
0x3f: {  	v3 =	vadd.s32 v3, v4  }
0x40: {  	[tilespmem:$0xC0] =	vst v3;
	v3 =	vadd.s32 $0x1, v3  }
0x41: {  	[tilespmem:v2+s8+$0x0] =	vst.idx.msk vm12, v3  }
0x42: {  	v2 =	vld [tilespmem:$0x50];
	_ =	sdelay $0x4  }
0x43: {  	(xrf1) =	vunique.msk.u32 $0xffff, v2;
	_ =	sdelay $0xc  }
0x44: {  	v3 =	vld.idx.msk [tilespmem:v2+s8+$0x0], $0xffff  }
0x45: {  	_, v61, vm13 =	vpop (xrf1);
	_ =	sdelay $0x2  }
0x46: {  	v4 =	vsub.s32 v61, v1  }
0x47: {  	v3 =	vadd.s32 v3, v4  }
0x48: {  	[tilespmem:$0xD0] =	vst v3;
	v3 =	vadd.s32 $0x1, v3  }
0x49: {  	[tilespmem:v2+s8+$0x0] =	vst.idx.msk vm13, v3  }
0x4a: {  	v2 =	vld [tilespmem:$0x60];
	_ =	sdelay $0x4  }
0x4b: {  	(xrf1) =	vunique.msk.u32 $0xffff, v2;
	_ =	sdelay $0xc  }
0x4c: {  	v3 =	vld.idx.msk [tilespmem:v2+s8+$0x0], $0xffff  }
0x4d: {  	_, v62, vm14 =	vpop (xrf1);
	_ =	sdelay $0x2  }
0x4e: {  	v4 =	vsub.s32 v62, v1  }
0x4f: {  	v3 =	vadd.s32 v3, v4  }
0x50: {  	[tilespmem:$0xE0] =	vst v3;
	v3 =	vadd.s32 $0x1, v3  }
0x51: {  	[tilespmem:v2+s8+$0x0] =	vst.idx.msk vm14, v3  }
0x52: {  	v2 =	vld [tilespmem:$0x70];
	_ =	sdelay $0x4  }
0x53: {  	(xrf1) =	vunique.msk.u32 $0xffff, v2;
	_ =	sdelay $0xc  }
0x54: {  	v3 =	vld.idx.msk [tilespmem:v2+s8+$0x0], $0xffff  }
0x55: {  	_, v63, vm15 =	vpop (xrf1);
	_ =	sdelay $0x2  }
0x56: {  	v4 =	vsub.s32 v63, v1  }
0x57: {  	v3 =	vadd.s32 v3, v4  }
0x58: {  	[tilespmem:$0xF0] =	vst v3;
	v3 =	vadd.s32 $0x1, v3  }
0x59: {  	[tilespmem:v2+s8+$0x0] =	vst.idx.msk vm15, v3  }
0x5a: {  	[hbm4b:s4+s1] =	stream.linear.scatter [tilespmem:s9], [sflag:$0x1], $0x80, $0x38;
	[tilespmem:$0x180] =	vst v63  }
0x5b: {  	_ =	swait.ge [sflag:s7], $0x80  }
0x5c: {  	p0 =	sne.s32 s6, $0x1;
	[sflag:s7] =	ssyncset.done $0x0  }
.Ltmp0:
0x5d: {  	[sflag:s7] =	ssyncadd.s32 $0xFFFFFF80;
	(pc) =	sbr.rel @p0 .LBB2_1-.Ltmp0, $4  }
0x5e: {  	[hbm4b:s5+s1] =	stream.linear.scatter [tilespmem:s8], [sflag:$0x1], $0x80, $0x38;
	[tilespmem:$0x180] =	vst v63  }
0x5f: {  	_ =	swait.ge [sflag:s7], $0x80  }
0x60: {  	[sflag:s7] =	ssyncset.done $0x0  }
0x61: {  	s6 =	sadd.s32 $0xFFFFFFFF, s6;
	[sflag:s7] =	ssyncadd.s32 $0xFFFFFF80  }
0x62: {  	_ =	sfence.sel $0x180000  }
0x63: {  	[bflag:$0x0] =	sbarrier.arrive $0xFFFF  }
0x64: {  	p0 =	sne.s32 s2, $0x0;
	_ =	strace $0x90000047  }
0x65: {  	s0 =	sadd.s32 @!p0 $0x100000, s0;
	[bflag:$0x2] =	sbarrier.arrive $0xFFFF  }
0x66: {  	[sflag:s0] =	ssyncadd.tile.s32 @!p0 $0x1;
	_ =	shalt  }
.Lfunc_end2:
_tile_overlayer_lowered:
.L_overlay_start_2:
0x67: {  	(tag) =	ssettag $0x2  }
0x68: {  	s0 =	rddreg [dreg:$0x0];
	s2 =	stileid.u32  }
0x69: {  	s1 =	rddreg [dreg:$0x1];
	p0 =	sne.s32 s2, $0x0  }
0x6a: {  	s3 =	rddreg [dreg:$0x2];
	[bflag:$0x3] =	sbarrier.arrive $0xFFFF;
	s2 =	simm.s32 @!p0 $0x1C01  }
0x6b: {  	[timem:s3], [sflag:s2] =	dma.local @!p0 [hbm:s0], s1  }
0x6c: {  	s0 =	simm.s32 @!p0 $0x1  }
0x6d: {  	_ =	swait.ge @!p0 [sflag:s0], s1  }
0x6e: {  	s1 =	ssub.s32 @!p0 $0x0, s1;
	[sflag:s0] =	ssyncset.done @!p0 $0x0  }
0x6f: {  	[sflag:s0] =	ssyncadd.s32 @!p0 s1  }
0x70: {  	[bflag:$0x3] =	sbarrier.arrive $0xFFFF  }
0x71: {  	_ =	shalt  }

</sc_bundles>
